<compile_context>
chip_gen: v7x
topology: tpu7x:2x2x1
jax: 0.10.2.dev20260603
libtpu: 0.0.44.dev20260713+nightly
codegen_flags: <defaults>
</compile_context>

<pallas_src>
import functools
import math

import jax
import jax.numpy as jnp
from jax import lax
from jax.experimental import pallas as pl
from jax.experimental.pallas import tpu as pltpu
from jax.experimental.pallas import tpu_sc as plsc

D_MODEL = 128
LANES = 16
NUM_CORES = 2
NUM_SUBCORES = 16
NUM_WORKERS = NUM_CORES * NUM_SUBCORES
BPB = 2
NBUF = 4
SCALE = math.sqrt(D_MODEL)


@functools.lru_cache(maxsize=None)
def _make_sc_gather(n_batches: int, seq: int):
    mesh = plsc.VectorSubcoreMesh(
        core_axis_name="c", subcore_axis_name="s", num_cores=NUM_CORES
    )
    bpw = n_batches // NUM_WORKERS
    n_steps = bpw // BPB
    assert n_steps >= 8 and n_steps % 2 == 0

    @functools.partial(
        pl.kernel,
        mesh=mesh,
        compiler_params=pltpu.CompilerParams(use_tc_tiling_on_sc=True),
        out_type=jax.ShapeDtypeStruct((n_batches, seq, D_MODEL), jnp.float32),
        scratch_types=[
            pltpu.VMEM((bpw, seq), jnp.int32),
            [pltpu.VMEM((BPB, seq, D_MODEL), jnp.float32) for _ in range(NBUF)],
            [pltpu.SemaphoreType.DMA for _ in range(NBUF)],
            [pltpu.SemaphoreType.DMA for _ in range(NBUF)],
        ],
    )
    def sc_gather(table_hbm, idx_hbm, out_hbm, idx_v, bufs, gsems, ssems):
        wid = lax.axis_index("s") * NUM_CORES + lax.axis_index("c")
        batch0 = wid * bpw
        pltpu.sync_copy(idx_hbm.at[pl.ds(batch0, bpw)], idx_v)

        def gather_start(c, b):
            for g in range(BPB):
                pltpu.async_copy(
                    table_hbm.at[idx_v.at[c * BPB + g]], bufs[b].at[g], gsems[b]
                )

        def gather_wait(c, b):
            for g in range(BPB):
                pltpu.make_async_copy(
                    table_hbm.at[idx_v.at[c * BPB + g]], bufs[b].at[g], gsems[b]
                ).wait()

        def scale(b):
            buf = bufs[b]

            def scale_rows(r, carry):
                for g in range(BPB):
                    for j in range(D_MODEL // LANES):
                        sl = pl.ds(j * LANES, LANES)
                        buf[g, r, sl] = buf[g, r, sl] * SCALE
                return carry

            lax.fori_loop(0, seq, scale_rows, 0)

        def scatter_start(c, b):
            pltpu.async_copy(
                bufs[b], out_hbm.at[pl.ds(batch0 + c * BPB, BPB)], ssems[b]
            )

        def scatter_wait(c, b):
            pltpu.make_async_copy(
                bufs[b], out_hbm.at[pl.ds(batch0 + c * BPB, BPB)], ssems[b]
            ).wait()

        def step(c):
            b = c % NBUF
            b2 = (c + 2) % NBUF
            if c >= 2 and c + 2 < n_steps:
                scatter_wait(c - 2, b2)
            if c + 2 < n_steps:
                gather_start(c + 2, b2)
            gather_wait(c, b)
            scale(b)
            scatter_start(c, b)

        gather_start(0, 0)
        gather_start(1, 1)
        step(0)
        step(1)

        head = 2
        tail = 4 + ((n_steps - 2) % 4)
        n_quads = (n_steps - head - tail) // 4

        def quad(q, carry):
            c0 = head + 4 * q
            for k in range(4):
                c = c0 + k
                b = (head + k) % NBUF
                b2 = (head + k + 2) % NBUF
                scatter_wait(c - 2, b2)
                gather_start(c + 2, b2)
                gather_wait(c, b)
                scale(b)
                scatter_start(c, b)
            return carry

        lax.fori_loop(0, n_quads, quad, 0)

        for c in range(head + 4 * n_quads, n_steps):
            step(c)

        for c in range(n_steps - NBUF, n_steps):
            scatter_wait(c, c % NBUF)

    return sc_gather


def kernel(inputs, table):
    bsz, seq = inputs.shape
    idx = inputs.astype(jnp.int32)
    return _make_sc_gather(bsz, seq)(table.astype(jnp.float32), idx)

# --- scband reference (transcript-rebuilt; emitter-appended) ---
"""Pipeline reference for scband-embedding-28398323761163 (READ-ONLY COPY).

The authoritative reference and input builder live on the scoring server;
editing this copy changes nothing except your own understanding.
"""

import math
import jax, jax.numpy as jnp
import numpy as np

VOCAB = 100000
D_MODEL = 128
PAD_ID = 0

def setup_inputs(seed: int = 0) -> dict:
    key = jax.random.key(seed)
    k1, k2 = jax.random.split(key)
    inputs = jax.random.randint(k1, (4096, 50), 0, VOCAB)
    table = jax.random.normal(k2, (VOCAB, D_MODEL), dtype=jnp.float32) * 0.02
    # nn.Embedding with padding_idx zeros the pad row at init
    table = table.at[PAD_ID].set(0.0)
    return {"inputs": inputs, "table": table}

def reference(inputs, table):
    # faithful to torch: padding_idx row is always zero
    t = table.at[PAD_ID].set(0.0)
    emb = jnp.take(t, inputs, axis=0)
    return emb * math.sqrt(D_MODEL)

if __name__ == "__main__":
    import jax
    _d = setup_inputs()
    print(jax.jit(kernel)(*tuple(_d.values())))

</pallas_src>

<mosaic_0001>
#map = affine_map<(d0, d1) -> (0, 0)>
#map1 = affine_map<(d0, d1) -> (0, 0, 0)>
module attributes {stable_mosaic.version = 14 : i64} {
  func.func @sc_gather(%arg0: i32, %arg1: i32, %arg2: memref<100000x128xf32, #tpu.memory_space<hbm>>, %arg3: memref<4096x50xi32, #tpu.memory_space<hbm>>, %arg4: memref<4096x50x128xf32, #tpu.memory_space<hbm>>, %arg5: memref<128x50xi32, #tpu.memory_space<vmem>>, %arg6: memref<2x50x128xf32, #tpu.memory_space<vmem>>, %arg7: memref<2x50x128xf32, #tpu.memory_space<vmem>>, %arg8: memref<2x50x128xf32, #tpu.memory_space<vmem>>, %arg9: memref<2x50x128xf32, #tpu.memory_space<vmem>>, %arg10: memref<!tpu.dma_semaphore, #tpu.memory_space<semaphore_mem>>, %arg11: memref<!tpu.dma_semaphore, #tpu.memory_space<semaphore_mem>>, %arg12: memref<!tpu.dma_semaphore, #tpu.memory_space<semaphore_mem>>, %arg13: memref<!tpu.dma_semaphore, #tpu.memory_space<semaphore_mem>>, %arg14: memref<!tpu.dma_semaphore, #tpu.memory_space<semaphore_mem>>, %arg15: memref<!tpu.dma_semaphore, #tpu.memory_space<semaphore_mem>>, %arg16: memref<!tpu.dma_semaphore, #tpu.memory_space<semaphore_mem>>, %arg17: memref<!tpu.dma_semaphore, #tpu.memory_space<semaphore_mem>>) attributes {dimension_semantics = [#tpu.dimension_semantics<core_parallel>, #tpu.dimension_semantics<subcore_parallel>], iteration_bounds = array<i64: 2, 16>, scalar_prefetch = 0 : i64, scratch_operands = 13 : i64, tpu.core_type = #tpu.core_type<sc_vector_subcore>, window_params = [{transform_indices = #map}, {transform_indices = #map}, {transform_indices = #map1}]} {
    %mul3A = arith.constant 2 : i32
    %mul3A_0 = arith.muli %arg1, %mul3A : i32
    %add3A = arith.addi %mul3A_0, %arg0 : i32
    %mul3A_1 = arith.constant 128 : i32
    %mul3A_2 = arith.muli %add3A, %mul3A_1 : i32
    "tpu.region"() ({
      %run_scoped3A = tpu.sem_alloc : memref<!tpu.dma_semaphore, #tpu.memory_space<semaphore_mem>>
      %dma_start3A_566 = arith.constant 0 : i32
      %dma_start3A_567 = tpu.memref_slice %arg3[%mul3A_2, %dma_start3A_566] : memref<4096x50xi32, #tpu.memory_space<hbm>> -> memref<128x50xi32, #tpu.memory_space<hbm>>
      %dma_start3A_568 = arith.constant 0 : i32
      %dma_start3A_569 = tpu.memref_slice %arg3[%mul3A_2, %dma_start3A_568] : memref<4096x50xi32, #tpu.memory_space<hbm>> -> memref<128x50xi32, #tpu.memory_space<hbm>>
      tpu.enqueue_dma source(%dma_start3A_569 : memref<128x50xi32, #tpu.memory_space<hbm>>) target(%arg5 : memref<128x50xi32, #tpu.memory_space<vmem>>) target_semaphore(%run_scoped3A : memref<!tpu.dma_semaphore, #tpu.memory_space<semaphore_mem>>)
      %dma_wait3A_570 = arith.constant 0 : i32
      %dma_wait3A_571 = tpu.memref_slice %arg3[%mul3A_2, %dma_wait3A_570] : memref<4096x50xi32, #tpu.memory_space<hbm>> -> memref<128x50xi32, #tpu.memory_space<hbm>>
      %dma_wait3A_572 = arith.constant 0 : i32
      %dma_wait3A_573 = tpu.memref_slice %arg3[%mul3A_2, %dma_wait3A_572] : memref<4096x50xi32, #tpu.memory_space<hbm>> -> memref<128x50xi32, #tpu.memory_space<hbm>>
      tpu.wait_dma2 semaphore(%run_scoped3A : memref<!tpu.dma_semaphore, #tpu.memory_space<semaphore_mem>>) src(%dma_wait3A_573 : memref<128x50xi32, #tpu.memory_space<hbm>>) dst(%arg5 : memref<128x50xi32, #tpu.memory_space<vmem>>)
      tpu.yield
    }) : () -> ()
    %dma_start3A = arith.constant 0 : i32
    %dma_start3A_3 = arith.constant 0 : i32
    %dma_start3A_4 = arith.constant 0 : i32
    %dma_start3A_5 = arith.constant 0 : i32
    %dma_start3A_6 = tpu.memref_slice %arg6[%dma_start3A_3, %dma_start3A_4, %dma_start3A_5] : memref<2x50x128xf32, #tpu.memory_space<vmem>> -> memref<1x50x128xf32, #tpu.memory_space<vmem>>
    %dma_start3A_7 = tpu.memref_squeeze %dma_start3A_6 : memref<1x50x128xf32, #tpu.memory_space<vmem>> -> memref<50x128xf32, #tpu.memory_space<vmem>>
    %dma_start3A_8 = arith.constant 0 : i32
    %dma_start3A_9 = tpu.memref_slice %arg5[%dma_start3A, %dma_start3A_8] : memref<128x50xi32, #tpu.memory_space<vmem>> -> memref<1x50xi32, #tpu.memory_space<vmem>>
    %dma_start3A_10 = tpu.memref_squeeze %dma_start3A_9 : memref<1x50xi32, #tpu.memory_space<vmem>> -> memref<50xi32, #tpu.memory_space<vmem>>
    %dma_start3A_11 = arith.constant 0 : i32
    %dma_start3A_12 = arith.constant 0 : i32
    %dma_start3A_13 = tpu.memref_slice %arg2[%dma_start3A_11, %dma_start3A_12] : memref<100000x128xf32, #tpu.memory_space<hbm>> -> memref<100000x128xf32, #tpu.memory_space<hbm>>
    tpu.enqueue_indirect_dma source(%dma_start3A_13 : memref<100000x128xf32, #tpu.memory_space<hbm>>) target(%dma_start3A_7 : memref<50x128xf32, #tpu.memory_space<vmem>>) offsets(%dma_start3A_10 : memref<50xi32, #tpu.memory_space<vmem>>) semaphore(%arg10 : memref<!tpu.dma_semaphore, #tpu.memory_space<semaphore_mem>>)
    %dma_start3A_14 = arith.constant 1 : i32
    %dma_start3A_15 = arith.constant 1 : i32
    %dma_start3A_16 = arith.constant 0 : i32
    %dma_start3A_17 = arith.constant 0 : i32
    %dma_start3A_18 = tpu.memref_slice %arg6[%dma_start3A_15, %dma_start3A_16, %dma_start3A_17] : memref<2x50x128xf32, #tpu.memory_space<vmem>> -> memref<1x50x128xf32, #tpu.memory_space<vmem>>
    %dma_start3A_19 = tpu.memref_squeeze %dma_start3A_18 : memref<1x50x128xf32, #tpu.memory_space<vmem>> -> memref<50x128xf32, #tpu.memory_space<vmem>>
    %dma_start3A_20 = arith.constant 0 : i32
    %dma_start3A_21 = tpu.memref_slice %arg5[%dma_start3A_14, %dma_start3A_20] : memref<128x50xi32, #tpu.memory_space<vmem>> -> memref<1x50xi32, #tpu.memory_space<vmem>>
    %dma_start3A_22 = tpu.memref_squeeze %dma_start3A_21 : memref<1x50xi32, #tpu.memory_space<vmem>> -> memref<50xi32, #tpu.memory_space<vmem>>
    %dma_start3A_23 = arith.constant 0 : i32
    %dma_start3A_24 = arith.constant 0 : i32
    %dma_start3A_25 = tpu.memref_slice %arg2[%dma_start3A_23, %dma_start3A_24] : memref<100000x128xf32, #tpu.memory_space<hbm>> -> memref<100000x128xf32, #tpu.memory_space<hbm>>
    tpu.enqueue_indirect_dma source(%dma_start3A_25 : memref<100000x128xf32, #tpu.memory_space<hbm>>) target(%dma_start3A_19 : memref<50x128xf32, #tpu.memory_space<vmem>>) offsets(%dma_start3A_22 : memref<50xi32, #tpu.memory_space<vmem>>) semaphore(%arg10 : memref<!tpu.dma_semaphore, #tpu.memory_space<semaphore_mem>>)
    %dma_start3A_26 = arith.constant 2 : i32
    %dma_start3A_27 = arith.constant 0 : i32
    %dma_start3A_28 = arith.constant 0 : i32
    %dma_start3A_29 = arith.constant 0 : i32
    %dma_start3A_30 = tpu.memref_slice %arg7[%dma_start3A_27, %dma_start3A_28, %dma_start3A_29] : memref<2x50x128xf32, #tpu.memory_space<vmem>> -> memref<1x50x128xf32, #tpu.memory_space<vmem>>
    %dma_start3A_31 = tpu.memref_squeeze %dma_start3A_30 : memref<1x50x128xf32, #tpu.memory_space<vmem>> -> memref<50x128xf32, #tpu.memory_space<vmem>>
    %dma_start3A_32 = arith.constant 0 : i32
    %dma_start3A_33 = tpu.memref_slice %arg5[%dma_start3A_26, %dma_start3A_32] : memref<128x50xi32, #tpu.memory_space<vmem>> -> memref<1x50xi32, #tpu.memory_space<vmem>>
    %dma_start3A_34 = tpu.memref_squeeze %dma_start3A_33 : memref<1x50xi32, #tpu.memory_space<vmem>> -> memref<50xi32, #tpu.memory_space<vmem>>
    %dma_start3A_35 = arith.constant 0 : i32
    %dma_start3A_36 = arith.constant 0 : i32
    %dma_start3A_37 = tpu.memref_slice %arg2[%dma_start3A_35, %dma_start3A_36] : memref<100000x128xf32, #tpu.memory_space<hbm>> -> memref<100000x128xf32, #tpu.memory_space<hbm>>
    tpu.enqueue_indirect_dma source(%dma_start3A_37 : memref<100000x128xf32, #tpu.memory_space<hbm>>) target(%dma_start3A_31 : memref<50x128xf32, #tpu.memory_space<vmem>>) offsets(%dma_start3A_34 : memref<50xi32, #tpu.memory_space<vmem>>) semaphore(%arg11 : memref<!tpu.dma_semaphore, #tpu.memory_space<semaphore_mem>>)
    %dma_start3A_38 = arith.constant 3 : i32
    %dma_start3A_39 = arith.constant 1 : i32
    %dma_start3A_40 = arith.constant 0 : i32
    %dma_start3A_41 = arith.constant 0 : i32
    %dma_start3A_42 = tpu.memref_slice %arg7[%dma_start3A_39, %dma_start3A_40, %dma_start3A_41] : memref<2x50x128xf32, #tpu.memory_space<vmem>> -> memref<1x50x128xf32, #tpu.memory_space<vmem>>
    %dma_start3A_43 = tpu.memref_squeeze %dma_start3A_42 : memref<1x50x128xf32, #tpu.memory_space<vmem>> -> memref<50x128xf32, #tpu.memory_space<vmem>>
    %dma_start3A_44 = arith.constant 0 : i32
    %dma_start3A_45 = tpu.memref_slice %arg5[%dma_start3A_38, %dma_start3A_44] : memref<128x50xi32, #tpu.memory_space<vmem>> -> memref<1x50xi32, #tpu.memory_space<vmem>>
    %dma_start3A_46 = tpu.memref_squeeze %dma_start3A_45 : memref<1x50xi32, #tpu.memory_space<vmem>> -> memref<50xi32, #tpu.memory_space<vmem>>
    %dma_start3A_47 = arith.constant 0 : i32
    %dma_start3A_48 = arith.constant 0 : i32
    %dma_start3A_49 = tpu.memref_slice %arg2[%dma_start3A_47, %dma_start3A_48] : memref<100000x128xf32, #tpu.memory_space<hbm>> -> memref<100000x128xf32, #tpu.memory_space<hbm>>
    tpu.enqueue_indirect_dma source(%dma_start3A_49 : memref<100000x128xf32, #tpu.memory_space<hbm>>) target(%dma_start3A_43 : memref<50x128xf32, #tpu.memory_space<vmem>>) offsets(%dma_start3A_46 : memref<50xi32, #tpu.memory_space<vmem>>) semaphore(%arg11 : memref<!tpu.dma_semaphore, #tpu.memory_space<semaphore_mem>>)
    %dma_start3A_50 = arith.constant 4 : i32
    %dma_start3A_51 = arith.constant 0 : i32
    %dma_start3A_52 = arith.constant 0 : i32
    %dma_start3A_53 = arith.constant 0 : i32
    %dma_start3A_54 = tpu.memref_slice %arg8[%dma_start3A_51, %dma_start3A_52, %dma_start3A_53] : memref<2x50x128xf32, #tpu.memory_space<vmem>> -> memref<1x50x128xf32, #tpu.memory_space<vmem>>
    %dma_start3A_55 = tpu.memref_squeeze %dma_start3A_54 : memref<1x50x128xf32, #tpu.memory_space<vmem>> -> memref<50x128xf32, #tpu.memory_space<vmem>>
    %dma_start3A_56 = arith.constant 0 : i32
    %dma_start3A_57 = tpu.memref_slice %arg5[%dma_start3A_50, %dma_start3A_56] : memref<128x50xi32, #tpu.memory_space<vmem>> -> memref<1x50xi32, #tpu.memory_space<vmem>>
    %dma_start3A_58 = tpu.memref_squeeze %dma_start3A_57 : memref<1x50xi32, #tpu.memory_space<vmem>> -> memref<50xi32, #tpu.memory_space<vmem>>
    %dma_start3A_59 = arith.constant 0 : i32
    %dma_start3A_60 = arith.constant 0 : i32
    %dma_start3A_61 = tpu.memref_slice %arg2[%dma_start3A_59, %dma_start3A_60] : memref<100000x128xf32, #tpu.memory_space<hbm>> -> memref<100000x128xf32, #tpu.memory_space<hbm>>
    tpu.enqueue_indirect_dma source(%dma_start3A_61 : memref<100000x128xf32, #tpu.memory_space<hbm>>) target(%dma_start3A_55 : memref<50x128xf32, #tpu.memory_space<vmem>>) offsets(%dma_start3A_58 : memref<50xi32, #tpu.memory_space<vmem>>) semaphore(%arg12 : memref<!tpu.dma_semaphore, #tpu.memory_space<semaphore_mem>>)
    %dma_start3A_62 = arith.constant 5 : i32
    %dma_start3A_63 = arith.constant 1 : i32
    %dma_start3A_64 = arith.constant 0 : i32
    %dma_start3A_65 = arith.constant 0 : i32
    %dma_start3A_66 = tpu.memref_slice %arg8[%dma_start3A_63, %dma_start3A_64, %dma_start3A_65] : memref<2x50x128xf32, #tpu.memory_space<vmem>> -> memref<1x50x128xf32, #tpu.memory_space<vmem>>
    %dma_start3A_67 = tpu.memref_squeeze %dma_start3A_66 : memref<1x50x128xf32, #tpu.memory_space<vmem>> -> memref<50x128xf32, #tpu.memory_space<vmem>>
    %dma_start3A_68 = arith.constant 0 : i32
    %dma_start3A_69 = tpu.memref_slice %arg5[%dma_start3A_62, %dma_start3A_68] : memref<128x50xi32, #tpu.memory_space<vmem>> -> memref<1x50xi32, #tpu.memory_space<vmem>>
    %dma_start3A_70 = tpu.memref_squeeze %dma_start3A_69 : memref<1x50xi32, #tpu.memory_space<vmem>> -> memref<50xi32, #tpu.memory_space<vmem>>
    %dma_start3A_71 = arith.constant 0 : i32
    %dma_start3A_72 = arith.constant 0 : i32
    %dma_start3A_73 = tpu.memref_slice %arg2[%dma_start3A_71, %dma_start3A_72] : memref<100000x128xf32, #tpu.memory_space<hbm>> -> memref<100000x128xf32, #tpu.memory_space<hbm>>
    tpu.enqueue_indirect_dma source(%dma_start3A_73 : memref<100000x128xf32, #tpu.memory_space<hbm>>) target(%dma_start3A_67 : memref<50x128xf32, #tpu.memory_space<vmem>>) offsets(%dma_start3A_70 : memref<50xi32, #tpu.memory_space<vmem>>) semaphore(%arg12 : memref<!tpu.dma_semaphore, #tpu.memory_space<semaphore_mem>>)
    %dma_wait3A = arith.constant 0 : i32
    %dma_wait3A_74 = arith.constant 0 : i32
    %dma_wait3A_75 = arith.constant 0 : i32
    %dma_wait3A_76 = arith.constant 0 : i32
    %dma_wait3A_77 = tpu.memref_slice %arg6[%dma_wait3A_74, %dma_wait3A_75, %dma_wait3A_76] : memref<2x50x128xf32, #tpu.memory_space<vmem>> -> memref<1x50x128xf32, #tpu.memory_space<vmem>>
    %dma_wait3A_78 = tpu.memref_squeeze %dma_wait3A_77 : memref<1x50x128xf32, #tpu.memory_space<vmem>> -> memref<50x128xf32, #tpu.memory_space<vmem>>
    %dma_wait3A_79 = arith.constant 0 : i32
    %dma_wait3A_80 = tpu.memref_slice %arg5[%dma_wait3A, %dma_wait3A_79] : memref<128x50xi32, #tpu.memory_space<vmem>> -> memref<1x50xi32, #tpu.memory_space<vmem>>
    %dma_wait3A_81 = tpu.memref_squeeze %dma_wait3A_80 : memref<1x50xi32, #tpu.memory_space<vmem>> -> memref<50xi32, #tpu.memory_space<vmem>>
    %dma_wait3A_82 = arith.constant 0 : i32
    %dma_wait3A_83 = arith.constant 0 : i32
    %dma_wait3A_84 = tpu.memref_slice %arg2[%dma_wait3A_82, %dma_wait3A_83] : memref<100000x128xf32, #tpu.memory_space<hbm>> -> memref<100000x128xf32, #tpu.memory_space<hbm>>
    tpu.wait_indirect_dma semaphore(%arg10 : memref<!tpu.dma_semaphore, #tpu.memory_space<semaphore_mem>>) src(%dma_wait3A_84 : memref<100000x128xf32, #tpu.memory_space<hbm>>) dst(%dma_wait3A_78 : memref<50x128xf32, #tpu.memory_space<vmem>>)
    %dma_wait3A_85 = arith.constant 1 : i32
    %dma_wait3A_86 = arith.constant 1 : i32
    %dma_wait3A_87 = arith.constant 0 : i32
    %dma_wait3A_88 = arith.constant 0 : i32
    %dma_wait3A_89 = tpu.memref_slice %arg6[%dma_wait3A_86, %dma_wait3A_87, %dma_wait3A_88] : memref<2x50x128xf32, #tpu.memory_space<vmem>> -> memref<1x50x128xf32, #tpu.memory_space<vmem>>
    %dma_wait3A_90 = tpu.memref_squeeze %dma_wait3A_89 : memref<1x50x128xf32, #tpu.memory_space<vmem>> -> memref<50x128xf32, #tpu.memory_space<vmem>>
    %dma_wait3A_91 = arith.constant 0 : i32
    %dma_wait3A_92 = tpu.memref_slice %arg5[%dma_wait3A_85, %dma_wait3A_91] : memref<128x50xi32, #tpu.memory_space<vmem>> -> memref<1x50xi32, #tpu.memory_space<vmem>>
    %dma_wait3A_93 = tpu.memref_squeeze %dma_wait3A_92 : memref<1x50xi32, #tpu.memory_space<vmem>> -> memref<50xi32, #tpu.memory_space<vmem>>
    %dma_wait3A_94 = arith.constant 0 : i32
    %dma_wait3A_95 = arith.constant 0 : i32
    %dma_wait3A_96 = tpu.memref_slice %arg2[%dma_wait3A_94, %dma_wait3A_95] : memref<100000x128xf32, #tpu.memory_space<hbm>> -> memref<100000x128xf32, #tpu.memory_space<hbm>>
    tpu.wait_indirect_dma semaphore(%arg10 : memref<!tpu.dma_semaphore, #tpu.memory_space<semaphore_mem>>) src(%dma_wait3A_96 : memref<100000x128xf32, #tpu.memory_space<hbm>>) dst(%dma_wait3A_90 : memref<50x128xf32, #tpu.memory_space<vmem>>)
    %scan3A = arith.constant 0 : i32
    %scan3A_97 = arith.constant 0 : i32
    %scan3A_98 = arith.constant 50 : i32
    %scan3A_99 = arith.addi %scan3A_97, %scan3A_98 : i32
    %scan3A_100 = arith.constant 1 : i32
    scf.for %scan3A_566 = %scan3A_97 to %scan3A_99 step %scan3A_100  : i32 {
      %get3A = arith.constant 0 : i32
      %get3A_567 = arith.index_cast %get3A : i32 to index
      %get3A_568 = arith.index_cast %scan3A_566 : i32 to index
      %get3A_569 = arith.constant 0 : index
      %get3A_570 = tpu.vector_load %arg6[%get3A_567, %get3A_568, %get3A_569] {strides = array<i32>} : memref<2x50x128xf32, #tpu.memory_space<vmem>>, vector<1x1x16xf32>,
      %get3A_571 = vector.shape_cast %get3A_570 : vector<1x1x16xf32> to vector<16xf32>
      %mul3A_572 = arith.constant 11.3137083 : f32
      %mul3A_573 = vector.broadcast %mul3A_572 : f32 to vector<16xf32>
      %mul3A_574 = arith.mulf %get3A_571, %mul3A_573 : vector<16xf32>
      %swap3A = arith.constant 0 : i32
      %swap3A_575 = arith.index_cast %swap3A : i32 to index
      %swap3A_576 = arith.index_cast %scan3A_566 : i32 to index
      %swap3A_577 = arith.constant 0 : index
      %swap3A_578 = tpu.vector_load %arg6[%swap3A_575, %swap3A_576, %swap3A_577] {strides = array<i32>} : memref<2x50x128xf32, #tpu.memory_space<vmem>>, vector<1x1x16xf32>,
      %swap3A_579 = vector.shape_cast %swap3A_578 : vector<1x1x16xf32> to vector<16xf32>
      %swap3A_580 = vector.shape_cast %mul3A_574 : vector<16xf32> to vector<1x1x16xf32>
      tpu.vector_store %arg6[%swap3A_575, %swap3A_576, %swap3A_577], %swap3A_580 {strides = array<i32>} : memref<2x50x128xf32, #tpu.memory_space<vmem>>, vector<1x1x16xf32>,
      %get3A_581 = arith.constant 0 : i32
      %get3A_582 = arith.index_cast %get3A_581 : i32 to index
      %get3A_583 = arith.index_cast %scan3A_566 : i32 to index
      %get3A_584 = arith.constant 16 : index
      %get3A_585 = tpu.vector_load %arg6[%get3A_582, %get3A_583, %get3A_584] {strides = array<i32>} : memref<2x50x128xf32, #tpu.memory_space<vmem>>, vector<1x1x16xf32>,
      %get3A_586 = vector.shape_cast %get3A_585 : vector<1x1x16xf32> to vector<16xf32>
      %mul3A_587 = arith.constant 11.3137083 : f32
      %mul3A_588 = vector.broadcast %mul3A_587 : f32 to vector<16xf32>
      %mul3A_589 = arith.mulf %get3A_586, %mul3A_588 : vector<16xf32>
      %swap3A_590 = arith.constant 0 : i32
      %swap3A_591 = arith.index_cast %swap3A_590 : i32 to index
      %swap3A_592 = arith.index_cast %scan3A_566 : i32 to index
      %swap3A_593 = arith.constant 16 : index
      %swap3A_594 = tpu.vector_load %arg6[%swap3A_591, %swap3A_592, %swap3A_593] {strides = array<i32>} : memref<2x50x128xf32, #tpu.memory_space<vmem>>, vector<1x1x16xf32>,
      %swap3A_595 = vector.shape_cast %swap3A_594 : vector<1x1x16xf32> to vector<16xf32>
      %swap3A_596 = vector.shape_cast %mul3A_589 : vector<16xf32> to vector<1x1x16xf32>
      tpu.vector_store %arg6[%swap3A_591, %swap3A_592, %swap3A_593], %swap3A_596 {strides = array<i32>} : memref<2x50x128xf32, #tpu.memory_space<vmem>>, vector<1x1x16xf32>,
      %get3A_597 = arith.constant 0 : i32
      %get3A_598 = arith.index_cast %get3A_597 : i32 to index
      %get3A_599 = arith.index_cast %scan3A_566 : i32 to index
      %get3A_600 = arith.constant 32 : index
      %get3A_601 = tpu.vector_load %arg6[%get3A_598, %get3A_599, %get3A_600] {strides = array<i32>} : memref<2x50x128xf32, #tpu.memory_space<vmem>>, vector<1x1x16xf32>,
      %get3A_602 = vector.shape_cast %get3A_601 : vector<1x1x16xf32> to vector<16xf32>
      %mul3A_603 = arith.constant 11.3137083 : f32
      %mul3A_604 = vector.broadcast %mul3A_603 : f32 to vector<16xf32>
      %mul3A_605 = arith.mulf %get3A_602, %mul3A_604 : vector<16xf32>
      %swap3A_606 = arith.constant 0 : i32
      %swap3A_607 = arith.index_cast %swap3A_606 : i32 to index
      %swap3A_608 = arith.index_cast %scan3A_566 : i32 to index
      %swap3A_609 = arith.constant 32 : index
      %swap3A_610 = tpu.vector_load %arg6[%swap3A_607, %swap3A_608, %swap3A_609] {strides = array<i32>} : memref<2x50x128xf32, #tpu.memory_space<vmem>>, vector<1x1x16xf32>,
      %swap3A_611 = vector.shape_cast %swap3A_610 : vector<1x1x16xf32> to vector<16xf32>
      %swap3A_612 = vector.shape_cast %mul3A_605 : vector<16xf32> to vector<1x1x16xf32>
      tpu.vector_store %arg6[%swap3A_607, %swap3A_608, %swap3A_609], %swap3A_612 {strides = array<i32>} : memref<2x50x128xf32, #tpu.memory_space<vmem>>, vector<1x1x16xf32>,
      %get3A_613 = arith.constant 0 : i32
      %get3A_614 = arith.index_cast %get3A_613 : i32 to index
      %get3A_615 = arith.index_cast %scan3A_566 : i32 to index
      %get3A_616 = arith.constant 48 : index
      %get3A_617 = tpu.vector_load %arg6[%get3A_614, %get3A_615, %get3A_616] {strides = array<i32>} : memref<2x50x128xf32, #tpu.memory_space<vmem>>, vector<1x1x16xf32>,
      %get3A_618 = vector.shape_cast %get3A_617 : vector<1x1x16xf32> to vector<16xf32>
      %mul3A_619 = arith.constant 11.3137083 : f32
      %mul3A_620 = vector.broadcast %mul3A_619 : f32 to vector<16xf32>
      %mul3A_621 = arith.mulf %get3A_618, %mul3A_620 : vector<16xf32>
      %swap3A_622 = arith.constant 0 : i32
      %swap3A_623 = arith.index_cast %swap3A_622 : i32 to index
      %swap3A_624 = arith.index_cast %scan3A_566 : i32 to index
      %swap3A_625 = arith.constant 48 : index
      %swap3A_626 = tpu.vector_load %arg6[%swap3A_623, %swap3A_624, %swap3A_625] {strides = array<i32>} : memref<2x50x128xf32, #tpu.memory_space<vmem>>, vector<1x1x16xf32>,
      %swap3A_627 = vector.shape_cast %swap3A_626 : vector<1x1x16xf32> to vector<16xf32>
      %swap3A_628 = vector.shape_cast %mul3A_621 : vector<16xf32> to vector<1x1x16xf32>
      tpu.vector_store %arg6[%swap3A_623, %swap3A_624, %swap3A_625], %swap3A_628 {strides = array<i32>} : memref<2x50x128xf32, #tpu.memory_space<vmem>>, vector<1x1x16xf32>,
      %get3A_629 = arith.constant 0 : i32
      %get3A_630 = arith.index_cast %get3A_629 : i32 to index
      %get3A_631 = arith.index_cast %scan3A_566 : i32 to index
      %get3A_632 = arith.constant 64 : index
      %get3A_633 = tpu.vector_load %arg6[%get3A_630, %get3A_631, %get3A_632] {strides = array<i32>} : memref<2x50x128xf32, #tpu.memory_space<vmem>>, vector<1x1x16xf32>,
      %get3A_634 = vector.shape_cast %get3A_633 : vector<1x1x16xf32> to vector<16xf32>
      %mul3A_635 = arith.constant 11.3137083 : f32
      %mul3A_636 = vector.broadcast %mul3A_635 : f32 to vector<16xf32>
      %mul3A_637 = arith.mulf %get3A_634, %mul3A_636 : vector<16xf32>
      %swap3A_638 = arith.constant 0 : i32
      %swap3A_639 = arith.index_cast %swap3A_638 : i32 to index
      %swap3A_640 = arith.index_cast %scan3A_566 : i32 to index
      %swap3A_641 = arith.constant 64 : index
      %swap3A_642 = tpu.vector_load %arg6[%swap3A_639, %swap3A_640, %swap3A_641] {strides = array<i32>} : memref<2x50x128xf32, #tpu.memory_space<vmem>>, vector<1x1x16xf32>,
      %swap3A_643 = vector.shape_cast %swap3A_642 : vector<1x1x16xf32> to vector<16xf32>
      %swap3A_644 = vector.shape_cast %mul3A_637 : vector<16xf32> to vector<1x1x16xf32>
      tpu.vector_store %arg6[%swap3A_639, %swap3A_640, %swap3A_641], %swap3A_644 {strides = array<i32>} : memref<2x50x128xf32, #tpu.memory_space<vmem>>, vector<1x1x16xf32>,
      %get3A_645 = arith.constant 0 : i32
      %get3A_646 = arith.index_cast %get3A_645 : i32 to index
      %get3A_647 = arith.index_cast %scan3A_566 : i32 to index
      %get3A_648 = arith.constant 80 : index
      %get3A_649 = tpu.vector_load %arg6[%get3A_646, %get3A_647, %get3A_648] {strides = array<i32>} : memref<2x50x128xf32, #tpu.memory_space<vmem>>, vector<1x1x16xf32>,
      %get3A_650 = vector.shape_cast %get3A_649 : vector<1x1x16xf32> to vector<16xf32>
      %mul3A_651 = arith.constant 11.3137083 : f32
      %mul3A_652 = vector.broadcast %mul3A_651 : f32 to vector<16xf32>
      %mul3A_653 = arith.mulf %get3A_650, %mul3A_652 : vector<16xf32>
      %swap3A_654 = arith.constant 0 : i32
      %swap3A_655 = arith.index_cast %swap3A_654 : i32 to index
      %swap3A_656 = arith.index_cast %scan3A_566 : i32 to index
      %swap3A_657 = arith.constant 80 : index
      %swap3A_658 = tpu.vector_load %arg6[%swap3A_655, %swap3A_656, %swap3A_657] {strides = array<i32>} : memref<2x50x128xf32, #tpu.memory_space<vmem>>, vector<1x1x16xf32>,
      %swap3A_659 = vector.shape_cast %swap3A_658 : vector<1x1x16xf32> to vector<16xf32>
      %swap3A_660 = vector.shape_cast %mul3A_653 : vector<16xf32> to vector<1x1x16xf32>
      tpu.vector_store %arg6[%swap3A_655, %swap3A_656, %swap3A_657], %swap3A_660 {strides = array<i32>} : memref<2x50x128xf32, #tpu.memory_space<vmem>>, vector<1x1x16xf32>,
      %get3A_661 = arith.constant 0 : i32
      %get3A_662 = arith.index_cast %get3A_661 : i32 to index
      %get3A_663 = arith.index_cast %scan3A_566 : i32 to index
      %get3A_664 = arith.constant 96 : index
      %get3A_665 = tpu.vector_load %arg6[%get3A_662, %get3A_663, %get3A_664] {strides = array<i32>} : memref<2x50x128xf32, #tpu.memory_space<vmem>>, vector<1x1x16xf32>,
      %get3A_666 = vector.shape_cast %get3A_665 : vector<1x1x16xf32> to vector<16xf32>
      %mul3A_667 = arith.constant 11.3137083 : f32
      %mul3A_668 = vector.broadcast %mul3A_667 : f32 to vector<16xf32>
      %mul3A_669 = arith.mulf %get3A_666, %mul3A_668 : vector<16xf32>
      %swap3A_670 = arith.constant 0 : i32
      %swap3A_671 = arith.index_cast %swap3A_670 : i32 to index
      %swap3A_672 = arith.index_cast %scan3A_566 : i32 to index
      %swap3A_673 = arith.constant 96 : index
      %swap3A_674 = tpu.vector_load %arg6[%swap3A_671, %swap3A_672, %swap3A_673] {strides = array<i32>} : memref<2x50x128xf32, #tpu.memory_space<vmem>>, vector<1x1x16xf32>,
      %swap3A_675 = vector.shape_cast %swap3A_674 : vector<1x1x16xf32> to vector<16xf32>
      %swap3A_676 = vector.shape_cast %mul3A_669 : vector<16xf32> to vector<1x1x16xf32>
      tpu.vector_store %arg6[%swap3A_671, %swap3A_672, %swap3A_673], %swap3A_676 {strides = array<i32>} : memref<2x50x128xf32, #tpu.memory_space<vmem>>, vector<1x1x16xf32>,
      %get3A_677 = arith.constant 0 : i32
      %get3A_678 = arith.index_cast %get3A_677 : i32 to index
      %get3A_679 = arith.index_cast %scan3A_566 : i32 to index
      %get3A_680 = arith.constant 112 : index
      %get3A_681 = tpu.vector_load %arg6[%get3A_678, %get3A_679, %get3A_680] {strides = array<i32>} : memref<2x50x128xf32, #tpu.memory_space<vmem>>, vector<1x1x16xf32>,
      %get3A_682 = vector.shape_cast %get3A_681 : vector<1x1x16xf32> to vector<16xf32>
      %mul3A_683 = arith.constant 11.3137083 : f32
      %mul3A_684 = vector.broadcast %mul3A_683 : f32 to vector<16xf32>
      %mul3A_685 = arith.mulf %get3A_682, %mul3A_684 : vector<16xf32>
      %swap3A_686 = arith.constant 0 : i32
      %swap3A_687 = arith.index_cast %swap3A_686 : i32 to index
      %swap3A_688 = arith.index_cast %scan3A_566 : i32 to index
      %swap3A_689 = arith.constant 112 : index
      %swap3A_690 = tpu.vector_load %arg6[%swap3A_687, %swap3A_688, %swap3A_689] {strides = array<i32>} : memref<2x50x128xf32, #tpu.memory_space<vmem>>, vector<1x1x16xf32>,
      %swap3A_691 = vector.shape_cast %swap3A_690 : vector<1x1x16xf32> to vector<16xf32>
      %swap3A_692 = vector.shape_cast %mul3A_685 : vector<16xf32> to vector<1x1x16xf32>
      tpu.vector_store %arg6[%swap3A_687, %swap3A_688, %swap3A_689], %swap3A_692 {strides = array<i32>} : memref<2x50x128xf32, #tpu.memory_space<vmem>>, vector<1x1x16xf32>,
      %get3A_693 = arith.constant 1 : i32
      %get3A_694 = arith.index_cast %get3A_693 : i32 to index
      %get3A_695 = arith.index_cast %scan3A_566 : i32 to index
      %get3A_696 = arith.constant 0 : index
      %get3A_697 = tpu.vector_load %arg6[%get3A_694, %get3A_695, %get3A_696] {strides = array<i32>} : memref<2x50x128xf32, #tpu.memory_space<vmem>>, vector<1x1x16xf32>,
      %get3A_698 = vector.shape_cast %get3A_697 : vector<1x1x16xf32> to vector<16xf32>
      %mul3A_699 = arith.constant 11.3137083 : f32
      %mul3A_700 = vector.broadcast %mul3A_699 : f32 to vector<16xf32>
      %mul3A_701 = arith.mulf %get3A_698, %mul3A_700 : vector<16xf32>
      %swap3A_702 = arith.constant 1 : i32
      %swap3A_703 = arith.index_cast %swap3A_702 : i32 to index
      %swap3A_704 = arith.index_cast %scan3A_566 : i32 to index
      %swap3A_705 = arith.constant 0 : index
      %swap3A_706 = tpu.vector_load %arg6[%swap3A_703, %swap3A_704, %swap3A_705] {strides = array<i32>} : memref<2x50x128xf32, #tpu.memory_space<vmem>>, vector<1x1x16xf32>,
      %swap3A_707 = vector.shape_cast %swap3A_706 : vector<1x1x16xf32> to vector<16xf32>
      %swap3A_708 = vector.shape_cast %mul3A_701 : vector<16xf32> to vector<1x1x16xf32>
      tpu.vector_store %arg6[%swap3A_703, %swap3A_704, %swap3A_705], %swap3A_708 {strides = array<i32>} : memref<2x50x128xf32, #tpu.memory_space<vmem>>, vector<1x1x16xf32>,
      %get3A_709 = arith.constant 1 : i32
      %get3A_710 = arith.index_cast %get3A_709 : i32 to index
      %get3A_711 = arith.index_cast %scan3A_566 : i32 to index
      %get3A_712 = arith.constant 16 : index
      %get3A_713 = tpu.vector_load %arg6[%get3A_710, %get3A_711, %get3A_712] {strides = array<i32>} : memref<2x50x128xf32, #tpu.memory_space<vmem>>, vector<1x1x16xf32>,
      %get3A_714 = vector.shape_cast %get3A_713 : vector<1x1x16xf32> to vector<16xf32>
      %mul3A_715 = arith.constant 11.3137083 : f32
      %mul3A_716 = vector.broadcast %mul3A_715 : f32 to vector<16xf32>
      %mul3A_717 = arith.mulf %get3A_714, %mul3A_716 : vector<16xf32>
      %swap3A_718 = arith.constant 1 : i32
      %swap3A_719 = arith.index_cast %swap3A_718 : i32 to index
      %swap3A_720 = arith.index_cast %scan3A_566 : i32 to index
      %swap3A_721 = arith.constant 16 : index
      %swap3A_722 = tpu.vector_load %arg6[%swap3A_719, %swap3A_720, %swap3A_721] {strides = array<i32>} : memref<2x50x128xf32, #tpu.memory_space<vmem>>, vector<1x1x16xf32>,
      %swap3A_723 = vector.shape_cast %swap3A_722 : vector<1x1x16xf32> to vector<16xf32>
      %swap3A_724 = vector.shape_cast %mul3A_717 : vector<16xf32> to vector<1x1x16xf32>
      tpu.vector_store %arg6[%swap3A_719, %swap3A_720, %swap3A_721], %swap3A_724 {strides = array<i32>} : memref<2x50x128xf32, #tpu.memory_space<vmem>>, vector<1x1x16xf32>,
      %get3A_725 = arith.constant 1 : i32
      %get3A_726 = arith.index_cast %get3A_725 : i32 to index
      %get3A_727 = arith.index_cast %scan3A_566 : i32 to index
      %get3A_728 = arith.constant 32 : index
      %get3A_729 = tpu.vector_load %arg6[%get3A_726, %get3A_727, %get3A_728] {strides = array<i32>} : memref<2x50x128xf32, #tpu.memory_space<vmem>>, vector<1x1x16xf32>,
      %get3A_730 = vector.shape_cast %get3A_729 : vector<1x1x16xf32> to vector<16xf32>
      %mul3A_731 = arith.constant 11.3137083 : f32
      %mul3A_732 = vector.broadcast %mul3A_731 : f32 to vector<16xf32>
      %mul3A_733 = arith.mulf %get3A_730, %mul3A_732 : vector<16xf32>
      %swap3A_734 = arith.constant 1 : i32
      %swap3A_735 = arith.index_cast %swap3A_734 : i32 to index
      %swap3A_736 = arith.index_cast %scan3A_566 : i32 to index
      %swap3A_737 = arith.constant 32 : index
      %swap3A_738 = tpu.vector_load %arg6[%swap3A_735, %swap3A_736, %swap3A_737] {strides = array<i32>} : memref<2x50x128xf32, #tpu.memory_space<vmem>>, vector<1x1x16xf32>,
      %swap3A_739 = vector.shape_cast %swap3A_738 : vector<1x1x16xf32> to vector<16xf32>
      %swap3A_740 = vector.shape_cast %mul3A_733 : vector<16xf32> to vector<1x1x16xf32>
      tpu.vector_store %arg6[%swap3A_735, %swap3A_736, %swap3A_737], %swap3A_740 {strides = array<i32>} : memref<2x50x128xf32, #tpu.memory_space<vmem>>, vector<1x1x16xf32>,
      %get3A_741 = arith.constant 1 : i32
      %get3A_742 = arith.index_cast %get3A_741 : i32 to index
      %get3A_743 = arith.index_cast %scan3A_566 : i32 to index
      %get3A_744 = arith.constant 48 : index
      %get3A_745 = tpu.vector_load %arg6[%get3A_742, %get3A_743, %get3A_744] {strides = array<i32>} : memref<2x50x128xf32, #tpu.memory_space<vmem>>, vector<1x1x16xf32>,
      %get3A_746 = vector.shape_cast %get3A_745 : vector<1x1x16xf32> to vector<16xf32>
      %mul3A_747 = arith.constant 11.3137083 : f32
      %mul3A_748 = vector.broadcast %mul3A_747 : f32 to vector<16xf32>
      %mul3A_749 = arith.mulf %get3A_746, %mul3A_748 : vector<16xf32>
      %swap3A_750 = arith.constant 1 : i32
      %swap3A_751 = arith.index_cast %swap3A_750 : i32 to index
      %swap3A_752 = arith.index_cast %scan3A_566 : i32 to index
      %swap3A_753 = arith.constant 48 : index
      %swap3A_754 = tpu.vector_load %arg6[%swap3A_751, %swap3A_752, %swap3A_753] {strides = array<i32>} : memref<2x50x128xf32, #tpu.memory_space<vmem>>, vector<1x1x16xf32>,
      %swap3A_755 = vector.shape_cast %swap3A_754 : vector<1x1x16xf32> to vector<16xf32>
      %swap3A_756 = vector.shape_cast %mul3A_749 : vector<16xf32> to vector<1x1x16xf32>
      tpu.vector_store %arg6[%swap3A_751, %swap3A_752, %swap3A_753], %swap3A_756 {strides = array<i32>} : memref<2x50x128xf32, #tpu.memory_space<vmem>>, vector<1x1x16xf32>,
      %get3A_757 = arith.constant 1 : i32
      %get3A_758 = arith.index_cast %get3A_757 : i32 to index
      %get3A_759 = arith.index_cast %scan3A_566 : i32 to index
      %get3A_760 = arith.constant 64 : index
      %get3A_761 = tpu.vector_load %arg6[%get3A_758, %get3A_759, %get3A_760] {strides = array<i32>} : memref<2x50x128xf32, #tpu.memory_space<vmem>>, vector<1x1x16xf32>,
      %get3A_762 = vector.shape_cast %get3A_761 : vector<1x1x16xf32> to vector<16xf32>
      %mul3A_763 = arith.constant 11.3137083 : f32
      %mul3A_764 = vector.broadcast %mul3A_763 : f32 to vector<16xf32>
      %mul3A_765 = arith.mulf %get3A_762, %mul3A_764 : vector<16xf32>
      %swap3A_766 = arith.constant 1 : i32
      %swap3A_767 = arith.index_cast %swap3A_766 : i32 to index
      %swap3A_768 = arith.index_cast %scan3A_566 : i32 to index
      %swap3A_769 = arith.constant 64 : index
      %swap3A_770 = tpu.vector_load %arg6[%swap3A_767, %swap3A_768, %swap3A_769] {strides = array<i32>} : memref<2x50x128xf32, #tpu.memory_space<vmem>>, vector<1x1x16xf32>,
      %swap3A_771 = vector.shape_cast %swap3A_770 : vector<1x1x16xf32> to vector<16xf32>
      %swap3A_772 = vector.shape_cast %mul3A_765 : vector<16xf32> to vector<1x1x16xf32>
      tpu.vector_store %arg6[%swap3A_767, %swap3A_768, %swap3A_769], %swap3A_772 {strides = array<i32>} : memref<2x50x128xf32, #tpu.memory_space<vmem>>, vector<1x1x16xf32>,
      %get3A_773 = arith.constant 1 : i32
      %get3A_774 = arith.index_cast %get3A_773 : i32 to index
      %get3A_775 = arith.index_cast %scan3A_566 : i32 to index
      %get3A_776 = arith.constant 80 : index
      %get3A_777 = tpu.vector_load %arg6[%get3A_774, %get3A_775, %get3A_776] {strides = array<i32>} : memref<2x50x128xf32, #tpu.memory_space<vmem>>, vector<1x1x16xf32>,
      %get3A_778 = vector.shape_cast %get3A_777 : vector<1x1x16xf32> to vector<16xf32>
      %mul3A_779 = arith.constant 11.3137083 : f32
      %mul3A_780 = vector.broadcast %mul3A_779 : f32 to vector<16xf32>
      %mul3A_781 = arith.mulf %get3A_778, %mul3A_780 : vector<16xf32>
      %swap3A_782 = arith.constant 1 : i32
      %swap3A_783 = arith.index_cast %swap3A_782 : i32 to index
      %swap3A_784 = arith.index_cast %scan3A_566 : i32 to index
      %swap3A_785 = arith.constant 80 : index
      %swap3A_786 = tpu.vector_load %arg6[%swap3A_783, %swap3A_784, %swap3A_785] {strides = array<i32>} : memref<2x50x128xf32, #tpu.memory_space<vmem>>, vector<1x1x16xf32>,
      %swap3A_787 = vector.shape_cast %swap3A_786 : vector<1x1x16xf32> to vector<16xf32>
      %swap3A_788 = vector.shape_cast %mul3A_781 : vector<16xf32> to vector<1x1x16xf32>
      tpu.vector_store %arg6[%swap3A_783, %swap3A_784, %swap3A_785], %swap3A_788 {strides = array<i32>} : memref<2x50x128xf32, #tpu.memory_space<vmem>>, vector<1x1x16xf32>,
      %get3A_789 = arith.constant 1 : i32
      %get3A_790 = arith.index_cast %get3A_789 : i32 to index
      %get3A_791 = arith.index_cast %scan3A_566 : i32 to index
      %get3A_792 = arith.constant 96 : index
      %get3A_793 = tpu.vector_load %arg6[%get3A_790, %get3A_791, %get3A_792] {strides = array<i32>} : memref<2x50x128xf32, #tpu.memory_space<vmem>>, vector<1x1x16xf32>,
      %get3A_794 = vector.shape_cast %get3A_793 : vector<1x1x16xf32> to vector<16xf32>
      %mul3A_795 = arith.constant 11.3137083 : f32
      %mul3A_796 = vector.broadcast %mul3A_795 : f32 to vector<16xf32>
      %mul3A_797 = arith.mulf %get3A_794, %mul3A_796 : vector<16xf32>
      %swap3A_798 = arith.constant 1 : i32
      %swap3A_799 = arith.index_cast %swap3A_798 : i32 to index
      %swap3A_800 = arith.index_cast %scan3A_566 : i32 to index
      %swap3A_801 = arith.constant 96 : index
      %swap3A_802 = tpu.vector_load %arg6[%swap3A_799, %swap3A_800, %swap3A_801] {strides = array<i32>} : memref<2x50x128xf32, #tpu.memory_space<vmem>>, vector<1x1x16xf32>,
      %swap3A_803 = vector.shape_cast %swap3A_802 : vector<1x1x16xf32> to vector<16xf32>
      %swap3A_804 = vector.shape_cast %mul3A_797 : vector<16xf32> to vector<1x1x16xf32>
      tpu.vector_store %arg6[%swap3A_799, %swap3A_800, %swap3A_801], %swap3A_804 {strides = array<i32>} : memref<2x50x128xf32, #tpu.memory_space<vmem>>, vector<1x1x16xf32>,
      %get3A_805 = arith.constant 1 : i32
      %get3A_806 = arith.index_cast %get3A_805 : i32 to index
      %get3A_807 = arith.index_cast %scan3A_566 : i32 to index
      %get3A_808 = arith.constant 112 : index
      %get3A_809 = tpu.vector_load %arg6[%get3A_806, %get3A_807, %get3A_808] {strides = array<i32>} : memref<2x50x128xf32, #tpu.memory_space<vmem>>, vector<1x1x16xf32>,
      %get3A_810 = vector.shape_cast %get3A_809 : vector<1x1x16xf32> to vector<16xf32>
      %mul3A_811 = arith.constant 11.3137083 : f32
      %mul3A_812 = vector.broadcast %mul3A_811 : f32 to vector<16xf32>
      %mul3A_813 = arith.mulf %get3A_810, %mul3A_812 : vector<16xf32>
      %swap3A_814 = arith.constant 1 : i32
      %swap3A_815 = arith.index_cast %swap3A_814 : i32 to index
      %swap3A_816 = arith.index_cast %scan3A_566 : i32 to index
      %swap3A_817 = arith.constant 112 : index
      %swap3A_818 = tpu.vector_load %arg6[%swap3A_815, %swap3A_816, %swap3A_817] {strides = array<i32>} : memref<2x50x128xf32, #tpu.memory_space<vmem>>, vector<1x1x16xf32>,
      %swap3A_819 = vector.shape_cast %swap3A_818 : vector<1x1x16xf32> to vector<16xf32>
      %swap3A_820 = vector.shape_cast %mul3A_813 : vector<16xf32> to vector<1x1x16xf32>
      tpu.vector_store %arg6[%swap3A_815, %swap3A_816, %swap3A_817], %swap3A_820 {strides = array<i32>} : memref<2x50x128xf32, #tpu.memory_space<vmem>>, vector<1x1x16xf32>,
    }
    %scan3A_101 = arith.constant 50 : i32
    %add3A_102 = arith.constant 0 : i32
    %add3A_103 = arith.addi %mul3A_2, %add3A_102 : i32
    %dma_start3A_104 = arith.constant 0 : i32
    %dma_start3A_105 = arith.constant 0 : i32
    %dma_start3A_106 = tpu.memref_slice %arg4[%add3A_103, %dma_start3A_104, %dma_start3A_105] : memref<4096x50x128xf32, #tpu.memory_space<hbm>> -> memref<2x50x128xf32, #tpu.memory_space<hbm>>
    %dma_start3A_107 = arith.constant 0 : i32
    %dma_start3A_108 = arith.constant 0 : i32
    %dma_start3A_109 = tpu.memref_slice %arg4[%add3A_103, %dma_start3A_107, %dma_start3A_108] : memref<4096x50x128xf32, #tpu.memory_space<hbm>> -> memref<2x50x128xf32, #tpu.memory_space<hbm>>
    tpu.enqueue_dma source(%arg6 : memref<2x50x128xf32, #tpu.memory_space<vmem>>) target(%dma_start3A_109 : memref<2x50x128xf32, #tpu.memory_space<hbm>>) target_semaphore(%arg14 : memref<!tpu.dma_semaphore, #tpu.memory_space<semaphore_mem>>)
    %dma_start3A_110 = arith.constant 6 : i32
    %dma_start3A_111 = arith.constant 0 : i32
    %dma_start3A_112 = arith.constant 0 : i32
    %dma_start3A_113 = arith.constant 0 : i32
    %dma_start3A_114 = tpu.memref_slice %arg9[%dma_start3A_111, %dma_start3A_112, %dma_start3A_113] : memref<2x50x128xf32, #tpu.memory_space<vmem>> -> memref<1x50x128xf32, #tpu.memory_space<vmem>>
    %dma_start3A_115 = tpu.memref_squeeze %dma_start3A_114 : memref<1x50x128xf32, #tpu.memory_space<vmem>> -> memref<50x128xf32, #tpu.memory_space<vmem>>
    %dma_start3A_116 = arith.constant 0 : i32
    %dma_start3A_117 = tpu.memref_slice %arg5[%dma_start3A_110, %dma_start3A_116] : memref<128x50xi32, #tpu.memory_space<vmem>> -> memref<1x50xi32, #tpu.memory_space<vmem>>
    %dma_start3A_118 = tpu.memref_squeeze %dma_start3A_117 : memref<1x50xi32, #tpu.memory_space<vmem>> -> memref<50xi32, #tpu.memory_space<vmem>>
    %dma_start3A_119 = arith.constant 0 : i32
    %dma_start3A_120 = arith.constant 0 : i32
    %dma_start3A_121 = tpu.memref_slice %arg2[%dma_start3A_119, %dma_start3A_120] : memref<100000x128xf32, #tpu.memory_space<hbm>> -> memref<100000x128xf32, #tpu.memory_space<hbm>>
    tpu.enqueue_indirect_dma source(%dma_start3A_121 : memref<100000x128xf32, #tpu.memory_space<hbm>>) target(%dma_start3A_115 : memref<50x128xf32, #tpu.memory_space<vmem>>) offsets(%dma_start3A_118 : memref<50xi32, #tpu.memory_space<vmem>>) semaphore(%arg13 : memref<!tpu.dma_semaphore, #tpu.memory_space<semaphore_mem>>)
    %dma_start3A_122 = arith.constant 7 : i32
    %dma_start3A_123 = arith.constant 1 : i32
    %dma_start3A_124 = arith.constant 0 : i32
    %dma_start3A_125 = arith.constant 0 : i32
    %dma_start3A_126 = tpu.memref_slice %arg9[%dma_start3A_123, %dma_start3A_124, %dma_start3A_125] : memref<2x50x128xf32, #tpu.memory_space<vmem>> -> memref<1x50x128xf32, #tpu.memory_space<vmem>>
    %dma_start3A_127 = tpu.memref_squeeze %dma_start3A_126 : memref<1x50x128xf32, #tpu.memory_space<vmem>> -> memref<50x128xf32, #tpu.memory_space<vmem>>
    %dma_start3A_128 = arith.constant 0 : i32
    %dma_start3A_129 = tpu.memref_slice %arg5[%dma_start3A_122, %dma_start3A_128] : memref<128x50xi32, #tpu.memory_space<vmem>> -> memref<1x50xi32, #tpu.memory_space<vmem>>
    %dma_start3A_130 = tpu.memref_squeeze %dma_start3A_129 : memref<1x50xi32, #tpu.memory_space<vmem>> -> memref<50xi32, #tpu.memory_space<vmem>>
    %dma_start3A_131 = arith.constant 0 : i32
    %dma_start3A_132 = arith.constant 0 : i32
    %dma_start3A_133 = tpu.memref_slice %arg2[%dma_start3A_131, %dma_start3A_132] : memref<100000x128xf32, #tpu.memory_space<hbm>> -> memref<100000x128xf32, #tpu.memory_space<hbm>>
    tpu.enqueue_indirect_dma source(%dma_start3A_133 : memref<100000x128xf32, #tpu.memory_space<hbm>>) target(%dma_start3A_127 : memref<50x128xf32, #tpu.memory_space<vmem>>) offsets(%dma_start3A_130 : memref<50xi32, #tpu.memory_space<vmem>>) semaphore(%arg13 : memref<!tpu.dma_semaphore, #tpu.memory_space<semaphore_mem>>)
    %dma_wait3A_134 = arith.constant 2 : i32
    %dma_wait3A_135 = arith.constant 0 : i32
    %dma_wait3A_136 = arith.constant 0 : i32
    %dma_wait3A_137 = arith.constant 0 : i32
    %dma_wait3A_138 = tpu.memref_slice %arg7[%dma_wait3A_135, %dma_wait3A_136, %dma_wait3A_137] : memref<2x50x128xf32, #tpu.memory_space<vmem>> -> memref<1x50x128xf32, #tpu.memory_space<vmem>>
    %dma_wait3A_139 = tpu.memref_squeeze %dma_wait3A_138 : memref<1x50x128xf32, #tpu.memory_space<vmem>> -> memref<50x128xf32, #tpu.memory_space<vmem>>
    %dma_wait3A_140 = arith.constant 0 : i32
    %dma_wait3A_141 = tpu.memref_slice %arg5[%dma_wait3A_134, %dma_wait3A_140] : memref<128x50xi32, #tpu.memory_space<vmem>> -> memref<1x50xi32, #tpu.memory_space<vmem>>
    %dma_wait3A_142 = tpu.memref_squeeze %dma_wait3A_141 : memref<1x50xi32, #tpu.memory_space<vmem>> -> memref<50xi32, #tpu.memory_space<vmem>>
    %dma_wait3A_143 = arith.constant 0 : i32
    %dma_wait3A_144 = arith.constant 0 : i32
    %dma_wait3A_145 = tpu.memref_slice %arg2[%dma_wait3A_143, %dma_wait3A_144] : memref<100000x128xf32, #tpu.memory_space<hbm>> -> memref<100000x128xf32, #tpu.memory_space<hbm>>
    tpu.wait_indirect_dma semaphore(%arg11 : memref<!tpu.dma_semaphore, #tpu.memory_space<semaphore_mem>>) src(%dma_wait3A_145 : memref<100000x128xf32, #tpu.memory_space<hbm>>) dst(%dma_wait3A_139 : memref<50x128xf32, #tpu.memory_space<vmem>>)
    %dma_wait3A_146 = arith.constant 3 : i32
    %dma_wait3A_147 = arith.constant 1 : i32
    %dma_wait3A_148 = arith.constant 0 : i32
    %dma_wait3A_149 = arith.constant 0 : i32
    %dma_wait3A_150 = tpu.memref_slice %arg7[%dma_wait3A_147, %dma_wait3A_148, %dma_wait3A_149] : memref<2x50x128xf32, #tpu.memory_space<vmem>> -> memref<1x50x128xf32, #tpu.memory_space<vmem>>
    %dma_wait3A_151 = tpu.memref_squeeze %dma_wait3A_150 : memref<1x50x128xf32, #tpu.memory_space<vmem>> -> memref<50x128xf32, #tpu.memory_space<vmem>>
    %dma_wait3A_152 = arith.constant 0 : i32
    %dma_wait3A_153 = tpu.memref_slice %arg5[%dma_wait3A_146, %dma_wait3A_152] : memref<128x50xi32, #tpu.memory_space<vmem>> -> memref<1x50xi32, #tpu.memory_space<vmem>>
    %dma_wait3A_154 = tpu.memref_squeeze %dma_wait3A_153 : memref<1x50xi32, #tpu.memory_space<vmem>> -> memref<50xi32, #tpu.memory_space<vmem>>
    %dma_wait3A_155 = arith.constant 0 : i32
    %dma_wait3A_156 = arith.constant 0 : i32
    %dma_wait3A_157 = tpu.memref_slice %arg2[%dma_wait3A_155, %dma_wait3A_156] : memref<100000x128xf32, #tpu.memory_space<hbm>> -> memref<100000x128xf32, #tpu.memory_space<hbm>>
    tpu.wait_indirect_dma semaphore(%arg11 : memref<!tpu.dma_semaphore, #tpu.memory_space<semaphore_mem>>) src(%dma_wait3A_157 : memref<100000x128xf32, #tpu.memory_space<hbm>>) dst(%dma_wait3A_151 : memref<50x128xf32, #tpu.memory_space<vmem>>)
    %scan3A_158 = arith.constant 0 : i32
    %scan3A_159 = arith.constant 0 : i32
    %scan3A_160 = arith.constant 50 : i32
    %scan3A_161 = arith.addi %scan3A_159, %scan3A_160 : i32
    %scan3A_162 = arith.constant 1 : i32
    scf.for %scan3A_566 = %scan3A_159 to %scan3A_161 step %scan3A_162  : i32 {
      %get3A = arith.constant 0 : i32
      %get3A_567 = arith.index_cast %get3A : i32 to index
      %get3A_568 = arith.index_cast %scan3A_566 : i32 to index
      %get3A_569 = arith.constant 0 : index
      %get3A_570 = tpu.vector_load %arg7[%get3A_567, %get3A_568, %get3A_569] {strides = array<i32>} : memref<2x50x128xf32, #tpu.memory_space<vmem>>, vector<1x1x16xf32>,
      %get3A_571 = vector.shape_cast %get3A_570 : vector<1x1x16xf32> to vector<16xf32>
      %mul3A_572 = arith.constant 11.3137083 : f32
      %mul3A_573 = vector.broadcast %mul3A_572 : f32 to vector<16xf32>
      %mul3A_574 = arith.mulf %get3A_571, %mul3A_573 : vector<16xf32>
      %swap3A = arith.constant 0 : i32
      %swap3A_575 = arith.index_cast %swap3A : i32 to index
      %swap3A_576 = arith.index_cast %scan3A_566 : i32 to index
      %swap3A_577 = arith.constant 0 : index
      %swap3A_578 = tpu.vector_load %arg7[%swap3A_575, %swap3A_576, %swap3A_577] {strides = array<i32>} : memref<2x50x128xf32, #tpu.memory_space<vmem>>, vector<1x1x16xf32>,
      %swap3A_579 = vector.shape_cast %swap3A_578 : vector<1x1x16xf32> to vector<16xf32>
      %swap3A_580 = vector.shape_cast %mul3A_574 : vector<16xf32> to vector<1x1x16xf32>
      tpu.vector_store %arg7[%swap3A_575, %swap3A_576, %swap3A_577], %swap3A_580 {strides = array<i32>} : memref<2x50x128xf32, #tpu.memory_space<vmem>>, vector<1x1x16xf32>,
      %get3A_581 = arith.constant 0 : i32
      %get3A_582 = arith.index_cast %get3A_581 : i32 to index
      %get3A_583 = arith.index_cast %scan3A_566 : i32 to index
      %get3A_584 = arith.constant 16 : index
      %get3A_585 = tpu.vector_load %arg7[%get3A_582, %get3A_583, %get3A_584] {strides = array<i32>} : memref<2x50x128xf32, #tpu.memory_space<vmem>>, vector<1x1x16xf32>,
      %get3A_586 = vector.shape_cast %get3A_585 : vector<1x1x16xf32> to vector<16xf32>
      %mul3A_587 = arith.constant 11.3137083 : f32
      %mul3A_588 = vector.broadcast %mul3A_587 : f32 to vector<16xf32>
      %mul3A_589 = arith.mulf %get3A_586, %mul3A_588 : vector<16xf32>
      %swap3A_590 = arith.constant 0 : i32
      %swap3A_591 = arith.index_cast %swap3A_590 : i32 to index
      %swap3A_592 = arith.index_cast %scan3A_566 : i32 to index
      %swap3A_593 = arith.constant 16 : index
      %swap3A_594 = tpu.vector_load %arg7[%swap3A_591, %swap3A_592, %swap3A_593] {strides = array<i32>} : memref<2x50x128xf32, #tpu.memory_space<vmem>>, vector<1x1x16xf32>,
      %swap3A_595 = vector.shape_cast %swap3A_594 : vector<1x1x16xf32> to vector<16xf32>
      %swap3A_596 = vector.shape_cast %mul3A_589 : vector<16xf32> to vector<1x1x16xf32>
      tpu.vector_store %arg7[%swap3A_591, %swap3A_592, %swap3A_593], %swap3A_596 {strides = array<i32>} : memref<2x50x128xf32, #tpu.memory_space<vmem>>, vector<1x1x16xf32>,
      %get3A_597 = arith.constant 0 : i32
      %get3A_598 = arith.index_cast %get3A_597 : i32 to index
      %get3A_599 = arith.index_cast %scan3A_566 : i32 to index
      %get3A_600 = arith.constant 32 : index
      %get3A_601 = tpu.vector_load %arg7[%get3A_598, %get3A_599, %get3A_600] {strides = array<i32>} : memref<2x50x128xf32, #tpu.memory_space<vmem>>, vector<1x1x16xf32>,
      %get3A_602 = vector.shape_cast %get3A_601 : vector<1x1x16xf32> to vector<16xf32>
      %mul3A_603 = arith.constant 11.3137083 : f32
      %mul3A_604 = vector.broadcast %mul3A_603 : f32 to vector<16xf32>
      %mul3A_605 = arith.mulf %get3A_602, %mul3A_604 : vector<16xf32>
      %swap3A_606 = arith.constant 0 : i32
      %swap3A_607 = arith.index_cast %swap3A_606 : i32 to index
      %swap3A_608 = arith.index_cast %scan3A_566 : i32 to index
      %swap3A_609 = arith.constant 32 : index
      %swap3A_610 = tpu.vector_load %arg7[%swap3A_607, %swap3A_608, %swap3A_609] {strides = array<i32>} : memref<2x50x128xf32, #tpu.memory_space<vmem>>, vector<1x1x16xf32>,
      %swap3A_611 = vector.shape_cast %swap3A_610 : vector<1x1x16xf32> to vector<16xf32>
      %swap3A_612 = vector.shape_cast %mul3A_605 : vector<16xf32> to vector<1x1x16xf32>
      tpu.vector_store %arg7[%swap3A_607, %swap3A_608, %swap3A_609], %swap3A_612 {strides = array<i32>} : memref<2x50x128xf32, #tpu.memory_space<vmem>>, vector<1x1x16xf32>,
      %get3A_613 = arith.constant 0 : i32
      %get3A_614 = arith.index_cast %get3A_613 : i32 to index
      %get3A_615 = arith.index_cast %scan3A_566 : i32 to index
      %get3A_616 = arith.constant 48 : index
      %get3A_617 = tpu.vector_load %arg7[%get3A_614, %get3A_615, %get3A_616] {strides = array<i32>} : memref<2x50x128xf32, #tpu.memory_space<vmem>>, vector<1x1x16xf32>,
      %get3A_618 = vector.shape_cast %get3A_617 : vector<1x1x16xf32> to vector<16xf32>
      %mul3A_619 = arith.constant 11.3137083 : f32
      %mul3A_620 = vector.broadcast %mul3A_619 : f32 to vector<16xf32>
      %mul3A_621 = arith.mulf %get3A_618, %mul3A_620 : vector<16xf32>
      %swap3A_622 = arith.constant 0 : i32
      %swap3A_623 = arith.index_cast %swap3A_622 : i32 to index
      %swap3A_624 = arith.index_cast %scan3A_566 : i32 to index
      %swap3A_625 = arith.constant 48 : index
      %swap3A_626 = tpu.vector_load %arg7[%swap3A_623, %swap3A_624, %swap3A_625] {strides = array<i32>} : memref<2x50x128xf32, #tpu.memory_space<vmem>>, vector<1x1x16xf32>,
      %swap3A_627 = vector.shape_cast %swap3A_626 : vector<1x1x16xf32> to vector<16xf32>
      %swap3A_628 = vector.shape_cast %mul3A_621 : vector<16xf32> to vector<1x1x16xf32>
      tpu.vector_store %arg7[%swap3A_623, %swap3A_624, %swap3A_625], %swap3A_628 {strides = array<i32>} : memref<2x50x128xf32, #tpu.memory_space<vmem>>, vector<1x1x16xf32>,
      %get3A_629 = arith.constant 0 : i32
      %get3A_630 = arith.index_cast %get3A_629 : i32 to index
      %get3A_631 = arith.index_cast %scan3A_566 : i32 to index
      %get3A_632 = arith.constant 64 : index
      %get3A_633 = tpu.vector_load %arg7[%get3A_630, %get3A_631, %get3A_632] {strides = array<i32>} : memref<2x50x128xf32, #tpu.memory_space<vmem>>, vector<1x1x16xf32>,
      %get3A_634 = vector.shape_cast %get3A_633 : vector<1x1x16xf32> to vector<16xf32>
      %mul3A_635 = arith.constant 11.3137083 : f32
      %mul3A_636 = vector.broadcast %mul3A_635 : f32 to vector<16xf32>
      %mul3A_637 = arith.mulf %get3A_634, %mul3A_636 : vector<16xf32>
      %swap3A_638 = arith.constant 0 : i32
      %swap3A_639 = arith.index_cast %swap3A_638 : i32 to index
      %swap3A_640 = arith.index_cast %scan3A_566 : i32 to index
      %swap3A_641 = arith.constant 64 : index
      %swap3A_642 = tpu.vector_load %arg7[%swap3A_639, %swap3A_640, %swap3A_641] {strides = array<i32>} : memref<2x50x128xf32, #tpu.memory_space<vmem>>, vector<1x1x16xf32>,
      %swap3A_643 = vector.shape_cast %swap3A_642 : vector<1x1x16xf32> to vector<16xf32>
      %swap3A_644 = vector.shape_cast %mul3A_637 : vector<16xf32> to vector<1x1x16xf32>
      tpu.vector_store %arg7[%swap3A_639, %swap3A_640, %swap3A_641], %swap3A_644 {strides = array<i32>} : memref<2x50x128xf32, #tpu.memory_space<vmem>>, vector<1x1x16xf32>,
      %get3A_645 = arith.constant 0 : i32
      %get3A_646 = arith.index_cast %get3A_645 : i32 to index
      %get3A_647 = arith.index_cast %scan3A_566 : i32 to index
      %get3A_648 = arith.constant 80 : index
      %get3A_649 = tpu.vector_load %arg7[%get3A_646, %get3A_647, %get3A_648] {strides = array<i32>} : memref<2x50x128xf32, #tpu.memory_space<vmem>>, vector<1x1x16xf32>,
      %get3A_650 = vector.shape_cast %get3A_649 : vector<1x1x16xf32> to vector<16xf32>
      %mul3A_651 = arith.constant 11.3137083 : f32
      %mul3A_652 = vector.broadcast %mul3A_651 : f32 to vector<16xf32>
      %mul3A_653 = arith.mulf %get3A_650, %mul3A_652 : vector<16xf32>
      %swap3A_654 = arith.constant 0 : i32
      %swap3A_655 = arith.index_cast %swap3A_654 : i32 to index
      %swap3A_656 = arith.index_cast %scan3A_566 : i32 to index
      %swap3A_657 = arith.constant 80 : index
      %swap3A_658 = tpu.vector_load %arg7[%swap3A_655, %swap3A_656, %swap3A_657] {strides = array<i32>} : memref<2x50x128xf32, #tpu.memory_space<vmem>>, vector<1x1x16xf32>,
      %swap3A_659 = vector.shape_cast %swap3A_658 : vector<1x1x16xf32> to vector<16xf32>
      %swap3A_660 = vector.shape_cast %mul3A_653 : vector<16xf32> to vector<1x1x16xf32>
      tpu.vector_store %arg7[%swap3A_655, %swap3A_656, %swap3A_657], %swap3A_660 {strides = array<i32>} : memref<2x50x128xf32, #tpu.memory_space<vmem>>, vector<1x1x16xf32>,
      %get3A_661 = arith.constant 0 : i32
      %get3A_662 = arith.index_cast %get3A_661 : i32 to index
      %get3A_663 = arith.index_cast %scan3A_566 : i32 to index
      %get3A_664 = arith.constant 96 : index
      %get3A_665 = tpu.vector_load %arg7[%get3A_662, %get3A_663, %get3A_664] {strides = array<i32>} : memref<2x50x128xf32, #tpu.memory_space<vmem>>, vector<1x1x16xf32>,
      %get3A_666 = vector.shape_cast %get3A_665 : vector<1x1x16xf32> to vector<16xf32>
      %mul3A_667 = arith.constant 11.3137083 : f32
      %mul3A_668 = vector.broadcast %mul3A_667 : f32 to vector<16xf32>
      %mul3A_669 = arith.mulf %get3A_666, %mul3A_668 : vector<16xf32>
      %swap3A_670 = arith.constant 0 : i32
      %swap3A_671 = arith.index_cast %swap3A_670 : i32 to index
      %swap3A_672 = arith.index_cast %scan3A_566 : i32 to index
      %swap3A_673 = arith.constant 96 : index
      %swap3A_674 = tpu.vector_load %arg7[%swap3A_671, %swap3A_672, %swap3A_673] {strides = array<i32>} : memref<2x50x128xf32, #tpu.memory_space<vmem>>, vector<1x1x16xf32>,
      %swap3A_675 = vector.shape_cast %swap3A_674 : vector<1x1x16xf32> to vector<16xf32>
      %swap3A_676 = vector.shape_cast %mul3A_669 : vector<16xf32> to vector<1x1x16xf32>
      tpu.vector_store %arg7[%swap3A_671, %swap3A_672, %swap3A_673], %swap3A_676 {strides = array<i32>} : memref<2x50x128xf32, #tpu.memory_space<vmem>>, vector<1x1x16xf32>,
      %get3A_677 = arith.constant 0 : i32
      %get3A_678 = arith.index_cast %get3A_677 : i32 to index
      %get3A_679 = arith.index_cast %scan3A_566 : i32 to index
      %get3A_680 = arith.constant 112 : index
      %get3A_681 = tpu.vector_load %arg7[%get3A_678, %get3A_679, %get3A_680] {strides = array<i32>} : memref<2x50x128xf32, #tpu.memory_space<vmem>>, vector<1x1x16xf32>,
      %get3A_682 = vector.shape_cast %get3A_681 : vector<1x1x16xf32> to vector<16xf32>
      %mul3A_683 = arith.constant 11.3137083 : f32
      %mul3A_684 = vector.broadcast %mul3A_683 : f32 to vector<16xf32>
      %mul3A_685 = arith.mulf %get3A_682, %mul3A_684 : vector<16xf32>
      %swap3A_686 = arith.constant 0 : i32
      %swap3A_687 = arith.index_cast %swap3A_686 : i32 to index
      %swap3A_688 = arith.index_cast %scan3A_566 : i32 to index
      %swap3A_689 = arith.constant 112 : index
      %swap3A_690 = tpu.vector_load %arg7[%swap3A_687, %swap3A_688, %swap3A_689] {strides = array<i32>} : memref<2x50x128xf32, #tpu.memory_space<vmem>>, vector<1x1x16xf32>,
      %swap3A_691 = vector.shape_cast %swap3A_690 : vector<1x1x16xf32> to vector<16xf32>
      %swap3A_692 = vector.shape_cast %mul3A_685 : vector<16xf32> to vector<1x1x16xf32>
      tpu.vector_store %arg7[%swap3A_687, %swap3A_688, %swap3A_689], %swap3A_692 {strides = array<i32>} : memref<2x50x128xf32, #tpu.memory_space<vmem>>, vector<1x1x16xf32>,
      %get3A_693 = arith.constant 1 : i32
      %get3A_694 = arith.index_cast %get3A_693 : i32 to index
      %get3A_695 = arith.index_cast %scan3A_566 : i32 to index
      %get3A_696 = arith.constant 0 : index
      %get3A_697 = tpu.vector_load %arg7[%get3A_694, %get3A_695, %get3A_696] {strides = array<i32>} : memref<2x50x128xf32, #tpu.memory_space<vmem>>, vector<1x1x16xf32>,
      %get3A_698 = vector.shape_cast %get3A_697 : vector<1x1x16xf32> to vector<16xf32>
      %mul3A_699 = arith.constant 11.3137083 : f32
      %mul3A_700 = vector.broadcast %mul3A_699 : f32 to vector<16xf32>
      %mul3A_701 = arith.mulf %get3A_698, %mul3A_700 : vector<16xf32>
      %swap3A_702 = arith.constant 1 : i32
      %swap3A_703 = arith.index_cast %swap3A_702 : i32 to index
      %swap3A_704 = arith.index_cast %scan3A_566 : i32 to index
      %swap3A_705 = arith.constant 0 : index
      %swap3A_706 = tpu.vector_load %arg7[%swap3A_703, %swap3A_704, %swap3A_705] {strides = array<i32>} : memref<2x50x128xf32, #tpu.memory_space<vmem>>, vector<1x1x16xf32>,
      %swap3A_707 = vector.shape_cast %swap3A_706 : vector<1x1x16xf32> to vector<16xf32>
      %swap3A_708 = vector.shape_cast %mul3A_701 : vector<16xf32> to vector<1x1x16xf32>
      tpu.vector_store %arg7[%swap3A_703, %swap3A_704, %swap3A_705], %swap3A_708 {strides = array<i32>} : memref<2x50x128xf32, #tpu.memory_space<vmem>>, vector<1x1x16xf32>,
      %get3A_709 = arith.constant 1 : i32
      %get3A_710 = arith.index_cast %get3A_709 : i32 to index
      %get3A_711 = arith.index_cast %scan3A_566 : i32 to index
      %get3A_712 = arith.constant 16 : index
      %get3A_713 = tpu.vector_load %arg7[%get3A_710, %get3A_711, %get3A_712] {strides = array<i32>} : memref<2x50x128xf32, #tpu.memory_space<vmem>>, vector<1x1x16xf32>,
      %get3A_714 = vector.shape_cast %get3A_713 : vector<1x1x16xf32> to vector<16xf32>
      %mul3A_715 = arith.constant 11.3137083 : f32
      %mul3A_716 = vector.broadcast %mul3A_715 : f32 to vector<16xf32>
      %mul3A_717 = arith.mulf %get3A_714, %mul3A_716 : vector<16xf32>
      %swap3A_718 = arith.constant 1 : i32
      %swap3A_719 = arith.index_cast %swap3A_718 : i32 to index
      %swap3A_720 = arith.index_cast %scan3A_566 : i32 to index
      %swap3A_721 = arith.constant 16 : index
      %swap3A_722 = tpu.vector_load %arg7[%swap3A_719, %swap3A_720, %swap3A_721] {strides = array<i32>} : memref<2x50x128xf32, #tpu.memory_space<vmem>>, vector<1x1x16xf32>,
      %swap3A_723 = vector.shape_cast %swap3A_722 : vector<1x1x16xf32> to vector<16xf32>
      %swap3A_724 = vector.shape_cast %mul3A_717 : vector<16xf32> to vector<1x1x16xf32>
      tpu.vector_store %arg7[%swap3A_719, %swap3A_720, %swap3A_721], %swap3A_724 {strides = array<i32>} : memref<2x50x128xf32, #tpu.memory_space<vmem>>, vector<1x1x16xf32>,
      %get3A_725 = arith.constant 1 : i32
      %get3A_726 = arith.index_cast %get3A_725 : i32 to index
      %get3A_727 = arith.index_cast %scan3A_566 : i32 to index
      %get3A_728 = arith.constant 32 : index
      %get3A_729 = tpu.vector_load %arg7[%get3A_726, %get3A_727, %get3A_728] {strides = array<i32>} : memref<2x50x128xf32, #tpu.memory_space<vmem>>, vector<1x1x16xf32>,
      %get3A_730 = vector.shape_cast %get3A_729 : vector<1x1x16xf32> to vector<16xf32>
      %mul3A_731 = arith.constant 11.3137083 : f32
      %mul3A_732 = vector.broadcast %mul3A_731 : f32 to vector<16xf32>
      %mul3A_733 = arith.mulf %get3A_730, %mul3A_732 : vector<16xf32>
      %swap3A_734 = arith.constant 1 : i32
      %swap3A_735 = arith.index_cast %swap3A_734 : i32 to index
      %swap3A_736 = arith.index_cast %scan3A_566 : i32 to index
      %swap3A_737 = arith.constant 32 : index
      %swap3A_738 = tpu.vector_load %arg7[%swap3A_735, %swap3A_736, %swap3A_737] {strides = array<i32>} : memref<2x50x128xf32, #tpu.memory_space<vmem>>, vector<1x1x16xf32>,
      %swap3A_739 = vector.shape_cast %swap3A_738 : vector<1x1x16xf32> to vector<16xf32>
      %swap3A_740 = vector.shape_cast %mul3A_733 : vector<16xf32> to vector<1x1x16xf32>
      tpu.vector_store %arg7[%swap3A_735, %swap3A_736, %swap3A_737], %swap3A_740 {strides = array<i32>} : memref<2x50x128xf32, #tpu.memory_space<vmem>>, vector<1x1x16xf32>,
      %get3A_741 = arith.constant 1 : i32
      %get3A_742 = arith.index_cast %get3A_741 : i32 to index
      %get3A_743 = arith.index_cast %scan3A_566 : i32 to index
      %get3A_744 = arith.constant 48 : index
      %get3A_745 = tpu.vector_load %arg7[%get3A_742, %get3A_743, %get3A_744] {strides = array<i32>} : memref<2x50x128xf32, #tpu.memory_space<vmem>>, vector<1x1x16xf32>,
      %get3A_746 = vector.shape_cast %get3A_745 : vector<1x1x16xf32> to vector<16xf32>
      %mul3A_747 = arith.constant 11.3137083 : f32
      %mul3A_748 = vector.broadcast %mul3A_747 : f32 to vector<16xf32>
      %mul3A_749 = arith.mulf %get3A_746, %mul3A_748 : vector<16xf32>
      %swap3A_750 = arith.constant 1 : i32
      %swap3A_751 = arith.index_cast %swap3A_750 : i32 to index
      %swap3A_752 = arith.index_cast %scan3A_566 : i32 to index
      %swap3A_753 = arith.constant 48 : index
      %swap3A_754 = tpu.vector_load %arg7[%swap3A_751, %swap3A_752, %swap3A_753] {strides = array<i32>} : memref<2x50x128xf32, #tpu.memory_space<vmem>>, vector<1x1x16xf32>,
      %swap3A_755 = vector.shape_cast %swap3A_754 : vector<1x1x16xf32> to vector<16xf32>
      %swap3A_756 = vector.shape_cast %mul3A_749 : vector<16xf32> to vector<1x1x16xf32>
      tpu.vector_store %arg7[%swap3A_751, %swap3A_752, %swap3A_753], %swap3A_756 {strides = array<i32>} : memref<2x50x128xf32, #tpu.memory_space<vmem>>, vector<1x1x16xf32>,
      %get3A_757 = arith.constant 1 : i32
      %get3A_758 = arith.index_cast %get3A_757 : i32 to index
      %get3A_759 = arith.index_cast %scan3A_566 : i32 to index
      %get3A_760 = arith.constant 64 : index
      %get3A_761 = tpu.vector_load %arg7[%get3A_758, %get3A_759, %get3A_760] {strides = array<i32>} : memref<2x50x128xf32, #tpu.memory_space<vmem>>, vector<1x1x16xf32>,
      %get3A_762 = vector.shape_cast %get3A_761 : vector<1x1x16xf32> to vector<16xf32>
      %mul3A_763 = arith.constant 11.3137083 : f32
      %mul3A_764 = vector.broadcast %mul3A_763 : f32 to vector<16xf32>
      %mul3A_765 = arith.mulf %get3A_762, %mul3A_764 : vector<16xf32>
      %swap3A_766 = arith.constant 1 : i32
      %swap3A_767 = arith.index_cast %swap3A_766 : i32 to index
      %swap3A_768 = arith.index_cast %scan3A_566 : i32 to index
      %swap3A_769 = arith.constant 64 : index
      %swap3A_770 = tpu.vector_load %arg7[%swap3A_767, %swap3A_768, %swap3A_769] {strides = array<i32>} : memref<2x50x128xf32, #tpu.memory_space<vmem>>, vector<1x1x16xf32>,
      %swap3A_771 = vector.shape_cast %swap3A_770 : vector<1x1x16xf32> to vector<16xf32>
      %swap3A_772 = vector.shape_cast %mul3A_765 : vector<16xf32> to vector<1x1x16xf32>
      tpu.vector_store %arg7[%swap3A_767, %swap3A_768, %swap3A_769], %swap3A_772 {strides = array<i32>} : memref<2x50x128xf32, #tpu.memory_space<vmem>>, vector<1x1x16xf32>,
      %get3A_773 = arith.constant 1 : i32
      %get3A_774 = arith.index_cast %get3A_773 : i32 to index
      %get3A_775 = arith.index_cast %scan3A_566 : i32 to index
      %get3A_776 = arith.constant 80 : index
      %get3A_777 = tpu.vector_load %arg7[%get3A_774, %get3A_775, %get3A_776] {strides = array<i32>} : memref<2x50x128xf32, #tpu.memory_space<vmem>>, vector<1x1x16xf32>,
      %get3A_778 = vector.shape_cast %get3A_777 : vector<1x1x16xf32> to vector<16xf32>
      %mul3A_779 = arith.constant 11.3137083 : f32
      %mul3A_780 = vector.broadcast %mul3A_779 : f32 to vector<16xf32>
      %mul3A_781 = arith.mulf %get3A_778, %mul3A_780 : vector<16xf32>
      %swap3A_782 = arith.constant 1 : i32
      %swap3A_783 = arith.index_cast %swap3A_782 : i32 to index
      %swap3A_784 = arith.index_cast %scan3A_566 : i32 to index
      %swap3A_785 = arith.constant 80 : index
      %swap3A_786 = tpu.vector_load %arg7[%swap3A_783, %swap3A_784, %swap3A_785] {strides = array<i32>} : memref<2x50x128xf32, #tpu.memory_space<vmem>>, vector<1x1x16xf32>,
      %swap3A_787 = vector.shape_cast %swap3A_786 : vector<1x1x16xf32> to vector<16xf32>
      %swap3A_788 = vector.shape_cast %mul3A_781 : vector<16xf32> to vector<1x1x16xf32>
      tpu.vector_store %arg7[%swap3A_783, %swap3A_784, %swap3A_785], %swap3A_788 {strides = array<i32>} : memref<2x50x128xf32, #tpu.memory_space<vmem>>, vector<1x1x16xf32>,
      %get3A_789 = arith.constant 1 : i32
      %get3A_790 = arith.index_cast %get3A_789 : i32 to index
      %get3A_791 = arith.index_cast %scan3A_566 : i32 to index
      %get3A_792 = arith.constant 96 : index
      %get3A_793 = tpu.vector_load %arg7[%get3A_790, %get3A_791, %get3A_792] {strides = array<i32>} : memref<2x50x128xf32, #tpu.memory_space<vmem>>, vector<1x1x16xf32>,
      %get3A_794 = vector.shape_cast %get3A_793 : vector<1x1x16xf32> to vector<16xf32>
      %mul3A_795 = arith.constant 11.3137083 : f32
      %mul3A_796 = vector.broadcast %mul3A_795 : f32 to vector<16xf32>
      %mul3A_797 = arith.mulf %get3A_794, %mul3A_796 : vector<16xf32>
      %swap3A_798 = arith.constant 1 : i32
      %swap3A_799 = arith.index_cast %swap3A_798 : i32 to index
      %swap3A_800 = arith.index_cast %scan3A_566 : i32 to index
      %swap3A_801 = arith.constant 96 : index
      %swap3A_802 = tpu.vector_load %arg7[%swap3A_799, %swap3A_800, %swap3A_801] {strides = array<i32>} : memref<2x50x128xf32, #tpu.memory_space<vmem>>, vector<1x1x16xf32>,
      %swap3A_803 = vector.shape_cast %swap3A_802 : vector<1x1x16xf32> to vector<16xf32>
      %swap3A_804 = vector.shape_cast %mul3A_797 : vector<16xf32> to vector<1x1x16xf32>
      tpu.vector_store %arg7[%swap3A_799, %swap3A_800, %swap3A_801], %swap3A_804 {strides = array<i32>} : memref<2x50x128xf32, #tpu.memory_space<vmem>>, vector<1x1x16xf32>,
      %get3A_805 = arith.constant 1 : i32
      %get3A_806 = arith.index_cast %get3A_805 : i32 to index
      %get3A_807 = arith.index_cast %scan3A_566 : i32 to index
      %get3A_808 = arith.constant 112 : index
      %get3A_809 = tpu.vector_load %arg7[%get3A_806, %get3A_807, %get3A_808] {strides = array<i32>} : memref<2x50x128xf32, #tpu.memory_space<vmem>>, vector<1x1x16xf32>,
      %get3A_810 = vector.shape_cast %get3A_809 : vector<1x1x16xf32> to vector<16xf32>
      %mul3A_811 = arith.constant 11.3137083 : f32
      %mul3A_812 = vector.broadcast %mul3A_811 : f32 to vector<16xf32>
      %mul3A_813 = arith.mulf %get3A_810, %mul3A_812 : vector<16xf32>
      %swap3A_814 = arith.constant 1 : i32
      %swap3A_815 = arith.index_cast %swap3A_814 : i32 to index
      %swap3A_816 = arith.index_cast %scan3A_566 : i32 to index
      %swap3A_817 = arith.constant 112 : index
      %swap3A_818 = tpu.vector_load %arg7[%swap3A_815, %swap3A_816, %swap3A_817] {strides = array<i32>} : memref<2x50x128xf32, #tpu.memory_space<vmem>>, vector<1x1x16xf32>,
      %swap3A_819 = vector.shape_cast %swap3A_818 : vector<1x1x16xf32> to vector<16xf32>
      %swap3A_820 = vector.shape_cast %mul3A_813 : vector<16xf32> to vector<1x1x16xf32>
      tpu.vector_store %arg7[%swap3A_815, %swap3A_816, %swap3A_817], %swap3A_820 {strides = array<i32>} : memref<2x50x128xf32, #tpu.memory_space<vmem>>, vector<1x1x16xf32>,
    }
    %scan3A_163 = arith.constant 50 : i32
    %add3A_164 = arith.constant 2 : i32
    %add3A_165 = arith.addi %mul3A_2, %add3A_164 : i32
    %dma_start3A_166 = arith.constant 0 : i32
    %dma_start3A_167 = arith.constant 0 : i32
    %dma_start3A_168 = tpu.memref_slice %arg4[%add3A_165, %dma_start3A_166, %dma_start3A_167] : memref<4096x50x128xf32, #tpu.memory_space<hbm>> -> memref<2x50x128xf32, #tpu.memory_space<hbm>>
    %dma_start3A_169 = arith.constant 0 : i32
    %dma_start3A_170 = arith.constant 0 : i32
    %dma_start3A_171 = tpu.memref_slice %arg4[%add3A_165, %dma_start3A_169, %dma_start3A_170] : memref<4096x50x128xf32, #tpu.memory_space<hbm>> -> memref<2x50x128xf32, #tpu.memory_space<hbm>>
    tpu.enqueue_dma source(%arg7 : memref<2x50x128xf32, #tpu.memory_space<vmem>>) target(%dma_start3A_171 : memref<2x50x128xf32, #tpu.memory_space<hbm>>) target_semaphore(%arg15 : memref<!tpu.dma_semaphore, #tpu.memory_space<semaphore_mem>>)
    %scan3A_172 = arith.constant 0 : i32
    %scan3A_173 = arith.constant 0 : i32
    %scan3A_174 = arith.constant 14 : i32
    %scan3A_175 = arith.addi %scan3A_173, %scan3A_174 : i32
    %scan3A_176 = arith.constant 1 : i32
    scf.for %scan3A_566 = %scan3A_173 to %scan3A_175 step %scan3A_176  : i32 {
      %mul3A_567 = arith.constant 4 : i32
      %mul3A_568 = arith.muli %mul3A_567, %scan3A_566 : i32
      %add3A_569 = arith.constant 2 : i32
      %add3A_570 = arith.addi %add3A_569, %mul3A_568 : i32
      %add3A_571 = arith.constant 0 : i32
      %add3A_572 = arith.addi %add3A_570, %add3A_571 : i32
      %sub3A = arith.constant 2 : i32
      %sub3A_573 = arith.subi %add3A_572, %sub3A : i32
      %mul3A_574 = arith.constant 2 : i32
      %mul3A_575 = arith.muli %sub3A_573, %mul3A_574 : i32
      %add3A_576 = arith.addi %mul3A_2, %mul3A_575 : i32
      %dma_wait3A_577 = arith.constant 0 : i32
      %dma_wait3A_578 = arith.constant 0 : i32
      %dma_wait3A_579 = tpu.memref_slice %arg4[%add3A_576, %dma_wait3A_577, %dma_wait3A_578] : memref<4096x50x128xf32, #tpu.memory_space<hbm>> -> memref<2x50x128xf32, #tpu.memory_space<hbm>>
      %dma_wait3A_580 = arith.constant 0 : i32
      %dma_wait3A_581 = arith.constant 0 : i32
      %dma_wait3A_582 = tpu.memref_slice %arg4[%add3A_576, %dma_wait3A_580, %dma_wait3A_581] : memref<4096x50x128xf32, #tpu.memory_space<hbm>> -> memref<2x50x128xf32, #tpu.memory_space<hbm>>
      tpu.wait_dma2 semaphore(%arg14 : memref<!tpu.dma_semaphore, #tpu.memory_space<semaphore_mem>>) src(%arg6 : memref<2x50x128xf32, #tpu.memory_space<vmem>>) dst(%dma_wait3A_582 : memref<2x50x128xf32, #tpu.memory_space<hbm>>)
      %add3A_583 = arith.constant 2 : i32
      %add3A_584 = arith.addi %add3A_572, %add3A_583 : i32
      %mul3A_585 = arith.constant 2 : i32
      %mul3A_586 = arith.muli %add3A_584, %mul3A_585 : i32
      %add3A_587 = arith.constant 0 : i32
      %add3A_588 = arith.addi %mul3A_586, %add3A_587 : i32
      %dma_start3A_589 = arith.constant 0 : i32
      %dma_start3A_590 = arith.constant 0 : i32
      %dma_start3A_591 = arith.constant 0 : i32
      %dma_start3A_592 = tpu.memref_slice %arg6[%dma_start3A_589, %dma_start3A_590, %dma_start3A_591] : memref<2x50x128xf32, #tpu.memory_space<vmem>> -> memref<1x50x128xf32, #tpu.memory_space<vmem>>
      %dma_start3A_593 = tpu.memref_squeeze %dma_start3A_592 : memref<1x50x128xf32, #tpu.memory_space<vmem>> -> memref<50x128xf32, #tpu.memory_space<vmem>>
      %dma_start3A_594 = arith.constant 0 : i32
      %dma_start3A_595 = tpu.memref_slice %arg5[%add3A_588, %dma_start3A_594] : memref<128x50xi32, #tpu.memory_space<vmem>> -> memref<1x50xi32, #tpu.memory_space<vmem>>
      %dma_start3A_596 = tpu.memref_squeeze %dma_start3A_595 : memref<1x50xi32, #tpu.memory_space<vmem>> -> memref<50xi32, #tpu.memory_space<vmem>>
      %dma_start3A_597 = arith.constant 0 : i32
      %dma_start3A_598 = arith.constant 0 : i32
      %dma_start3A_599 = tpu.memref_slice %arg2[%dma_start3A_597, %dma_start3A_598] : memref<100000x128xf32, #tpu.memory_space<hbm>> -> memref<100000x128xf32, #tpu.memory_space<hbm>>
      tpu.enqueue_indirect_dma source(%dma_start3A_599 : memref<100000x128xf32, #tpu.memory_space<hbm>>) target(%dma_start3A_593 : memref<50x128xf32, #tpu.memory_space<vmem>>) offsets(%dma_start3A_596 : memref<50xi32, #tpu.memory_space<vmem>>) semaphore(%arg10 : memref<!tpu.dma_semaphore, #tpu.memory_space<semaphore_mem>>)
      %mul3A_600 = arith.constant 2 : i32
      %mul3A_601 = arith.muli %add3A_584, %mul3A_600 : i32
      %add3A_602 = arith.constant 1 : i32
      %add3A_603 = arith.addi %mul3A_601, %add3A_602 : i32
      %dma_start3A_604 = arith.constant 1 : i32
      %dma_start3A_605 = arith.constant 0 : i32
      %dma_start3A_606 = arith.constant 0 : i32
      %dma_start3A_607 = tpu.memref_slice %arg6[%dma_start3A_604, %dma_start3A_605, %dma_start3A_606] : memref<2x50x128xf32, #tpu.memory_space<vmem>> -> memref<1x50x128xf32, #tpu.memory_space<vmem>>
      %dma_start3A_608 = tpu.memref_squeeze %dma_start3A_607 : memref<1x50x128xf32, #tpu.memory_space<vmem>> -> memref<50x128xf32, #tpu.memory_space<vmem>>
      %dma_start3A_609 = arith.constant 0 : i32
      %dma_start3A_610 = tpu.memref_slice %arg5[%add3A_603, %dma_start3A_609] : memref<128x50xi32, #tpu.memory_space<vmem>> -> memref<1x50xi32, #tpu.memory_space<vmem>>
      %dma_start3A_611 = tpu.memref_squeeze %dma_start3A_610 : memref<1x50xi32, #tpu.memory_space<vmem>> -> memref<50xi32, #tpu.memory_space<vmem>>
      %dma_start3A_612 = arith.constant 0 : i32
      %dma_start3A_613 = arith.constant 0 : i32
      %dma_start3A_614 = tpu.memref_slice %arg2[%dma_start3A_612, %dma_start3A_613] : memref<100000x128xf32, #tpu.memory_space<hbm>> -> memref<100000x128xf32, #tpu.memory_space<hbm>>
      tpu.enqueue_indirect_dma source(%dma_start3A_614 : memref<100000x128xf32, #tpu.memory_space<hbm>>) target(%dma_start3A_608 : memref<50x128xf32, #tpu.memory_space<vmem>>) offsets(%dma_start3A_611 : memref<50xi32, #tpu.memory_space<vmem>>) semaphore(%arg10 : memref<!tpu.dma_semaphore, #tpu.memory_space<semaphore_mem>>)
      %mul3A_615 = arith.constant 2 : i32
      %mul3A_616 = arith.muli %add3A_572, %mul3A_615 : i32
      %add3A_617 = arith.constant 0 : i32
      %add3A_618 = arith.addi %mul3A_616, %add3A_617 : i32
      %dma_wait3A_619 = arith.constant 0 : i32
      %dma_wait3A_620 = arith.constant 0 : i32
      %dma_wait3A_621 = arith.constant 0 : i32
      %dma_wait3A_622 = tpu.memref_slice %arg8[%dma_wait3A_619, %dma_wait3A_620, %dma_wait3A_621] : memref<2x50x128xf32, #tpu.memory_space<vmem>> -> memref<1x50x128xf32, #tpu.memory_space<vmem>>
      %dma_wait3A_623 = tpu.memref_squeeze %dma_wait3A_622 : memref<1x50x128xf32, #tpu.memory_space<vmem>> -> memref<50x128xf32, #tpu.memory_space<vmem>>
      %dma_wait3A_624 = arith.constant 0 : i32
      %dma_wait3A_625 = tpu.memref_slice %arg5[%add3A_618, %dma_wait3A_624] : memref<128x50xi32, #tpu.memory_space<vmem>> -> memref<1x50xi32, #tpu.memory_space<vmem>>
      %dma_wait3A_626 = tpu.memref_squeeze %dma_wait3A_625 : memref<1x50xi32, #tpu.memory_space<vmem>> -> memref<50xi32, #tpu.memory_space<vmem>>
      %dma_wait3A_627 = arith.constant 0 : i32
      %dma_wait3A_628 = arith.constant 0 : i32
      %dma_wait3A_629 = tpu.memref_slice %arg2[%dma_wait3A_627, %dma_wait3A_628] : memref<100000x128xf32, #tpu.memory_space<hbm>> -> memref<100000x128xf32, #tpu.memory_space<hbm>>
      tpu.wait_indirect_dma semaphore(%arg12 : memref<!tpu.dma_semaphore, #tpu.memory_space<semaphore_mem>>) src(%dma_wait3A_629 : memref<100000x128xf32, #tpu.memory_space<hbm>>) dst(%dma_wait3A_623 : memref<50x128xf32, #tpu.memory_space<vmem>>)
      %mul3A_630 = arith.constant 2 : i32
      %mul3A_631 = arith.muli %add3A_572, %mul3A_630 : i32
      %add3A_632 = arith.constant 1 : i32
      %add3A_633 = arith.addi %mul3A_631, %add3A_632 : i32
      %dma_wait3A_634 = arith.constant 1 : i32
      %dma_wait3A_635 = arith.constant 0 : i32
      %dma_wait3A_636 = arith.constant 0 : i32
      %dma_wait3A_637 = tpu.memref_slice %arg8[%dma_wait3A_634, %dma_wait3A_635, %dma_wait3A_636] : memref<2x50x128xf32, #tpu.memory_space<vmem>> -> memref<1x50x128xf32, #tpu.memory_space<vmem>>
      %dma_wait3A_638 = tpu.memref_squeeze %dma_wait3A_637 : memref<1x50x128xf32, #tpu.memory_space<vmem>> -> memref<50x128xf32, #tpu.memory_space<vmem>>
      %dma_wait3A_639 = arith.constant 0 : i32
      %dma_wait3A_640 = tpu.memref_slice %arg5[%add3A_633, %dma_wait3A_639] : memref<128x50xi32, #tpu.memory_space<vmem>> -> memref<1x50xi32, #tpu.memory_space<vmem>>
      %dma_wait3A_641 = tpu.memref_squeeze %dma_wait3A_640 : memref<1x50xi32, #tpu.memory_space<vmem>> -> memref<50xi32, #tpu.memory_space<vmem>>
      %dma_wait3A_642 = arith.constant 0 : i32
      %dma_wait3A_643 = arith.constant 0 : i32
      %dma_wait3A_644 = tpu.memref_slice %arg2[%dma_wait3A_642, %dma_wait3A_643] : memref<100000x128xf32, #tpu.memory_space<hbm>> -> memref<100000x128xf32, #tpu.memory_space<hbm>>
      tpu.wait_indirect_dma semaphore(%arg12 : memref<!tpu.dma_semaphore, #tpu.memory_space<semaphore_mem>>) src(%dma_wait3A_644 : memref<100000x128xf32, #tpu.memory_space<hbm>>) dst(%dma_wait3A_638 : memref<50x128xf32, #tpu.memory_space<vmem>>)
      %scan3A_645 = arith.constant 0 : i32
      %scan3A_646 = arith.constant 0 : i32
      %scan3A_647 = arith.constant 50 : i32
      %scan3A_648 = arith.addi %scan3A_646, %scan3A_647 : i32
      %scan3A_649 = arith.constant 1 : i32
      scf.for %scan3A_930 = %scan3A_646 to %scan3A_648 step %scan3A_649  : i32 {
        %get3A = arith.constant 0 : i32
        %get3A_931 = arith.index_cast %get3A : i32 to index
        %get3A_932 = arith.index_cast %scan3A_930 : i32 to index
        %get3A_933 = arith.constant 0 : index
        %get3A_934 = tpu.vector_load %arg8[%get3A_931, %get3A_932, %get3A_933] {strides = array<i32>} : memref<2x50x128xf32, #tpu.memory_space<vmem>>, vector<1x1x16xf32>,
        %get3A_935 = vector.shape_cast %get3A_934 : vector<1x1x16xf32> to vector<16xf32>
        %mul3A_936 = arith.constant 11.3137083 : f32
        %mul3A_937 = vector.broadcast %mul3A_936 : f32 to vector<16xf32>
        %mul3A_938 = arith.mulf %get3A_935, %mul3A_937 : vector<16xf32>
        %swap3A = arith.constant 0 : i32
        %swap3A_939 = arith.index_cast %swap3A : i32 to index
        %swap3A_940 = arith.index_cast %scan3A_930 : i32 to index
        %swap3A_941 = arith.constant 0 : index
        %swap3A_942 = tpu.vector_load %arg8[%swap3A_939, %swap3A_940, %swap3A_941] {strides = array<i32>} : memref<2x50x128xf32, #tpu.memory_space<vmem>>, vector<1x1x16xf32>,
        %swap3A_943 = vector.shape_cast %swap3A_942 : vector<1x1x16xf32> to vector<16xf32>
        %swap3A_944 = vector.shape_cast %mul3A_938 : vector<16xf32> to vector<1x1x16xf32>
        tpu.vector_store %arg8[%swap3A_939, %swap3A_940, %swap3A_941], %swap3A_944 {strides = array<i32>} : memref<2x50x128xf32, #tpu.memory_space<vmem>>, vector<1x1x16xf32>,
        %get3A_945 = arith.constant 0 : i32
        %get3A_946 = arith.index_cast %get3A_945 : i32 to index
        %get3A_947 = arith.index_cast %scan3A_930 : i32 to index
        %get3A_948 = arith.constant 16 : index
        %get3A_949 = tpu.vector_load %arg8[%get3A_946, %get3A_947, %get3A_948] {strides = array<i32>} : memref<2x50x128xf32, #tpu.memory_space<vmem>>, vector<1x1x16xf32>,
        %get3A_950 = vector.shape_cast %get3A_949 : vector<1x1x16xf32> to vector<16xf32>
        %mul3A_951 = arith.constant 11.3137083 : f32
        %mul3A_952 = vector.broadcast %mul3A_951 : f32 to vector<16xf32>
        %mul3A_953 = arith.mulf %get3A_950, %mul3A_952 : vector<16xf32>
        %swap3A_954 = arith.constant 0 : i32
        %swap3A_955 = arith.index_cast %swap3A_954 : i32 to index
        %swap3A_956 = arith.index_cast %scan3A_930 : i32 to index
        %swap3A_957 = arith.constant 16 : index
        %swap3A_958 = tpu.vector_load %arg8[%swap3A_955, %swap3A_956, %swap3A_957] {strides = array<i32>} : memref<2x50x128xf32, #tpu.memory_space<vmem>>, vector<1x1x16xf32>,
        %swap3A_959 = vector.shape_cast %swap3A_958 : vector<1x1x16xf32> to vector<16xf32>
        %swap3A_960 = vector.shape_cast %mul3A_953 : vector<16xf32> to vector<1x1x16xf32>
        tpu.vector_store %arg8[%swap3A_955, %swap3A_956, %swap3A_957], %swap3A_960 {strides = array<i32>} : memref<2x50x128xf32, #tpu.memory_space<vmem>>, vector<1x1x16xf32>,
        %get3A_961 = arith.constant 0 : i32
        %get3A_962 = arith.index_cast %get3A_961 : i32 to index
        %get3A_963 = arith.index_cast %scan3A_930 : i32 to index
        %get3A_964 = arith.constant 32 : index
        %get3A_965 = tpu.vector_load %arg8[%get3A_962, %get3A_963, %get3A_964] {strides = array<i32>} : memref<2x50x128xf32, #tpu.memory_space<vmem>>, vector<1x1x16xf32>,
        %get3A_966 = vector.shape_cast %get3A_965 : vector<1x1x16xf32> to vector<16xf32>
        %mul3A_967 = arith.constant 11.3137083 : f32
        %mul3A_968 = vector.broadcast %mul3A_967 : f32 to vector<16xf32>
        %mul3A_969 = arith.mulf %get3A_966, %mul3A_968 : vector<16xf32>
        %swap3A_970 = arith.constant 0 : i32
        %swap3A_971 = arith.index_cast %swap3A_970 : i32 to index
        %swap3A_972 = arith.index_cast %scan3A_930 : i32 to index
        %swap3A_973 = arith.constant 32 : index
        %swap3A_974 = tpu.vector_load %arg8[%swap3A_971, %swap3A_972, %swap3A_973] {strides = array<i32>} : memref<2x50x128xf32, #tpu.memory_space<vmem>>, vector<1x1x16xf32>,
        %swap3A_975 = vector.shape_cast %swap3A_974 : vector<1x1x16xf32> to vector<16xf32>
        %swap3A_976 = vector.shape_cast %mul3A_969 : vector<16xf32> to vector<1x1x16xf32>
        tpu.vector_store %arg8[%swap3A_971, %swap3A_972, %swap3A_973], %swap3A_976 {strides = array<i32>} : memref<2x50x128xf32, #tpu.memory_space<vmem>>, vector<1x1x16xf32>,
        %get3A_977 = arith.constant 0 : i32
        %get3A_978 = arith.index_cast %get3A_977 : i32 to index
        %get3A_979 = arith.index_cast %scan3A_930 : i32 to index
        %get3A_980 = arith.constant 48 : index
        %get3A_981 = tpu.vector_load %arg8[%get3A_978, %get3A_979, %get3A_980] {strides = array<i32>} : memref<2x50x128xf32, #tpu.memory_space<vmem>>, vector<1x1x16xf32>,
        %get3A_982 = vector.shape_cast %get3A_981 : vector<1x1x16xf32> to vector<16xf32>
        %mul3A_983 = arith.constant 11.3137083 : f32
        %mul3A_984 = vector.broadcast %mul3A_983 : f32 to vector<16xf32>
        %mul3A_985 = arith.mulf %get3A_982, %mul3A_984 : vector<16xf32>
        %swap3A_986 = arith.constant 0 : i32
        %swap3A_987 = arith.index_cast %swap3A_986 : i32 to index
        %swap3A_988 = arith.index_cast %scan3A_930 : i32 to index
        %swap3A_989 = arith.constant 48 : index
        %swap3A_990 = tpu.vector_load %arg8[%swap3A_987, %swap3A_988, %swap3A_989] {strides = array<i32>} : memref<2x50x128xf32, #tpu.memory_space<vmem>>, vector<1x1x16xf32>,
        %swap3A_991 = vector.shape_cast %swap3A_990 : vector<1x1x16xf32> to vector<16xf32>
        %swap3A_992 = vector.shape_cast %mul3A_985 : vector<16xf32> to vector<1x1x16xf32>
        tpu.vector_store %arg8[%swap3A_987, %swap3A_988, %swap3A_989], %swap3A_992 {strides = array<i32>} : memref<2x50x128xf32, #tpu.memory_space<vmem>>, vector<1x1x16xf32>,
        %get3A_993 = arith.constant 0 : i32
        %get3A_994 = arith.index_cast %get3A_993 : i32 to index
        %get3A_995 = arith.index_cast %scan3A_930 : i32 to index
        %get3A_996 = arith.constant 64 : index
        %get3A_997 = tpu.vector_load %arg8[%get3A_994, %get3A_995, %get3A_996] {strides = array<i32>} : memref<2x50x128xf32, #tpu.memory_space<vmem>>, vector<1x1x16xf32>,
        %get3A_998 = vector.shape_cast %get3A_997 : vector<1x1x16xf32> to vector<16xf32>
        %mul3A_999 = arith.constant 11.3137083 : f32
        %mul3A_1000 = vector.broadcast %mul3A_999 : f32 to vector<16xf32>
        %mul3A_1001 = arith.mulf %get3A_998, %mul3A_1000 : vector<16xf32>
        %swap3A_1002 = arith.constant 0 : i32
        %swap3A_1003 = arith.index_cast %swap3A_1002 : i32 to index
        %swap3A_1004 = arith.index_cast %scan3A_930 : i32 to index
        %swap3A_1005 = arith.constant 64 : index
        %swap3A_1006 = tpu.vector_load %arg8[%swap3A_1003, %swap3A_1004, %swap3A_1005] {strides = array<i32>} : memref<2x50x128xf32, #tpu.memory_space<vmem>>, vector<1x1x16xf32>,
        %swap3A_1007 = vector.shape_cast %swap3A_1006 : vector<1x1x16xf32> to vector<16xf32>
        %swap3A_1008 = vector.shape_cast %mul3A_1001 : vector<16xf32> to vector<1x1x16xf32>
        tpu.vector_store %arg8[%swap3A_1003, %swap3A_1004, %swap3A_1005], %swap3A_1008 {strides = array<i32>} : memref<2x50x128xf32, #tpu.memory_space<vmem>>, vector<1x1x16xf32>,
        %get3A_1009 = arith.constant 0 : i32
        %get3A_1010 = arith.index_cast %get3A_1009 : i32 to index
        %get3A_1011 = arith.index_cast %scan3A_930 : i32 to index
        %get3A_1012 = arith.constant 80 : index
        %get3A_1013 = tpu.vector_load %arg8[%get3A_1010, %get3A_1011, %get3A_1012] {strides = array<i32>} : memref<2x50x128xf32, #tpu.memory_space<vmem>>, vector<1x1x16xf32>,
        %get3A_1014 = vector.shape_cast %get3A_1013 : vector<1x1x16xf32> to vector<16xf32>
        %mul3A_1015 = arith.constant 11.3137083 : f32
        %mul3A_1016 = vector.broadcast %mul3A_1015 : f32 to vector<16xf32>
        %mul3A_1017 = arith.mulf %get3A_1014, %mul3A_1016 : vector<16xf32>
        %swap3A_1018 = arith.constant 0 : i32
        %swap3A_1019 = arith.index_cast %swap3A_1018 : i32 to index
        %swap3A_1020 = arith.index_cast %scan3A_930 : i32 to index
        %swap3A_1021 = arith.constant 80 : index
        %swap3A_1022 = tpu.vector_load %arg8[%swap3A_1019, %swap3A_1020, %swap3A_1021] {strides = array<i32>} : memref<2x50x128xf32, #tpu.memory_space<vmem>>, vector<1x1x16xf32>,
        %swap3A_1023 = vector.shape_cast %swap3A_1022 : vector<1x1x16xf32> to vector<16xf32>
        %swap3A_1024 = vector.shape_cast %mul3A_1017 : vector<16xf32> to vector<1x1x16xf32>
        tpu.vector_store %arg8[%swap3A_1019, %swap3A_1020, %swap3A_1021], %swap3A_1024 {strides = array<i32>} : memref<2x50x128xf32, #tpu.memory_space<vmem>>, vector<1x1x16xf32>,
        %get3A_1025 = arith.constant 0 : i32
        %get3A_1026 = arith.index_cast %get3A_1025 : i32 to index
        %get3A_1027 = arith.index_cast %scan3A_930 : i32 to index
        %get3A_1028 = arith.constant 96 : index
        %get3A_1029 = tpu.vector_load %arg8[%get3A_1026, %get3A_1027, %get3A_1028] {strides = array<i32>} : memref<2x50x128xf32, #tpu.memory_space<vmem>>, vector<1x1x16xf32>,
        %get3A_1030 = vector.shape_cast %get3A_1029 : vector<1x1x16xf32> to vector<16xf32>
        %mul3A_1031 = arith.constant 11.3137083 : f32
        %mul3A_1032 = vector.broadcast %mul3A_1031 : f32 to vector<16xf32>
        %mul3A_1033 = arith.mulf %get3A_1030, %mul3A_1032 : vector<16xf32>
        %swap3A_1034 = arith.constant 0 : i32
        %swap3A_1035 = arith.index_cast %swap3A_1034 : i32 to index
        %swap3A_1036 = arith.index_cast %scan3A_930 : i32 to index
        %swap3A_1037 = arith.constant 96 : index
        %swap3A_1038 = tpu.vector_load %arg8[%swap3A_1035, %swap3A_1036, %swap3A_1037] {strides = array<i32>} : memref<2x50x128xf32, #tpu.memory_space<vmem>>, vector<1x1x16xf32>,
        %swap3A_1039 = vector.shape_cast %swap3A_1038 : vector<1x1x16xf32> to vector<16xf32>
        %swap3A_1040 = vector.shape_cast %mul3A_1033 : vector<16xf32> to vector<1x1x16xf32>
        tpu.vector_store %arg8[%swap3A_1035, %swap3A_1036, %swap3A_1037], %swap3A_1040 {strides = array<i32>} : memref<2x50x128xf32, #tpu.memory_space<vmem>>, vector<1x1x16xf32>,
        %get3A_1041 = arith.constant 0 : i32
        %get3A_1042 = arith.index_cast %get3A_1041 : i32 to index
        %get3A_1043 = arith.index_cast %scan3A_930 : i32 to index
        %get3A_1044 = arith.constant 112 : index
        %get3A_1045 = tpu.vector_load %arg8[%get3A_1042, %get3A_1043, %get3A_1044] {strides = array<i32>} : memref<2x50x128xf32, #tpu.memory_space<vmem>>, vector<1x1x16xf32>,
        %get3A_1046 = vector.shape_cast %get3A_1045 : vector<1x1x16xf32> to vector<16xf32>
        %mul3A_1047 = arith.constant 11.3137083 : f32
        %mul3A_1048 = vector.broadcast %mul3A_1047 : f32 to vector<16xf32>
        %mul3A_1049 = arith.mulf %get3A_1046, %mul3A_1048 : vector<16xf32>
        %swap3A_1050 = arith.constant 0 : i32
        %swap3A_1051 = arith.index_cast %swap3A_1050 : i32 to index
        %swap3A_1052 = arith.index_cast %scan3A_930 : i32 to index
        %swap3A_1053 = arith.constant 112 : index
        %swap3A_1054 = tpu.vector_load %arg8[%swap3A_1051, %swap3A_1052, %swap3A_1053] {strides = array<i32>} : memref<2x50x128xf32, #tpu.memory_space<vmem>>, vector<1x1x16xf32>,
        %swap3A_1055 = vector.shape_cast %swap3A_1054 : vector<1x1x16xf32> to vector<16xf32>
        %swap3A_1056 = vector.shape_cast %mul3A_1049 : vector<16xf32> to vector<1x1x16xf32>
        tpu.vector_store %arg8[%swap3A_1051, %swap3A_1052, %swap3A_1053], %swap3A_1056 {strides = array<i32>} : memref<2x50x128xf32, #tpu.memory_space<vmem>>, vector<1x1x16xf32>,
        %get3A_1057 = arith.constant 1 : i32
        %get3A_1058 = arith.index_cast %get3A_1057 : i32 to index
        %get3A_1059 = arith.index_cast %scan3A_930 : i32 to index
        %get3A_1060 = arith.constant 0 : index
        %get3A_1061 = tpu.vector_load %arg8[%get3A_1058, %get3A_1059, %get3A_1060] {strides = array<i32>} : memref<2x50x128xf32, #tpu.memory_space<vmem>>, vector<1x1x16xf32>,
        %get3A_1062 = vector.shape_cast %get3A_1061 : vector<1x1x16xf32> to vector<16xf32>
        %mul3A_1063 = arith.constant 11.3137083 : f32
        %mul3A_1064 = vector.broadcast %mul3A_1063 : f32 to vector<16xf32>
        %mul3A_1065 = arith.mulf %get3A_1062, %mul3A_1064 : vector<16xf32>
        %swap3A_1066 = arith.constant 1 : i32
        %swap3A_1067 = arith.index_cast %swap3A_1066 : i32 to index
        %swap3A_1068 = arith.index_cast %scan3A_930 : i32 to index
        %swap3A_1069 = arith.constant 0 : index
        %swap3A_1070 = tpu.vector_load %arg8[%swap3A_1067, %swap3A_1068, %swap3A_1069] {strides = array<i32>} : memref<2x50x128xf32, #tpu.memory_space<vmem>>, vector<1x1x16xf32>,
        %swap3A_1071 = vector.shape_cast %swap3A_1070 : vector<1x1x16xf32> to vector<16xf32>
        %swap3A_1072 = vector.shape_cast %mul3A_1065 : vector<16xf32> to vector<1x1x16xf32>
        tpu.vector_store %arg8[%swap3A_1067, %swap3A_1068, %swap3A_1069], %swap3A_1072 {strides = array<i32>} : memref<2x50x128xf32, #tpu.memory_space<vmem>>, vector<1x1x16xf32>,
        %get3A_1073 = arith.constant 1 : i32
        %get3A_1074 = arith.index_cast %get3A_1073 : i32 to index
        %get3A_1075 = arith.index_cast %scan3A_930 : i32 to index
        %get3A_1076 = arith.constant 16 : index
        %get3A_1077 = tpu.vector_load %arg8[%get3A_1074, %get3A_1075, %get3A_1076] {strides = array<i32>} : memref<2x50x128xf32, #tpu.memory_space<vmem>>, vector<1x1x16xf32>,
        %get3A_1078 = vector.shape_cast %get3A_1077 : vector<1x1x16xf32> to vector<16xf32>
        %mul3A_1079 = arith.constant 11.3137083 : f32
        %mul3A_1080 = vector.broadcast %mul3A_1079 : f32 to vector<16xf32>
        %mul3A_1081 = arith.mulf %get3A_1078, %mul3A_1080 : vector<16xf32>
        %swap3A_1082 = arith.constant 1 : i32
        %swap3A_1083 = arith.index_cast %swap3A_1082 : i32 to index
        %swap3A_1084 = arith.index_cast %scan3A_930 : i32 to index
        %swap3A_1085 = arith.constant 16 : index
        %swap3A_1086 = tpu.vector_load %arg8[%swap3A_1083, %swap3A_1084, %swap3A_1085] {strides = array<i32>} : memref<2x50x128xf32, #tpu.memory_space<vmem>>, vector<1x1x16xf32>,
        %swap3A_1087 = vector.shape_cast %swap3A_1086 : vector<1x1x16xf32> to vector<16xf32>
        %swap3A_1088 = vector.shape_cast %mul3A_1081 : vector<16xf32> to vector<1x1x16xf32>
        tpu.vector_store %arg8[%swap3A_1083, %swap3A_1084, %swap3A_1085], %swap3A_1088 {strides = array<i32>} : memref<2x50x128xf32, #tpu.memory_space<vmem>>, vector<1x1x16xf32>,
        %get3A_1089 = arith.constant 1 : i32
        %get3A_1090 = arith.index_cast %get3A_1089 : i32 to index
        %get3A_1091 = arith.index_cast %scan3A_930 : i32 to index
        %get3A_1092 = arith.constant 32 : index
        %get3A_1093 = tpu.vector_load %arg8[%get3A_1090, %get3A_1091, %get3A_1092] {strides = array<i32>} : memref<2x50x128xf32, #tpu.memory_space<vmem>>, vector<1x1x16xf32>,
        %get3A_1094 = vector.shape_cast %get3A_1093 : vector<1x1x16xf32> to vector<16xf32>
        %mul3A_1095 = arith.constant 11.3137083 : f32
        %mul3A_1096 = vector.broadcast %mul3A_1095 : f32 to vector<16xf32>
        %mul3A_1097 = arith.mulf %get3A_1094, %mul3A_1096 : vector<16xf32>
        %swap3A_1098 = arith.constant 1 : i32
        %swap3A_1099 = arith.index_cast %swap3A_1098 : i32 to index
        %swap3A_1100 = arith.index_cast %scan3A_930 : i32 to index
        %swap3A_1101 = arith.constant 32 : index
        %swap3A_1102 = tpu.vector_load %arg8[%swap3A_1099, %swap3A_1100, %swap3A_1101] {strides = array<i32>} : memref<2x50x128xf32, #tpu.memory_space<vmem>>, vector<1x1x16xf32>,
        %swap3A_1103 = vector.shape_cast %swap3A_1102 : vector<1x1x16xf32> to vector<16xf32>
        %swap3A_1104 = vector.shape_cast %mul3A_1097 : vector<16xf32> to vector<1x1x16xf32>
        tpu.vector_store %arg8[%swap3A_1099, %swap3A_1100, %swap3A_1101], %swap3A_1104 {strides = array<i32>} : memref<2x50x128xf32, #tpu.memory_space<vmem>>, vector<1x1x16xf32>,
        %get3A_1105 = arith.constant 1 : i32
        %get3A_1106 = arith.index_cast %get3A_1105 : i32 to index
        %get3A_1107 = arith.index_cast %scan3A_930 : i32 to index
        %get3A_1108 = arith.constant 48 : index
        %get3A_1109 = tpu.vector_load %arg8[%get3A_1106, %get3A_1107, %get3A_1108] {strides = array<i32>} : memref<2x50x128xf32, #tpu.memory_space<vmem>>, vector<1x1x16xf32>,
        %get3A_1110 = vector.shape_cast %get3A_1109 : vector<1x1x16xf32> to vector<16xf32>
        %mul3A_1111 = arith.constant 11.3137083 : f32
        %mul3A_1112 = vector.broadcast %mul3A_1111 : f32 to vector<16xf32>
        %mul3A_1113 = arith.mulf %get3A_1110, %mul3A_1112 : vector<16xf32>
        %swap3A_1114 = arith.constant 1 : i32
        %swap3A_1115 = arith.index_cast %swap3A_1114 : i32 to index
        %swap3A_1116 = arith.index_cast %scan3A_930 : i32 to index
        %swap3A_1117 = arith.constant 48 : index
        %swap3A_1118 = tpu.vector_load %arg8[%swap3A_1115, %swap3A_1116, %swap3A_1117] {strides = array<i32>} : memref<2x50x128xf32, #tpu.memory_space<vmem>>, vector<1x1x16xf32>,
        %swap3A_1119 = vector.shape_cast %swap3A_1118 : vector<1x1x16xf32> to vector<16xf32>
        %swap3A_1120 = vector.shape_cast %mul3A_1113 : vector<16xf32> to vector<1x1x16xf32>
        tpu.vector_store %arg8[%swap3A_1115, %swap3A_1116, %swap3A_1117], %swap3A_1120 {strides = array<i32>} : memref<2x50x128xf32, #tpu.memory_space<vmem>>, vector<1x1x16xf32>,
        %get3A_1121 = arith.constant 1 : i32
        %get3A_1122 = arith.index_cast %get3A_1121 : i32 to index
        %get3A_1123 = arith.index_cast %scan3A_930 : i32 to index
        %get3A_1124 = arith.constant 64 : index
        %get3A_1125 = tpu.vector_load %arg8[%get3A_1122, %get3A_1123, %get3A_1124] {strides = array<i32>} : memref<2x50x128xf32, #tpu.memory_space<vmem>>, vector<1x1x16xf32>,
        %get3A_1126 = vector.shape_cast %get3A_1125 : vector<1x1x16xf32> to vector<16xf32>
        %mul3A_1127 = arith.constant 11.3137083 : f32
        %mul3A_1128 = vector.broadcast %mul3A_1127 : f32 to vector<16xf32>
        %mul3A_1129 = arith.mulf %get3A_1126, %mul3A_1128 : vector<16xf32>
        %swap3A_1130 = arith.constant 1 : i32
        %swap3A_1131 = arith.index_cast %swap3A_1130 : i32 to index
        %swap3A_1132 = arith.index_cast %scan3A_930 : i32 to index
        %swap3A_1133 = arith.constant 64 : index
        %swap3A_1134 = tpu.vector_load %arg8[%swap3A_1131, %swap3A_1132, %swap3A_1133] {strides = array<i32>} : memref<2x50x128xf32, #tpu.memory_space<vmem>>, vector<1x1x16xf32>,
        %swap3A_1135 = vector.shape_cast %swap3A_1134 : vector<1x1x16xf32> to vector<16xf32>
        %swap3A_1136 = vector.shape_cast %mul3A_1129 : vector<16xf32> to vector<1x1x16xf32>
        tpu.vector_store %arg8[%swap3A_1131, %swap3A_1132, %swap3A_1133], %swap3A_1136 {strides = array<i32>} : memref<2x50x128xf32, #tpu.memory_space<vmem>>, vector<1x1x16xf32>,
        %get3A_1137 = arith.constant 1 : i32
        %get3A_1138 = arith.index_cast %get3A_1137 : i32 to index
        %get3A_1139 = arith.index_cast %scan3A_930 : i32 to index
        %get3A_1140 = arith.constant 80 : index
        %get3A_1141 = tpu.vector_load %arg8[%get3A_1138, %get3A_1139, %get3A_1140] {strides = array<i32>} : memref<2x50x128xf32, #tpu.memory_space<vmem>>, vector<1x1x16xf32>,
        %get3A_1142 = vector.shape_cast %get3A_1141 : vector<1x1x16xf32> to vector<16xf32>
        %mul3A_1143 = arith.constant 11.3137083 : f32
        %mul3A_1144 = vector.broadcast %mul3A_1143 : f32 to vector<16xf32>
        %mul3A_1145 = arith.mulf %get3A_1142, %mul3A_1144 : vector<16xf32>
        %swap3A_1146 = arith.constant 1 : i32
        %swap3A_1147 = arith.index_cast %swap3A_1146 : i32 to index
        %swap3A_1148 = arith.index_cast %scan3A_930 : i32 to index
        %swap3A_1149 = arith.constant 80 : index
        %swap3A_1150 = tpu.vector_load %arg8[%swap3A_1147, %swap3A_1148, %swap3A_1149] {strides = array<i32>} : memref<2x50x128xf32, #tpu.memory_space<vmem>>, vector<1x1x16xf32>,
        %swap3A_1151 = vector.shape_cast %swap3A_1150 : vector<1x1x16xf32> to vector<16xf32>
        %swap3A_1152 = vector.shape_cast %mul3A_1145 : vector<16xf32> to vector<1x1x16xf32>
        tpu.vector_store %arg8[%swap3A_1147, %swap3A_1148, %swap3A_1149], %swap3A_1152 {strides = array<i32>} : memref<2x50x128xf32, #tpu.memory_space<vmem>>, vector<1x1x16xf32>,
        %get3A_1153 = arith.constant 1 : i32
        %get3A_1154 = arith.index_cast %get3A_1153 : i32 to index
        %get3A_1155 = arith.index_cast %scan3A_930 : i32 to index
        %get3A_1156 = arith.constant 96 : index
        %get3A_1157 = tpu.vector_load %arg8[%get3A_1154, %get3A_1155, %get3A_1156] {strides = array<i32>} : memref<2x50x128xf32, #tpu.memory_space<vmem>>, vector<1x1x16xf32>,
        %get3A_1158 = vector.shape_cast %get3A_1157 : vector<1x1x16xf32> to vector<16xf32>
        %mul3A_1159 = arith.constant 11.3137083 : f32
        %mul3A_1160 = vector.broadcast %mul3A_1159 : f32 to vector<16xf32>
        %mul3A_1161 = arith.mulf %get3A_1158, %mul3A_1160 : vector<16xf32>
        %swap3A_1162 = arith.constant 1 : i32
        %swap3A_1163 = arith.index_cast %swap3A_1162 : i32 to index
        %swap3A_1164 = arith.index_cast %scan3A_930 : i32 to index
        %swap3A_1165 = arith.constant 96 : index
        %swap3A_1166 = tpu.vector_load %arg8[%swap3A_1163, %swap3A_1164, %swap3A_1165] {strides = array<i32>} : memref<2x50x128xf32, #tpu.memory_space<vmem>>, vector<1x1x16xf32>,
        %swap3A_1167 = vector.shape_cast %swap3A_1166 : vector<1x1x16xf32> to vector<16xf32>
        %swap3A_1168 = vector.shape_cast %mul3A_1161 : vector<16xf32> to vector<1x1x16xf32>
        tpu.vector_store %arg8[%swap3A_1163, %swap3A_1164, %swap3A_1165], %swap3A_1168 {strides = array<i32>} : memref<2x50x128xf32, #tpu.memory_space<vmem>>, vector<1x1x16xf32>,
        %get3A_1169 = arith.constant 1 : i32
        %get3A_1170 = arith.index_cast %get3A_1169 : i32 to index
        %get3A_1171 = arith.index_cast %scan3A_930 : i32 to index
        %get3A_1172 = arith.constant 112 : index
        %get3A_1173 = tpu.vector_load %arg8[%get3A_1170, %get3A_1171, %get3A_1172] {strides = array<i32>} : memref<2x50x128xf32, #tpu.memory_space<vmem>>, vector<1x1x16xf32>,
        %get3A_1174 = vector.shape_cast %get3A_1173 : vector<1x1x16xf32> to vector<16xf32>
        %mul3A_1175 = arith.constant 11.3137083 : f32
        %mul3A_1176 = vector.broadcast %mul3A_1175 : f32 to vector<16xf32>
        %mul3A_1177 = arith.mulf %get3A_1174, %mul3A_1176 : vector<16xf32>
        %swap3A_1178 = arith.constant 1 : i32
        %swap3A_1179 = arith.index_cast %swap3A_1178 : i32 to index
        %swap3A_1180 = arith.index_cast %scan3A_930 : i32 to index
        %swap3A_1181 = arith.constant 112 : index
        %swap3A_1182 = tpu.vector_load %arg8[%swap3A_1179, %swap3A_1180, %swap3A_1181] {strides = array<i32>} : memref<2x50x128xf32, #tpu.memory_space<vmem>>, vector<1x1x16xf32>,
        %swap3A_1183 = vector.shape_cast %swap3A_1182 : vector<1x1x16xf32> to vector<16xf32>
        %swap3A_1184 = vector.shape_cast %mul3A_1177 : vector<16xf32> to vector<1x1x16xf32>
        tpu.vector_store %arg8[%swap3A_1179, %swap3A_1180, %swap3A_1181], %swap3A_1184 {strides = array<i32>} : memref<2x50x128xf32, #tpu.memory_space<vmem>>, vector<1x1x16xf32>,
      }
      %scan3A_650 = arith.constant 50 : i32
      %mul3A_651 = arith.constant 2 : i32
      %mul3A_652 = arith.muli %add3A_572, %mul3A_651 : i32
      %add3A_653 = arith.addi %mul3A_2, %mul3A_652 : i32
      %dma_start3A_654 = arith.constant 0 : i32
      %dma_start3A_655 = arith.constant 0 : i32
      %dma_start3A_656 = tpu.memref_slice %arg4[%add3A_653, %dma_start3A_654, %dma_start3A_655] : memref<4096x50x128xf32, #tpu.memory_space<hbm>> -> memref<2x50x128xf32, #tpu.memory_space<hbm>>
      %dma_start3A_657 = arith.constant 0 : i32
      %dma_start3A_658 = arith.constant 0 : i32
      %dma_start3A_659 = tpu.memref_slice %arg4[%add3A_653, %dma_start3A_657, %dma_start3A_658] : memref<4096x50x128xf32, #tpu.memory_space<hbm>> -> memref<2x50x128xf32, #tpu.memory_space<hbm>>
      tpu.enqueue_dma source(%arg8 : memref<2x50x128xf32, #tpu.memory_space<vmem>>) target(%dma_start3A_659 : memref<2x50x128xf32, #tpu.memory_space<hbm>>) target_semaphore(%arg16 : memref<!tpu.dma_semaphore, #tpu.memory_space<semaphore_mem>>)
      %add3A_660 = arith.constant 1 : i32
      %add3A_661 = arith.addi %add3A_570, %add3A_660 : i32
      %sub3A_662 = arith.constant 2 : i32
      %sub3A_663 = arith.subi %add3A_661, %sub3A_662 : i32
      %mul3A_664 = arith.constant 2 : i32
      %mul3A_665 = arith.muli %sub3A_663, %mul3A_664 : i32
      %add3A_666 = arith.addi %mul3A_2, %mul3A_665 : i32
      %dma_wait3A_667 = arith.constant 0 : i32
      %dma_wait3A_668 = arith.constant 0 : i32
      %dma_wait3A_669 = tpu.memref_slice %arg4[%add3A_666, %dma_wait3A_667, %dma_wait3A_668] : memref<4096x50x128xf32, #tpu.memory_space<hbm>> -> memref<2x50x128xf32, #tpu.memory_space<hbm>>
      %dma_wait3A_670 = arith.constant 0 : i32
      %dma_wait3A_671 = arith.constant 0 : i32
      %dma_wait3A_672 = tpu.memref_slice %arg4[%add3A_666, %dma_wait3A_670, %dma_wait3A_671] : memref<4096x50x128xf32, #tpu.memory_space<hbm>> -> memref<2x50x128xf32, #tpu.memory_space<hbm>>
      tpu.wait_dma2 semaphore(%arg15 : memref<!tpu.dma_semaphore, #tpu.memory_space<semaphore_mem>>) src(%arg7 : memref<2x50x128xf32, #tpu.memory_space<vmem>>) dst(%dma_wait3A_672 : memref<2x50x128xf32, #tpu.memory_space<hbm>>)
      %add3A_673 = arith.constant 2 : i32
      %add3A_674 = arith.addi %add3A_661, %add3A_673 : i32
      %mul3A_675 = arith.constant 2 : i32
      %mul3A_676 = arith.muli %add3A_674, %mul3A_675 : i32
      %add3A_677 = arith.constant 0 : i32
      %add3A_678 = arith.addi %mul3A_676, %add3A_677 : i32
      %dma_start3A_679 = arith.constant 0 : i32
      %dma_start3A_680 = arith.constant 0 : i32
      %dma_start3A_681 = arith.constant 0 : i32
      %dma_start3A_682 = tpu.memref_slice %arg7[%dma_start3A_679, %dma_start3A_680, %dma_start3A_681] : memref<2x50x128xf32, #tpu.memory_space<vmem>> -> memref<1x50x128xf32, #tpu.memory_space<vmem>>
      %dma_start3A_683 = tpu.memref_squeeze %dma_start3A_682 : memref<1x50x128xf32, #tpu.memory_space<vmem>> -> memref<50x128xf32, #tpu.memory_space<vmem>>
      %dma_start3A_684 = arith.constant 0 : i32
      %dma_start3A_685 = tpu.memref_slice %arg5[%add3A_678, %dma_start3A_684] : memref<128x50xi32, #tpu.memory_space<vmem>> -> memref<1x50xi32, #tpu.memory_space<vmem>>
      %dma_start3A_686 = tpu.memref_squeeze %dma_start3A_685 : memref<1x50xi32, #tpu.memory_space<vmem>> -> memref<50xi32, #tpu.memory_space<vmem>>
      %dma_start3A_687 = arith.constant 0 : i32
      %dma_start3A_688 = arith.constant 0 : i32
      %dma_start3A_689 = tpu.memref_slice %arg2[%dma_start3A_687, %dma_start3A_688] : memref<100000x128xf32, #tpu.memory_space<hbm>> -> memref<100000x128xf32, #tpu.memory_space<hbm>>
      tpu.enqueue_indirect_dma source(%dma_start3A_689 : memref<100000x128xf32, #tpu.memory_space<hbm>>) target(%dma_start3A_683 : memref<50x128xf32, #tpu.memory_space<vmem>>) offsets(%dma_start3A_686 : memref<50xi32, #tpu.memory_space<vmem>>) semaphore(%arg11 : memref<!tpu.dma_semaphore, #tpu.memory_space<semaphore_mem>>)
      %mul3A_690 = arith.constant 2 : i32
      %mul3A_691 = arith.muli %add3A_674, %mul3A_690 : i32
      %add3A_692 = arith.constant 1 : i32
      %add3A_693 = arith.addi %mul3A_691, %add3A_692 : i32
      %dma_start3A_694 = arith.constant 1 : i32
      %dma_start3A_695 = arith.constant 0 : i32
      %dma_start3A_696 = arith.constant 0 : i32
      %dma_start3A_697 = tpu.memref_slice %arg7[%dma_start3A_694, %dma_start3A_695, %dma_start3A_696] : memref<2x50x128xf32, #tpu.memory_space<vmem>> -> memref<1x50x128xf32, #tpu.memory_space<vmem>>
      %dma_start3A_698 = tpu.memref_squeeze %dma_start3A_697 : memref<1x50x128xf32, #tpu.memory_space<vmem>> -> memref<50x128xf32, #tpu.memory_space<vmem>>
      %dma_start3A_699 = arith.constant 0 : i32
      %dma_start3A_700 = tpu.memref_slice %arg5[%add3A_693, %dma_start3A_699] : memref<128x50xi32, #tpu.memory_space<vmem>> -> memref<1x50xi32, #tpu.memory_space<vmem>>
      %dma_start3A_701 = tpu.memref_squeeze %dma_start3A_700 : memref<1x50xi32, #tpu.memory_space<vmem>> -> memref<50xi32, #tpu.memory_space<vmem>>
      %dma_start3A_702 = arith.constant 0 : i32
      %dma_start3A_703 = arith.constant 0 : i32
      %dma_start3A_704 = tpu.memref_slice %arg2[%dma_start3A_702, %dma_start3A_703] : memref<100000x128xf32, #tpu.memory_space<hbm>> -> memref<100000x128xf32, #tpu.memory_space<hbm>>
      tpu.enqueue_indirect_dma source(%dma_start3A_704 : memref<100000x128xf32, #tpu.memory_space<hbm>>) target(%dma_start3A_698 : memref<50x128xf32, #tpu.memory_space<vmem>>) offsets(%dma_start3A_701 : memref<50xi32, #tpu.memory_space<vmem>>) semaphore(%arg11 : memref<!tpu.dma_semaphore, #tpu.memory_space<semaphore_mem>>)
      %mul3A_705 = arith.constant 2 : i32
      %mul3A_706 = arith.muli %add3A_661, %mul3A_705 : i32
      %add3A_707 = arith.constant 0 : i32
      %add3A_708 = arith.addi %mul3A_706, %add3A_707 : i32
      %dma_wait3A_709 = arith.constant 0 : i32
      %dma_wait3A_710 = arith.constant 0 : i32
      %dma_wait3A_711 = arith.constant 0 : i32
      %dma_wait3A_712 = tpu.memref_slice %arg9[%dma_wait3A_709, %dma_wait3A_710, %dma_wait3A_711] : memref<2x50x128xf32, #tpu.memory_space<vmem>> -> memref<1x50x128xf32, #tpu.memory_space<vmem>>
      %dma_wait3A_713 = tpu.memref_squeeze %dma_wait3A_712 : memref<1x50x128xf32, #tpu.memory_space<vmem>> -> memref<50x128xf32, #tpu.memory_space<vmem>>
      %dma_wait3A_714 = arith.constant 0 : i32
      %dma_wait3A_715 = tpu.memref_slice %arg5[%add3A_708, %dma_wait3A_714] : memref<128x50xi32, #tpu.memory_space<vmem>> -> memref<1x50xi32, #tpu.memory_space<vmem>>
      %dma_wait3A_716 = tpu.memref_squeeze %dma_wait3A_715 : memref<1x50xi32, #tpu.memory_space<vmem>> -> memref<50xi32, #tpu.memory_space<vmem>>
      %dma_wait3A_717 = arith.constant 0 : i32
      %dma_wait3A_718 = arith.constant 0 : i32
      %dma_wait3A_719 = tpu.memref_slice %arg2[%dma_wait3A_717, %dma_wait3A_718] : memref<100000x128xf32, #tpu.memory_space<hbm>> -> memref<100000x128xf32, #tpu.memory_space<hbm>>
      tpu.wait_indirect_dma semaphore(%arg13 : memref<!tpu.dma_semaphore, #tpu.memory_space<semaphore_mem>>) src(%dma_wait3A_719 : memref<100000x128xf32, #tpu.memory_space<hbm>>) dst(%dma_wait3A_713 : memref<50x128xf32, #tpu.memory_space<vmem>>)
      %mul3A_720 = arith.constant 2 : i32
      %mul3A_721 = arith.muli %add3A_661, %mul3A_720 : i32
      %add3A_722 = arith.constant 1 : i32
      %add3A_723 = arith.addi %mul3A_721, %add3A_722 : i32
      %dma_wait3A_724 = arith.constant 1 : i32
      %dma_wait3A_725 = arith.constant 0 : i32
      %dma_wait3A_726 = arith.constant 0 : i32
      %dma_wait3A_727 = tpu.memref_slice %arg9[%dma_wait3A_724, %dma_wait3A_725, %dma_wait3A_726] : memref<2x50x128xf32, #tpu.memory_space<vmem>> -> memref<1x50x128xf32, #tpu.memory_space<vmem>>
      %dma_wait3A_728 = tpu.memref_squeeze %dma_wait3A_727 : memref<1x50x128xf32, #tpu.memory_space<vmem>> -> memref<50x128xf32, #tpu.memory_space<vmem>>
      %dma_wait3A_729 = arith.constant 0 : i32
      %dma_wait3A_730 = tpu.memref_slice %arg5[%add3A_723, %dma_wait3A_729] : memref<128x50xi32, #tpu.memory_space<vmem>> -> memref<1x50xi32, #tpu.memory_space<vmem>>
      %dma_wait3A_731 = tpu.memref_squeeze %dma_wait3A_730 : memref<1x50xi32, #tpu.memory_space<vmem>> -> memref<50xi32, #tpu.memory_space<vmem>>
      %dma_wait3A_732 = arith.constant 0 : i32
      %dma_wait3A_733 = arith.constant 0 : i32
      %dma_wait3A_734 = tpu.memref_slice %arg2[%dma_wait3A_732, %dma_wait3A_733] : memref<100000x128xf32, #tpu.memory_space<hbm>> -> memref<100000x128xf32, #tpu.memory_space<hbm>>
      tpu.wait_indirect_dma semaphore(%arg13 : memref<!tpu.dma_semaphore, #tpu.memory_space<semaphore_mem>>) src(%dma_wait3A_734 : memref<100000x128xf32, #tpu.memory_space<hbm>>) dst(%dma_wait3A_728 : memref<50x128xf32, #tpu.memory_space<vmem>>)
      %scan3A_735 = arith.constant 0 : i32
      %scan3A_736 = arith.constant 0 : i32
      %scan3A_737 = arith.constant 50 : i32
      %scan3A_738 = arith.addi %scan3A_736, %scan3A_737 : i32
      %scan3A_739 = arith.constant 1 : i32
      scf.for %scan3A_930 = %scan3A_736 to %scan3A_738 step %scan3A_739  : i32 {
        %get3A = arith.constant 0 : i32
        %get3A_931 = arith.index_cast %get3A : i32 to index
        %get3A_932 = arith.index_cast %scan3A_930 : i32 to index
        %get3A_933 = arith.constant 0 : index
        %get3A_934 = tpu.vector_load %arg9[%get3A_931, %get3A_932, %get3A_933] {strides = array<i32>} : memref<2x50x128xf32, #tpu.memory_space<vmem>>, vector<1x1x16xf32>,
        %get3A_935 = vector.shape_cast %get3A_934 : vector<1x1x16xf32> to vector<16xf32>
        %mul3A_936 = arith.constant 11.3137083 : f32
        %mul3A_937 = vector.broadcast %mul3A_936 : f32 to vector<16xf32>
        %mul3A_938 = arith.mulf %get3A_935, %mul3A_937 : vector<16xf32>
        %swap3A = arith.constant 0 : i32
        %swap3A_939 = arith.index_cast %swap3A : i32 to index
        %swap3A_940 = arith.index_cast %scan3A_930 : i32 to index
        %swap3A_941 = arith.constant 0 : index
        %swap3A_942 = tpu.vector_load %arg9[%swap3A_939, %swap3A_940, %swap3A_941] {strides = array<i32>} : memref<2x50x128xf32, #tpu.memory_space<vmem>>, vector<1x1x16xf32>,
        %swap3A_943 = vector.shape_cast %swap3A_942 : vector<1x1x16xf32> to vector<16xf32>
        %swap3A_944 = vector.shape_cast %mul3A_938 : vector<16xf32> to vector<1x1x16xf32>
        tpu.vector_store %arg9[%swap3A_939, %swap3A_940, %swap3A_941], %swap3A_944 {strides = array<i32>} : memref<2x50x128xf32, #tpu.memory_space<vmem>>, vector<1x1x16xf32>,
        %get3A_945 = arith.constant 0 : i32
        %get3A_946 = arith.index_cast %get3A_945 : i32 to index
        %get3A_947 = arith.index_cast %scan3A_930 : i32 to index
        %get3A_948 = arith.constant 16 : index
        %get3A_949 = tpu.vector_load %arg9[%get3A_946, %get3A_947, %get3A_948] {strides = array<i32>} : memref<2x50x128xf32, #tpu.memory_space<vmem>>, vector<1x1x16xf32>,
        %get3A_950 = vector.shape_cast %get3A_949 : vector<1x1x16xf32> to vector<16xf32>
        %mul3A_951 = arith.constant 11.3137083 : f32
        %mul3A_952 = vector.broadcast %mul3A_951 : f32 to vector<16xf32>
        %mul3A_953 = arith.mulf %get3A_950, %mul3A_952 : vector<16xf32>
        %swap3A_954 = arith.constant 0 : i32
        %swap3A_955 = arith.index_cast %swap3A_954 : i32 to index
        %swap3A_956 = arith.index_cast %scan3A_930 : i32 to index
        %swap3A_957 = arith.constant 16 : index
        %swap3A_958 = tpu.vector_load %arg9[%swap3A_955, %swap3A_956, %swap3A_957] {strides = array<i32>} : memref<2x50x128xf32, #tpu.memory_space<vmem>>, vector<1x1x16xf32>,
        %swap3A_959 = vector.shape_cast %swap3A_958 : vector<1x1x16xf32> to vector<16xf32>
        %swap3A_960 = vector.shape_cast %mul3A_953 : vector<16xf32> to vector<1x1x16xf32>
        tpu.vector_store %arg9[%swap3A_955, %swap3A_956, %swap3A_957], %swap3A_960 {strides = array<i32>} : memref<2x50x128xf32, #tpu.memory_space<vmem>>, vector<1x1x16xf32>,
        %get3A_961 = arith.constant 0 : i32
        %get3A_962 = arith.index_cast %get3A_961 : i32 to index
        %get3A_963 = arith.index_cast %scan3A_930 : i32 to index
        %get3A_964 = arith.constant 32 : index
        %get3A_965 = tpu.vector_load %arg9[%get3A_962, %get3A_963, %get3A_964] {strides = array<i32>} : memref<2x50x128xf32, #tpu.memory_space<vmem>>, vector<1x1x16xf32>,
        %get3A_966 = vector.shape_cast %get3A_965 : vector<1x1x16xf32> to vector<16xf32>
        %mul3A_967 = arith.constant 11.3137083 : f32
        %mul3A_968 = vector.broadcast %mul3A_967 : f32 to vector<16xf32>
        %mul3A_969 = arith.mulf %get3A_966, %mul3A_968 : vector<16xf32>
        %swap3A_970 = arith.constant 0 : i32
        %swap3A_971 = arith.index_cast %swap3A_970 : i32 to index
        %swap3A_972 = arith.index_cast %scan3A_930 : i32 to index
        %swap3A_973 = arith.constant 32 : index
        %swap3A_974 = tpu.vector_load %arg9[%swap3A_971, %swap3A_972, %swap3A_973] {strides = array<i32>} : memref<2x50x128xf32, #tpu.memory_space<vmem>>, vector<1x1x16xf32>,
        %swap3A_975 = vector.shape_cast %swap3A_974 : vector<1x1x16xf32> to vector<16xf32>
        %swap3A_976 = vector.shape_cast %mul3A_969 : vector<16xf32> to vector<1x1x16xf32>
        tpu.vector_store %arg9[%swap3A_971, %swap3A_972, %swap3A_973], %swap3A_976 {strides = array<i32>} : memref<2x50x128xf32, #tpu.memory_space<vmem>>, vector<1x1x16xf32>,
        %get3A_977 = arith.constant 0 : i32
        %get3A_978 = arith.index_cast %get3A_977 : i32 to index
        %get3A_979 = arith.index_cast %scan3A_930 : i32 to index
        %get3A_980 = arith.constant 48 : index
        %get3A_981 = tpu.vector_load %arg9[%get3A_978, %get3A_979, %get3A_980] {strides = array<i32>} : memref<2x50x128xf32, #tpu.memory_space<vmem>>, vector<1x1x16xf32>,
        %get3A_982 = vector.shape_cast %get3A_981 : vector<1x1x16xf32> to vector<16xf32>
        %mul3A_983 = arith.constant 11.3137083 : f32
        %mul3A_984 = vector.broadcast %mul3A_983 : f32 to vector<16xf32>
        %mul3A_985 = arith.mulf %get3A_982, %mul3A_984 : vector<16xf32>
        %swap3A_986 = arith.constant 0 : i32
        %swap3A_987 = arith.index_cast %swap3A_986 : i32 to index
        %swap3A_988 = arith.index_cast %scan3A_930 : i32 to index
        %swap3A_989 = arith.constant 48 : index
        %swap3A_990 = tpu.vector_load %arg9[%swap3A_987, %swap3A_988, %swap3A_989] {strides = array<i32>} : memref<2x50x128xf32, #tpu.memory_space<vmem>>, vector<1x1x16xf32>,
        %swap3A_991 = vector.shape_cast %swap3A_990 : vector<1x1x16xf32> to vector<16xf32>
        %swap3A_992 = vector.shape_cast %mul3A_985 : vector<16xf32> to vector<1x1x16xf32>
        tpu.vector_store %arg9[%swap3A_987, %swap3A_988, %swap3A_989], %swap3A_992 {strides = array<i32>} : memref<2x50x128xf32, #tpu.memory_space<vmem>>, vector<1x1x16xf32>,
        %get3A_993 = arith.constant 0 : i32
        %get3A_994 = arith.index_cast %get3A_993 : i32 to index
        %get3A_995 = arith.index_cast %scan3A_930 : i32 to index
        %get3A_996 = arith.constant 64 : index
        %get3A_997 = tpu.vector_load %arg9[%get3A_994, %get3A_995, %get3A_996] {strides = array<i32>} : memref<2x50x128xf32, #tpu.memory_space<vmem>>, vector<1x1x16xf32>,
        %get3A_998 = vector.shape_cast %get3A_997 : vector<1x1x16xf32> to vector<16xf32>
        %mul3A_999 = arith.constant 11.3137083 : f32
        %mul3A_1000 = vector.broadcast %mul3A_999 : f32 to vector<16xf32>
        %mul3A_1001 = arith.mulf %get3A_998, %mul3A_1000 : vector<16xf32>
        %swap3A_1002 = arith.constant 0 : i32
        %swap3A_1003 = arith.index_cast %swap3A_1002 : i32 to index
        %swap3A_1004 = arith.index_cast %scan3A_930 : i32 to index
        %swap3A_1005 = arith.constant 64 : index
        %swap3A_1006 = tpu.vector_load %arg9[%swap3A_1003, %swap3A_1004, %swap3A_1005] {strides = array<i32>} : memref<2x50x128xf32, #tpu.memory_space<vmem>>, vector<1x1x16xf32>,
        %swap3A_1007 = vector.shape_cast %swap3A_1006 : vector<1x1x16xf32> to vector<16xf32>
        %swap3A_1008 = vector.shape_cast %mul3A_1001 : vector<16xf32> to vector<1x1x16xf32>
        tpu.vector_store %arg9[%swap3A_1003, %swap3A_1004, %swap3A_1005], %swap3A_1008 {strides = array<i32>} : memref<2x50x128xf32, #tpu.memory_space<vmem>>, vector<1x1x16xf32>,
        %get3A_1009 = arith.constant 0 : i32
        %get3A_1010 = arith.index_cast %get3A_1009 : i32 to index
        %get3A_1011 = arith.index_cast %scan3A_930 : i32 to index
        %get3A_1012 = arith.constant 80 : index
        %get3A_1013 = tpu.vector_load %arg9[%get3A_1010, %get3A_1011, %get3A_1012] {strides = array<i32>} : memref<2x50x128xf32, #tpu.memory_space<vmem>>, vector<1x1x16xf32>,
        %get3A_1014 = vector.shape_cast %get3A_1013 : vector<1x1x16xf32> to vector<16xf32>
        %mul3A_1015 = arith.constant 11.3137083 : f32
        %mul3A_1016 = vector.broadcast %mul3A_1015 : f32 to vector<16xf32>
        %mul3A_1017 = arith.mulf %get3A_1014, %mul3A_1016 : vector<16xf32>
        %swap3A_1018 = arith.constant 0 : i32
        %swap3A_1019 = arith.index_cast %swap3A_1018 : i32 to index
        %swap3A_1020 = arith.index_cast %scan3A_930 : i32 to index
        %swap3A_1021 = arith.constant 80 : index
        %swap3A_1022 = tpu.vector_load %arg9[%swap3A_1019, %swap3A_1020, %swap3A_1021] {strides = array<i32>} : memref<2x50x128xf32, #tpu.memory_space<vmem>>, vector<1x1x16xf32>,
        %swap3A_1023 = vector.shape_cast %swap3A_1022 : vector<1x1x16xf32> to vector<16xf32>
        %swap3A_1024 = vector.shape_cast %mul3A_1017 : vector<16xf32> to vector<1x1x16xf32>
        tpu.vector_store %arg9[%swap3A_1019, %swap3A_1020, %swap3A_1021], %swap3A_1024 {strides = array<i32>} : memref<2x50x128xf32, #tpu.memory_space<vmem>>, vector<1x1x16xf32>,
        %get3A_1025 = arith.constant 0 : i32
        %get3A_1026 = arith.index_cast %get3A_1025 : i32 to index
        %get3A_1027 = arith.index_cast %scan3A_930 : i32 to index
        %get3A_1028 = arith.constant 96 : index
        %get3A_1029 = tpu.vector_load %arg9[%get3A_1026, %get3A_1027, %get3A_1028] {strides = array<i32>} : memref<2x50x128xf32, #tpu.memory_space<vmem>>, vector<1x1x16xf32>,
        %get3A_1030 = vector.shape_cast %get3A_1029 : vector<1x1x16xf32> to vector<16xf32>
        %mul3A_1031 = arith.constant 11.3137083 : f32
        %mul3A_1032 = vector.broadcast %mul3A_1031 : f32 to vector<16xf32>
        %mul3A_1033 = arith.mulf %get3A_1030, %mul3A_1032 : vector<16xf32>
        %swap3A_1034 = arith.constant 0 : i32
        %swap3A_1035 = arith.index_cast %swap3A_1034 : i32 to index
        %swap3A_1036 = arith.index_cast %scan3A_930 : i32 to index
        %swap3A_1037 = arith.constant 96 : index
        %swap3A_1038 = tpu.vector_load %arg9[%swap3A_1035, %swap3A_1036, %swap3A_1037] {strides = array<i32>} : memref<2x50x128xf32, #tpu.memory_space<vmem>>, vector<1x1x16xf32>,
        %swap3A_1039 = vector.shape_cast %swap3A_1038 : vector<1x1x16xf32> to vector<16xf32>
        %swap3A_1040 = vector.shape_cast %mul3A_1033 : vector<16xf32> to vector<1x1x16xf32>
        tpu.vector_store %arg9[%swap3A_1035, %swap3A_1036, %swap3A_1037], %swap3A_1040 {strides = array<i32>} : memref<2x50x128xf32, #tpu.memory_space<vmem>>, vector<1x1x16xf32>,
        %get3A_1041 = arith.constant 0 : i32
        %get3A_1042 = arith.index_cast %get3A_1041 : i32 to index
        %get3A_1043 = arith.index_cast %scan3A_930 : i32 to index
        %get3A_1044 = arith.constant 112 : index
        %get3A_1045 = tpu.vector_load %arg9[%get3A_1042, %get3A_1043, %get3A_1044] {strides = array<i32>} : memref<2x50x128xf32, #tpu.memory_space<vmem>>, vector<1x1x16xf32>,
        %get3A_1046 = vector.shape_cast %get3A_1045 : vector<1x1x16xf32> to vector<16xf32>
        %mul3A_1047 = arith.constant 11.3137083 : f32
        %mul3A_1048 = vector.broadcast %mul3A_1047 : f32 to vector<16xf32>
        %mul3A_1049 = arith.mulf %get3A_1046, %mul3A_1048 : vector<16xf32>
        %swap3A_1050 = arith.constant 0 : i32
        %swap3A_1051 = arith.index_cast %swap3A_1050 : i32 to index
        %swap3A_1052 = arith.index_cast %scan3A_930 : i32 to index
        %swap3A_1053 = arith.constant 112 : index
        %swap3A_1054 = tpu.vector_load %arg9[%swap3A_1051, %swap3A_1052, %swap3A_1053] {strides = array<i32>} : memref<2x50x128xf32, #tpu.memory_space<vmem>>, vector<1x1x16xf32>,
        %swap3A_1055 = vector.shape_cast %swap3A_1054 : vector<1x1x16xf32> to vector<16xf32>
        %swap3A_1056 = vector.shape_cast %mul3A_1049 : vector<16xf32> to vector<1x1x16xf32>
        tpu.vector_store %arg9[%swap3A_1051, %swap3A_1052, %swap3A_1053], %swap3A_1056 {strides = array<i32>} : memref<2x50x128xf32, #tpu.memory_space<vmem>>, vector<1x1x16xf32>,
        %get3A_1057 = arith.constant 1 : i32
        %get3A_1058 = arith.index_cast %get3A_1057 : i32 to index
        %get3A_1059 = arith.index_cast %scan3A_930 : i32 to index
        %get3A_1060 = arith.constant 0 : index
        %get3A_1061 = tpu.vector_load %arg9[%get3A_1058, %get3A_1059, %get3A_1060] {strides = array<i32>} : memref<2x50x128xf32, #tpu.memory_space<vmem>>, vector<1x1x16xf32>,
        %get3A_1062 = vector.shape_cast %get3A_1061 : vector<1x1x16xf32> to vector<16xf32>
        %mul3A_1063 = arith.constant 11.3137083 : f32
        %mul3A_1064 = vector.broadcast %mul3A_1063 : f32 to vector<16xf32>
        %mul3A_1065 = arith.mulf %get3A_1062, %mul3A_1064 : vector<16xf32>
        %swap3A_1066 = arith.constant 1 : i32
        %swap3A_1067 = arith.index_cast %swap3A_1066 : i32 to index
        %swap3A_1068 = arith.index_cast %scan3A_930 : i32 to index
        %swap3A_1069 = arith.constant 0 : index
        %swap3A_1070 = tpu.vector_load %arg9[%swap3A_1067, %swap3A_1068, %swap3A_1069] {strides = array<i32>} : memref<2x50x128xf32, #tpu.memory_space<vmem>>, vector<1x1x16xf32>,
        %swap3A_1071 = vector.shape_cast %swap3A_1070 : vector<1x1x16xf32> to vector<16xf32>
        %swap3A_1072 = vector.shape_cast %mul3A_1065 : vector<16xf32> to vector<1x1x16xf32>
        tpu.vector_store %arg9[%swap3A_1067, %swap3A_1068, %swap3A_1069], %swap3A_1072 {strides = array<i32>} : memref<2x50x128xf32, #tpu.memory_space<vmem>>, vector<1x1x16xf32>,
        %get3A_1073 = arith.constant 1 : i32
        %get3A_1074 = arith.index_cast %get3A_1073 : i32 to index
        %get3A_1075 = arith.index_cast %scan3A_930 : i32 to index
        %get3A_1076 = arith.constant 16 : index
        %get3A_1077 = tpu.vector_load %arg9[%get3A_1074, %get3A_1075, %get3A_1076] {strides = array<i32>} : memref<2x50x128xf32, #tpu.memory_space<vmem>>, vector<1x1x16xf32>,
        %get3A_1078 = vector.shape_cast %get3A_1077 : vector<1x1x16xf32> to vector<16xf32>
        %mul3A_1079 = arith.constant 11.3137083 : f32
        %mul3A_1080 = vector.broadcast %mul3A_1079 : f32 to vector<16xf32>
        %mul3A_1081 = arith.mulf %get3A_1078, %mul3A_1080 : vector<16xf32>
        %swap3A_1082 = arith.constant 1 : i32
        %swap3A_1083 = arith.index_cast %swap3A_1082 : i32 to index
        %swap3A_1084 = arith.index_cast %scan3A_930 : i32 to index
        %swap3A_1085 = arith.constant 16 : index
        %swap3A_1086 = tpu.vector_load %arg9[%swap3A_1083, %swap3A_1084, %swap3A_1085] {strides = array<i32>} : memref<2x50x128xf32, #tpu.memory_space<vmem>>, vector<1x1x16xf32>,
        %swap3A_1087 = vector.shape_cast %swap3A_1086 : vector<1x1x16xf32> to vector<16xf32>
        %swap3A_1088 = vector.shape_cast %mul3A_1081 : vector<16xf32> to vector<1x1x16xf32>
        tpu.vector_store %arg9[%swap3A_1083, %swap3A_1084, %swap3A_1085], %swap3A_1088 {strides = array<i32>} : memref<2x50x128xf32, #tpu.memory_space<vmem>>, vector<1x1x16xf32>,
        %get3A_1089 = arith.constant 1 : i32
        %get3A_1090 = arith.index_cast %get3A_1089 : i32 to index
        %get3A_1091 = arith.index_cast %scan3A_930 : i32 to index
        %get3A_1092 = arith.constant 32 : index
        %get3A_1093 = tpu.vector_load %arg9[%get3A_1090, %get3A_1091, %get3A_1092] {strides = array<i32>} : memref<2x50x128xf32, #tpu.memory_space<vmem>>, vector<1x1x16xf32>,
        %get3A_1094 = vector.shape_cast %get3A_1093 : vector<1x1x16xf32> to vector<16xf32>
        %mul3A_1095 = arith.constant 11.3137083 : f32
        %mul3A_1096 = vector.broadcast %mul3A_1095 : f32 to vector<16xf32>
        %mul3A_1097 = arith.mulf %get3A_1094, %mul3A_1096 : vector<16xf32>
        %swap3A_1098 = arith.constant 1 : i32
        %swap3A_1099 = arith.index_cast %swap3A_1098 : i32 to index
        %swap3A_1100 = arith.index_cast %scan3A_930 : i32 to index
        %swap3A_1101 = arith.constant 32 : index
        %swap3A_1102 = tpu.vector_load %arg9[%swap3A_1099, %swap3A_1100, %swap3A_1101] {strides = array<i32>} : memref<2x50x128xf32, #tpu.memory_space<vmem>>, vector<1x1x16xf32>,
        %swap3A_1103 = vector.shape_cast %swap3A_1102 : vector<1x1x16xf32> to vector<16xf32>
        %swap3A_1104 = vector.shape_cast %mul3A_1097 : vector<16xf32> to vector<1x1x16xf32>
        tpu.vector_store %arg9[%swap3A_1099, %swap3A_1100, %swap3A_1101], %swap3A_1104 {strides = array<i32>} : memref<2x50x128xf32, #tpu.memory_space<vmem>>, vector<1x1x16xf32>,
        %get3A_1105 = arith.constant 1 : i32
        %get3A_1106 = arith.index_cast %get3A_1105 : i32 to index
        %get3A_1107 = arith.index_cast %scan3A_930 : i32 to index
        %get3A_1108 = arith.constant 48 : index
        %get3A_1109 = tpu.vector_load %arg9[%get3A_1106, %get3A_1107, %get3A_1108] {strides = array<i32>} : memref<2x50x128xf32, #tpu.memory_space<vmem>>, vector<1x1x16xf32>,
        %get3A_1110 = vector.shape_cast %get3A_1109 : vector<1x1x16xf32> to vector<16xf32>
        %mul3A_1111 = arith.constant 11.3137083 : f32
        %mul3A_1112 = vector.broadcast %mul3A_1111 : f32 to vector<16xf32>
        %mul3A_1113 = arith.mulf %get3A_1110, %mul3A_1112 : vector<16xf32>
        %swap3A_1114 = arith.constant 1 : i32
        %swap3A_1115 = arith.index_cast %swap3A_1114 : i32 to index
        %swap3A_1116 = arith.index_cast %scan3A_930 : i32 to index
        %swap3A_1117 = arith.constant 48 : index
        %swap3A_1118 = tpu.vector_load %arg9[%swap3A_1115, %swap3A_1116, %swap3A_1117] {strides = array<i32>} : memref<2x50x128xf32, #tpu.memory_space<vmem>>, vector<1x1x16xf32>,
        %swap3A_1119 = vector.shape_cast %swap3A_1118 : vector<1x1x16xf32> to vector<16xf32>
        %swap3A_1120 = vector.shape_cast %mul3A_1113 : vector<16xf32> to vector<1x1x16xf32>
        tpu.vector_store %arg9[%swap3A_1115, %swap3A_1116, %swap3A_1117], %swap3A_1120 {strides = array<i32>} : memref<2x50x128xf32, #tpu.memory_space<vmem>>, vector<1x1x16xf32>,
        %get3A_1121 = arith.constant 1 : i32
        %get3A_1122 = arith.index_cast %get3A_1121 : i32 to index
        %get3A_1123 = arith.index_cast %scan3A_930 : i32 to index
        %get3A_1124 = arith.constant 64 : index
        %get3A_1125 = tpu.vector_load %arg9[%get3A_1122, %get3A_1123, %get3A_1124] {strides = array<i32>} : memref<2x50x128xf32, #tpu.memory_space<vmem>>, vector<1x1x16xf32>,
        %get3A_1126 = vector.shape_cast %get3A_1125 : vector<1x1x16xf32> to vector<16xf32>
        %mul3A_1127 = arith.constant 11.3137083 : f32
        %mul3A_1128 = vector.broadcast %mul3A_1127 : f32 to vector<16xf32>
        %mul3A_1129 = arith.mulf %get3A_1126, %mul3A_1128 : vector<16xf32>
        %swap3A_1130 = arith.constant 1 : i32
        %swap3A_1131 = arith.index_cast %swap3A_1130 : i32 to index
        %swap3A_1132 = arith.index_cast %scan3A_930 : i32 to index
        %swap3A_1133 = arith.constant 64 : index
        %swap3A_1134 = tpu.vector_load %arg9[%swap3A_1131, %swap3A_1132, %swap3A_1133] {strides = array<i32>} : memref<2x50x128xf32, #tpu.memory_space<vmem>>, vector<1x1x16xf32>,
        %swap3A_1135 = vector.shape_cast %swap3A_1134 : vector<1x1x16xf32> to vector<16xf32>
        %swap3A_1136 = vector.shape_cast %mul3A_1129 : vector<16xf32> to vector<1x1x16xf32>
        tpu.vector_store %arg9[%swap3A_1131, %swap3A_1132, %swap3A_1133], %swap3A_1136 {strides = array<i32>} : memref<2x50x128xf32, #tpu.memory_space<vmem>>, vector<1x1x16xf32>,
        %get3A_1137 = arith.constant 1 : i32
        %get3A_1138 = arith.index_cast %get3A_1137 : i32 to index
        %get3A_1139 = arith.index_cast %scan3A_930 : i32 to index
        %get3A_1140 = arith.constant 80 : index
        %get3A_1141 = tpu.vector_load %arg9[%get3A_1138, %get3A_1139, %get3A_1140] {strides = array<i32>} : memref<2x50x128xf32, #tpu.memory_space<vmem>>, vector<1x1x16xf32>,
        %get3A_1142 = vector.shape_cast %get3A_1141 : vector<1x1x16xf32> to vector<16xf32>
        %mul3A_1143 = arith.constant 11.3137083 : f32
        %mul3A_1144 = vector.broadcast %mul3A_1143 : f32 to vector<16xf32>
        %mul3A_1145 = arith.mulf %get3A_1142, %mul3A_1144 : vector<16xf32>
        %swap3A_1146 = arith.constant 1 : i32
        %swap3A_1147 = arith.index_cast %swap3A_1146 : i32 to index
        %swap3A_1148 = arith.index_cast %scan3A_930 : i32 to index
        %swap3A_1149 = arith.constant 80 : index
        %swap3A_1150 = tpu.vector_load %arg9[%swap3A_1147, %swap3A_1148, %swap3A_1149] {strides = array<i32>} : memref<2x50x128xf32, #tpu.memory_space<vmem>>, vector<1x1x16xf32>,
        %swap3A_1151 = vector.shape_cast %swap3A_1150 : vector<1x1x16xf32> to vector<16xf32>
        %swap3A_1152 = vector.shape_cast %mul3A_1145 : vector<16xf32> to vector<1x1x16xf32>
        tpu.vector_store %arg9[%swap3A_1147, %swap3A_1148, %swap3A_1149], %swap3A_1152 {strides = array<i32>} : memref<2x50x128xf32, #tpu.memory_space<vmem>>, vector<1x1x16xf32>,
        %get3A_1153 = arith.constant 1 : i32
        %get3A_1154 = arith.index_cast %get3A_1153 : i32 to index
        %get3A_1155 = arith.index_cast %scan3A_930 : i32 to index
        %get3A_1156 = arith.constant 96 : index
        %get3A_1157 = tpu.vector_load %arg9[%get3A_1154, %get3A_1155, %get3A_1156] {strides = array<i32>} : memref<2x50x128xf32, #tpu.memory_space<vmem>>, vector<1x1x16xf32>,
        %get3A_1158 = vector.shape_cast %get3A_1157 : vector<1x1x16xf32> to vector<16xf32>
        %mul3A_1159 = arith.constant 11.3137083 : f32
        %mul3A_1160 = vector.broadcast %mul3A_1159 : f32 to vector<16xf32>
        %mul3A_1161 = arith.mulf %get3A_1158, %mul3A_1160 : vector<16xf32>
        %swap3A_1162 = arith.constant 1 : i32
        %swap3A_1163 = arith.index_cast %swap3A_1162 : i32 to index
        %swap3A_1164 = arith.index_cast %scan3A_930 : i32 to index
        %swap3A_1165 = arith.constant 96 : index
        %swap3A_1166 = tpu.vector_load %arg9[%swap3A_1163, %swap3A_1164, %swap3A_1165] {strides = array<i32>} : memref<2x50x128xf32, #tpu.memory_space<vmem>>, vector<1x1x16xf32>,
        %swap3A_1167 = vector.shape_cast %swap3A_1166 : vector<1x1x16xf32> to vector<16xf32>
        %swap3A_1168 = vector.shape_cast %mul3A_1161 : vector<16xf32> to vector<1x1x16xf32>
        tpu.vector_store %arg9[%swap3A_1163, %swap3A_1164, %swap3A_1165], %swap3A_1168 {strides = array<i32>} : memref<2x50x128xf32, #tpu.memory_space<vmem>>, vector<1x1x16xf32>,
        %get3A_1169 = arith.constant 1 : i32
        %get3A_1170 = arith.index_cast %get3A_1169 : i32 to index
        %get3A_1171 = arith.index_cast %scan3A_930 : i32 to index
        %get3A_1172 = arith.constant 112 : index
        %get3A_1173 = tpu.vector_load %arg9[%get3A_1170, %get3A_1171, %get3A_1172] {strides = array<i32>} : memref<2x50x128xf32, #tpu.memory_space<vmem>>, vector<1x1x16xf32>,
        %get3A_1174 = vector.shape_cast %get3A_1173 : vector<1x1x16xf32> to vector<16xf32>
        %mul3A_1175 = arith.constant 11.3137083 : f32
        %mul3A_1176 = vector.broadcast %mul3A_1175 : f32 to vector<16xf32>
        %mul3A_1177 = arith.mulf %get3A_1174, %mul3A_1176 : vector<16xf32>
        %swap3A_1178 = arith.constant 1 : i32
        %swap3A_1179 = arith.index_cast %swap3A_1178 : i32 to index
        %swap3A_1180 = arith.index_cast %scan3A_930 : i32 to index
        %swap3A_1181 = arith.constant 112 : index
        %swap3A_1182 = tpu.vector_load %arg9[%swap3A_1179, %swap3A_1180, %swap3A_1181] {strides = array<i32>} : memref<2x50x128xf32, #tpu.memory_space<vmem>>, vector<1x1x16xf32>,
        %swap3A_1183 = vector.shape_cast %swap3A_1182 : vector<1x1x16xf32> to vector<16xf32>
        %swap3A_1184 = vector.shape_cast %mul3A_1177 : vector<16xf32> to vector<1x1x16xf32>
        tpu.vector_store %arg9[%swap3A_1179, %swap3A_1180, %swap3A_1181], %swap3A_1184 {strides = array<i32>} : memref<2x50x128xf32, #tpu.memory_space<vmem>>, vector<1x1x16xf32>,
      }
      %scan3A_740 = arith.constant 50 : i32
      %mul3A_741 = arith.constant 2 : i32
      %mul3A_742 = arith.muli %add3A_661, %mul3A_741 : i32
      %add3A_743 = arith.addi %mul3A_2, %mul3A_742 : i32
      %dma_start3A_744 = arith.constant 0 : i32
      %dma_start3A_745 = arith.constant 0 : i32
      %dma_start3A_746 = tpu.memref_slice %arg4[%add3A_743, %dma_start3A_744, %dma_start3A_745] : memref<4096x50x128xf32, #tpu.memory_space<hbm>> -> memref<2x50x128xf32, #tpu.memory_space<hbm>>
      %dma_start3A_747 = arith.constant 0 : i32
      %dma_start3A_748 = arith.constant 0 : i32
      %dma_start3A_749 = tpu.memref_slice %arg4[%add3A_743, %dma_start3A_747, %dma_start3A_748] : memref<4096x50x128xf32, #tpu.memory_space<hbm>> -> memref<2x50x128xf32, #tpu.memory_space<hbm>>
      tpu.enqueue_dma source(%arg9 : memref<2x50x128xf32, #tpu.memory_space<vmem>>) target(%dma_start3A_749 : memref<2x50x128xf32, #tpu.memory_space<hbm>>) target_semaphore(%arg17 : memref<!tpu.dma_semaphore, #tpu.memory_space<semaphore_mem>>)
      %add3A_750 = arith.constant 2 : i32
      %add3A_751 = arith.addi %add3A_570, %add3A_750 : i32
      %sub3A_752 = arith.constant 2 : i32
      %sub3A_753 = arith.subi %add3A_751, %sub3A_752 : i32
      %mul3A_754 = arith.constant 2 : i32
      %mul3A_755 = arith.muli %sub3A_753, %mul3A_754 : i32
      %add3A_756 = arith.addi %mul3A_2, %mul3A_755 : i32
      %dma_wait3A_757 = arith.constant 0 : i32
      %dma_wait3A_758 = arith.constant 0 : i32
      %dma_wait3A_759 = tpu.memref_slice %arg4[%add3A_756, %dma_wait3A_757, %dma_wait3A_758] : memref<4096x50x128xf32, #tpu.memory_space<hbm>> -> memref<2x50x128xf32, #tpu.memory_space<hbm>>
      %dma_wait3A_760 = arith.constant 0 : i32
      %dma_wait3A_761 = arith.constant 0 : i32
      %dma_wait3A_762 = tpu.memref_slice %arg4[%add3A_756, %dma_wait3A_760, %dma_wait3A_761] : memref<4096x50x128xf32, #tpu.memory_space<hbm>> -> memref<2x50x128xf32, #tpu.memory_space<hbm>>
      tpu.wait_dma2 semaphore(%arg16 : memref<!tpu.dma_semaphore, #tpu.memory_space<semaphore_mem>>) src(%arg8 : memref<2x50x128xf32, #tpu.memory_space<vmem>>) dst(%dma_wait3A_762 : memref<2x50x128xf32, #tpu.memory_space<hbm>>)
      %add3A_763 = arith.constant 2 : i32
      %add3A_764 = arith.addi %add3A_751, %add3A_763 : i32
      %mul3A_765 = arith.constant 2 : i32
      %mul3A_766 = arith.muli %add3A_764, %mul3A_765 : i32
      %add3A_767 = arith.constant 0 : i32
      %add3A_768 = arith.addi %mul3A_766, %add3A_767 : i32
      %dma_start3A_769 = arith.constant 0 : i32
      %dma_start3A_770 = arith.constant 0 : i32
      %dma_start3A_771 = arith.constant 0 : i32
      %dma_start3A_772 = tpu.memref_slice %arg8[%dma_start3A_769, %dma_start3A_770, %dma_start3A_771] : memref<2x50x128xf32, #tpu.memory_space<vmem>> -> memref<1x50x128xf32, #tpu.memory_space<vmem>>
      %dma_start3A_773 = tpu.memref_squeeze %dma_start3A_772 : memref<1x50x128xf32, #tpu.memory_space<vmem>> -> memref<50x128xf32, #tpu.memory_space<vmem>>
      %dma_start3A_774 = arith.constant 0 : i32
      %dma_start3A_775 = tpu.memref_slice %arg5[%add3A_768, %dma_start3A_774] : memref<128x50xi32, #tpu.memory_space<vmem>> -> memref<1x50xi32, #tpu.memory_space<vmem>>
      %dma_start3A_776 = tpu.memref_squeeze %dma_start3A_775 : memref<1x50xi32, #tpu.memory_space<vmem>> -> memref<50xi32, #tpu.memory_space<vmem>>
      %dma_start3A_777 = arith.constant 0 : i32
      %dma_start3A_778 = arith.constant 0 : i32
      %dma_start3A_779 = tpu.memref_slice %arg2[%dma_start3A_777, %dma_start3A_778] : memref<100000x128xf32, #tpu.memory_space<hbm>> -> memref<100000x128xf32, #tpu.memory_space<hbm>>
      tpu.enqueue_indirect_dma source(%dma_start3A_779 : memref<100000x128xf32, #tpu.memory_space<hbm>>) target(%dma_start3A_773 : memref<50x128xf32, #tpu.memory_space<vmem>>) offsets(%dma_start3A_776 : memref<50xi32, #tpu.memory_space<vmem>>) semaphore(%arg12 : memref<!tpu.dma_semaphore, #tpu.memory_space<semaphore_mem>>)
      %mul3A_780 = arith.constant 2 : i32
      %mul3A_781 = arith.muli %add3A_764, %mul3A_780 : i32
      %add3A_782 = arith.constant 1 : i32
      %add3A_783 = arith.addi %mul3A_781, %add3A_782 : i32
      %dma_start3A_784 = arith.constant 1 : i32
      %dma_start3A_785 = arith.constant 0 : i32
      %dma_start3A_786 = arith.constant 0 : i32
      %dma_start3A_787 = tpu.memref_slice %arg8[%dma_start3A_784, %dma_start3A_785, %dma_start3A_786] : memref<2x50x128xf32, #tpu.memory_space<vmem>> -> memref<1x50x128xf32, #tpu.memory_space<vmem>>
      %dma_start3A_788 = tpu.memref_squeeze %dma_start3A_787 : memref<1x50x128xf32, #tpu.memory_space<vmem>> -> memref<50x128xf32, #tpu.memory_space<vmem>>
      %dma_start3A_789 = arith.constant 0 : i32
      %dma_start3A_790 = tpu.memref_slice %arg5[%add3A_783, %dma_start3A_789] : memref<128x50xi32, #tpu.memory_space<vmem>> -> memref<1x50xi32, #tpu.memory_space<vmem>>
      %dma_start3A_791 = tpu.memref_squeeze %dma_start3A_790 : memref<1x50xi32, #tpu.memory_space<vmem>> -> memref<50xi32, #tpu.memory_space<vmem>>
      %dma_start3A_792 = arith.constant 0 : i32
      %dma_start3A_793 = arith.constant 0 : i32
      %dma_start3A_794 = tpu.memref_slice %arg2[%dma_start3A_792, %dma_start3A_793] : memref<100000x128xf32, #tpu.memory_space<hbm>> -> memref<100000x128xf32, #tpu.memory_space<hbm>>
      tpu.enqueue_indirect_dma source(%dma_start3A_794 : memref<100000x128xf32, #tpu.memory_space<hbm>>) target(%dma_start3A_788 : memref<50x128xf32, #tpu.memory_space<vmem>>) offsets(%dma_start3A_791 : memref<50xi32, #tpu.memory_space<vmem>>) semaphore(%arg12 : memref<!tpu.dma_semaphore, #tpu.memory_space<semaphore_mem>>)
      %mul3A_795 = arith.constant 2 : i32
      %mul3A_796 = arith.muli %add3A_751, %mul3A_795 : i32
      %add3A_797 = arith.constant 0 : i32
      %add3A_798 = arith.addi %mul3A_796, %add3A_797 : i32
      %dma_wait3A_799 = arith.constant 0 : i32
      %dma_wait3A_800 = arith.constant 0 : i32
      %dma_wait3A_801 = arith.constant 0 : i32
      %dma_wait3A_802 = tpu.memref_slice %arg6[%dma_wait3A_799, %dma_wait3A_800, %dma_wait3A_801] : memref<2x50x128xf32, #tpu.memory_space<vmem>> -> memref<1x50x128xf32, #tpu.memory_space<vmem>>
      %dma_wait3A_803 = tpu.memref_squeeze %dma_wait3A_802 : memref<1x50x128xf32, #tpu.memory_space<vmem>> -> memref<50x128xf32, #tpu.memory_space<vmem>>
      %dma_wait3A_804 = arith.constant 0 : i32
      %dma_wait3A_805 = tpu.memref_slice %arg5[%add3A_798, %dma_wait3A_804] : memref<128x50xi32, #tpu.memory_space<vmem>> -> memref<1x50xi32, #tpu.memory_space<vmem>>
      %dma_wait3A_806 = tpu.memref_squeeze %dma_wait3A_805 : memref<1x50xi32, #tpu.memory_space<vmem>> -> memref<50xi32, #tpu.memory_space<vmem>>
      %dma_wait3A_807 = arith.constant 0 : i32
      %dma_wait3A_808 = arith.constant 0 : i32
      %dma_wait3A_809 = tpu.memref_slice %arg2[%dma_wait3A_807, %dma_wait3A_808] : memref<100000x128xf32, #tpu.memory_space<hbm>> -> memref<100000x128xf32, #tpu.memory_space<hbm>>
      tpu.wait_indirect_dma semaphore(%arg10 : memref<!tpu.dma_semaphore, #tpu.memory_space<semaphore_mem>>) src(%dma_wait3A_809 : memref<100000x128xf32, #tpu.memory_space<hbm>>) dst(%dma_wait3A_803 : memref<50x128xf32, #tpu.memory_space<vmem>>)
      %mul3A_810 = arith.constant 2 : i32
      %mul3A_811 = arith.muli %add3A_751, %mul3A_810 : i32
      %add3A_812 = arith.constant 1 : i32
      %add3A_813 = arith.addi %mul3A_811, %add3A_812 : i32
      %dma_wait3A_814 = arith.constant 1 : i32
      %dma_wait3A_815 = arith.constant 0 : i32
      %dma_wait3A_816 = arith.constant 0 : i32
      %dma_wait3A_817 = tpu.memref_slice %arg6[%dma_wait3A_814, %dma_wait3A_815, %dma_wait3A_816] : memref<2x50x128xf32, #tpu.memory_space<vmem>> -> memref<1x50x128xf32, #tpu.memory_space<vmem>>
      %dma_wait3A_818 = tpu.memref_squeeze %dma_wait3A_817 : memref<1x50x128xf32, #tpu.memory_space<vmem>> -> memref<50x128xf32, #tpu.memory_space<vmem>>
      %dma_wait3A_819 = arith.constant 0 : i32
      %dma_wait3A_820 = tpu.memref_slice %arg5[%add3A_813, %dma_wait3A_819] : memref<128x50xi32, #tpu.memory_space<vmem>> -> memref<1x50xi32, #tpu.memory_space<vmem>>
      %dma_wait3A_821 = tpu.memref_squeeze %dma_wait3A_820 : memref<1x50xi32, #tpu.memory_space<vmem>> -> memref<50xi32, #tpu.memory_space<vmem>>
      %dma_wait3A_822 = arith.constant 0 : i32
      %dma_wait3A_823 = arith.constant 0 : i32
      %dma_wait3A_824 = tpu.memref_slice %arg2[%dma_wait3A_822, %dma_wait3A_823] : memref<100000x128xf32, #tpu.memory_space<hbm>> -> memref<100000x128xf32, #tpu.memory_space<hbm>>
      tpu.wait_indirect_dma semaphore(%arg10 : memref<!tpu.dma_semaphore, #tpu.memory_space<semaphore_mem>>) src(%dma_wait3A_824 : memref<100000x128xf32, #tpu.memory_space<hbm>>) dst(%dma_wait3A_818 : memref<50x128xf32, #tpu.memory_space<vmem>>)
      %scan3A_825 = arith.constant 0 : i32
      %scan3A_826 = arith.constant 0 : i32
      %scan3A_827 = arith.constant 50 : i32
      %scan3A_828 = arith.addi %scan3A_826, %scan3A_827 : i32
      %scan3A_829 = arith.constant 1 : i32
      scf.for %scan3A_930 = %scan3A_826 to %scan3A_828 step %scan3A_829  : i32 {
        %get3A = arith.constant 0 : i32
        %get3A_931 = arith.index_cast %get3A : i32 to index
        %get3A_932 = arith.index_cast %scan3A_930 : i32 to index
        %get3A_933 = arith.constant 0 : index
        %get3A_934 = tpu.vector_load %arg6[%get3A_931, %get3A_932, %get3A_933] {strides = array<i32>} : memref<2x50x128xf32, #tpu.memory_space<vmem>>, vector<1x1x16xf32>,
        %get3A_935 = vector.shape_cast %get3A_934 : vector<1x1x16xf32> to vector<16xf32>
        %mul3A_936 = arith.constant 11.3137083 : f32
        %mul3A_937 = vector.broadcast %mul3A_936 : f32 to vector<16xf32>
        %mul3A_938 = arith.mulf %get3A_935, %mul3A_937 : vector<16xf32>
        %swap3A = arith.constant 0 : i32
        %swap3A_939 = arith.index_cast %swap3A : i32 to index
        %swap3A_940 = arith.index_cast %scan3A_930 : i32 to index
        %swap3A_941 = arith.constant 0 : index
        %swap3A_942 = tpu.vector_load %arg6[%swap3A_939, %swap3A_940, %swap3A_941] {strides = array<i32>} : memref<2x50x128xf32, #tpu.memory_space<vmem>>, vector<1x1x16xf32>,
        %swap3A_943 = vector.shape_cast %swap3A_942 : vector<1x1x16xf32> to vector<16xf32>
        %swap3A_944 = vector.shape_cast %mul3A_938 : vector<16xf32> to vector<1x1x16xf32>
        tpu.vector_store %arg6[%swap3A_939, %swap3A_940, %swap3A_941], %swap3A_944 {strides = array<i32>} : memref<2x50x128xf32, #tpu.memory_space<vmem>>, vector<1x1x16xf32>,
        %get3A_945 = arith.constant 0 : i32
        %get3A_946 = arith.index_cast %get3A_945 : i32 to index
        %get3A_947 = arith.index_cast %scan3A_930 : i32 to index
        %get3A_948 = arith.constant 16 : index
        %get3A_949 = tpu.vector_load %arg6[%get3A_946, %get3A_947, %get3A_948] {strides = array<i32>} : memref<2x50x128xf32, #tpu.memory_space<vmem>>, vector<1x1x16xf32>,
        %get3A_950 = vector.shape_cast %get3A_949 : vector<1x1x16xf32> to vector<16xf32>
        %mul3A_951 = arith.constant 11.3137083 : f32
        %mul3A_952 = vector.broadcast %mul3A_951 : f32 to vector<16xf32>
        %mul3A_953 = arith.mulf %get3A_950, %mul3A_952 : vector<16xf32>
        %swap3A_954 = arith.constant 0 : i32
        %swap3A_955 = arith.index_cast %swap3A_954 : i32 to index
        %swap3A_956 = arith.index_cast %scan3A_930 : i32 to index
        %swap3A_957 = arith.constant 16 : index
        %swap3A_958 = tpu.vector_load %arg6[%swap3A_955, %swap3A_956, %swap3A_957] {strides = array<i32>} : memref<2x50x128xf32, #tpu.memory_space<vmem>>, vector<1x1x16xf32>,
        %swap3A_959 = vector.shape_cast %swap3A_958 : vector<1x1x16xf32> to vector<16xf32>
        %swap3A_960 = vector.shape_cast %mul3A_953 : vector<16xf32> to vector<1x1x16xf32>
        tpu.vector_store %arg6[%swap3A_955, %swap3A_956, %swap3A_957], %swap3A_960 {strides = array<i32>} : memref<2x50x128xf32, #tpu.memory_space<vmem>>, vector<1x1x16xf32>,
        %get3A_961 = arith.constant 0 : i32
        %get3A_962 = arith.index_cast %get3A_961 : i32 to index
        %get3A_963 = arith.index_cast %scan3A_930 : i32 to index
        %get3A_964 = arith.constant 32 : index
        %get3A_965 = tpu.vector_load %arg6[%get3A_962, %get3A_963, %get3A_964] {strides = array<i32>} : memref<2x50x128xf32, #tpu.memory_space<vmem>>, vector<1x1x16xf32>,
        %get3A_966 = vector.shape_cast %get3A_965 : vector<1x1x16xf32> to vector<16xf32>
        %mul3A_967 = arith.constant 11.3137083 : f32
        %mul3A_968 = vector.broadcast %mul3A_967 : f32 to vector<16xf32>
        %mul3A_969 = arith.mulf %get3A_966, %mul3A_968 : vector<16xf32>
        %swap3A_970 = arith.constant 0 : i32
        %swap3A_971 = arith.index_cast %swap3A_970 : i32 to index
        %swap3A_972 = arith.index_cast %scan3A_930 : i32 to index
        %swap3A_973 = arith.constant 32 : index
        %swap3A_974 = tpu.vector_load %arg6[%swap3A_971, %swap3A_972, %swap3A_973] {strides = array<i32>} : memref<2x50x128xf32, #tpu.memory_space<vmem>>, vector<1x1x16xf32>,
        %swap3A_975 = vector.shape_cast %swap3A_974 : vector<1x1x16xf32> to vector<16xf32>
        %swap3A_976 = vector.shape_cast %mul3A_969 : vector<16xf32> to vector<1x1x16xf32>
        tpu.vector_store %arg6[%swap3A_971, %swap3A_972, %swap3A_973], %swap3A_976 {strides = array<i32>} : memref<2x50x128xf32, #tpu.memory_space<vmem>>, vector<1x1x16xf32>,
        %get3A_977 = arith.constant 0 : i32
        %get3A_978 = arith.index_cast %get3A_977 : i32 to index
        %get3A_979 = arith.index_cast %scan3A_930 : i32 to index
        %get3A_980 = arith.constant 48 : index
        %get3A_981 = tpu.vector_load %arg6[%get3A_978, %get3A_979, %get3A_980] {strides = array<i32>} : memref<2x50x128xf32, #tpu.memory_space<vmem>>, vector<1x1x16xf32>,
        %get3A_982 = vector.shape_cast %get3A_981 : vector<1x1x16xf32> to vector<16xf32>
        %mul3A_983 = arith.constant 11.3137083 : f32
        %mul3A_984 = vector.broadcast %mul3A_983 : f32 to vector<16xf32>
        %mul3A_985 = arith.mulf %get3A_982, %mul3A_984 : vector<16xf32>
        %swap3A_986 = arith.constant 0 : i32
        %swap3A_987 = arith.index_cast %swap3A_986 : i32 to index
        %swap3A_988 = arith.index_cast %scan3A_930 : i32 to index
        %swap3A_989 = arith.constant 48 : index
        %swap3A_990 = tpu.vector_load %arg6[%swap3A_987, %swap3A_988, %swap3A_989] {strides = array<i32>} : memref<2x50x128xf32, #tpu.memory_space<vmem>>, vector<1x1x16xf32>,
        %swap3A_991 = vector.shape_cast %swap3A_990 : vector<1x1x16xf32> to vector<16xf32>
        %swap3A_992 = vector.shape_cast %mul3A_985 : vector<16xf32> to vector<1x1x16xf32>
        tpu.vector_store %arg6[%swap3A_987, %swap3A_988, %swap3A_989], %swap3A_992 {strides = array<i32>} : memref<2x50x128xf32, #tpu.memory_space<vmem>>, vector<1x1x16xf32>,
        %get3A_993 = arith.constant 0 : i32
        %get3A_994 = arith.index_cast %get3A_993 : i32 to index
        %get3A_995 = arith.index_cast %scan3A_930 : i32 to index
        %get3A_996 = arith.constant 64 : index
        %get3A_997 = tpu.vector_load %arg6[%get3A_994, %get3A_995, %get3A_996] {strides = array<i32>} : memref<2x50x128xf32, #tpu.memory_space<vmem>>, vector<1x1x16xf32>,
        %get3A_998 = vector.shape_cast %get3A_997 : vector<1x1x16xf32> to vector<16xf32>
        %mul3A_999 = arith.constant 11.3137083 : f32
        %mul3A_1000 = vector.broadcast %mul3A_999 : f32 to vector<16xf32>
        %mul3A_1001 = arith.mulf %get3A_998, %mul3A_1000 : vector<16xf32>
        %swap3A_1002 = arith.constant 0 : i32
        %swap3A_1003 = arith.index_cast %swap3A_1002 : i32 to index
        %swap3A_1004 = arith.index_cast %scan3A_930 : i32 to index
        %swap3A_1005 = arith.constant 64 : index
        %swap3A_1006 = tpu.vector_load %arg6[%swap3A_1003, %swap3A_1004, %swap3A_1005] {strides = array<i32>} : memref<2x50x128xf32, #tpu.memory_space<vmem>>, vector<1x1x16xf32>,
        %swap3A_1007 = vector.shape_cast %swap3A_1006 : vector<1x1x16xf32> to vector<16xf32>
        %swap3A_1008 = vector.shape_cast %mul3A_1001 : vector<16xf32> to vector<1x1x16xf32>
        tpu.vector_store %arg6[%swap3A_1003, %swap3A_1004, %swap3A_1005], %swap3A_1008 {strides = array<i32>} : memref<2x50x128xf32, #tpu.memory_space<vmem>>, vector<1x1x16xf32>,
        %get3A_1009 = arith.constant 0 : i32
        %get3A_1010 = arith.index_cast %get3A_1009 : i32 to index
        %get3A_1011 = arith.index_cast %scan3A_930 : i32 to index
        %get3A_1012 = arith.constant 80 : index
        %get3A_1013 = tpu.vector_load %arg6[%get3A_1010, %get3A_1011, %get3A_1012] {strides = array<i32>} : memref<2x50x128xf32, #tpu.memory_space<vmem>>, vector<1x1x16xf32>,
        %get3A_1014 = vector.shape_cast %get3A_1013 : vector<1x1x16xf32> to vector<16xf32>
        %mul3A_1015 = arith.constant 11.3137083 : f32
        %mul3A_1016 = vector.broadcast %mul3A_1015 : f32 to vector<16xf32>
        %mul3A_1017 = arith.mulf %get3A_1014, %mul3A_1016 : vector<16xf32>
        %swap3A_1018 = arith.constant 0 : i32
        %swap3A_1019 = arith.index_cast %swap3A_1018 : i32 to index
        %swap3A_1020 = arith.index_cast %scan3A_930 : i32 to index
        %swap3A_1021 = arith.constant 80 : index
        %swap3A_1022 = tpu.vector_load %arg6[%swap3A_1019, %swap3A_1020, %swap3A_1021] {strides = array<i32>} : memref<2x50x128xf32, #tpu.memory_space<vmem>>, vector<1x1x16xf32>,
        %swap3A_1023 = vector.shape_cast %swap3A_1022 : vector<1x1x16xf32> to vector<16xf32>
        %swap3A_1024 = vector.shape_cast %mul3A_1017 : vector<16xf32> to vector<1x1x16xf32>
        tpu.vector_store %arg6[%swap3A_1019, %swap3A_1020, %swap3A_1021], %swap3A_1024 {strides = array<i32>} : memref<2x50x128xf32, #tpu.memory_space<vmem>>, vector<1x1x16xf32>,
        %get3A_1025 = arith.constant 0 : i32
        %get3A_1026 = arith.index_cast %get3A_1025 : i32 to index
        %get3A_1027 = arith.index_cast %scan3A_930 : i32 to index
        %get3A_1028 = arith.constant 96 : index
        %get3A_1029 = tpu.vector_load %arg6[%get3A_1026, %get3A_1027, %get3A_1028] {strides = array<i32>} : memref<2x50x128xf32, #tpu.memory_space<vmem>>, vector<1x1x16xf32>,
        %get3A_1030 = vector.shape_cast %get3A_1029 : vector<1x1x16xf32> to vector<16xf32>
        %mul3A_1031 = arith.constant 11.3137083 : f32
        %mul3A_1032 = vector.broadcast %mul3A_1031 : f32 to vector<16xf32>
        %mul3A_1033 = arith.mulf %get3A_1030, %mul3A_1032 : vector<16xf32>
        %swap3A_1034 = arith.constant 0 : i32
        %swap3A_1035 = arith.index_cast %swap3A_1034 : i32 to index
        %swap3A_1036 = arith.index_cast %scan3A_930 : i32 to index
        %swap3A_1037 = arith.constant 96 : index
        %swap3A_1038 = tpu.vector_load %arg6[%swap3A_1035, %swap3A_1036, %swap3A_1037] {strides = array<i32>} : memref<2x50x128xf32, #tpu.memory_space<vmem>>, vector<1x1x16xf32>,
        %swap3A_1039 = vector.shape_cast %swap3A_1038 : vector<1x1x16xf32> to vector<16xf32>
        %swap3A_1040 = vector.shape_cast %mul3A_1033 : vector<16xf32> to vector<1x1x16xf32>
        tpu.vector_store %arg6[%swap3A_1035, %swap3A_1036, %swap3A_1037], %swap3A_1040 {strides = array<i32>} : memref<2x50x128xf32, #tpu.memory_space<vmem>>, vector<1x1x16xf32>,
        %get3A_1041 = arith.constant 0 : i32
        %get3A_1042 = arith.index_cast %get3A_1041 : i32 to index
        %get3A_1043 = arith.index_cast %scan3A_930 : i32 to index
        %get3A_1044 = arith.constant 112 : index
        %get3A_1045 = tpu.vector_load %arg6[%get3A_1042, %get3A_1043, %get3A_1044] {strides = array<i32>} : memref<2x50x128xf32, #tpu.memory_space<vmem>>, vector<1x1x16xf32>,
        %get3A_1046 = vector.shape_cast %get3A_1045 : vector<1x1x16xf32> to vector<16xf32>
        %mul3A_1047 = arith.constant 11.3137083 : f32
        %mul3A_1048 = vector.broadcast %mul3A_1047 : f32 to vector<16xf32>
        %mul3A_1049 = arith.mulf %get3A_1046, %mul3A_1048 : vector<16xf32>
        %swap3A_1050 = arith.constant 0 : i32
        %swap3A_1051 = arith.index_cast %swap3A_1050 : i32 to index
        %swap3A_1052 = arith.index_cast %scan3A_930 : i32 to index
        %swap3A_1053 = arith.constant 112 : index
        %swap3A_1054 = tpu.vector_load %arg6[%swap3A_1051, %swap3A_1052, %swap3A_1053] {strides = array<i32>} : memref<2x50x128xf32, #tpu.memory_space<vmem>>, vector<1x1x16xf32>,
        %swap3A_1055 = vector.shape_cast %swap3A_1054 : vector<1x1x16xf32> to vector<16xf32>
        %swap3A_1056 = vector.shape_cast %mul3A_1049 : vector<16xf32> to vector<1x1x16xf32>
        tpu.vector_store %arg6[%swap3A_1051, %swap3A_1052, %swap3A_1053], %swap3A_1056 {strides = array<i32>} : memref<2x50x128xf32, #tpu.memory_space<vmem>>, vector<1x1x16xf32>,
        %get3A_1057 = arith.constant 1 : i32
        %get3A_1058 = arith.index_cast %get3A_1057 : i32 to index
        %get3A_1059 = arith.index_cast %scan3A_930 : i32 to index
        %get3A_1060 = arith.constant 0 : index
        %get3A_1061 = tpu.vector_load %arg6[%get3A_1058, %get3A_1059, %get3A_1060] {strides = array<i32>} : memref<2x50x128xf32, #tpu.memory_space<vmem>>, vector<1x1x16xf32>,
        %get3A_1062 = vector.shape_cast %get3A_1061 : vector<1x1x16xf32> to vector<16xf32>
        %mul3A_1063 = arith.constant 11.3137083 : f32
        %mul3A_1064 = vector.broadcast %mul3A_1063 : f32 to vector<16xf32>
        %mul3A_1065 = arith.mulf %get3A_1062, %mul3A_1064 : vector<16xf32>
        %swap3A_1066 = arith.constant 1 : i32
        %swap3A_1067 = arith.index_cast %swap3A_1066 : i32 to index
        %swap3A_1068 = arith.index_cast %scan3A_930 : i32 to index
        %swap3A_1069 = arith.constant 0 : index
        %swap3A_1070 = tpu.vector_load %arg6[%swap3A_1067, %swap3A_1068, %swap3A_1069] {strides = array<i32>} : memref<2x50x128xf32, #tpu.memory_space<vmem>>, vector<1x1x16xf32>,
        %swap3A_1071 = vector.shape_cast %swap3A_1070 : vector<1x1x16xf32> to vector<16xf32>
        %swap3A_1072 = vector.shape_cast %mul3A_1065 : vector<16xf32> to vector<1x1x16xf32>
        tpu.vector_store %arg6[%swap3A_1067, %swap3A_1068, %swap3A_1069], %swap3A_1072 {strides = array<i32>} : memref<2x50x128xf32, #tpu.memory_space<vmem>>, vector<1x1x16xf32>,
        %get3A_1073 = arith.constant 1 : i32
        %get3A_1074 = arith.index_cast %get3A_1073 : i32 to index
        %get3A_1075 = arith.index_cast %scan3A_930 : i32 to index
        %get3A_1076 = arith.constant 16 : index
        %get3A_1077 = tpu.vector_load %arg6[%get3A_1074, %get3A_1075, %get3A_1076] {strides = array<i32>} : memref<2x50x128xf32, #tpu.memory_space<vmem>>, vector<1x1x16xf32>,
        %get3A_1078 = vector.shape_cast %get3A_1077 : vector<1x1x16xf32> to vector<16xf32>
        %mul3A_1079 = arith.constant 11.3137083 : f32
        %mul3A_1080 = vector.broadcast %mul3A_1079 : f32 to vector<16xf32>
        %mul3A_1081 = arith.mulf %get3A_1078, %mul3A_1080 : vector<16xf32>
        %swap3A_1082 = arith.constant 1 : i32
        %swap3A_1083 = arith.index_cast %swap3A_1082 : i32 to index
        %swap3A_1084 = arith.index_cast %scan3A_930 : i32 to index
        %swap3A_1085 = arith.constant 16 : index
        %swap3A_1086 = tpu.vector_load %arg6[%swap3A_1083, %swap3A_1084, %swap3A_1085] {strides = array<i32>} : memref<2x50x128xf32, #tpu.memory_space<vmem>>, vector<1x1x16xf32>,
        %swap3A_1087 = vector.shape_cast %swap3A_1086 : vector<1x1x16xf32> to vector<16xf32>
        %swap3A_1088 = vector.shape_cast %mul3A_1081 : vector<16xf32> to vector<1x1x16xf32>
        tpu.vector_store %arg6[%swap3A_1083, %swap3A_1084, %swap3A_1085], %swap3A_1088 {strides = array<i32>} : memref<2x50x128xf32, #tpu.memory_space<vmem>>, vector<1x1x16xf32>,
        %get3A_1089 = arith.constant 1 : i32
        %get3A_1090 = arith.index_cast %get3A_1089 : i32 to index
        %get3A_1091 = arith.index_cast %scan3A_930 : i32 to index
        %get3A_1092 = arith.constant 32 : index
        %get3A_1093 = tpu.vector_load %arg6[%get3A_1090, %get3A_1091, %get3A_1092] {strides = array<i32>} : memref<2x50x128xf32, #tpu.memory_space<vmem>>, vector<1x1x16xf32>,
        %get3A_1094 = vector.shape_cast %get3A_1093 : vector<1x1x16xf32> to vector<16xf32>
        %mul3A_1095 = arith.constant 11.3137083 : f32
        %mul3A_1096 = vector.broadcast %mul3A_1095 : f32 to vector<16xf32>
        %mul3A_1097 = arith.mulf %get3A_1094, %mul3A_1096 : vector<16xf32>
        %swap3A_1098 = arith.constant 1 : i32
        %swap3A_1099 = arith.index_cast %swap3A_1098 : i32 to index
        %swap3A_1100 = arith.index_cast %scan3A_930 : i32 to index
        %swap3A_1101 = arith.constant 32 : index
        %swap3A_1102 = tpu.vector_load %arg6[%swap3A_1099, %swap3A_1100, %swap3A_1101] {strides = array<i32>} : memref<2x50x128xf32, #tpu.memory_space<vmem>>, vector<1x1x16xf32>,
        %swap3A_1103 = vector.shape_cast %swap3A_1102 : vector<1x1x16xf32> to vector<16xf32>
        %swap3A_1104 = vector.shape_cast %mul3A_1097 : vector<16xf32> to vector<1x1x16xf32>
        tpu.vector_store %arg6[%swap3A_1099, %swap3A_1100, %swap3A_1101], %swap3A_1104 {strides = array<i32>} : memref<2x50x128xf32, #tpu.memory_space<vmem>>, vector<1x1x16xf32>,
        %get3A_1105 = arith.constant 1 : i32
        %get3A_1106 = arith.index_cast %get3A_1105 : i32 to index
        %get3A_1107 = arith.index_cast %scan3A_930 : i32 to index
        %get3A_1108 = arith.constant 48 : index
        %get3A_1109 = tpu.vector_load %arg6[%get3A_1106, %get3A_1107, %get3A_1108] {strides = array<i32>} : memref<2x50x128xf32, #tpu.memory_space<vmem>>, vector<1x1x16xf32>,
        %get3A_1110 = vector.shape_cast %get3A_1109 : vector<1x1x16xf32> to vector<16xf32>
        %mul3A_1111 = arith.constant 11.3137083 : f32
        %mul3A_1112 = vector.broadcast %mul3A_1111 : f32 to vector<16xf32>
        %mul3A_1113 = arith.mulf %get3A_1110, %mul3A_1112 : vector<16xf32>
        %swap3A_1114 = arith.constant 1 : i32
        %swap3A_1115 = arith.index_cast %swap3A_1114 : i32 to index
        %swap3A_1116 = arith.index_cast %scan3A_930 : i32 to index
        %swap3A_1117 = arith.constant 48 : index
        %swap3A_1118 = tpu.vector_load %arg6[%swap3A_1115, %swap3A_1116, %swap3A_1117] {strides = array<i32>} : memref<2x50x128xf32, #tpu.memory_space<vmem>>, vector<1x1x16xf32>,
        %swap3A_1119 = vector.shape_cast %swap3A_1118 : vector<1x1x16xf32> to vector<16xf32>
        %swap3A_1120 = vector.shape_cast %mul3A_1113 : vector<16xf32> to vector<1x1x16xf32>
        tpu.vector_store %arg6[%swap3A_1115, %swap3A_1116, %swap3A_1117], %swap3A_1120 {strides = array<i32>} : memref<2x50x128xf32, #tpu.memory_space<vmem>>, vector<1x1x16xf32>,
        %get3A_1121 = arith.constant 1 : i32
        %get3A_1122 = arith.index_cast %get3A_1121 : i32 to index
        %get3A_1123 = arith.index_cast %scan3A_930 : i32 to index
        %get3A_1124 = arith.constant 64 : index
        %get3A_1125 = tpu.vector_load %arg6[%get3A_1122, %get3A_1123, %get3A_1124] {strides = array<i32>} : memref<2x50x128xf32, #tpu.memory_space<vmem>>, vector<1x1x16xf32>,
        %get3A_1126 = vector.shape_cast %get3A_1125 : vector<1x1x16xf32> to vector<16xf32>
        %mul3A_1127 = arith.constant 11.3137083 : f32
        %mul3A_1128 = vector.broadcast %mul3A_1127 : f32 to vector<16xf32>
        %mul3A_1129 = arith.mulf %get3A_1126, %mul3A_1128 : vector<16xf32>
        %swap3A_1130 = arith.constant 1 : i32
        %swap3A_1131 = arith.index_cast %swap3A_1130 : i32 to index
        %swap3A_1132 = arith.index_cast %scan3A_930 : i32 to index
        %swap3A_1133 = arith.constant 64 : index
        %swap3A_1134 = tpu.vector_load %arg6[%swap3A_1131, %swap3A_1132, %swap3A_1133] {strides = array<i32>} : memref<2x50x128xf32, #tpu.memory_space<vmem>>, vector<1x1x16xf32>,
        %swap3A_1135 = vector.shape_cast %swap3A_1134 : vector<1x1x16xf32> to vector<16xf32>
        %swap3A_1136 = vector.shape_cast %mul3A_1129 : vector<16xf32> to vector<1x1x16xf32>
        tpu.vector_store %arg6[%swap3A_1131, %swap3A_1132, %swap3A_1133], %swap3A_1136 {strides = array<i32>} : memref<2x50x128xf32, #tpu.memory_space<vmem>>, vector<1x1x16xf32>,
        %get3A_1137 = arith.constant 1 : i32
        %get3A_1138 = arith.index_cast %get3A_1137 : i32 to index
        %get3A_1139 = arith.index_cast %scan3A_930 : i32 to index
        %get3A_1140 = arith.constant 80 : index
        %get3A_1141 = tpu.vector_load %arg6[%get3A_1138, %get3A_1139, %get3A_1140] {strides = array<i32>} : memref<2x50x128xf32, #tpu.memory_space<vmem>>, vector<1x1x16xf32>,
        %get3A_1142 = vector.shape_cast %get3A_1141 : vector<1x1x16xf32> to vector<16xf32>
        %mul3A_1143 = arith.constant 11.3137083 : f32
        %mul3A_1144 = vector.broadcast %mul3A_1143 : f32 to vector<16xf32>
        %mul3A_1145 = arith.mulf %get3A_1142, %mul3A_1144 : vector<16xf32>
        %swap3A_1146 = arith.constant 1 : i32
        %swap3A_1147 = arith.index_cast %swap3A_1146 : i32 to index
        %swap3A_1148 = arith.index_cast %scan3A_930 : i32 to index
        %swap3A_1149 = arith.constant 80 : index
        %swap3A_1150 = tpu.vector_load %arg6[%swap3A_1147, %swap3A_1148, %swap3A_1149] {strides = array<i32>} : memref<2x50x128xf32, #tpu.memory_space<vmem>>, vector<1x1x16xf32>,
        %swap3A_1151 = vector.shape_cast %swap3A_1150 : vector<1x1x16xf32> to vector<16xf32>
        %swap3A_1152 = vector.shape_cast %mul3A_1145 : vector<16xf32> to vector<1x1x16xf32>
        tpu.vector_store %arg6[%swap3A_1147, %swap3A_1148, %swap3A_1149], %swap3A_1152 {strides = array<i32>} : memref<2x50x128xf32, #tpu.memory_space<vmem>>, vector<1x1x16xf32>,
        %get3A_1153 = arith.constant 1 : i32
        %get3A_1154 = arith.index_cast %get3A_1153 : i32 to index
        %get3A_1155 = arith.index_cast %scan3A_930 : i32 to index
        %get3A_1156 = arith.constant 96 : index
        %get3A_1157 = tpu.vector_load %arg6[%get3A_1154, %get3A_1155, %get3A_1156] {strides = array<i32>} : memref<2x50x128xf32, #tpu.memory_space<vmem>>, vector<1x1x16xf32>,
        %get3A_1158 = vector.shape_cast %get3A_1157 : vector<1x1x16xf32> to vector<16xf32>
        %mul3A_1159 = arith.constant 11.3137083 : f32
        %mul3A_1160 = vector.broadcast %mul3A_1159 : f32 to vector<16xf32>
        %mul3A_1161 = arith.mulf %get3A_1158, %mul3A_1160 : vector<16xf32>
        %swap3A_1162 = arith.constant 1 : i32
        %swap3A_1163 = arith.index_cast %swap3A_1162 : i32 to index
        %swap3A_1164 = arith.index_cast %scan3A_930 : i32 to index
        %swap3A_1165 = arith.constant 96 : index
        %swap3A_1166 = tpu.vector_load %arg6[%swap3A_1163, %swap3A_1164, %swap3A_1165] {strides = array<i32>} : memref<2x50x128xf32, #tpu.memory_space<vmem>>, vector<1x1x16xf32>,
        %swap3A_1167 = vector.shape_cast %swap3A_1166 : vector<1x1x16xf32> to vector<16xf32>
        %swap3A_1168 = vector.shape_cast %mul3A_1161 : vector<16xf32> to vector<1x1x16xf32>
        tpu.vector_store %arg6[%swap3A_1163, %swap3A_1164, %swap3A_1165], %swap3A_1168 {strides = array<i32>} : memref<2x50x128xf32, #tpu.memory_space<vmem>>, vector<1x1x16xf32>,
        %get3A_1169 = arith.constant 1 : i32
        %get3A_1170 = arith.index_cast %get3A_1169 : i32 to index
        %get3A_1171 = arith.index_cast %scan3A_930 : i32 to index
        %get3A_1172 = arith.constant 112 : index
        %get3A_1173 = tpu.vector_load %arg6[%get3A_1170, %get3A_1171, %get3A_1172] {strides = array<i32>} : memref<2x50x128xf32, #tpu.memory_space<vmem>>, vector<1x1x16xf32>,
        %get3A_1174 = vector.shape_cast %get3A_1173 : vector<1x1x16xf32> to vector<16xf32>
        %mul3A_1175 = arith.constant 11.3137083 : f32
        %mul3A_1176 = vector.broadcast %mul3A_1175 : f32 to vector<16xf32>
        %mul3A_1177 = arith.mulf %get3A_1174, %mul3A_1176 : vector<16xf32>
        %swap3A_1178 = arith.constant 1 : i32
        %swap3A_1179 = arith.index_cast %swap3A_1178 : i32 to index
        %swap3A_1180 = arith.index_cast %scan3A_930 : i32 to index
        %swap3A_1181 = arith.constant 112 : index
        %swap3A_1182 = tpu.vector_load %arg6[%swap3A_1179, %swap3A_1180, %swap3A_1181] {strides = array<i32>} : memref<2x50x128xf32, #tpu.memory_space<vmem>>, vector<1x1x16xf32>,
        %swap3A_1183 = vector.shape_cast %swap3A_1182 : vector<1x1x16xf32> to vector<16xf32>
        %swap3A_1184 = vector.shape_cast %mul3A_1177 : vector<16xf32> to vector<1x1x16xf32>
        tpu.vector_store %arg6[%swap3A_1179, %swap3A_1180, %swap3A_1181], %swap3A_1184 {strides = array<i32>} : memref<2x50x128xf32, #tpu.memory_space<vmem>>, vector<1x1x16xf32>,
      }
      %scan3A_830 = arith.constant 50 : i32
      %mul3A_831 = arith.constant 2 : i32
      %mul3A_832 = arith.muli %add3A_751, %mul3A_831 : i32
      %add3A_833 = arith.addi %mul3A_2, %mul3A_832 : i32
      %dma_start3A_834 = arith.constant 0 : i32
      %dma_start3A_835 = arith.constant 0 : i32
      %dma_start3A_836 = tpu.memref_slice %arg4[%add3A_833, %dma_start3A_834, %dma_start3A_835] : memref<4096x50x128xf32, #tpu.memory_space<hbm>> -> memref<2x50x128xf32, #tpu.memory_space<hbm>>
      %dma_start3A_837 = arith.constant 0 : i32
      %dma_start3A_838 = arith.constant 0 : i32
      %dma_start3A_839 = tpu.memref_slice %arg4[%add3A_833, %dma_start3A_837, %dma_start3A_838] : memref<4096x50x128xf32, #tpu.memory_space<hbm>> -> memref<2x50x128xf32, #tpu.memory_space<hbm>>
      tpu.enqueue_dma source(%arg6 : memref<2x50x128xf32, #tpu.memory_space<vmem>>) target(%dma_start3A_839 : memref<2x50x128xf32, #tpu.memory_space<hbm>>) target_semaphore(%arg14 : memref<!tpu.dma_semaphore, #tpu.memory_space<semaphore_mem>>)
      %add3A_840 = arith.constant 3 : i32
      %add3A_841 = arith.addi %add3A_570, %add3A_840 : i32
      %sub3A_842 = arith.constant 2 : i32
      %sub3A_843 = arith.subi %add3A_841, %sub3A_842 : i32
      %mul3A_844 = arith.constant 2 : i32
      %mul3A_845 = arith.muli %sub3A_843, %mul3A_844 : i32
      %add3A_846 = arith.addi %mul3A_2, %mul3A_845 : i32
      %dma_wait3A_847 = arith.constant 0 : i32
      %dma_wait3A_848 = arith.constant 0 : i32
      %dma_wait3A_849 = tpu.memref_slice %arg4[%add3A_846, %dma_wait3A_847, %dma_wait3A_848] : memref<4096x50x128xf32, #tpu.memory_space<hbm>> -> memref<2x50x128xf32, #tpu.memory_space<hbm>>
      %dma_wait3A_850 = arith.constant 0 : i32
      %dma_wait3A_851 = arith.constant 0 : i32
      %dma_wait3A_852 = tpu.memref_slice %arg4[%add3A_846, %dma_wait3A_850, %dma_wait3A_851] : memref<4096x50x128xf32, #tpu.memory_space<hbm>> -> memref<2x50x128xf32, #tpu.memory_space<hbm>>
      tpu.wait_dma2 semaphore(%arg17 : memref<!tpu.dma_semaphore, #tpu.memory_space<semaphore_mem>>) src(%arg9 : memref<2x50x128xf32, #tpu.memory_space<vmem>>) dst(%dma_wait3A_852 : memref<2x50x128xf32, #tpu.memory_space<hbm>>)
      %add3A_853 = arith.constant 2 : i32
      %add3A_854 = arith.addi %add3A_841, %add3A_853 : i32
      %mul3A_855 = arith.constant 2 : i32
      %mul3A_856 = arith.muli %add3A_854, %mul3A_855 : i32
      %add3A_857 = arith.constant 0 : i32
      %add3A_858 = arith.addi %mul3A_856, %add3A_857 : i32
      %dma_start3A_859 = arith.constant 0 : i32
      %dma_start3A_860 = arith.constant 0 : i32
      %dma_start3A_861 = arith.constant 0 : i32
      %dma_start3A_862 = tpu.memref_slice %arg9[%dma_start3A_859, %dma_start3A_860, %dma_start3A_861] : memref<2x50x128xf32, #tpu.memory_space<vmem>> -> memref<1x50x128xf32, #tpu.memory_space<vmem>>
      %dma_start3A_863 = tpu.memref_squeeze %dma_start3A_862 : memref<1x50x128xf32, #tpu.memory_space<vmem>> -> memref<50x128xf32, #tpu.memory_space<vmem>>
      %dma_start3A_864 = arith.constant 0 : i32
      %dma_start3A_865 = tpu.memref_slice %arg5[%add3A_858, %dma_start3A_864] : memref<128x50xi32, #tpu.memory_space<vmem>> -> memref<1x50xi32, #tpu.memory_space<vmem>>
      %dma_start3A_866 = tpu.memref_squeeze %dma_start3A_865 : memref<1x50xi32, #tpu.memory_space<vmem>> -> memref<50xi32, #tpu.memory_space<vmem>>
      %dma_start3A_867 = arith.constant 0 : i32
      %dma_start3A_868 = arith.constant 0 : i32
      %dma_start3A_869 = tpu.memref_slice %arg2[%dma_start3A_867, %dma_start3A_868] : memref<100000x128xf32, #tpu.memory_space<hbm>> -> memref<100000x128xf32, #tpu.memory_space<hbm>>
      tpu.enqueue_indirect_dma source(%dma_start3A_869 : memref<100000x128xf32, #tpu.memory_space<hbm>>) target(%dma_start3A_863 : memref<50x128xf32, #tpu.memory_space<vmem>>) offsets(%dma_start3A_866 : memref<50xi32, #tpu.memory_space<vmem>>) semaphore(%arg13 : memref<!tpu.dma_semaphore, #tpu.memory_space<semaphore_mem>>)
      %mul3A_870 = arith.constant 2 : i32
      %mul3A_871 = arith.muli %add3A_854, %mul3A_870 : i32
      %add3A_872 = arith.constant 1 : i32
      %add3A_873 = arith.addi %mul3A_871, %add3A_872 : i32
      %dma_start3A_874 = arith.constant 1 : i32
      %dma_start3A_875 = arith.constant 0 : i32
      %dma_start3A_876 = arith.constant 0 : i32
      %dma_start3A_877 = tpu.memref_slice %arg9[%dma_start3A_874, %dma_start3A_875, %dma_start3A_876] : memref<2x50x128xf32, #tpu.memory_space<vmem>> -> memref<1x50x128xf32, #tpu.memory_space<vmem>>
      %dma_start3A_878 = tpu.memref_squeeze %dma_start3A_877 : memref<1x50x128xf32, #tpu.memory_space<vmem>> -> memref<50x128xf32, #tpu.memory_space<vmem>>
      %dma_start3A_879 = arith.constant 0 : i32
      %dma_start3A_880 = tpu.memref_slice %arg5[%add3A_873, %dma_start3A_879] : memref<128x50xi32, #tpu.memory_space<vmem>> -> memref<1x50xi32, #tpu.memory_space<vmem>>
      %dma_start3A_881 = tpu.memref_squeeze %dma_start3A_880 : memref<1x50xi32, #tpu.memory_space<vmem>> -> memref<50xi32, #tpu.memory_space<vmem>>
      %dma_start3A_882 = arith.constant 0 : i32
      %dma_start3A_883 = arith.constant 0 : i32
      %dma_start3A_884 = tpu.memref_slice %arg2[%dma_start3A_882, %dma_start3A_883] : memref<100000x128xf32, #tpu.memory_space<hbm>> -> memref<100000x128xf32, #tpu.memory_space<hbm>>
      tpu.enqueue_indirect_dma source(%dma_start3A_884 : memref<100000x128xf32, #tpu.memory_space<hbm>>) target(%dma_start3A_878 : memref<50x128xf32, #tpu.memory_space<vmem>>) offsets(%dma_start3A_881 : memref<50xi32, #tpu.memory_space<vmem>>) semaphore(%arg13 : memref<!tpu.dma_semaphore, #tpu.memory_space<semaphore_mem>>)
      %mul3A_885 = arith.constant 2 : i32
      %mul3A_886 = arith.muli %add3A_841, %mul3A_885 : i32
      %add3A_887 = arith.constant 0 : i32
      %add3A_888 = arith.addi %mul3A_886, %add3A_887 : i32
      %dma_wait3A_889 = arith.constant 0 : i32
      %dma_wait3A_890 = arith.constant 0 : i32
      %dma_wait3A_891 = arith.constant 0 : i32
      %dma_wait3A_892 = tpu.memref_slice %arg7[%dma_wait3A_889, %dma_wait3A_890, %dma_wait3A_891] : memref<2x50x128xf32, #tpu.memory_space<vmem>> -> memref<1x50x128xf32, #tpu.memory_space<vmem>>
      %dma_wait3A_893 = tpu.memref_squeeze %dma_wait3A_892 : memref<1x50x128xf32, #tpu.memory_space<vmem>> -> memref<50x128xf32, #tpu.memory_space<vmem>>
      %dma_wait3A_894 = arith.constant 0 : i32
      %dma_wait3A_895 = tpu.memref_slice %arg5[%add3A_888, %dma_wait3A_894] : memref<128x50xi32, #tpu.memory_space<vmem>> -> memref<1x50xi32, #tpu.memory_space<vmem>>
      %dma_wait3A_896 = tpu.memref_squeeze %dma_wait3A_895 : memref<1x50xi32, #tpu.memory_space<vmem>> -> memref<50xi32, #tpu.memory_space<vmem>>
      %dma_wait3A_897 = arith.constant 0 : i32
      %dma_wait3A_898 = arith.constant 0 : i32
      %dma_wait3A_899 = tpu.memref_slice %arg2[%dma_wait3A_897, %dma_wait3A_898] : memref<100000x128xf32, #tpu.memory_space<hbm>> -> memref<100000x128xf32, #tpu.memory_space<hbm>>
      tpu.wait_indirect_dma semaphore(%arg11 : memref<!tpu.dma_semaphore, #tpu.memory_space<semaphore_mem>>) src(%dma_wait3A_899 : memref<100000x128xf32, #tpu.memory_space<hbm>>) dst(%dma_wait3A_893 : memref<50x128xf32, #tpu.memory_space<vmem>>)
      %mul3A_900 = arith.constant 2 : i32
      %mul3A_901 = arith.muli %add3A_841, %mul3A_900 : i32
      %add3A_902 = arith.constant 1 : i32
      %add3A_903 = arith.addi %mul3A_901, %add3A_902 : i32
      %dma_wait3A_904 = arith.constant 1 : i32
      %dma_wait3A_905 = arith.constant 0 : i32
      %dma_wait3A_906 = arith.constant 0 : i32
      %dma_wait3A_907 = tpu.memref_slice %arg7[%dma_wait3A_904, %dma_wait3A_905, %dma_wait3A_906] : memref<2x50x128xf32, #tpu.memory_space<vmem>> -> memref<1x50x128xf32, #tpu.memory_space<vmem>>
      %dma_wait3A_908 = tpu.memref_squeeze %dma_wait3A_907 : memref<1x50x128xf32, #tpu.memory_space<vmem>> -> memref<50x128xf32, #tpu.memory_space<vmem>>
      %dma_wait3A_909 = arith.constant 0 : i32
      %dma_wait3A_910 = tpu.memref_slice %arg5[%add3A_903, %dma_wait3A_909] : memref<128x50xi32, #tpu.memory_space<vmem>> -> memref<1x50xi32, #tpu.memory_space<vmem>>
      %dma_wait3A_911 = tpu.memref_squeeze %dma_wait3A_910 : memref<1x50xi32, #tpu.memory_space<vmem>> -> memref<50xi32, #tpu.memory_space<vmem>>
      %dma_wait3A_912 = arith.constant 0 : i32
      %dma_wait3A_913 = arith.constant 0 : i32
      %dma_wait3A_914 = tpu.memref_slice %arg2[%dma_wait3A_912, %dma_wait3A_913] : memref<100000x128xf32, #tpu.memory_space<hbm>> -> memref<100000x128xf32, #tpu.memory_space<hbm>>
      tpu.wait_indirect_dma semaphore(%arg11 : memref<!tpu.dma_semaphore, #tpu.memory_space<semaphore_mem>>) src(%dma_wait3A_914 : memref<100000x128xf32, #tpu.memory_space<hbm>>) dst(%dma_wait3A_908 : memref<50x128xf32, #tpu.memory_space<vmem>>)
      %scan3A_915 = arith.constant 0 : i32
      %scan3A_916 = arith.constant 0 : i32
      %scan3A_917 = arith.constant 50 : i32
      %scan3A_918 = arith.addi %scan3A_916, %scan3A_917 : i32
      %scan3A_919 = arith.constant 1 : i32
      scf.for %scan3A_930 = %scan3A_916 to %scan3A_918 step %scan3A_919  : i32 {
        %get3A = arith.constant 0 : i32
        %get3A_931 = arith.index_cast %get3A : i32 to index
        %get3A_932 = arith.index_cast %scan3A_930 : i32 to index
        %get3A_933 = arith.constant 0 : index
        %get3A_934 = tpu.vector_load %arg7[%get3A_931, %get3A_932, %get3A_933] {strides = array<i32>} : memref<2x50x128xf32, #tpu.memory_space<vmem>>, vector<1x1x16xf32>,
        %get3A_935 = vector.shape_cast %get3A_934 : vector<1x1x16xf32> to vector<16xf32>
        %mul3A_936 = arith.constant 11.3137083 : f32
        %mul3A_937 = vector.broadcast %mul3A_936 : f32 to vector<16xf32>
        %mul3A_938 = arith.mulf %get3A_935, %mul3A_937 : vector<16xf32>
        %swap3A = arith.constant 0 : i32
        %swap3A_939 = arith.index_cast %swap3A : i32 to index
        %swap3A_940 = arith.index_cast %scan3A_930 : i32 to index
        %swap3A_941 = arith.constant 0 : index
        %swap3A_942 = tpu.vector_load %arg7[%swap3A_939, %swap3A_940, %swap3A_941] {strides = array<i32>} : memref<2x50x128xf32, #tpu.memory_space<vmem>>, vector<1x1x16xf32>,
        %swap3A_943 = vector.shape_cast %swap3A_942 : vector<1x1x16xf32> to vector<16xf32>
        %swap3A_944 = vector.shape_cast %mul3A_938 : vector<16xf32> to vector<1x1x16xf32>
        tpu.vector_store %arg7[%swap3A_939, %swap3A_940, %swap3A_941], %swap3A_944 {strides = array<i32>} : memref<2x50x128xf32, #tpu.memory_space<vmem>>, vector<1x1x16xf32>,
        %get3A_945 = arith.constant 0 : i32
        %get3A_946 = arith.index_cast %get3A_945 : i32 to index
        %get3A_947 = arith.index_cast %scan3A_930 : i32 to index
        %get3A_948 = arith.constant 16 : index
        %get3A_949 = tpu.vector_load %arg7[%get3A_946, %get3A_947, %get3A_948] {strides = array<i32>} : memref<2x50x128xf32, #tpu.memory_space<vmem>>, vector<1x1x16xf32>,
        %get3A_950 = vector.shape_cast %get3A_949 : vector<1x1x16xf32> to vector<16xf32>
        %mul3A_951 = arith.constant 11.3137083 : f32
        %mul3A_952 = vector.broadcast %mul3A_951 : f32 to vector<16xf32>
        %mul3A_953 = arith.mulf %get3A_950, %mul3A_952 : vector<16xf32>
        %swap3A_954 = arith.constant 0 : i32
        %swap3A_955 = arith.index_cast %swap3A_954 : i32 to index
        %swap3A_956 = arith.index_cast %scan3A_930 : i32 to index
        %swap3A_957 = arith.constant 16 : index
        %swap3A_958 = tpu.vector_load %arg7[%swap3A_955, %swap3A_956, %swap3A_957] {strides = array<i32>} : memref<2x50x128xf32, #tpu.memory_space<vmem>>, vector<1x1x16xf32>,
        %swap3A_959 = vector.shape_cast %swap3A_958 : vector<1x1x16xf32> to vector<16xf32>
        %swap3A_960 = vector.shape_cast %mul3A_953 : vector<16xf32> to vector<1x1x16xf32>
        tpu.vector_store %arg7[%swap3A_955, %swap3A_956, %swap3A_957], %swap3A_960 {strides = array<i32>} : memref<2x50x128xf32, #tpu.memory_space<vmem>>, vector<1x1x16xf32>,
        %get3A_961 = arith.constant 0 : i32
        %get3A_962 = arith.index_cast %get3A_961 : i32 to index
        %get3A_963 = arith.index_cast %scan3A_930 : i32 to index
        %get3A_964 = arith.constant 32 : index
        %get3A_965 = tpu.vector_load %arg7[%get3A_962, %get3A_963, %get3A_964] {strides = array<i32>} : memref<2x50x128xf32, #tpu.memory_space<vmem>>, vector<1x1x16xf32>,
        %get3A_966 = vector.shape_cast %get3A_965 : vector<1x1x16xf32> to vector<16xf32>
        %mul3A_967 = arith.constant 11.3137083 : f32
        %mul3A_968 = vector.broadcast %mul3A_967 : f32 to vector<16xf32>
        %mul3A_969 = arith.mulf %get3A_966, %mul3A_968 : vector<16xf32>
        %swap3A_970 = arith.constant 0 : i32
        %swap3A_971 = arith.index_cast %swap3A_970 : i32 to index
        %swap3A_972 = arith.index_cast %scan3A_930 : i32 to index
        %swap3A_973 = arith.constant 32 : index
        %swap3A_974 = tpu.vector_load %arg7[%swap3A_971, %swap3A_972, %swap3A_973] {strides = array<i32>} : memref<2x50x128xf32, #tpu.memory_space<vmem>>, vector<1x1x16xf32>,
        %swap3A_975 = vector.shape_cast %swap3A_974 : vector<1x1x16xf32> to vector<16xf32>
        %swap3A_976 = vector.shape_cast %mul3A_969 : vector<16xf32> to vector<1x1x16xf32>
        tpu.vector_store %arg7[%swap3A_971, %swap3A_972, %swap3A_973], %swap3A_976 {strides = array<i32>} : memref<2x50x128xf32, #tpu.memory_space<vmem>>, vector<1x1x16xf32>,
        %get3A_977 = arith.constant 0 : i32
        %get3A_978 = arith.index_cast %get3A_977 : i32 to index
        %get3A_979 = arith.index_cast %scan3A_930 : i32 to index
        %get3A_980 = arith.constant 48 : index
        %get3A_981 = tpu.vector_load %arg7[%get3A_978, %get3A_979, %get3A_980] {strides = array<i32>} : memref<2x50x128xf32, #tpu.memory_space<vmem>>, vector<1x1x16xf32>,
        %get3A_982 = vector.shape_cast %get3A_981 : vector<1x1x16xf32> to vector<16xf32>
        %mul3A_983 = arith.constant 11.3137083 : f32
        %mul3A_984 = vector.broadcast %mul3A_983 : f32 to vector<16xf32>
        %mul3A_985 = arith.mulf %get3A_982, %mul3A_984 : vector<16xf32>
        %swap3A_986 = arith.constant 0 : i32
        %swap3A_987 = arith.index_cast %swap3A_986 : i32 to index
        %swap3A_988 = arith.index_cast %scan3A_930 : i32 to index
        %swap3A_989 = arith.constant 48 : index
        %swap3A_990 = tpu.vector_load %arg7[%swap3A_987, %swap3A_988, %swap3A_989] {strides = array<i32>} : memref<2x50x128xf32, #tpu.memory_space<vmem>>, vector<1x1x16xf32>,
        %swap3A_991 = vector.shape_cast %swap3A_990 : vector<1x1x16xf32> to vector<16xf32>
        %swap3A_992 = vector.shape_cast %mul3A_985 : vector<16xf32> to vector<1x1x16xf32>
        tpu.vector_store %arg7[%swap3A_987, %swap3A_988, %swap3A_989], %swap3A_992 {strides = array<i32>} : memref<2x50x128xf32, #tpu.memory_space<vmem>>, vector<1x1x16xf32>,
        %get3A_993 = arith.constant 0 : i32
        %get3A_994 = arith.index_cast %get3A_993 : i32 to index
        %get3A_995 = arith.index_cast %scan3A_930 : i32 to index
        %get3A_996 = arith.constant 64 : index
        %get3A_997 = tpu.vector_load %arg7[%get3A_994, %get3A_995, %get3A_996] {strides = array<i32>} : memref<2x50x128xf32, #tpu.memory_space<vmem>>, vector<1x1x16xf32>,
        %get3A_998 = vector.shape_cast %get3A_997 : vector<1x1x16xf32> to vector<16xf32>
        %mul3A_999 = arith.constant 11.3137083 : f32
        %mul3A_1000 = vector.broadcast %mul3A_999 : f32 to vector<16xf32>
        %mul3A_1001 = arith.mulf %get3A_998, %mul3A_1000 : vector<16xf32>
        %swap3A_1002 = arith.constant 0 : i32
        %swap3A_1003 = arith.index_cast %swap3A_1002 : i32 to index
        %swap3A_1004 = arith.index_cast %scan3A_930 : i32 to index
        %swap3A_1005 = arith.constant 64 : index
        %swap3A_1006 = tpu.vector_load %arg7[%swap3A_1003, %swap3A_1004, %swap3A_1005] {strides = array<i32>} : memref<2x50x128xf32, #tpu.memory_space<vmem>>, vector<1x1x16xf32>,
        %swap3A_1007 = vector.shape_cast %swap3A_1006 : vector<1x1x16xf32> to vector<16xf32>
        %swap3A_1008 = vector.shape_cast %mul3A_1001 : vector<16xf32> to vector<1x1x16xf32>
        tpu.vector_store %arg7[%swap3A_1003, %swap3A_1004, %swap3A_1005], %swap3A_1008 {strides = array<i32>} : memref<2x50x128xf32, #tpu.memory_space<vmem>>, vector<1x1x16xf32>,
        %get3A_1009 = arith.constant 0 : i32
        %get3A_1010 = arith.index_cast %get3A_1009 : i32 to index
        %get3A_1011 = arith.index_cast %scan3A_930 : i32 to index
        %get3A_1012 = arith.constant 80 : index
        %get3A_1013 = tpu.vector_load %arg7[%get3A_1010, %get3A_1011, %get3A_1012] {strides = array<i32>} : memref<2x50x128xf32, #tpu.memory_space<vmem>>, vector<1x1x16xf32>,
        %get3A_1014 = vector.shape_cast %get3A_1013 : vector<1x1x16xf32> to vector<16xf32>
        %mul3A_1015 = arith.constant 11.3137083 : f32
        %mul3A_1016 = vector.broadcast %mul3A_1015 : f32 to vector<16xf32>
        %mul3A_1017 = arith.mulf %get3A_1014, %mul3A_1016 : vector<16xf32>
        %swap3A_1018 = arith.constant 0 : i32
        %swap3A_1019 = arith.index_cast %swap3A_1018 : i32 to index
        %swap3A_1020 = arith.index_cast %scan3A_930 : i32 to index
        %swap3A_1021 = arith.constant 80 : index
        %swap3A_1022 = tpu.vector_load %arg7[%swap3A_1019, %swap3A_1020, %swap3A_1021] {strides = array<i32>} : memref<2x50x128xf32, #tpu.memory_space<vmem>>, vector<1x1x16xf32>,
        %swap3A_1023 = vector.shape_cast %swap3A_1022 : vector<1x1x16xf32> to vector<16xf32>
        %swap3A_1024 = vector.shape_cast %mul3A_1017 : vector<16xf32> to vector<1x1x16xf32>
        tpu.vector_store %arg7[%swap3A_1019, %swap3A_1020, %swap3A_1021], %swap3A_1024 {strides = array<i32>} : memref<2x50x128xf32, #tpu.memory_space<vmem>>, vector<1x1x16xf32>,
        %get3A_1025 = arith.constant 0 : i32
        %get3A_1026 = arith.index_cast %get3A_1025 : i32 to index
        %get3A_1027 = arith.index_cast %scan3A_930 : i32 to index
        %get3A_1028 = arith.constant 96 : index
        %get3A_1029 = tpu.vector_load %arg7[%get3A_1026, %get3A_1027, %get3A_1028] {strides = array<i32>} : memref<2x50x128xf32, #tpu.memory_space<vmem>>, vector<1x1x16xf32>,
        %get3A_1030 = vector.shape_cast %get3A_1029 : vector<1x1x16xf32> to vector<16xf32>
        %mul3A_1031 = arith.constant 11.3137083 : f32
        %mul3A_1032 = vector.broadcast %mul3A_1031 : f32 to vector<16xf32>
        %mul3A_1033 = arith.mulf %get3A_1030, %mul3A_1032 : vector<16xf32>
        %swap3A_1034 = arith.constant 0 : i32
        %swap3A_1035 = arith.index_cast %swap3A_1034 : i32 to index
        %swap3A_1036 = arith.index_cast %scan3A_930 : i32 to index
        %swap3A_1037 = arith.constant 96 : index
        %swap3A_1038 = tpu.vector_load %arg7[%swap3A_1035, %swap3A_1036, %swap3A_1037] {strides = array<i32>} : memref<2x50x128xf32, #tpu.memory_space<vmem>>, vector<1x1x16xf32>,
        %swap3A_1039 = vector.shape_cast %swap3A_1038 : vector<1x1x16xf32> to vector<16xf32>
        %swap3A_1040 = vector.shape_cast %mul3A_1033 : vector<16xf32> to vector<1x1x16xf32>
        tpu.vector_store %arg7[%swap3A_1035, %swap3A_1036, %swap3A_1037], %swap3A_1040 {strides = array<i32>} : memref<2x50x128xf32, #tpu.memory_space<vmem>>, vector<1x1x16xf32>,
        %get3A_1041 = arith.constant 0 : i32
        %get3A_1042 = arith.index_cast %get3A_1041 : i32 to index
        %get3A_1043 = arith.index_cast %scan3A_930 : i32 to index
        %get3A_1044 = arith.constant 112 : index
        %get3A_1045 = tpu.vector_load %arg7[%get3A_1042, %get3A_1043, %get3A_1044] {strides = array<i32>} : memref<2x50x128xf32, #tpu.memory_space<vmem>>, vector<1x1x16xf32>,
        %get3A_1046 = vector.shape_cast %get3A_1045 : vector<1x1x16xf32> to vector<16xf32>
        %mul3A_1047 = arith.constant 11.3137083 : f32
        %mul3A_1048 = vector.broadcast %mul3A_1047 : f32 to vector<16xf32>
        %mul3A_1049 = arith.mulf %get3A_1046, %mul3A_1048 : vector<16xf32>
        %swap3A_1050 = arith.constant 0 : i32
        %swap3A_1051 = arith.index_cast %swap3A_1050 : i32 to index
        %swap3A_1052 = arith.index_cast %scan3A_930 : i32 to index
        %swap3A_1053 = arith.constant 112 : index
        %swap3A_1054 = tpu.vector_load %arg7[%swap3A_1051, %swap3A_1052, %swap3A_1053] {strides = array<i32>} : memref<2x50x128xf32, #tpu.memory_space<vmem>>, vector<1x1x16xf32>,
        %swap3A_1055 = vector.shape_cast %swap3A_1054 : vector<1x1x16xf32> to vector<16xf32>
        %swap3A_1056 = vector.shape_cast %mul3A_1049 : vector<16xf32> to vector<1x1x16xf32>
        tpu.vector_store %arg7[%swap3A_1051, %swap3A_1052, %swap3A_1053], %swap3A_1056 {strides = array<i32>} : memref<2x50x128xf32, #tpu.memory_space<vmem>>, vector<1x1x16xf32>,
        %get3A_1057 = arith.constant 1 : i32
        %get3A_1058 = arith.index_cast %get3A_1057 : i32 to index
        %get3A_1059 = arith.index_cast %scan3A_930 : i32 to index
        %get3A_1060 = arith.constant 0 : index
        %get3A_1061 = tpu.vector_load %arg7[%get3A_1058, %get3A_1059, %get3A_1060] {strides = array<i32>} : memref<2x50x128xf32, #tpu.memory_space<vmem>>, vector<1x1x16xf32>,
        %get3A_1062 = vector.shape_cast %get3A_1061 : vector<1x1x16xf32> to vector<16xf32>
        %mul3A_1063 = arith.constant 11.3137083 : f32
        %mul3A_1064 = vector.broadcast %mul3A_1063 : f32 to vector<16xf32>
        %mul3A_1065 = arith.mulf %get3A_1062, %mul3A_1064 : vector<16xf32>
        %swap3A_1066 = arith.constant 1 : i32
        %swap3A_1067 = arith.index_cast %swap3A_1066 : i32 to index
        %swap3A_1068 = arith.index_cast %scan3A_930 : i32 to index
        %swap3A_1069 = arith.constant 0 : index
        %swap3A_1070 = tpu.vector_load %arg7[%swap3A_1067, %swap3A_1068, %swap3A_1069] {strides = array<i32>} : memref<2x50x128xf32, #tpu.memory_space<vmem>>, vector<1x1x16xf32>,
        %swap3A_1071 = vector.shape_cast %swap3A_1070 : vector<1x1x16xf32> to vector<16xf32>
        %swap3A_1072 = vector.shape_cast %mul3A_1065 : vector<16xf32> to vector<1x1x16xf32>
        tpu.vector_store %arg7[%swap3A_1067, %swap3A_1068, %swap3A_1069], %swap3A_1072 {strides = array<i32>} : memref<2x50x128xf32, #tpu.memory_space<vmem>>, vector<1x1x16xf32>,
        %get3A_1073 = arith.constant 1 : i32
        %get3A_1074 = arith.index_cast %get3A_1073 : i32 to index
        %get3A_1075 = arith.index_cast %scan3A_930 : i32 to index
        %get3A_1076 = arith.constant 16 : index
        %get3A_1077 = tpu.vector_load %arg7[%get3A_1074, %get3A_1075, %get3A_1076] {strides = array<i32>} : memref<2x50x128xf32, #tpu.memory_space<vmem>>, vector<1x1x16xf32>,
        %get3A_1078 = vector.shape_cast %get3A_1077 : vector<1x1x16xf32> to vector<16xf32>
        %mul3A_1079 = arith.constant 11.3137083 : f32
        %mul3A_1080 = vector.broadcast %mul3A_1079 : f32 to vector<16xf32>
        %mul3A_1081 = arith.mulf %get3A_1078, %mul3A_1080 : vector<16xf32>
        %swap3A_1082 = arith.constant 1 : i32
        %swap3A_1083 = arith.index_cast %swap3A_1082 : i32 to index
        %swap3A_1084 = arith.index_cast %scan3A_930 : i32 to index
        %swap3A_1085 = arith.constant 16 : index
        %swap3A_1086 = tpu.vector_load %arg7[%swap3A_1083, %swap3A_1084, %swap3A_1085] {strides = array<i32>} : memref<2x50x128xf32, #tpu.memory_space<vmem>>, vector<1x1x16xf32>,
        %swap3A_1087 = vector.shape_cast %swap3A_1086 : vector<1x1x16xf32> to vector<16xf32>
        %swap3A_1088 = vector.shape_cast %mul3A_1081 : vector<16xf32> to vector<1x1x16xf32>
        tpu.vector_store %arg7[%swap3A_1083, %swap3A_1084, %swap3A_1085], %swap3A_1088 {strides = array<i32>} : memref<2x50x128xf32, #tpu.memory_space<vmem>>, vector<1x1x16xf32>,
        %get3A_1089 = arith.constant 1 : i32
        %get3A_1090 = arith.index_cast %get3A_1089 : i32 to index
        %get3A_1091 = arith.index_cast %scan3A_930 : i32 to index
        %get3A_1092 = arith.constant 32 : index
        %get3A_1093 = tpu.vector_load %arg7[%get3A_1090, %get3A_1091, %get3A_1092] {strides = array<i32>} : memref<2x50x128xf32, #tpu.memory_space<vmem>>, vector<1x1x16xf32>,
        %get3A_1094 = vector.shape_cast %get3A_1093 : vector<1x1x16xf32> to vector<16xf32>
        %mul3A_1095 = arith.constant 11.3137083 : f32
        %mul3A_1096 = vector.broadcast %mul3A_1095 : f32 to vector<16xf32>
        %mul3A_1097 = arith.mulf %get3A_1094, %mul3A_1096 : vector<16xf32>
        %swap3A_1098 = arith.constant 1 : i32
        %swap3A_1099 = arith.index_cast %swap3A_1098 : i32 to index
        %swap3A_1100 = arith.index_cast %scan3A_930 : i32 to index
        %swap3A_1101 = arith.constant 32 : index
        %swap3A_1102 = tpu.vector_load %arg7[%swap3A_1099, %swap3A_1100, %swap3A_1101] {strides = array<i32>} : memref<2x50x128xf32, #tpu.memory_space<vmem>>, vector<1x1x16xf32>,
        %swap3A_1103 = vector.shape_cast %swap3A_1102 : vector<1x1x16xf32> to vector<16xf32>
        %swap3A_1104 = vector.shape_cast %mul3A_1097 : vector<16xf32> to vector<1x1x16xf32>
        tpu.vector_store %arg7[%swap3A_1099, %swap3A_1100, %swap3A_1101], %swap3A_1104 {strides = array<i32>} : memref<2x50x128xf32, #tpu.memory_space<vmem>>, vector<1x1x16xf32>,
        %get3A_1105 = arith.constant 1 : i32
        %get3A_1106 = arith.index_cast %get3A_1105 : i32 to index
        %get3A_1107 = arith.index_cast %scan3A_930 : i32 to index
        %get3A_1108 = arith.constant 48 : index
        %get3A_1109 = tpu.vector_load %arg7[%get3A_1106, %get3A_1107, %get3A_1108] {strides = array<i32>} : memref<2x50x128xf32, #tpu.memory_space<vmem>>, vector<1x1x16xf32>,
        %get3A_1110 = vector.shape_cast %get3A_1109 : vector<1x1x16xf32> to vector<16xf32>
        %mul3A_1111 = arith.constant 11.3137083 : f32
        %mul3A_1112 = vector.broadcast %mul3A_1111 : f32 to vector<16xf32>
        %mul3A_1113 = arith.mulf %get3A_1110, %mul3A_1112 : vector<16xf32>
        %swap3A_1114 = arith.constant 1 : i32
        %swap3A_1115 = arith.index_cast %swap3A_1114 : i32 to index
        %swap3A_1116 = arith.index_cast %scan3A_930 : i32 to index
        %swap3A_1117 = arith.constant 48 : index
        %swap3A_1118 = tpu.vector_load %arg7[%swap3A_1115, %swap3A_1116, %swap3A_1117] {strides = array<i32>} : memref<2x50x128xf32, #tpu.memory_space<vmem>>, vector<1x1x16xf32>,
        %swap3A_1119 = vector.shape_cast %swap3A_1118 : vector<1x1x16xf32> to vector<16xf32>
        %swap3A_1120 = vector.shape_cast %mul3A_1113 : vector<16xf32> to vector<1x1x16xf32>
        tpu.vector_store %arg7[%swap3A_1115, %swap3A_1116, %swap3A_1117], %swap3A_1120 {strides = array<i32>} : memref<2x50x128xf32, #tpu.memory_space<vmem>>, vector<1x1x16xf32>,
        %get3A_1121 = arith.constant 1 : i32
        %get3A_1122 = arith.index_cast %get3A_1121 : i32 to index
        %get3A_1123 = arith.index_cast %scan3A_930 : i32 to index
        %get3A_1124 = arith.constant 64 : index
        %get3A_1125 = tpu.vector_load %arg7[%get3A_1122, %get3A_1123, %get3A_1124] {strides = array<i32>} : memref<2x50x128xf32, #tpu.memory_space<vmem>>, vector<1x1x16xf32>,
        %get3A_1126 = vector.shape_cast %get3A_1125 : vector<1x1x16xf32> to vector<16xf32>
        %mul3A_1127 = arith.constant 11.3137083 : f32
        %mul3A_1128 = vector.broadcast %mul3A_1127 : f32 to vector<16xf32>
        %mul3A_1129 = arith.mulf %get3A_1126, %mul3A_1128 : vector<16xf32>
        %swap3A_1130 = arith.constant 1 : i32
        %swap3A_1131 = arith.index_cast %swap3A_1130 : i32 to index
        %swap3A_1132 = arith.index_cast %scan3A_930 : i32 to index
        %swap3A_1133 = arith.constant 64 : index
        %swap3A_1134 = tpu.vector_load %arg7[%swap3A_1131, %swap3A_1132, %swap3A_1133] {strides = array<i32>} : memref<2x50x128xf32, #tpu.memory_space<vmem>>, vector<1x1x16xf32>,
        %swap3A_1135 = vector.shape_cast %swap3A_1134 : vector<1x1x16xf32> to vector<16xf32>
        %swap3A_1136 = vector.shape_cast %mul3A_1129 : vector<16xf32> to vector<1x1x16xf32>
        tpu.vector_store %arg7[%swap3A_1131, %swap3A_1132, %swap3A_1133], %swap3A_1136 {strides = array<i32>} : memref<2x50x128xf32, #tpu.memory_space<vmem>>, vector<1x1x16xf32>,
        %get3A_1137 = arith.constant 1 : i32
        %get3A_1138 = arith.index_cast %get3A_1137 : i32 to index
        %get3A_1139 = arith.index_cast %scan3A_930 : i32 to index
        %get3A_1140 = arith.constant 80 : index
        %get3A_1141 = tpu.vector_load %arg7[%get3A_1138, %get3A_1139, %get3A_1140] {strides = array<i32>} : memref<2x50x128xf32, #tpu.memory_space<vmem>>, vector<1x1x16xf32>,
        %get3A_1142 = vector.shape_cast %get3A_1141 : vector<1x1x16xf32> to vector<16xf32>
        %mul3A_1143 = arith.constant 11.3137083 : f32
        %mul3A_1144 = vector.broadcast %mul3A_1143 : f32 to vector<16xf32>
        %mul3A_1145 = arith.mulf %get3A_1142, %mul3A_1144 : vector<16xf32>
        %swap3A_1146 = arith.constant 1 : i32
        %swap3A_1147 = arith.index_cast %swap3A_1146 : i32 to index
        %swap3A_1148 = arith.index_cast %scan3A_930 : i32 to index
        %swap3A_1149 = arith.constant 80 : index
        %swap3A_1150 = tpu.vector_load %arg7[%swap3A_1147, %swap3A_1148, %swap3A_1149] {strides = array<i32>} : memref<2x50x128xf32, #tpu.memory_space<vmem>>, vector<1x1x16xf32>,
        %swap3A_1151 = vector.shape_cast %swap3A_1150 : vector<1x1x16xf32> to vector<16xf32>
        %swap3A_1152 = vector.shape_cast %mul3A_1145 : vector<16xf32> to vector<1x1x16xf32>
        tpu.vector_store %arg7[%swap3A_1147, %swap3A_1148, %swap3A_1149], %swap3A_1152 {strides = array<i32>} : memref<2x50x128xf32, #tpu.memory_space<vmem>>, vector<1x1x16xf32>,
        %get3A_1153 = arith.constant 1 : i32
        %get3A_1154 = arith.index_cast %get3A_1153 : i32 to index
        %get3A_1155 = arith.index_cast %scan3A_930 : i32 to index
        %get3A_1156 = arith.constant 96 : index
        %get3A_1157 = tpu.vector_load %arg7[%get3A_1154, %get3A_1155, %get3A_1156] {strides = array<i32>} : memref<2x50x128xf32, #tpu.memory_space<vmem>>, vector<1x1x16xf32>,
        %get3A_1158 = vector.shape_cast %get3A_1157 : vector<1x1x16xf32> to vector<16xf32>
        %mul3A_1159 = arith.constant 11.3137083 : f32
        %mul3A_1160 = vector.broadcast %mul3A_1159 : f32 to vector<16xf32>
        %mul3A_1161 = arith.mulf %get3A_1158, %mul3A_1160 : vector<16xf32>
        %swap3A_1162 = arith.constant 1 : i32
        %swap3A_1163 = arith.index_cast %swap3A_1162 : i32 to index
        %swap3A_1164 = arith.index_cast %scan3A_930 : i32 to index
        %swap3A_1165 = arith.constant 96 : index
        %swap3A_1166 = tpu.vector_load %arg7[%swap3A_1163, %swap3A_1164, %swap3A_1165] {strides = array<i32>} : memref<2x50x128xf32, #tpu.memory_space<vmem>>, vector<1x1x16xf32>,
        %swap3A_1167 = vector.shape_cast %swap3A_1166 : vector<1x1x16xf32> to vector<16xf32>
        %swap3A_1168 = vector.shape_cast %mul3A_1161 : vector<16xf32> to vector<1x1x16xf32>
        tpu.vector_store %arg7[%swap3A_1163, %swap3A_1164, %swap3A_1165], %swap3A_1168 {strides = array<i32>} : memref<2x50x128xf32, #tpu.memory_space<vmem>>, vector<1x1x16xf32>,
        %get3A_1169 = arith.constant 1 : i32
        %get3A_1170 = arith.index_cast %get3A_1169 : i32 to index
        %get3A_1171 = arith.index_cast %scan3A_930 : i32 to index
        %get3A_1172 = arith.constant 112 : index
        %get3A_1173 = tpu.vector_load %arg7[%get3A_1170, %get3A_1171, %get3A_1172] {strides = array<i32>} : memref<2x50x128xf32, #tpu.memory_space<vmem>>, vector<1x1x16xf32>,
        %get3A_1174 = vector.shape_cast %get3A_1173 : vector<1x1x16xf32> to vector<16xf32>
        %mul3A_1175 = arith.constant 11.3137083 : f32
        %mul3A_1176 = vector.broadcast %mul3A_1175 : f32 to vector<16xf32>
        %mul3A_1177 = arith.mulf %get3A_1174, %mul3A_1176 : vector<16xf32>
        %swap3A_1178 = arith.constant 1 : i32
        %swap3A_1179 = arith.index_cast %swap3A_1178 : i32 to index
        %swap3A_1180 = arith.index_cast %scan3A_930 : i32 to index
        %swap3A_1181 = arith.constant 112 : index
        %swap3A_1182 = tpu.vector_load %arg7[%swap3A_1179, %swap3A_1180, %swap3A_1181] {strides = array<i32>} : memref<2x50x128xf32, #tpu.memory_space<vmem>>, vector<1x1x16xf32>,
        %swap3A_1183 = vector.shape_cast %swap3A_1182 : vector<1x1x16xf32> to vector<16xf32>
        %swap3A_1184 = vector.shape_cast %mul3A_1177 : vector<16xf32> to vector<1x1x16xf32>
        tpu.vector_store %arg7[%swap3A_1179, %swap3A_1180, %swap3A_1181], %swap3A_1184 {strides = array<i32>} : memref<2x50x128xf32, #tpu.memory_space<vmem>>, vector<1x1x16xf32>,
      }
      %scan3A_920 = arith.constant 50 : i32
      %mul3A_921 = arith.constant 2 : i32
      %mul3A_922 = arith.muli %add3A_841, %mul3A_921 : i32
      %add3A_923 = arith.addi %mul3A_2, %mul3A_922 : i32
      %dma_start3A_924 = arith.constant 0 : i32
      %dma_start3A_925 = arith.constant 0 : i32
      %dma_start3A_926 = tpu.memref_slice %arg4[%add3A_923, %dma_start3A_924, %dma_start3A_925] : memref<4096x50x128xf32, #tpu.memory_space<hbm>> -> memref<2x50x128xf32, #tpu.memory_space<hbm>>
      %dma_start3A_927 = arith.constant 0 : i32
      %dma_start3A_928 = arith.constant 0 : i32
      %dma_start3A_929 = tpu.memref_slice %arg4[%add3A_923, %dma_start3A_927, %dma_start3A_928] : memref<4096x50x128xf32, #tpu.memory_space<hbm>> -> memref<2x50x128xf32, #tpu.memory_space<hbm>>
      tpu.enqueue_dma source(%arg7 : memref<2x50x128xf32, #tpu.memory_space<vmem>>) target(%dma_start3A_929 : memref<2x50x128xf32, #tpu.memory_space<hbm>>) target_semaphore(%arg15 : memref<!tpu.dma_semaphore, #tpu.memory_space<semaphore_mem>>)
    }
    %scan3A_177 = arith.constant 14 : i32
    %add3A_178 = arith.constant 112 : i32
    %add3A_179 = arith.addi %mul3A_2, %add3A_178 : i32
    %dma_wait3A_180 = arith.constant 0 : i32
    %dma_wait3A_181 = arith.constant 0 : i32
    %dma_wait3A_182 = tpu.memref_slice %arg4[%add3A_179, %dma_wait3A_180, %dma_wait3A_181] : memref<4096x50x128xf32, #tpu.memory_space<hbm>> -> memref<2x50x128xf32, #tpu.memory_space<hbm>>
    %dma_wait3A_183 = arith.constant 0 : i32
    %dma_wait3A_184 = arith.constant 0 : i32
    %dma_wait3A_185 = tpu.memref_slice %arg4[%add3A_179, %dma_wait3A_183, %dma_wait3A_184] : memref<4096x50x128xf32, #tpu.memory_space<hbm>> -> memref<2x50x128xf32, #tpu.memory_space<hbm>>
    tpu.wait_dma2 semaphore(%arg14 : memref<!tpu.dma_semaphore, #tpu.memory_space<semaphore_mem>>) src(%arg6 : memref<2x50x128xf32, #tpu.memory_space<vmem>>) dst(%dma_wait3A_185 : memref<2x50x128xf32, #tpu.memory_space<hbm>>)
    %dma_start3A_186 = arith.constant 120 : i32
    %dma_start3A_187 = arith.constant 0 : i32
    %dma_start3A_188 = arith.constant 0 : i32
    %dma_start3A_189 = arith.constant 0 : i32
    %dma_start3A_190 = tpu.memref_slice %arg6[%dma_start3A_187, %dma_start3A_188, %dma_start3A_189] : memref<2x50x128xf32, #tpu.memory_space<vmem>> -> memref<1x50x128xf32, #tpu.memory_space<vmem>>
    %dma_start3A_191 = tpu.memref_squeeze %dma_start3A_190 : memref<1x50x128xf32, #tpu.memory_space<vmem>> -> memref<50x128xf32, #tpu.memory_space<vmem>>
    %dma_start3A_192 = arith.constant 0 : i32
    %dma_start3A_193 = tpu.memref_slice %arg5[%dma_start3A_186, %dma_start3A_192] : memref<128x50xi32, #tpu.memory_space<vmem>> -> memref<1x50xi32, #tpu.memory_space<vmem>>
    %dma_start3A_194 = tpu.memref_squeeze %dma_start3A_193 : memref<1x50xi32, #tpu.memory_space<vmem>> -> memref<50xi32, #tpu.memory_space<vmem>>
    %dma_start3A_195 = arith.constant 0 : i32
    %dma_start3A_196 = arith.constant 0 : i32
    %dma_start3A_197 = tpu.memref_slice %arg2[%dma_start3A_195, %dma_start3A_196] : memref<100000x128xf32, #tpu.memory_space<hbm>> -> memref<100000x128xf32, #tpu.memory_space<hbm>>
    tpu.enqueue_indirect_dma source(%dma_start3A_197 : memref<100000x128xf32, #tpu.memory_space<hbm>>) target(%dma_start3A_191 : memref<50x128xf32, #tpu.memory_space<vmem>>) offsets(%dma_start3A_194 : memref<50xi32, #tpu.memory_space<vmem>>) semaphore(%arg10 : memref<!tpu.dma_semaphore, #tpu.memory_space<semaphore_mem>>)
    %dma_start3A_198 = arith.constant 121 : i32
    %dma_start3A_199 = arith.constant 1 : i32
    %dma_start3A_200 = arith.constant 0 : i32
    %dma_start3A_201 = arith.constant 0 : i32
    %dma_start3A_202 = tpu.memref_slice %arg6[%dma_start3A_199, %dma_start3A_200, %dma_start3A_201] : memref<2x50x128xf32, #tpu.memory_space<vmem>> -> memref<1x50x128xf32, #tpu.memory_space<vmem>>
    %dma_start3A_203 = tpu.memref_squeeze %dma_start3A_202 : memref<1x50x128xf32, #tpu.memory_space<vmem>> -> memref<50x128xf32, #tpu.memory_space<vmem>>
    %dma_start3A_204 = arith.constant 0 : i32
    %dma_start3A_205 = tpu.memref_slice %arg5[%dma_start3A_198, %dma_start3A_204] : memref<128x50xi32, #tpu.memory_space<vmem>> -> memref<1x50xi32, #tpu.memory_space<vmem>>
    %dma_start3A_206 = tpu.memref_squeeze %dma_start3A_205 : memref<1x50xi32, #tpu.memory_space<vmem>> -> memref<50xi32, #tpu.memory_space<vmem>>
    %dma_start3A_207 = arith.constant 0 : i32
    %dma_start3A_208 = arith.constant 0 : i32
    %dma_start3A_209 = tpu.memref_slice %arg2[%dma_start3A_207, %dma_start3A_208] : memref<100000x128xf32, #tpu.memory_space<hbm>> -> memref<100000x128xf32, #tpu.memory_space<hbm>>
    tpu.enqueue_indirect_dma source(%dma_start3A_209 : memref<100000x128xf32, #tpu.memory_space<hbm>>) target(%dma_start3A_203 : memref<50x128xf32, #tpu.memory_space<vmem>>) offsets(%dma_start3A_206 : memref<50xi32, #tpu.memory_space<vmem>>) semaphore(%arg10 : memref<!tpu.dma_semaphore, #tpu.memory_space<semaphore_mem>>)
    %dma_wait3A_210 = arith.constant 116 : i32
    %dma_wait3A_211 = arith.constant 0 : i32
    %dma_wait3A_212 = arith.constant 0 : i32
    %dma_wait3A_213 = arith.constant 0 : i32
    %dma_wait3A_214 = tpu.memref_slice %arg8[%dma_wait3A_211, %dma_wait3A_212, %dma_wait3A_213] : memref<2x50x128xf32, #tpu.memory_space<vmem>> -> memref<1x50x128xf32, #tpu.memory_space<vmem>>
    %dma_wait3A_215 = tpu.memref_squeeze %dma_wait3A_214 : memref<1x50x128xf32, #tpu.memory_space<vmem>> -> memref<50x128xf32, #tpu.memory_space<vmem>>
    %dma_wait3A_216 = arith.constant 0 : i32
    %dma_wait3A_217 = tpu.memref_slice %arg5[%dma_wait3A_210, %dma_wait3A_216] : memref<128x50xi32, #tpu.memory_space<vmem>> -> memref<1x50xi32, #tpu.memory_space<vmem>>
    %dma_wait3A_218 = tpu.memref_squeeze %dma_wait3A_217 : memref<1x50xi32, #tpu.memory_space<vmem>> -> memref<50xi32, #tpu.memory_space<vmem>>
    %dma_wait3A_219 = arith.constant 0 : i32
    %dma_wait3A_220 = arith.constant 0 : i32
    %dma_wait3A_221 = tpu.memref_slice %arg2[%dma_wait3A_219, %dma_wait3A_220] : memref<100000x128xf32, #tpu.memory_space<hbm>> -> memref<100000x128xf32, #tpu.memory_space<hbm>>
    tpu.wait_indirect_dma semaphore(%arg12 : memref<!tpu.dma_semaphore, #tpu.memory_space<semaphore_mem>>) src(%dma_wait3A_221 : memref<100000x128xf32, #tpu.memory_space<hbm>>) dst(%dma_wait3A_215 : memref<50x128xf32, #tpu.memory_space<vmem>>)
    %dma_wait3A_222 = arith.constant 117 : i32
    %dma_wait3A_223 = arith.constant 1 : i32
    %dma_wait3A_224 = arith.constant 0 : i32
    %dma_wait3A_225 = arith.constant 0 : i32
    %dma_wait3A_226 = tpu.memref_slice %arg8[%dma_wait3A_223, %dma_wait3A_224, %dma_wait3A_225] : memref<2x50x128xf32, #tpu.memory_space<vmem>> -> memref<1x50x128xf32, #tpu.memory_space<vmem>>
    %dma_wait3A_227 = tpu.memref_squeeze %dma_wait3A_226 : memref<1x50x128xf32, #tpu.memory_space<vmem>> -> memref<50x128xf32, #tpu.memory_space<vmem>>
    %dma_wait3A_228 = arith.constant 0 : i32
    %dma_wait3A_229 = tpu.memref_slice %arg5[%dma_wait3A_222, %dma_wait3A_228] : memref<128x50xi32, #tpu.memory_space<vmem>> -> memref<1x50xi32, #tpu.memory_space<vmem>>
    %dma_wait3A_230 = tpu.memref_squeeze %dma_wait3A_229 : memref<1x50xi32, #tpu.memory_space<vmem>> -> memref<50xi32, #tpu.memory_space<vmem>>
    %dma_wait3A_231 = arith.constant 0 : i32
    %dma_wait3A_232 = arith.constant 0 : i32
    %dma_wait3A_233 = tpu.memref_slice %arg2[%dma_wait3A_231, %dma_wait3A_232] : memref<100000x128xf32, #tpu.memory_space<hbm>> -> memref<100000x128xf32, #tpu.memory_space<hbm>>
    tpu.wait_indirect_dma semaphore(%arg12 : memref<!tpu.dma_semaphore, #tpu.memory_space<semaphore_mem>>) src(%dma_wait3A_233 : memref<100000x128xf32, #tpu.memory_space<hbm>>) dst(%dma_wait3A_227 : memref<50x128xf32, #tpu.memory_space<vmem>>)
    %scan3A_234 = arith.constant 0 : i32
    %scan3A_235 = arith.constant 0 : i32
    %scan3A_236 = arith.constant 50 : i32
    %scan3A_237 = arith.addi %scan3A_235, %scan3A_236 : i32
    %scan3A_238 = arith.constant 1 : i32
    scf.for %scan3A_566 = %scan3A_235 to %scan3A_237 step %scan3A_238  : i32 {
      %get3A = arith.constant 0 : i32
      %get3A_567 = arith.index_cast %get3A : i32 to index
      %get3A_568 = arith.index_cast %scan3A_566 : i32 to index
      %get3A_569 = arith.constant 0 : index
      %get3A_570 = tpu.vector_load %arg8[%get3A_567, %get3A_568, %get3A_569] {strides = array<i32>} : memref<2x50x128xf32, #tpu.memory_space<vmem>>, vector<1x1x16xf32>,
      %get3A_571 = vector.shape_cast %get3A_570 : vector<1x1x16xf32> to vector<16xf32>
      %mul3A_572 = arith.constant 11.3137083 : f32
      %mul3A_573 = vector.broadcast %mul3A_572 : f32 to vector<16xf32>
      %mul3A_574 = arith.mulf %get3A_571, %mul3A_573 : vector<16xf32>
      %swap3A = arith.constant 0 : i32
      %swap3A_575 = arith.index_cast %swap3A : i32 to index
      %swap3A_576 = arith.index_cast %scan3A_566 : i32 to index
      %swap3A_577 = arith.constant 0 : index
      %swap3A_578 = tpu.vector_load %arg8[%swap3A_575, %swap3A_576, %swap3A_577] {strides = array<i32>} : memref<2x50x128xf32, #tpu.memory_space<vmem>>, vector<1x1x16xf32>,
      %swap3A_579 = vector.shape_cast %swap3A_578 : vector<1x1x16xf32> to vector<16xf32>
      %swap3A_580 = vector.shape_cast %mul3A_574 : vector<16xf32> to vector<1x1x16xf32>
      tpu.vector_store %arg8[%swap3A_575, %swap3A_576, %swap3A_577], %swap3A_580 {strides = array<i32>} : memref<2x50x128xf32, #tpu.memory_space<vmem>>, vector<1x1x16xf32>,
      %get3A_581 = arith.constant 0 : i32
      %get3A_582 = arith.index_cast %get3A_581 : i32 to index
      %get3A_583 = arith.index_cast %scan3A_566 : i32 to index
      %get3A_584 = arith.constant 16 : index
      %get3A_585 = tpu.vector_load %arg8[%get3A_582, %get3A_583, %get3A_584] {strides = array<i32>} : memref<2x50x128xf32, #tpu.memory_space<vmem>>, vector<1x1x16xf32>,
      %get3A_586 = vector.shape_cast %get3A_585 : vector<1x1x16xf32> to vector<16xf32>
      %mul3A_587 = arith.constant 11.3137083 : f32
      %mul3A_588 = vector.broadcast %mul3A_587 : f32 to vector<16xf32>
      %mul3A_589 = arith.mulf %get3A_586, %mul3A_588 : vector<16xf32>
      %swap3A_590 = arith.constant 0 : i32
      %swap3A_591 = arith.index_cast %swap3A_590 : i32 to index
      %swap3A_592 = arith.index_cast %scan3A_566 : i32 to index
      %swap3A_593 = arith.constant 16 : index
      %swap3A_594 = tpu.vector_load %arg8[%swap3A_591, %swap3A_592, %swap3A_593] {strides = array<i32>} : memref<2x50x128xf32, #tpu.memory_space<vmem>>, vector<1x1x16xf32>,
      %swap3A_595 = vector.shape_cast %swap3A_594 : vector<1x1x16xf32> to vector<16xf32>
      %swap3A_596 = vector.shape_cast %mul3A_589 : vector<16xf32> to vector<1x1x16xf32>
      tpu.vector_store %arg8[%swap3A_591, %swap3A_592, %swap3A_593], %swap3A_596 {strides = array<i32>} : memref<2x50x128xf32, #tpu.memory_space<vmem>>, vector<1x1x16xf32>,
      %get3A_597 = arith.constant 0 : i32
      %get3A_598 = arith.index_cast %get3A_597 : i32 to index
      %get3A_599 = arith.index_cast %scan3A_566 : i32 to index
      %get3A_600 = arith.constant 32 : index
      %get3A_601 = tpu.vector_load %arg8[%get3A_598, %get3A_599, %get3A_600] {strides = array<i32>} : memref<2x50x128xf32, #tpu.memory_space<vmem>>, vector<1x1x16xf32>,
      %get3A_602 = vector.shape_cast %get3A_601 : vector<1x1x16xf32> to vector<16xf32>
      %mul3A_603 = arith.constant 11.3137083 : f32
      %mul3A_604 = vector.broadcast %mul3A_603 : f32 to vector<16xf32>
      %mul3A_605 = arith.mulf %get3A_602, %mul3A_604 : vector<16xf32>
      %swap3A_606 = arith.constant 0 : i32
      %swap3A_607 = arith.index_cast %swap3A_606 : i32 to index
      %swap3A_608 = arith.index_cast %scan3A_566 : i32 to index
      %swap3A_609 = arith.constant 32 : index
      %swap3A_610 = tpu.vector_load %arg8[%swap3A_607, %swap3A_608, %swap3A_609] {strides = array<i32>} : memref<2x50x128xf32, #tpu.memory_space<vmem>>, vector<1x1x16xf32>,
      %swap3A_611 = vector.shape_cast %swap3A_610 : vector<1x1x16xf32> to vector<16xf32>
      %swap3A_612 = vector.shape_cast %mul3A_605 : vector<16xf32> to vector<1x1x16xf32>
      tpu.vector_store %arg8[%swap3A_607, %swap3A_608, %swap3A_609], %swap3A_612 {strides = array<i32>} : memref<2x50x128xf32, #tpu.memory_space<vmem>>, vector<1x1x16xf32>,
      %get3A_613 = arith.constant 0 : i32
      %get3A_614 = arith.index_cast %get3A_613 : i32 to index
      %get3A_615 = arith.index_cast %scan3A_566 : i32 to index
      %get3A_616 = arith.constant 48 : index
      %get3A_617 = tpu.vector_load %arg8[%get3A_614, %get3A_615, %get3A_616] {strides = array<i32>} : memref<2x50x128xf32, #tpu.memory_space<vmem>>, vector<1x1x16xf32>,
      %get3A_618 = vector.shape_cast %get3A_617 : vector<1x1x16xf32> to vector<16xf32>
      %mul3A_619 = arith.constant 11.3137083 : f32
      %mul3A_620 = vector.broadcast %mul3A_619 : f32 to vector<16xf32>
      %mul3A_621 = arith.mulf %get3A_618, %mul3A_620 : vector<16xf32>
      %swap3A_622 = arith.constant 0 : i32
      %swap3A_623 = arith.index_cast %swap3A_622 : i32 to index
      %swap3A_624 = arith.index_cast %scan3A_566 : i32 to index
      %swap3A_625 = arith.constant 48 : index
      %swap3A_626 = tpu.vector_load %arg8[%swap3A_623, %swap3A_624, %swap3A_625] {strides = array<i32>} : memref<2x50x128xf32, #tpu.memory_space<vmem>>, vector<1x1x16xf32>,
      %swap3A_627 = vector.shape_cast %swap3A_626 : vector<1x1x16xf32> to vector<16xf32>
      %swap3A_628 = vector.shape_cast %mul3A_621 : vector<16xf32> to vector<1x1x16xf32>
      tpu.vector_store %arg8[%swap3A_623, %swap3A_624, %swap3A_625], %swap3A_628 {strides = array<i32>} : memref<2x50x128xf32, #tpu.memory_space<vmem>>, vector<1x1x16xf32>,
      %get3A_629 = arith.constant 0 : i32
      %get3A_630 = arith.index_cast %get3A_629 : i32 to index
      %get3A_631 = arith.index_cast %scan3A_566 : i32 to index
      %get3A_632 = arith.constant 64 : index
      %get3A_633 = tpu.vector_load %arg8[%get3A_630, %get3A_631, %get3A_632] {strides = array<i32>} : memref<2x50x128xf32, #tpu.memory_space<vmem>>, vector<1x1x16xf32>,
      %get3A_634 = vector.shape_cast %get3A_633 : vector<1x1x16xf32> to vector<16xf32>
      %mul3A_635 = arith.constant 11.3137083 : f32
      %mul3A_636 = vector.broadcast %mul3A_635 : f32 to vector<16xf32>
      %mul3A_637 = arith.mulf %get3A_634, %mul3A_636 : vector<16xf32>
      %swap3A_638 = arith.constant 0 : i32
      %swap3A_639 = arith.index_cast %swap3A_638 : i32 to index
      %swap3A_640 = arith.index_cast %scan3A_566 : i32 to index
      %swap3A_641 = arith.constant 64 : index
      %swap3A_642 = tpu.vector_load %arg8[%swap3A_639, %swap3A_640, %swap3A_641] {strides = array<i32>} : memref<2x50x128xf32, #tpu.memory_space<vmem>>, vector<1x1x16xf32>,
      %swap3A_643 = vector.shape_cast %swap3A_642 : vector<1x1x16xf32> to vector<16xf32>
      %swap3A_644 = vector.shape_cast %mul3A_637 : vector<16xf32> to vector<1x1x16xf32>
      tpu.vector_store %arg8[%swap3A_639, %swap3A_640, %swap3A_641], %swap3A_644 {strides = array<i32>} : memref<2x50x128xf32, #tpu.memory_space<vmem>>, vector<1x1x16xf32>,
      %get3A_645 = arith.constant 0 : i32
      %get3A_646 = arith.index_cast %get3A_645 : i32 to index
      %get3A_647 = arith.index_cast %scan3A_566 : i32 to index
      %get3A_648 = arith.constant 80 : index
      %get3A_649 = tpu.vector_load %arg8[%get3A_646, %get3A_647, %get3A_648] {strides = array<i32>} : memref<2x50x128xf32, #tpu.memory_space<vmem>>, vector<1x1x16xf32>,
      %get3A_650 = vector.shape_cast %get3A_649 : vector<1x1x16xf32> to vector<16xf32>
      %mul3A_651 = arith.constant 11.3137083 : f32
      %mul3A_652 = vector.broadcast %mul3A_651 : f32 to vector<16xf32>
      %mul3A_653 = arith.mulf %get3A_650, %mul3A_652 : vector<16xf32>
      %swap3A_654 = arith.constant 0 : i32
      %swap3A_655 = arith.index_cast %swap3A_654 : i32 to index
      %swap3A_656 = arith.index_cast %scan3A_566 : i32 to index
      %swap3A_657 = arith.constant 80 : index
      %swap3A_658 = tpu.vector_load %arg8[%swap3A_655, %swap3A_656, %swap3A_657] {strides = array<i32>} : memref<2x50x128xf32, #tpu.memory_space<vmem>>, vector<1x1x16xf32>,
      %swap3A_659 = vector.shape_cast %swap3A_658 : vector<1x1x16xf32> to vector<16xf32>
      %swap3A_660 = vector.shape_cast %mul3A_653 : vector<16xf32> to vector<1x1x16xf32>
      tpu.vector_store %arg8[%swap3A_655, %swap3A_656, %swap3A_657], %swap3A_660 {strides = array<i32>} : memref<2x50x128xf32, #tpu.memory_space<vmem>>, vector<1x1x16xf32>,
      %get3A_661 = arith.constant 0 : i32
      %get3A_662 = arith.index_cast %get3A_661 : i32 to index
      %get3A_663 = arith.index_cast %scan3A_566 : i32 to index
      %get3A_664 = arith.constant 96 : index
      %get3A_665 = tpu.vector_load %arg8[%get3A_662, %get3A_663, %get3A_664] {strides = array<i32>} : memref<2x50x128xf32, #tpu.memory_space<vmem>>, vector<1x1x16xf32>,
      %get3A_666 = vector.shape_cast %get3A_665 : vector<1x1x16xf32> to vector<16xf32>
      %mul3A_667 = arith.constant 11.3137083 : f32
      %mul3A_668 = vector.broadcast %mul3A_667 : f32 to vector<16xf32>
      %mul3A_669 = arith.mulf %get3A_666, %mul3A_668 : vector<16xf32>
      %swap3A_670 = arith.constant 0 : i32
      %swap3A_671 = arith.index_cast %swap3A_670 : i32 to index
      %swap3A_672 = arith.index_cast %scan3A_566 : i32 to index
      %swap3A_673 = arith.constant 96 : index
      %swap3A_674 = tpu.vector_load %arg8[%swap3A_671, %swap3A_672, %swap3A_673] {strides = array<i32>} : memref<2x50x128xf32, #tpu.memory_space<vmem>>, vector<1x1x16xf32>,
      %swap3A_675 = vector.shape_cast %swap3A_674 : vector<1x1x16xf32> to vector<16xf32>
      %swap3A_676 = vector.shape_cast %mul3A_669 : vector<16xf32> to vector<1x1x16xf32>
      tpu.vector_store %arg8[%swap3A_671, %swap3A_672, %swap3A_673], %swap3A_676 {strides = array<i32>} : memref<2x50x128xf32, #tpu.memory_space<vmem>>, vector<1x1x16xf32>,
      %get3A_677 = arith.constant 0 : i32
      %get3A_678 = arith.index_cast %get3A_677 : i32 to index
      %get3A_679 = arith.index_cast %scan3A_566 : i32 to index
      %get3A_680 = arith.constant 112 : index
      %get3A_681 = tpu.vector_load %arg8[%get3A_678, %get3A_679, %get3A_680] {strides = array<i32>} : memref<2x50x128xf32, #tpu.memory_space<vmem>>, vector<1x1x16xf32>,
      %get3A_682 = vector.shape_cast %get3A_681 : vector<1x1x16xf32> to vector<16xf32>
      %mul3A_683 = arith.constant 11.3137083 : f32
      %mul3A_684 = vector.broadcast %mul3A_683 : f32 to vector<16xf32>
      %mul3A_685 = arith.mulf %get3A_682, %mul3A_684 : vector<16xf32>
      %swap3A_686 = arith.constant 0 : i32
      %swap3A_687 = arith.index_cast %swap3A_686 : i32 to index
      %swap3A_688 = arith.index_cast %scan3A_566 : i32 to index
      %swap3A_689 = arith.constant 112 : index
      %swap3A_690 = tpu.vector_load %arg8[%swap3A_687, %swap3A_688, %swap3A_689] {strides = array<i32>} : memref<2x50x128xf32, #tpu.memory_space<vmem>>, vector<1x1x16xf32>,
      %swap3A_691 = vector.shape_cast %swap3A_690 : vector<1x1x16xf32> to vector<16xf32>
      %swap3A_692 = vector.shape_cast %mul3A_685 : vector<16xf32> to vector<1x1x16xf32>
      tpu.vector_store %arg8[%swap3A_687, %swap3A_688, %swap3A_689], %swap3A_692 {strides = array<i32>} : memref<2x50x128xf32, #tpu.memory_space<vmem>>, vector<1x1x16xf32>,
      %get3A_693 = arith.constant 1 : i32
      %get3A_694 = arith.index_cast %get3A_693 : i32 to index
      %get3A_695 = arith.index_cast %scan3A_566 : i32 to index
      %get3A_696 = arith.constant 0 : index
      %get3A_697 = tpu.vector_load %arg8[%get3A_694, %get3A_695, %get3A_696] {strides = array<i32>} : memref<2x50x128xf32, #tpu.memory_space<vmem>>, vector<1x1x16xf32>,
      %get3A_698 = vector.shape_cast %get3A_697 : vector<1x1x16xf32> to vector<16xf32>
      %mul3A_699 = arith.constant 11.3137083 : f32
      %mul3A_700 = vector.broadcast %mul3A_699 : f32 to vector<16xf32>
      %mul3A_701 = arith.mulf %get3A_698, %mul3A_700 : vector<16xf32>
      %swap3A_702 = arith.constant 1 : i32
      %swap3A_703 = arith.index_cast %swap3A_702 : i32 to index
      %swap3A_704 = arith.index_cast %scan3A_566 : i32 to index
      %swap3A_705 = arith.constant 0 : index
      %swap3A_706 = tpu.vector_load %arg8[%swap3A_703, %swap3A_704, %swap3A_705] {strides = array<i32>} : memref<2x50x128xf32, #tpu.memory_space<vmem>>, vector<1x1x16xf32>,
      %swap3A_707 = vector.shape_cast %swap3A_706 : vector<1x1x16xf32> to vector<16xf32>
      %swap3A_708 = vector.shape_cast %mul3A_701 : vector<16xf32> to vector<1x1x16xf32>
      tpu.vector_store %arg8[%swap3A_703, %swap3A_704, %swap3A_705], %swap3A_708 {strides = array<i32>} : memref<2x50x128xf32, #tpu.memory_space<vmem>>, vector<1x1x16xf32>,
      %get3A_709 = arith.constant 1 : i32
      %get3A_710 = arith.index_cast %get3A_709 : i32 to index
      %get3A_711 = arith.index_cast %scan3A_566 : i32 to index
      %get3A_712 = arith.constant 16 : index
      %get3A_713 = tpu.vector_load %arg8[%get3A_710, %get3A_711, %get3A_712] {strides = array<i32>} : memref<2x50x128xf32, #tpu.memory_space<vmem>>, vector<1x1x16xf32>,
      %get3A_714 = vector.shape_cast %get3A_713 : vector<1x1x16xf32> to vector<16xf32>
      %mul3A_715 = arith.constant 11.3137083 : f32
      %mul3A_716 = vector.broadcast %mul3A_715 : f32 to vector<16xf32>
      %mul3A_717 = arith.mulf %get3A_714, %mul3A_716 : vector<16xf32>
      %swap3A_718 = arith.constant 1 : i32
      %swap3A_719 = arith.index_cast %swap3A_718 : i32 to index
      %swap3A_720 = arith.index_cast %scan3A_566 : i32 to index
      %swap3A_721 = arith.constant 16 : index
      %swap3A_722 = tpu.vector_load %arg8[%swap3A_719, %swap3A_720, %swap3A_721] {strides = array<i32>} : memref<2x50x128xf32, #tpu.memory_space<vmem>>, vector<1x1x16xf32>,
      %swap3A_723 = vector.shape_cast %swap3A_722 : vector<1x1x16xf32> to vector<16xf32>
      %swap3A_724 = vector.shape_cast %mul3A_717 : vector<16xf32> to vector<1x1x16xf32>
      tpu.vector_store %arg8[%swap3A_719, %swap3A_720, %swap3A_721], %swap3A_724 {strides = array<i32>} : memref<2x50x128xf32, #tpu.memory_space<vmem>>, vector<1x1x16xf32>,
      %get3A_725 = arith.constant 1 : i32
      %get3A_726 = arith.index_cast %get3A_725 : i32 to index
      %get3A_727 = arith.index_cast %scan3A_566 : i32 to index
      %get3A_728 = arith.constant 32 : index
      %get3A_729 = tpu.vector_load %arg8[%get3A_726, %get3A_727, %get3A_728] {strides = array<i32>} : memref<2x50x128xf32, #tpu.memory_space<vmem>>, vector<1x1x16xf32>,
      %get3A_730 = vector.shape_cast %get3A_729 : vector<1x1x16xf32> to vector<16xf32>
      %mul3A_731 = arith.constant 11.3137083 : f32
      %mul3A_732 = vector.broadcast %mul3A_731 : f32 to vector<16xf32>
      %mul3A_733 = arith.mulf %get3A_730, %mul3A_732 : vector<16xf32>
      %swap3A_734 = arith.constant 1 : i32
      %swap3A_735 = arith.index_cast %swap3A_734 : i32 to index
      %swap3A_736 = arith.index_cast %scan3A_566 : i32 to index
      %swap3A_737 = arith.constant 32 : index
      %swap3A_738 = tpu.vector_load %arg8[%swap3A_735, %swap3A_736, %swap3A_737] {strides = array<i32>} : memref<2x50x128xf32, #tpu.memory_space<vmem>>, vector<1x1x16xf32>,
      %swap3A_739 = vector.shape_cast %swap3A_738 : vector<1x1x16xf32> to vector<16xf32>
      %swap3A_740 = vector.shape_cast %mul3A_733 : vector<16xf32> to vector<1x1x16xf32>
      tpu.vector_store %arg8[%swap3A_735, %swap3A_736, %swap3A_737], %swap3A_740 {strides = array<i32>} : memref<2x50x128xf32, #tpu.memory_space<vmem>>, vector<1x1x16xf32>,
      %get3A_741 = arith.constant 1 : i32
      %get3A_742 = arith.index_cast %get3A_741 : i32 to index
      %get3A_743 = arith.index_cast %scan3A_566 : i32 to index
      %get3A_744 = arith.constant 48 : index
      %get3A_745 = tpu.vector_load %arg8[%get3A_742, %get3A_743, %get3A_744] {strides = array<i32>} : memref<2x50x128xf32, #tpu.memory_space<vmem>>, vector<1x1x16xf32>,
      %get3A_746 = vector.shape_cast %get3A_745 : vector<1x1x16xf32> to vector<16xf32>
      %mul3A_747 = arith.constant 11.3137083 : f32
      %mul3A_748 = vector.broadcast %mul3A_747 : f32 to vector<16xf32>
      %mul3A_749 = arith.mulf %get3A_746, %mul3A_748 : vector<16xf32>
      %swap3A_750 = arith.constant 1 : i32
      %swap3A_751 = arith.index_cast %swap3A_750 : i32 to index
      %swap3A_752 = arith.index_cast %scan3A_566 : i32 to index
      %swap3A_753 = arith.constant 48 : index
      %swap3A_754 = tpu.vector_load %arg8[%swap3A_751, %swap3A_752, %swap3A_753] {strides = array<i32>} : memref<2x50x128xf32, #tpu.memory_space<vmem>>, vector<1x1x16xf32>,
      %swap3A_755 = vector.shape_cast %swap3A_754 : vector<1x1x16xf32> to vector<16xf32>
      %swap3A_756 = vector.shape_cast %mul3A_749 : vector<16xf32> to vector<1x1x16xf32>
      tpu.vector_store %arg8[%swap3A_751, %swap3A_752, %swap3A_753], %swap3A_756 {strides = array<i32>} : memref<2x50x128xf32, #tpu.memory_space<vmem>>, vector<1x1x16xf32>,
      %get3A_757 = arith.constant 1 : i32
      %get3A_758 = arith.index_cast %get3A_757 : i32 to index
      %get3A_759 = arith.index_cast %scan3A_566 : i32 to index
      %get3A_760 = arith.constant 64 : index
      %get3A_761 = tpu.vector_load %arg8[%get3A_758, %get3A_759, %get3A_760] {strides = array<i32>} : memref<2x50x128xf32, #tpu.memory_space<vmem>>, vector<1x1x16xf32>,
      %get3A_762 = vector.shape_cast %get3A_761 : vector<1x1x16xf32> to vector<16xf32>
      %mul3A_763 = arith.constant 11.3137083 : f32
      %mul3A_764 = vector.broadcast %mul3A_763 : f32 to vector<16xf32>
      %mul3A_765 = arith.mulf %get3A_762, %mul3A_764 : vector<16xf32>
      %swap3A_766 = arith.constant 1 : i32
      %swap3A_767 = arith.index_cast %swap3A_766 : i32 to index
      %swap3A_768 = arith.index_cast %scan3A_566 : i32 to index
      %swap3A_769 = arith.constant 64 : index
      %swap3A_770 = tpu.vector_load %arg8[%swap3A_767, %swap3A_768, %swap3A_769] {strides = array<i32>} : memref<2x50x128xf32, #tpu.memory_space<vmem>>, vector<1x1x16xf32>,
      %swap3A_771 = vector.shape_cast %swap3A_770 : vector<1x1x16xf32> to vector<16xf32>
      %swap3A_772 = vector.shape_cast %mul3A_765 : vector<16xf32> to vector<1x1x16xf32>
      tpu.vector_store %arg8[%swap3A_767, %swap3A_768, %swap3A_769], %swap3A_772 {strides = array<i32>} : memref<2x50x128xf32, #tpu.memory_space<vmem>>, vector<1x1x16xf32>,
      %get3A_773 = arith.constant 1 : i32
      %get3A_774 = arith.index_cast %get3A_773 : i32 to index
      %get3A_775 = arith.index_cast %scan3A_566 : i32 to index
      %get3A_776 = arith.constant 80 : index
      %get3A_777 = tpu.vector_load %arg8[%get3A_774, %get3A_775, %get3A_776] {strides = array<i32>} : memref<2x50x128xf32, #tpu.memory_space<vmem>>, vector<1x1x16xf32>,
      %get3A_778 = vector.shape_cast %get3A_777 : vector<1x1x16xf32> to vector<16xf32>
      %mul3A_779 = arith.constant 11.3137083 : f32
      %mul3A_780 = vector.broadcast %mul3A_779 : f32 to vector<16xf32>
      %mul3A_781 = arith.mulf %get3A_778, %mul3A_780 : vector<16xf32>
      %swap3A_782 = arith.constant 1 : i32
      %swap3A_783 = arith.index_cast %swap3A_782 : i32 to index
      %swap3A_784 = arith.index_cast %scan3A_566 : i32 to index
      %swap3A_785 = arith.constant 80 : index
      %swap3A_786 = tpu.vector_load %arg8[%swap3A_783, %swap3A_784, %swap3A_785] {strides = array<i32>} : memref<2x50x128xf32, #tpu.memory_space<vmem>>, vector<1x1x16xf32>,
      %swap3A_787 = vector.shape_cast %swap3A_786 : vector<1x1x16xf32> to vector<16xf32>
      %swap3A_788 = vector.shape_cast %mul3A_781 : vector<16xf32> to vector<1x1x16xf32>
      tpu.vector_store %arg8[%swap3A_783, %swap3A_784, %swap3A_785], %swap3A_788 {strides = array<i32>} : memref<2x50x128xf32, #tpu.memory_space<vmem>>, vector<1x1x16xf32>,
      %get3A_789 = arith.constant 1 : i32
      %get3A_790 = arith.index_cast %get3A_789 : i32 to index
      %get3A_791 = arith.index_cast %scan3A_566 : i32 to index
      %get3A_792 = arith.constant 96 : index
      %get3A_793 = tpu.vector_load %arg8[%get3A_790, %get3A_791, %get3A_792] {strides = array<i32>} : memref<2x50x128xf32, #tpu.memory_space<vmem>>, vector<1x1x16xf32>,
      %get3A_794 = vector.shape_cast %get3A_793 : vector<1x1x16xf32> to vector<16xf32>
      %mul3A_795 = arith.constant 11.3137083 : f32
      %mul3A_796 = vector.broadcast %mul3A_795 : f32 to vector<16xf32>
      %mul3A_797 = arith.mulf %get3A_794, %mul3A_796 : vector<16xf32>
      %swap3A_798 = arith.constant 1 : i32
      %swap3A_799 = arith.index_cast %swap3A_798 : i32 to index
      %swap3A_800 = arith.index_cast %scan3A_566 : i32 to index
      %swap3A_801 = arith.constant 96 : index
      %swap3A_802 = tpu.vector_load %arg8[%swap3A_799, %swap3A_800, %swap3A_801] {strides = array<i32>} : memref<2x50x128xf32, #tpu.memory_space<vmem>>, vector<1x1x16xf32>,
      %swap3A_803 = vector.shape_cast %swap3A_802 : vector<1x1x16xf32> to vector<16xf32>
      %swap3A_804 = vector.shape_cast %mul3A_797 : vector<16xf32> to vector<1x1x16xf32>
      tpu.vector_store %arg8[%swap3A_799, %swap3A_800, %swap3A_801], %swap3A_804 {strides = array<i32>} : memref<2x50x128xf32, #tpu.memory_space<vmem>>, vector<1x1x16xf32>,
      %get3A_805 = arith.constant 1 : i32
      %get3A_806 = arith.index_cast %get3A_805 : i32 to index
      %get3A_807 = arith.index_cast %scan3A_566 : i32 to index
      %get3A_808 = arith.constant 112 : index
      %get3A_809 = tpu.vector_load %arg8[%get3A_806, %get3A_807, %get3A_808] {strides = array<i32>} : memref<2x50x128xf32, #tpu.memory_space<vmem>>, vector<1x1x16xf32>,
      %get3A_810 = vector.shape_cast %get3A_809 : vector<1x1x16xf32> to vector<16xf32>
      %mul3A_811 = arith.constant 11.3137083 : f32
      %mul3A_812 = vector.broadcast %mul3A_811 : f32 to vector<16xf32>
      %mul3A_813 = arith.mulf %get3A_810, %mul3A_812 : vector<16xf32>
      %swap3A_814 = arith.constant 1 : i32
      %swap3A_815 = arith.index_cast %swap3A_814 : i32 to index
      %swap3A_816 = arith.index_cast %scan3A_566 : i32 to index
      %swap3A_817 = arith.constant 112 : index
      %swap3A_818 = tpu.vector_load %arg8[%swap3A_815, %swap3A_816, %swap3A_817] {strides = array<i32>} : memref<2x50x128xf32, #tpu.memory_space<vmem>>, vector<1x1x16xf32>,
      %swap3A_819 = vector.shape_cast %swap3A_818 : vector<1x1x16xf32> to vector<16xf32>
      %swap3A_820 = vector.shape_cast %mul3A_813 : vector<16xf32> to vector<1x1x16xf32>
      tpu.vector_store %arg8[%swap3A_815, %swap3A_816, %swap3A_817], %swap3A_820 {strides = array<i32>} : memref<2x50x128xf32, #tpu.memory_space<vmem>>, vector<1x1x16xf32>,
    }
    %scan3A_239 = arith.constant 50 : i32
    %add3A_240 = arith.constant 116 : i32
    %add3A_241 = arith.addi %mul3A_2, %add3A_240 : i32
    %dma_start3A_242 = arith.constant 0 : i32
    %dma_start3A_243 = arith.constant 0 : i32
    %dma_start3A_244 = tpu.memref_slice %arg4[%add3A_241, %dma_start3A_242, %dma_start3A_243] : memref<4096x50x128xf32, #tpu.memory_space<hbm>> -> memref<2x50x128xf32, #tpu.memory_space<hbm>>
    %dma_start3A_245 = arith.constant 0 : i32
    %dma_start3A_246 = arith.constant 0 : i32
    %dma_start3A_247 = tpu.memref_slice %arg4[%add3A_241, %dma_start3A_245, %dma_start3A_246] : memref<4096x50x128xf32, #tpu.memory_space<hbm>> -> memref<2x50x128xf32, #tpu.memory_space<hbm>>
    tpu.enqueue_dma source(%arg8 : memref<2x50x128xf32, #tpu.memory_space<vmem>>) target(%dma_start3A_247 : memref<2x50x128xf32, #tpu.memory_space<hbm>>) target_semaphore(%arg16 : memref<!tpu.dma_semaphore, #tpu.memory_space<semaphore_mem>>)
    %add3A_248 = arith.constant 114 : i32
    %add3A_249 = arith.addi %mul3A_2, %add3A_248 : i32
    %dma_wait3A_250 = arith.constant 0 : i32
    %dma_wait3A_251 = arith.constant 0 : i32
    %dma_wait3A_252 = tpu.memref_slice %arg4[%add3A_249, %dma_wait3A_250, %dma_wait3A_251] : memref<4096x50x128xf32, #tpu.memory_space<hbm>> -> memref<2x50x128xf32, #tpu.memory_space<hbm>>
    %dma_wait3A_253 = arith.constant 0 : i32
    %dma_wait3A_254 = arith.constant 0 : i32
    %dma_wait3A_255 = tpu.memref_slice %arg4[%add3A_249, %dma_wait3A_253, %dma_wait3A_254] : memref<4096x50x128xf32, #tpu.memory_space<hbm>> -> memref<2x50x128xf32, #tpu.memory_space<hbm>>
    tpu.wait_dma2 semaphore(%arg15 : memref<!tpu.dma_semaphore, #tpu.memory_space<semaphore_mem>>) src(%arg7 : memref<2x50x128xf32, #tpu.memory_space<vmem>>) dst(%dma_wait3A_255 : memref<2x50x128xf32, #tpu.memory_space<hbm>>)
    %dma_start3A_256 = arith.constant 122 : i32
    %dma_start3A_257 = arith.constant 0 : i32
    %dma_start3A_258 = arith.constant 0 : i32
    %dma_start3A_259 = arith.constant 0 : i32
    %dma_start3A_260 = tpu.memref_slice %arg7[%dma_start3A_257, %dma_start3A_258, %dma_start3A_259] : memref<2x50x128xf32, #tpu.memory_space<vmem>> -> memref<1x50x128xf32, #tpu.memory_space<vmem>>
    %dma_start3A_261 = tpu.memref_squeeze %dma_start3A_260 : memref<1x50x128xf32, #tpu.memory_space<vmem>> -> memref<50x128xf32, #tpu.memory_space<vmem>>
    %dma_start3A_262 = arith.constant 0 : i32
    %dma_start3A_263 = tpu.memref_slice %arg5[%dma_start3A_256, %dma_start3A_262] : memref<128x50xi32, #tpu.memory_space<vmem>> -> memref<1x50xi32, #tpu.memory_space<vmem>>
    %dma_start3A_264 = tpu.memref_squeeze %dma_start3A_263 : memref<1x50xi32, #tpu.memory_space<vmem>> -> memref<50xi32, #tpu.memory_space<vmem>>
    %dma_start3A_265 = arith.constant 0 : i32
    %dma_start3A_266 = arith.constant 0 : i32
    %dma_start3A_267 = tpu.memref_slice %arg2[%dma_start3A_265, %dma_start3A_266] : memref<100000x128xf32, #tpu.memory_space<hbm>> -> memref<100000x128xf32, #tpu.memory_space<hbm>>
    tpu.enqueue_indirect_dma source(%dma_start3A_267 : memref<100000x128xf32, #tpu.memory_space<hbm>>) target(%dma_start3A_261 : memref<50x128xf32, #tpu.memory_space<vmem>>) offsets(%dma_start3A_264 : memref<50xi32, #tpu.memory_space<vmem>>) semaphore(%arg11 : memref<!tpu.dma_semaphore, #tpu.memory_space<semaphore_mem>>)
    %dma_start3A_268 = arith.constant 123 : i32
    %dma_start3A_269 = arith.constant 1 : i32
    %dma_start3A_270 = arith.constant 0 : i32
    %dma_start3A_271 = arith.constant 0 : i32
    %dma_start3A_272 = tpu.memref_slice %arg7[%dma_start3A_269, %dma_start3A_270, %dma_start3A_271] : memref<2x50x128xf32, #tpu.memory_space<vmem>> -> memref<1x50x128xf32, #tpu.memory_space<vmem>>
    %dma_start3A_273 = tpu.memref_squeeze %dma_start3A_272 : memref<1x50x128xf32, #tpu.memory_space<vmem>> -> memref<50x128xf32, #tpu.memory_space<vmem>>
    %dma_start3A_274 = arith.constant 0 : i32
    %dma_start3A_275 = tpu.memref_slice %arg5[%dma_start3A_268, %dma_start3A_274] : memref<128x50xi32, #tpu.memory_space<vmem>> -> memref<1x50xi32, #tpu.memory_space<vmem>>
    %dma_start3A_276 = tpu.memref_squeeze %dma_start3A_275 : memref<1x50xi32, #tpu.memory_space<vmem>> -> memref<50xi32, #tpu.memory_space<vmem>>
    %dma_start3A_277 = arith.constant 0 : i32
    %dma_start3A_278 = arith.constant 0 : i32
    %dma_start3A_279 = tpu.memref_slice %arg2[%dma_start3A_277, %dma_start3A_278] : memref<100000x128xf32, #tpu.memory_space<hbm>> -> memref<100000x128xf32, #tpu.memory_space<hbm>>
    tpu.enqueue_indirect_dma source(%dma_start3A_279 : memref<100000x128xf32, #tpu.memory_space<hbm>>) target(%dma_start3A_273 : memref<50x128xf32, #tpu.memory_space<vmem>>) offsets(%dma_start3A_276 : memref<50xi32, #tpu.memory_space<vmem>>) semaphore(%arg11 : memref<!tpu.dma_semaphore, #tpu.memory_space<semaphore_mem>>)
    %dma_wait3A_280 = arith.constant 118 : i32
    %dma_wait3A_281 = arith.constant 0 : i32
    %dma_wait3A_282 = arith.constant 0 : i32
    %dma_wait3A_283 = arith.constant 0 : i32
    %dma_wait3A_284 = tpu.memref_slice %arg9[%dma_wait3A_281, %dma_wait3A_282, %dma_wait3A_283] : memref<2x50x128xf32, #tpu.memory_space<vmem>> -> memref<1x50x128xf32, #tpu.memory_space<vmem>>
    %dma_wait3A_285 = tpu.memref_squeeze %dma_wait3A_284 : memref<1x50x128xf32, #tpu.memory_space<vmem>> -> memref<50x128xf32, #tpu.memory_space<vmem>>
    %dma_wait3A_286 = arith.constant 0 : i32
    %dma_wait3A_287 = tpu.memref_slice %arg5[%dma_wait3A_280, %dma_wait3A_286] : memref<128x50xi32, #tpu.memory_space<vmem>> -> memref<1x50xi32, #tpu.memory_space<vmem>>
    %dma_wait3A_288 = tpu.memref_squeeze %dma_wait3A_287 : memref<1x50xi32, #tpu.memory_space<vmem>> -> memref<50xi32, #tpu.memory_space<vmem>>
    %dma_wait3A_289 = arith.constant 0 : i32
    %dma_wait3A_290 = arith.constant 0 : i32
    %dma_wait3A_291 = tpu.memref_slice %arg2[%dma_wait3A_289, %dma_wait3A_290] : memref<100000x128xf32, #tpu.memory_space<hbm>> -> memref<100000x128xf32, #tpu.memory_space<hbm>>
    tpu.wait_indirect_dma semaphore(%arg13 : memref<!tpu.dma_semaphore, #tpu.memory_space<semaphore_mem>>) src(%dma_wait3A_291 : memref<100000x128xf32, #tpu.memory_space<hbm>>) dst(%dma_wait3A_285 : memref<50x128xf32, #tpu.memory_space<vmem>>)
    %dma_wait3A_292 = arith.constant 119 : i32
    %dma_wait3A_293 = arith.constant 1 : i32
    %dma_wait3A_294 = arith.constant 0 : i32
    %dma_wait3A_295 = arith.constant 0 : i32
    %dma_wait3A_296 = tpu.memref_slice %arg9[%dma_wait3A_293, %dma_wait3A_294, %dma_wait3A_295] : memref<2x50x128xf32, #tpu.memory_space<vmem>> -> memref<1x50x128xf32, #tpu.memory_space<vmem>>
    %dma_wait3A_297 = tpu.memref_squeeze %dma_wait3A_296 : memref<1x50x128xf32, #tpu.memory_space<vmem>> -> memref<50x128xf32, #tpu.memory_space<vmem>>
    %dma_wait3A_298 = arith.constant 0 : i32
    %dma_wait3A_299 = tpu.memref_slice %arg5[%dma_wait3A_292, %dma_wait3A_298] : memref<128x50xi32, #tpu.memory_space<vmem>> -> memref<1x50xi32, #tpu.memory_space<vmem>>
    %dma_wait3A_300 = tpu.memref_squeeze %dma_wait3A_299 : memref<1x50xi32, #tpu.memory_space<vmem>> -> memref<50xi32, #tpu.memory_space<vmem>>
    %dma_wait3A_301 = arith.constant 0 : i32
    %dma_wait3A_302 = arith.constant 0 : i32
    %dma_wait3A_303 = tpu.memref_slice %arg2[%dma_wait3A_301, %dma_wait3A_302] : memref<100000x128xf32, #tpu.memory_space<hbm>> -> memref<100000x128xf32, #tpu.memory_space<hbm>>
    tpu.wait_indirect_dma semaphore(%arg13 : memref<!tpu.dma_semaphore, #tpu.memory_space<semaphore_mem>>) src(%dma_wait3A_303 : memref<100000x128xf32, #tpu.memory_space<hbm>>) dst(%dma_wait3A_297 : memref<50x128xf32, #tpu.memory_space<vmem>>)
    %scan3A_304 = arith.constant 0 : i32
    %scan3A_305 = arith.constant 0 : i32
    %scan3A_306 = arith.constant 50 : i32
    %scan3A_307 = arith.addi %scan3A_305, %scan3A_306 : i32
    %scan3A_308 = arith.constant 1 : i32
    scf.for %scan3A_566 = %scan3A_305 to %scan3A_307 step %scan3A_308  : i32 {
      %get3A = arith.constant 0 : i32
      %get3A_567 = arith.index_cast %get3A : i32 to index
      %get3A_568 = arith.index_cast %scan3A_566 : i32 to index
      %get3A_569 = arith.constant 0 : index
      %get3A_570 = tpu.vector_load %arg9[%get3A_567, %get3A_568, %get3A_569] {strides = array<i32>} : memref<2x50x128xf32, #tpu.memory_space<vmem>>, vector<1x1x16xf32>,
      %get3A_571 = vector.shape_cast %get3A_570 : vector<1x1x16xf32> to vector<16xf32>
      %mul3A_572 = arith.constant 11.3137083 : f32
      %mul3A_573 = vector.broadcast %mul3A_572 : f32 to vector<16xf32>
      %mul3A_574 = arith.mulf %get3A_571, %mul3A_573 : vector<16xf32>
      %swap3A = arith.constant 0 : i32
      %swap3A_575 = arith.index_cast %swap3A : i32 to index
      %swap3A_576 = arith.index_cast %scan3A_566 : i32 to index
      %swap3A_577 = arith.constant 0 : index
      %swap3A_578 = tpu.vector_load %arg9[%swap3A_575, %swap3A_576, %swap3A_577] {strides = array<i32>} : memref<2x50x128xf32, #tpu.memory_space<vmem>>, vector<1x1x16xf32>,
      %swap3A_579 = vector.shape_cast %swap3A_578 : vector<1x1x16xf32> to vector<16xf32>
      %swap3A_580 = vector.shape_cast %mul3A_574 : vector<16xf32> to vector<1x1x16xf32>
      tpu.vector_store %arg9[%swap3A_575, %swap3A_576, %swap3A_577], %swap3A_580 {strides = array<i32>} : memref<2x50x128xf32, #tpu.memory_space<vmem>>, vector<1x1x16xf32>,
      %get3A_581 = arith.constant 0 : i32
      %get3A_582 = arith.index_cast %get3A_581 : i32 to index
      %get3A_583 = arith.index_cast %scan3A_566 : i32 to index
      %get3A_584 = arith.constant 16 : index
      %get3A_585 = tpu.vector_load %arg9[%get3A_582, %get3A_583, %get3A_584] {strides = array<i32>} : memref<2x50x128xf32, #tpu.memory_space<vmem>>, vector<1x1x16xf32>,
      %get3A_586 = vector.shape_cast %get3A_585 : vector<1x1x16xf32> to vector<16xf32>
      %mul3A_587 = arith.constant 11.3137083 : f32
      %mul3A_588 = vector.broadcast %mul3A_587 : f32 to vector<16xf32>
      %mul3A_589 = arith.mulf %get3A_586, %mul3A_588 : vector<16xf32>
      %swap3A_590 = arith.constant 0 : i32
      %swap3A_591 = arith.index_cast %swap3A_590 : i32 to index
      %swap3A_592 = arith.index_cast %scan3A_566 : i32 to index
      %swap3A_593 = arith.constant 16 : index
      %swap3A_594 = tpu.vector_load %arg9[%swap3A_591, %swap3A_592, %swap3A_593] {strides = array<i32>} : memref<2x50x128xf32, #tpu.memory_space<vmem>>, vector<1x1x16xf32>,
      %swap3A_595 = vector.shape_cast %swap3A_594 : vector<1x1x16xf32> to vector<16xf32>
      %swap3A_596 = vector.shape_cast %mul3A_589 : vector<16xf32> to vector<1x1x16xf32>
      tpu.vector_store %arg9[%swap3A_591, %swap3A_592, %swap3A_593], %swap3A_596 {strides = array<i32>} : memref<2x50x128xf32, #tpu.memory_space<vmem>>, vector<1x1x16xf32>,
      %get3A_597 = arith.constant 0 : i32
      %get3A_598 = arith.index_cast %get3A_597 : i32 to index
      %get3A_599 = arith.index_cast %scan3A_566 : i32 to index
      %get3A_600 = arith.constant 32 : index
      %get3A_601 = tpu.vector_load %arg9[%get3A_598, %get3A_599, %get3A_600] {strides = array<i32>} : memref<2x50x128xf32, #tpu.memory_space<vmem>>, vector<1x1x16xf32>,
      %get3A_602 = vector.shape_cast %get3A_601 : vector<1x1x16xf32> to vector<16xf32>
      %mul3A_603 = arith.constant 11.3137083 : f32
      %mul3A_604 = vector.broadcast %mul3A_603 : f32 to vector<16xf32>
      %mul3A_605 = arith.mulf %get3A_602, %mul3A_604 : vector<16xf32>
      %swap3A_606 = arith.constant 0 : i32
      %swap3A_607 = arith.index_cast %swap3A_606 : i32 to index
      %swap3A_608 = arith.index_cast %scan3A_566 : i32 to index
      %swap3A_609 = arith.constant 32 : index
      %swap3A_610 = tpu.vector_load %arg9[%swap3A_607, %swap3A_608, %swap3A_609] {strides = array<i32>} : memref<2x50x128xf32, #tpu.memory_space<vmem>>, vector<1x1x16xf32>,
      %swap3A_611 = vector.shape_cast %swap3A_610 : vector<1x1x16xf32> to vector<16xf32>
      %swap3A_612 = vector.shape_cast %mul3A_605 : vector<16xf32> to vector<1x1x16xf32>
      tpu.vector_store %arg9[%swap3A_607, %swap3A_608, %swap3A_609], %swap3A_612 {strides = array<i32>} : memref<2x50x128xf32, #tpu.memory_space<vmem>>, vector<1x1x16xf32>,
      %get3A_613 = arith.constant 0 : i32
      %get3A_614 = arith.index_cast %get3A_613 : i32 to index
      %get3A_615 = arith.index_cast %scan3A_566 : i32 to index
      %get3A_616 = arith.constant 48 : index
      %get3A_617 = tpu.vector_load %arg9[%get3A_614, %get3A_615, %get3A_616] {strides = array<i32>} : memref<2x50x128xf32, #tpu.memory_space<vmem>>, vector<1x1x16xf32>,
      %get3A_618 = vector.shape_cast %get3A_617 : vector<1x1x16xf32> to vector<16xf32>
      %mul3A_619 = arith.constant 11.3137083 : f32
      %mul3A_620 = vector.broadcast %mul3A_619 : f32 to vector<16xf32>
      %mul3A_621 = arith.mulf %get3A_618, %mul3A_620 : vector<16xf32>
      %swap3A_622 = arith.constant 0 : i32
      %swap3A_623 = arith.index_cast %swap3A_622 : i32 to index
      %swap3A_624 = arith.index_cast %scan3A_566 : i32 to index
      %swap3A_625 = arith.constant 48 : index
      %swap3A_626 = tpu.vector_load %arg9[%swap3A_623, %swap3A_624, %swap3A_625] {strides = array<i32>} : memref<2x50x128xf32, #tpu.memory_space<vmem>>, vector<1x1x16xf32>,
      %swap3A_627 = vector.shape_cast %swap3A_626 : vector<1x1x16xf32> to vector<16xf32>
      %swap3A_628 = vector.shape_cast %mul3A_621 : vector<16xf32> to vector<1x1x16xf32>
      tpu.vector_store %arg9[%swap3A_623, %swap3A_624, %swap3A_625], %swap3A_628 {strides = array<i32>} : memref<2x50x128xf32, #tpu.memory_space<vmem>>, vector<1x1x16xf32>,
      %get3A_629 = arith.constant 0 : i32
      %get3A_630 = arith.index_cast %get3A_629 : i32 to index
      %get3A_631 = arith.index_cast %scan3A_566 : i32 to index
      %get3A_632 = arith.constant 64 : index
      %get3A_633 = tpu.vector_load %arg9[%get3A_630, %get3A_631, %get3A_632] {strides = array<i32>} : memref<2x50x128xf32, #tpu.memory_space<vmem>>, vector<1x1x16xf32>,
      %get3A_634 = vector.shape_cast %get3A_633 : vector<1x1x16xf32> to vector<16xf32>
      %mul3A_635 = arith.constant 11.3137083 : f32
      %mul3A_636 = vector.broadcast %mul3A_635 : f32 to vector<16xf32>
      %mul3A_637 = arith.mulf %get3A_634, %mul3A_636 : vector<16xf32>
      %swap3A_638 = arith.constant 0 : i32
      %swap3A_639 = arith.index_cast %swap3A_638 : i32 to index
      %swap3A_640 = arith.index_cast %scan3A_566 : i32 to index
      %swap3A_641 = arith.constant 64 : index
      %swap3A_642 = tpu.vector_load %arg9[%swap3A_639, %swap3A_640, %swap3A_641] {strides = array<i32>} : memref<2x50x128xf32, #tpu.memory_space<vmem>>, vector<1x1x16xf32>,
      %swap3A_643 = vector.shape_cast %swap3A_642 : vector<1x1x16xf32> to vector<16xf32>
      %swap3A_644 = vector.shape_cast %mul3A_637 : vector<16xf32> to vector<1x1x16xf32>
      tpu.vector_store %arg9[%swap3A_639, %swap3A_640, %swap3A_641], %swap3A_644 {strides = array<i32>} : memref<2x50x128xf32, #tpu.memory_space<vmem>>, vector<1x1x16xf32>,
      %get3A_645 = arith.constant 0 : i32
      %get3A_646 = arith.index_cast %get3A_645 : i32 to index
      %get3A_647 = arith.index_cast %scan3A_566 : i32 to index
      %get3A_648 = arith.constant 80 : index
      %get3A_649 = tpu.vector_load %arg9[%get3A_646, %get3A_647, %get3A_648] {strides = array<i32>} : memref<2x50x128xf32, #tpu.memory_space<vmem>>, vector<1x1x16xf32>,
      %get3A_650 = vector.shape_cast %get3A_649 : vector<1x1x16xf32> to vector<16xf32>
      %mul3A_651 = arith.constant 11.3137083 : f32
      %mul3A_652 = vector.broadcast %mul3A_651 : f32 to vector<16xf32>
      %mul3A_653 = arith.mulf %get3A_650, %mul3A_652 : vector<16xf32>
      %swap3A_654 = arith.constant 0 : i32
      %swap3A_655 = arith.index_cast %swap3A_654 : i32 to index
      %swap3A_656 = arith.index_cast %scan3A_566 : i32 to index
      %swap3A_657 = arith.constant 80 : index
      %swap3A_658 = tpu.vector_load %arg9[%swap3A_655, %swap3A_656, %swap3A_657] {strides = array<i32>} : memref<2x50x128xf32, #tpu.memory_space<vmem>>, vector<1x1x16xf32>,
      %swap3A_659 = vector.shape_cast %swap3A_658 : vector<1x1x16xf32> to vector<16xf32>
      %swap3A_660 = vector.shape_cast %mul3A_653 : vector<16xf32> to vector<1x1x16xf32>
      tpu.vector_store %arg9[%swap3A_655, %swap3A_656, %swap3A_657], %swap3A_660 {strides = array<i32>} : memref<2x50x128xf32, #tpu.memory_space<vmem>>, vector<1x1x16xf32>,
      %get3A_661 = arith.constant 0 : i32
      %get3A_662 = arith.index_cast %get3A_661 : i32 to index
      %get3A_663 = arith.index_cast %scan3A_566 : i32 to index
      %get3A_664 = arith.constant 96 : index
      %get3A_665 = tpu.vector_load %arg9[%get3A_662, %get3A_663, %get3A_664] {strides = array<i32>} : memref<2x50x128xf32, #tpu.memory_space<vmem>>, vector<1x1x16xf32>,
      %get3A_666 = vector.shape_cast %get3A_665 : vector<1x1x16xf32> to vector<16xf32>
      %mul3A_667 = arith.constant 11.3137083 : f32
      %mul3A_668 = vector.broadcast %mul3A_667 : f32 to vector<16xf32>
      %mul3A_669 = arith.mulf %get3A_666, %mul3A_668 : vector<16xf32>
      %swap3A_670 = arith.constant 0 : i32
      %swap3A_671 = arith.index_cast %swap3A_670 : i32 to index
      %swap3A_672 = arith.index_cast %scan3A_566 : i32 to index
      %swap3A_673 = arith.constant 96 : index
      %swap3A_674 = tpu.vector_load %arg9[%swap3A_671, %swap3A_672, %swap3A_673] {strides = array<i32>} : memref<2x50x128xf32, #tpu.memory_space<vmem>>, vector<1x1x16xf32>,
      %swap3A_675 = vector.shape_cast %swap3A_674 : vector<1x1x16xf32> to vector<16xf32>
      %swap3A_676 = vector.shape_cast %mul3A_669 : vector<16xf32> to vector<1x1x16xf32>
      tpu.vector_store %arg9[%swap3A_671, %swap3A_672, %swap3A_673], %swap3A_676 {strides = array<i32>} : memref<2x50x128xf32, #tpu.memory_space<vmem>>, vector<1x1x16xf32>,
      %get3A_677 = arith.constant 0 : i32
      %get3A_678 = arith.index_cast %get3A_677 : i32 to index
      %get3A_679 = arith.index_cast %scan3A_566 : i32 to index
      %get3A_680 = arith.constant 112 : index
      %get3A_681 = tpu.vector_load %arg9[%get3A_678, %get3A_679, %get3A_680] {strides = array<i32>} : memref<2x50x128xf32, #tpu.memory_space<vmem>>, vector<1x1x16xf32>,
      %get3A_682 = vector.shape_cast %get3A_681 : vector<1x1x16xf32> to vector<16xf32>
      %mul3A_683 = arith.constant 11.3137083 : f32
      %mul3A_684 = vector.broadcast %mul3A_683 : f32 to vector<16xf32>
      %mul3A_685 = arith.mulf %get3A_682, %mul3A_684 : vector<16xf32>
      %swap3A_686 = arith.constant 0 : i32
      %swap3A_687 = arith.index_cast %swap3A_686 : i32 to index
      %swap3A_688 = arith.index_cast %scan3A_566 : i32 to index
      %swap3A_689 = arith.constant 112 : index
      %swap3A_690 = tpu.vector_load %arg9[%swap3A_687, %swap3A_688, %swap3A_689] {strides = array<i32>} : memref<2x50x128xf32, #tpu.memory_space<vmem>>, vector<1x1x16xf32>,
      %swap3A_691 = vector.shape_cast %swap3A_690 : vector<1x1x16xf32> to vector<16xf32>
      %swap3A_692 = vector.shape_cast %mul3A_685 : vector<16xf32> to vector<1x1x16xf32>
      tpu.vector_store %arg9[%swap3A_687, %swap3A_688, %swap3A_689], %swap3A_692 {strides = array<i32>} : memref<2x50x128xf32, #tpu.memory_space<vmem>>, vector<1x1x16xf32>,
      %get3A_693 = arith.constant 1 : i32
      %get3A_694 = arith.index_cast %get3A_693 : i32 to index
      %get3A_695 = arith.index_cast %scan3A_566 : i32 to index
      %get3A_696 = arith.constant 0 : index
      %get3A_697 = tpu.vector_load %arg9[%get3A_694, %get3A_695, %get3A_696] {strides = array<i32>} : memref<2x50x128xf32, #tpu.memory_space<vmem>>, vector<1x1x16xf32>,
      %get3A_698 = vector.shape_cast %get3A_697 : vector<1x1x16xf32> to vector<16xf32>
      %mul3A_699 = arith.constant 11.3137083 : f32
      %mul3A_700 = vector.broadcast %mul3A_699 : f32 to vector<16xf32>
      %mul3A_701 = arith.mulf %get3A_698, %mul3A_700 : vector<16xf32>
      %swap3A_702 = arith.constant 1 : i32
      %swap3A_703 = arith.index_cast %swap3A_702 : i32 to index
      %swap3A_704 = arith.index_cast %scan3A_566 : i32 to index
      %swap3A_705 = arith.constant 0 : index
      %swap3A_706 = tpu.vector_load %arg9[%swap3A_703, %swap3A_704, %swap3A_705] {strides = array<i32>} : memref<2x50x128xf32, #tpu.memory_space<vmem>>, vector<1x1x16xf32>,
      %swap3A_707 = vector.shape_cast %swap3A_706 : vector<1x1x16xf32> to vector<16xf32>
      %swap3A_708 = vector.shape_cast %mul3A_701 : vector<16xf32> to vector<1x1x16xf32>
      tpu.vector_store %arg9[%swap3A_703, %swap3A_704, %swap3A_705], %swap3A_708 {strides = array<i32>} : memref<2x50x128xf32, #tpu.memory_space<vmem>>, vector<1x1x16xf32>,
      %get3A_709 = arith.constant 1 : i32
      %get3A_710 = arith.index_cast %get3A_709 : i32 to index
      %get3A_711 = arith.index_cast %scan3A_566 : i32 to index
      %get3A_712 = arith.constant 16 : index
      %get3A_713 = tpu.vector_load %arg9[%get3A_710, %get3A_711, %get3A_712] {strides = array<i32>} : memref<2x50x128xf32, #tpu.memory_space<vmem>>, vector<1x1x16xf32>,
      %get3A_714 = vector.shape_cast %get3A_713 : vector<1x1x16xf32> to vector<16xf32>
      %mul3A_715 = arith.constant 11.3137083 : f32
      %mul3A_716 = vector.broadcast %mul3A_715 : f32 to vector<16xf32>
      %mul3A_717 = arith.mulf %get3A_714, %mul3A_716 : vector<16xf32>
      %swap3A_718 = arith.constant 1 : i32
      %swap3A_719 = arith.index_cast %swap3A_718 : i32 to index
      %swap3A_720 = arith.index_cast %scan3A_566 : i32 to index
      %swap3A_721 = arith.constant 16 : index
      %swap3A_722 = tpu.vector_load %arg9[%swap3A_719, %swap3A_720, %swap3A_721] {strides = array<i32>} : memref<2x50x128xf32, #tpu.memory_space<vmem>>, vector<1x1x16xf32>,
      %swap3A_723 = vector.shape_cast %swap3A_722 : vector<1x1x16xf32> to vector<16xf32>
      %swap3A_724 = vector.shape_cast %mul3A_717 : vector<16xf32> to vector<1x1x16xf32>
      tpu.vector_store %arg9[%swap3A_719, %swap3A_720, %swap3A_721], %swap3A_724 {strides = array<i32>} : memref<2x50x128xf32, #tpu.memory_space<vmem>>, vector<1x1x16xf32>,
      %get3A_725 = arith.constant 1 : i32
      %get3A_726 = arith.index_cast %get3A_725 : i32 to index
      %get3A_727 = arith.index_cast %scan3A_566 : i32 to index
      %get3A_728 = arith.constant 32 : index
      %get3A_729 = tpu.vector_load %arg9[%get3A_726, %get3A_727, %get3A_728] {strides = array<i32>} : memref<2x50x128xf32, #tpu.memory_space<vmem>>, vector<1x1x16xf32>,
      %get3A_730 = vector.shape_cast %get3A_729 : vector<1x1x16xf32> to vector<16xf32>
      %mul3A_731 = arith.constant 11.3137083 : f32
      %mul3A_732 = vector.broadcast %mul3A_731 : f32 to vector<16xf32>
      %mul3A_733 = arith.mulf %get3A_730, %mul3A_732 : vector<16xf32>
      %swap3A_734 = arith.constant 1 : i32
      %swap3A_735 = arith.index_cast %swap3A_734 : i32 to index
      %swap3A_736 = arith.index_cast %scan3A_566 : i32 to index
      %swap3A_737 = arith.constant 32 : index
      %swap3A_738 = tpu.vector_load %arg9[%swap3A_735, %swap3A_736, %swap3A_737] {strides = array<i32>} : memref<2x50x128xf32, #tpu.memory_space<vmem>>, vector<1x1x16xf32>,
      %swap3A_739 = vector.shape_cast %swap3A_738 : vector<1x1x16xf32> to vector<16xf32>
      %swap3A_740 = vector.shape_cast %mul3A_733 : vector<16xf32> to vector<1x1x16xf32>
      tpu.vector_store %arg9[%swap3A_735, %swap3A_736, %swap3A_737], %swap3A_740 {strides = array<i32>} : memref<2x50x128xf32, #tpu.memory_space<vmem>>, vector<1x1x16xf32>,
      %get3A_741 = arith.constant 1 : i32
      %get3A_742 = arith.index_cast %get3A_741 : i32 to index
      %get3A_743 = arith.index_cast %scan3A_566 : i32 to index
      %get3A_744 = arith.constant 48 : index
      %get3A_745 = tpu.vector_load %arg9[%get3A_742, %get3A_743, %get3A_744] {strides = array<i32>} : memref<2x50x128xf32, #tpu.memory_space<vmem>>, vector<1x1x16xf32>,
      %get3A_746 = vector.shape_cast %get3A_745 : vector<1x1x16xf32> to vector<16xf32>
      %mul3A_747 = arith.constant 11.3137083 : f32
      %mul3A_748 = vector.broadcast %mul3A_747 : f32 to vector<16xf32>
      %mul3A_749 = arith.mulf %get3A_746, %mul3A_748 : vector<16xf32>
      %swap3A_750 = arith.constant 1 : i32
      %swap3A_751 = arith.index_cast %swap3A_750 : i32 to index
      %swap3A_752 = arith.index_cast %scan3A_566 : i32 to index
      %swap3A_753 = arith.constant 48 : index
      %swap3A_754 = tpu.vector_load %arg9[%swap3A_751, %swap3A_752, %swap3A_753] {strides = array<i32>} : memref<2x50x128xf32, #tpu.memory_space<vmem>>, vector<1x1x16xf32>,
      %swap3A_755 = vector.shape_cast %swap3A_754 : vector<1x1x16xf32> to vector<16xf32>
      %swap3A_756 = vector.shape_cast %mul3A_749 : vector<16xf32> to vector<1x1x16xf32>
      tpu.vector_store %arg9[%swap3A_751, %swap3A_752, %swap3A_753], %swap3A_756 {strides = array<i32>} : memref<2x50x128xf32, #tpu.memory_space<vmem>>, vector<1x1x16xf32>,
      %get3A_757 = arith.constant 1 : i32
      %get3A_758 = arith.index_cast %get3A_757 : i32 to index
      %get3A_759 = arith.index_cast %scan3A_566 : i32 to index
      %get3A_760 = arith.constant 64 : index
      %get3A_761 = tpu.vector_load %arg9[%get3A_758, %get3A_759, %get3A_760] {strides = array<i32>} : memref<2x50x128xf32, #tpu.memory_space<vmem>>, vector<1x1x16xf32>,
      %get3A_762 = vector.shape_cast %get3A_761 : vector<1x1x16xf32> to vector<16xf32>
      %mul3A_763 = arith.constant 11.3137083 : f32
      %mul3A_764 = vector.broadcast %mul3A_763 : f32 to vector<16xf32>
      %mul3A_765 = arith.mulf %get3A_762, %mul3A_764 : vector<16xf32>
      %swap3A_766 = arith.constant 1 : i32
      %swap3A_767 = arith.index_cast %swap3A_766 : i32 to index
      %swap3A_768 = arith.index_cast %scan3A_566 : i32 to index
      %swap3A_769 = arith.constant 64 : index
      %swap3A_770 = tpu.vector_load %arg9[%swap3A_767, %swap3A_768, %swap3A_769] {strides = array<i32>} : memref<2x50x128xf32, #tpu.memory_space<vmem>>, vector<1x1x16xf32>,
      %swap3A_771 = vector.shape_cast %swap3A_770 : vector<1x1x16xf32> to vector<16xf32>
      %swap3A_772 = vector.shape_cast %mul3A_765 : vector<16xf32> to vector<1x1x16xf32>
      tpu.vector_store %arg9[%swap3A_767, %swap3A_768, %swap3A_769], %swap3A_772 {strides = array<i32>} : memref<2x50x128xf32, #tpu.memory_space<vmem>>, vector<1x1x16xf32>,
      %get3A_773 = arith.constant 1 : i32
      %get3A_774 = arith.index_cast %get3A_773 : i32 to index
      %get3A_775 = arith.index_cast %scan3A_566 : i32 to index
      %get3A_776 = arith.constant 80 : index
      %get3A_777 = tpu.vector_load %arg9[%get3A_774, %get3A_775, %get3A_776] {strides = array<i32>} : memref<2x50x128xf32, #tpu.memory_space<vmem>>, vector<1x1x16xf32>,
      %get3A_778 = vector.shape_cast %get3A_777 : vector<1x1x16xf32> to vector<16xf32>
      %mul3A_779 = arith.constant 11.3137083 : f32
      %mul3A_780 = vector.broadcast %mul3A_779 : f32 to vector<16xf32>
      %mul3A_781 = arith.mulf %get3A_778, %mul3A_780 : vector<16xf32>
      %swap3A_782 = arith.constant 1 : i32
      %swap3A_783 = arith.index_cast %swap3A_782 : i32 to index
      %swap3A_784 = arith.index_cast %scan3A_566 : i32 to index
      %swap3A_785 = arith.constant 80 : index
      %swap3A_786 = tpu.vector_load %arg9[%swap3A_783, %swap3A_784, %swap3A_785] {strides = array<i32>} : memref<2x50x128xf32, #tpu.memory_space<vmem>>, vector<1x1x16xf32>,
      %swap3A_787 = vector.shape_cast %swap3A_786 : vector<1x1x16xf32> to vector<16xf32>
      %swap3A_788 = vector.shape_cast %mul3A_781 : vector<16xf32> to vector<1x1x16xf32>
      tpu.vector_store %arg9[%swap3A_783, %swap3A_784, %swap3A_785], %swap3A_788 {strides = array<i32>} : memref<2x50x128xf32, #tpu.memory_space<vmem>>, vector<1x1x16xf32>,
      %get3A_789 = arith.constant 1 : i32
      %get3A_790 = arith.index_cast %get3A_789 : i32 to index
      %get3A_791 = arith.index_cast %scan3A_566 : i32 to index
      %get3A_792 = arith.constant 96 : index
      %get3A_793 = tpu.vector_load %arg9[%get3A_790, %get3A_791, %get3A_792] {strides = array<i32>} : memref<2x50x128xf32, #tpu.memory_space<vmem>>, vector<1x1x16xf32>,
      %get3A_794 = vector.shape_cast %get3A_793 : vector<1x1x16xf32> to vector<16xf32>
      %mul3A_795 = arith.constant 11.3137083 : f32
      %mul3A_796 = vector.broadcast %mul3A_795 : f32 to vector<16xf32>
      %mul3A_797 = arith.mulf %get3A_794, %mul3A_796 : vector<16xf32>
      %swap3A_798 = arith.constant 1 : i32
      %swap3A_799 = arith.index_cast %swap3A_798 : i32 to index
      %swap3A_800 = arith.index_cast %scan3A_566 : i32 to index
      %swap3A_801 = arith.constant 96 : index
      %swap3A_802 = tpu.vector_load %arg9[%swap3A_799, %swap3A_800, %swap3A_801] {strides = array<i32>} : memref<2x50x128xf32, #tpu.memory_space<vmem>>, vector<1x1x16xf32>,
      %swap3A_803 = vector.shape_cast %swap3A_802 : vector<1x1x16xf32> to vector<16xf32>
      %swap3A_804 = vector.shape_cast %mul3A_797 : vector<16xf32> to vector<1x1x16xf32>
      tpu.vector_store %arg9[%swap3A_799, %swap3A_800, %swap3A_801], %swap3A_804 {strides = array<i32>} : memref<2x50x128xf32, #tpu.memory_space<vmem>>, vector<1x1x16xf32>,
      %get3A_805 = arith.constant 1 : i32
      %get3A_806 = arith.index_cast %get3A_805 : i32 to index
      %get3A_807 = arith.index_cast %scan3A_566 : i32 to index
      %get3A_808 = arith.constant 112 : index
      %get3A_809 = tpu.vector_load %arg9[%get3A_806, %get3A_807, %get3A_808] {strides = array<i32>} : memref<2x50x128xf32, #tpu.memory_space<vmem>>, vector<1x1x16xf32>,
      %get3A_810 = vector.shape_cast %get3A_809 : vector<1x1x16xf32> to vector<16xf32>
      %mul3A_811 = arith.constant 11.3137083 : f32
      %mul3A_812 = vector.broadcast %mul3A_811 : f32 to vector<16xf32>
      %mul3A_813 = arith.mulf %get3A_810, %mul3A_812 : vector<16xf32>
      %swap3A_814 = arith.constant 1 : i32
      %swap3A_815 = arith.index_cast %swap3A_814 : i32 to index
      %swap3A_816 = arith.index_cast %scan3A_566 : i32 to index
      %swap3A_817 = arith.constant 112 : index
      %swap3A_818 = tpu.vector_load %arg9[%swap3A_815, %swap3A_816, %swap3A_817] {strides = array<i32>} : memref<2x50x128xf32, #tpu.memory_space<vmem>>, vector<1x1x16xf32>,
      %swap3A_819 = vector.shape_cast %swap3A_818 : vector<1x1x16xf32> to vector<16xf32>
      %swap3A_820 = vector.shape_cast %mul3A_813 : vector<16xf32> to vector<1x1x16xf32>
      tpu.vector_store %arg9[%swap3A_815, %swap3A_816, %swap3A_817], %swap3A_820 {strides = array<i32>} : memref<2x50x128xf32, #tpu.memory_space<vmem>>, vector<1x1x16xf32>,
    }
    %scan3A_309 = arith.constant 50 : i32
    %add3A_310 = arith.constant 118 : i32
    %add3A_311 = arith.addi %mul3A_2, %add3A_310 : i32
    %dma_start3A_312 = arith.constant 0 : i32
    %dma_start3A_313 = arith.constant 0 : i32
    %dma_start3A_314 = tpu.memref_slice %arg4[%add3A_311, %dma_start3A_312, %dma_start3A_313] : memref<4096x50x128xf32, #tpu.memory_space<hbm>> -> memref<2x50x128xf32, #tpu.memory_space<hbm>>
    %dma_start3A_315 = arith.constant 0 : i32
    %dma_start3A_316 = arith.constant 0 : i32
    %dma_start3A_317 = tpu.memref_slice %arg4[%add3A_311, %dma_start3A_315, %dma_start3A_316] : memref<4096x50x128xf32, #tpu.memory_space<hbm>> -> memref<2x50x128xf32, #tpu.memory_space<hbm>>
    tpu.enqueue_dma source(%arg9 : memref<2x50x128xf32, #tpu.memory_space<vmem>>) target(%dma_start3A_317 : memref<2x50x128xf32, #tpu.memory_space<hbm>>) target_semaphore(%arg17 : memref<!tpu.dma_semaphore, #tpu.memory_space<semaphore_mem>>)
    %add3A_318 = arith.constant 116 : i32
    %add3A_319 = arith.addi %mul3A_2, %add3A_318 : i32
    %dma_wait3A_320 = arith.constant 0 : i32
    %dma_wait3A_321 = arith.constant 0 : i32
    %dma_wait3A_322 = tpu.memref_slice %arg4[%add3A_319, %dma_wait3A_320, %dma_wait3A_321] : memref<4096x50x128xf32, #tpu.memory_space<hbm>> -> memref<2x50x128xf32, #tpu.memory_space<hbm>>
    %dma_wait3A_323 = arith.constant 0 : i32
    %dma_wait3A_324 = arith.constant 0 : i32
    %dma_wait3A_325 = tpu.memref_slice %arg4[%add3A_319, %dma_wait3A_323, %dma_wait3A_324] : memref<4096x50x128xf32, #tpu.memory_space<hbm>> -> memref<2x50x128xf32, #tpu.memory_space<hbm>>
    tpu.wait_dma2 semaphore(%arg16 : memref<!tpu.dma_semaphore, #tpu.memory_space<semaphore_mem>>) src(%arg8 : memref<2x50x128xf32, #tpu.memory_space<vmem>>) dst(%dma_wait3A_325 : memref<2x50x128xf32, #tpu.memory_space<hbm>>)
    %dma_start3A_326 = arith.constant 124 : i32
    %dma_start3A_327 = arith.constant 0 : i32
    %dma_start3A_328 = arith.constant 0 : i32
    %dma_start3A_329 = arith.constant 0 : i32
    %dma_start3A_330 = tpu.memref_slice %arg8[%dma_start3A_327, %dma_start3A_328, %dma_start3A_329] : memref<2x50x128xf32, #tpu.memory_space<vmem>> -> memref<1x50x128xf32, #tpu.memory_space<vmem>>
    %dma_start3A_331 = tpu.memref_squeeze %dma_start3A_330 : memref<1x50x128xf32, #tpu.memory_space<vmem>> -> memref<50x128xf32, #tpu.memory_space<vmem>>
    %dma_start3A_332 = arith.constant 0 : i32
    %dma_start3A_333 = tpu.memref_slice %arg5[%dma_start3A_326, %dma_start3A_332] : memref<128x50xi32, #tpu.memory_space<vmem>> -> memref<1x50xi32, #tpu.memory_space<vmem>>
    %dma_start3A_334 = tpu.memref_squeeze %dma_start3A_333 : memref<1x50xi32, #tpu.memory_space<vmem>> -> memref<50xi32, #tpu.memory_space<vmem>>
    %dma_start3A_335 = arith.constant 0 : i32
    %dma_start3A_336 = arith.constant 0 : i32
    %dma_start3A_337 = tpu.memref_slice %arg2[%dma_start3A_335, %dma_start3A_336] : memref<100000x128xf32, #tpu.memory_space<hbm>> -> memref<100000x128xf32, #tpu.memory_space<hbm>>
    tpu.enqueue_indirect_dma source(%dma_start3A_337 : memref<100000x128xf32, #tpu.memory_space<hbm>>) target(%dma_start3A_331 : memref<50x128xf32, #tpu.memory_space<vmem>>) offsets(%dma_start3A_334 : memref<50xi32, #tpu.memory_space<vmem>>) semaphore(%arg12 : memref<!tpu.dma_semaphore, #tpu.memory_space<semaphore_mem>>)
    %dma_start3A_338 = arith.constant 125 : i32
    %dma_start3A_339 = arith.constant 1 : i32
    %dma_start3A_340 = arith.constant 0 : i32
    %dma_start3A_341 = arith.constant 0 : i32
    %dma_start3A_342 = tpu.memref_slice %arg8[%dma_start3A_339, %dma_start3A_340, %dma_start3A_341] : memref<2x50x128xf32, #tpu.memory_space<vmem>> -> memref<1x50x128xf32, #tpu.memory_space<vmem>>
    %dma_start3A_343 = tpu.memref_squeeze %dma_start3A_342 : memref<1x50x128xf32, #tpu.memory_space<vmem>> -> memref<50x128xf32, #tpu.memory_space<vmem>>
    %dma_start3A_344 = arith.constant 0 : i32
    %dma_start3A_345 = tpu.memref_slice %arg5[%dma_start3A_338, %dma_start3A_344] : memref<128x50xi32, #tpu.memory_space<vmem>> -> memref<1x50xi32, #tpu.memory_space<vmem>>
    %dma_start3A_346 = tpu.memref_squeeze %dma_start3A_345 : memref<1x50xi32, #tpu.memory_space<vmem>> -> memref<50xi32, #tpu.memory_space<vmem>>
    %dma_start3A_347 = arith.constant 0 : i32
    %dma_start3A_348 = arith.constant 0 : i32
    %dma_start3A_349 = tpu.memref_slice %arg2[%dma_start3A_347, %dma_start3A_348] : memref<100000x128xf32, #tpu.memory_space<hbm>> -> memref<100000x128xf32, #tpu.memory_space<hbm>>
    tpu.enqueue_indirect_dma source(%dma_start3A_349 : memref<100000x128xf32, #tpu.memory_space<hbm>>) target(%dma_start3A_343 : memref<50x128xf32, #tpu.memory_space<vmem>>) offsets(%dma_start3A_346 : memref<50xi32, #tpu.memory_space<vmem>>) semaphore(%arg12 : memref<!tpu.dma_semaphore, #tpu.memory_space<semaphore_mem>>)
    %dma_wait3A_350 = arith.constant 120 : i32
    %dma_wait3A_351 = arith.constant 0 : i32
    %dma_wait3A_352 = arith.constant 0 : i32
    %dma_wait3A_353 = arith.constant 0 : i32
    %dma_wait3A_354 = tpu.memref_slice %arg6[%dma_wait3A_351, %dma_wait3A_352, %dma_wait3A_353] : memref<2x50x128xf32, #tpu.memory_space<vmem>> -> memref<1x50x128xf32, #tpu.memory_space<vmem>>
    %dma_wait3A_355 = tpu.memref_squeeze %dma_wait3A_354 : memref<1x50x128xf32, #tpu.memory_space<vmem>> -> memref<50x128xf32, #tpu.memory_space<vmem>>
    %dma_wait3A_356 = arith.constant 0 : i32
    %dma_wait3A_357 = tpu.memref_slice %arg5[%dma_wait3A_350, %dma_wait3A_356] : memref<128x50xi32, #tpu.memory_space<vmem>> -> memref<1x50xi32, #tpu.memory_space<vmem>>
    %dma_wait3A_358 = tpu.memref_squeeze %dma_wait3A_357 : memref<1x50xi32, #tpu.memory_space<vmem>> -> memref<50xi32, #tpu.memory_space<vmem>>
    %dma_wait3A_359 = arith.constant 0 : i32
    %dma_wait3A_360 = arith.constant 0 : i32
    %dma_wait3A_361 = tpu.memref_slice %arg2[%dma_wait3A_359, %dma_wait3A_360] : memref<100000x128xf32, #tpu.memory_space<hbm>> -> memref<100000x128xf32, #tpu.memory_space<hbm>>
    tpu.wait_indirect_dma semaphore(%arg10 : memref<!tpu.dma_semaphore, #tpu.memory_space<semaphore_mem>>) src(%dma_wait3A_361 : memref<100000x128xf32, #tpu.memory_space<hbm>>) dst(%dma_wait3A_355 : memref<50x128xf32, #tpu.memory_space<vmem>>)
    %dma_wait3A_362 = arith.constant 121 : i32
    %dma_wait3A_363 = arith.constant 1 : i32
    %dma_wait3A_364 = arith.constant 0 : i32
    %dma_wait3A_365 = arith.constant 0 : i32
    %dma_wait3A_366 = tpu.memref_slice %arg6[%dma_wait3A_363, %dma_wait3A_364, %dma_wait3A_365] : memref<2x50x128xf32, #tpu.memory_space<vmem>> -> memref<1x50x128xf32, #tpu.memory_space<vmem>>
    %dma_wait3A_367 = tpu.memref_squeeze %dma_wait3A_366 : memref<1x50x128xf32, #tpu.memory_space<vmem>> -> memref<50x128xf32, #tpu.memory_space<vmem>>
    %dma_wait3A_368 = arith.constant 0 : i32
    %dma_wait3A_369 = tpu.memref_slice %arg5[%dma_wait3A_362, %dma_wait3A_368] : memref<128x50xi32, #tpu.memory_space<vmem>> -> memref<1x50xi32, #tpu.memory_space<vmem>>
    %dma_wait3A_370 = tpu.memref_squeeze %dma_wait3A_369 : memref<1x50xi32, #tpu.memory_space<vmem>> -> memref<50xi32, #tpu.memory_space<vmem>>
    %dma_wait3A_371 = arith.constant 0 : i32
    %dma_wait3A_372 = arith.constant 0 : i32
    %dma_wait3A_373 = tpu.memref_slice %arg2[%dma_wait3A_371, %dma_wait3A_372] : memref<100000x128xf32, #tpu.memory_space<hbm>> -> memref<100000x128xf32, #tpu.memory_space<hbm>>
    tpu.wait_indirect_dma semaphore(%arg10 : memref<!tpu.dma_semaphore, #tpu.memory_space<semaphore_mem>>) src(%dma_wait3A_373 : memref<100000x128xf32, #tpu.memory_space<hbm>>) dst(%dma_wait3A_367 : memref<50x128xf32, #tpu.memory_space<vmem>>)
    %scan3A_374 = arith.constant 0 : i32
    %scan3A_375 = arith.constant 0 : i32
    %scan3A_376 = arith.constant 50 : i32
    %scan3A_377 = arith.addi %scan3A_375, %scan3A_376 : i32
    %scan3A_378 = arith.constant 1 : i32
    scf.for %scan3A_566 = %scan3A_375 to %scan3A_377 step %scan3A_378  : i32 {
      %get3A = arith.constant 0 : i32
      %get3A_567 = arith.index_cast %get3A : i32 to index
      %get3A_568 = arith.index_cast %scan3A_566 : i32 to index
      %get3A_569 = arith.constant 0 : index
      %get3A_570 = tpu.vector_load %arg6[%get3A_567, %get3A_568, %get3A_569] {strides = array<i32>} : memref<2x50x128xf32, #tpu.memory_space<vmem>>, vector<1x1x16xf32>,
      %get3A_571 = vector.shape_cast %get3A_570 : vector<1x1x16xf32> to vector<16xf32>
      %mul3A_572 = arith.constant 11.3137083 : f32
      %mul3A_573 = vector.broadcast %mul3A_572 : f32 to vector<16xf32>
      %mul3A_574 = arith.mulf %get3A_571, %mul3A_573 : vector<16xf32>
      %swap3A = arith.constant 0 : i32
      %swap3A_575 = arith.index_cast %swap3A : i32 to index
      %swap3A_576 = arith.index_cast %scan3A_566 : i32 to index
      %swap3A_577 = arith.constant 0 : index
      %swap3A_578 = tpu.vector_load %arg6[%swap3A_575, %swap3A_576, %swap3A_577] {strides = array<i32>} : memref<2x50x128xf32, #tpu.memory_space<vmem>>, vector<1x1x16xf32>,
      %swap3A_579 = vector.shape_cast %swap3A_578 : vector<1x1x16xf32> to vector<16xf32>
      %swap3A_580 = vector.shape_cast %mul3A_574 : vector<16xf32> to vector<1x1x16xf32>
      tpu.vector_store %arg6[%swap3A_575, %swap3A_576, %swap3A_577], %swap3A_580 {strides = array<i32>} : memref<2x50x128xf32, #tpu.memory_space<vmem>>, vector<1x1x16xf32>,
      %get3A_581 = arith.constant 0 : i32
      %get3A_582 = arith.index_cast %get3A_581 : i32 to index
      %get3A_583 = arith.index_cast %scan3A_566 : i32 to index
      %get3A_584 = arith.constant 16 : index
      %get3A_585 = tpu.vector_load %arg6[%get3A_582, %get3A_583, %get3A_584] {strides = array<i32>} : memref<2x50x128xf32, #tpu.memory_space<vmem>>, vector<1x1x16xf32>,
      %get3A_586 = vector.shape_cast %get3A_585 : vector<1x1x16xf32> to vector<16xf32>
      %mul3A_587 = arith.constant 11.3137083 : f32
      %mul3A_588 = vector.broadcast %mul3A_587 : f32 to vector<16xf32>
      %mul3A_589 = arith.mulf %get3A_586, %mul3A_588 : vector<16xf32>
      %swap3A_590 = arith.constant 0 : i32
      %swap3A_591 = arith.index_cast %swap3A_590 : i32 to index
      %swap3A_592 = arith.index_cast %scan3A_566 : i32 to index
      %swap3A_593 = arith.constant 16 : index
      %swap3A_594 = tpu.vector_load %arg6[%swap3A_591, %swap3A_592, %swap3A_593] {strides = array<i32>} : memref<2x50x128xf32, #tpu.memory_space<vmem>>, vector<1x1x16xf32>,
      %swap3A_595 = vector.shape_cast %swap3A_594 : vector<1x1x16xf32> to vector<16xf32>
      %swap3A_596 = vector.shape_cast %mul3A_589 : vector<16xf32> to vector<1x1x16xf32>
      tpu.vector_store %arg6[%swap3A_591, %swap3A_592, %swap3A_593], %swap3A_596 {strides = array<i32>} : memref<2x50x128xf32, #tpu.memory_space<vmem>>, vector<1x1x16xf32>,
      %get3A_597 = arith.constant 0 : i32
      %get3A_598 = arith.index_cast %get3A_597 : i32 to index
      %get3A_599 = arith.index_cast %scan3A_566 : i32 to index
      %get3A_600 = arith.constant 32 : index
      %get3A_601 = tpu.vector_load %arg6[%get3A_598, %get3A_599, %get3A_600] {strides = array<i32>} : memref<2x50x128xf32, #tpu.memory_space<vmem>>, vector<1x1x16xf32>,
      %get3A_602 = vector.shape_cast %get3A_601 : vector<1x1x16xf32> to vector<16xf32>
      %mul3A_603 = arith.constant 11.3137083 : f32
      %mul3A_604 = vector.broadcast %mul3A_603 : f32 to vector<16xf32>
      %mul3A_605 = arith.mulf %get3A_602, %mul3A_604 : vector<16xf32>
      %swap3A_606 = arith.constant 0 : i32
      %swap3A_607 = arith.index_cast %swap3A_606 : i32 to index
      %swap3A_608 = arith.index_cast %scan3A_566 : i32 to index
      %swap3A_609 = arith.constant 32 : index
      %swap3A_610 = tpu.vector_load %arg6[%swap3A_607, %swap3A_608, %swap3A_609] {strides = array<i32>} : memref<2x50x128xf32, #tpu.memory_space<vmem>>, vector<1x1x16xf32>,
      %swap3A_611 = vector.shape_cast %swap3A_610 : vector<1x1x16xf32> to vector<16xf32>
      %swap3A_612 = vector.shape_cast %mul3A_605 : vector<16xf32> to vector<1x1x16xf32>
      tpu.vector_store %arg6[%swap3A_607, %swap3A_608, %swap3A_609], %swap3A_612 {strides = array<i32>} : memref<2x50x128xf32, #tpu.memory_space<vmem>>, vector<1x1x16xf32>,
      %get3A_613 = arith.constant 0 : i32
      %get3A_614 = arith.index_cast %get3A_613 : i32 to index
      %get3A_615 = arith.index_cast %scan3A_566 : i32 to index
      %get3A_616 = arith.constant 48 : index
      %get3A_617 = tpu.vector_load %arg6[%get3A_614, %get3A_615, %get3A_616] {strides = array<i32>} : memref<2x50x128xf32, #tpu.memory_space<vmem>>, vector<1x1x16xf32>,
      %get3A_618 = vector.shape_cast %get3A_617 : vector<1x1x16xf32> to vector<16xf32>
      %mul3A_619 = arith.constant 11.3137083 : f32
      %mul3A_620 = vector.broadcast %mul3A_619 : f32 to vector<16xf32>
      %mul3A_621 = arith.mulf %get3A_618, %mul3A_620 : vector<16xf32>
      %swap3A_622 = arith.constant 0 : i32
      %swap3A_623 = arith.index_cast %swap3A_622 : i32 to index
      %swap3A_624 = arith.index_cast %scan3A_566 : i32 to index
      %swap3A_625 = arith.constant 48 : index
      %swap3A_626 = tpu.vector_load %arg6[%swap3A_623, %swap3A_624, %swap3A_625] {strides = array<i32>} : memref<2x50x128xf32, #tpu.memory_space<vmem>>, vector<1x1x16xf32>,
      %swap3A_627 = vector.shape_cast %swap3A_626 : vector<1x1x16xf32> to vector<16xf32>
      %swap3A_628 = vector.shape_cast %mul3A_621 : vector<16xf32> to vector<1x1x16xf32>
      tpu.vector_store %arg6[%swap3A_623, %swap3A_624, %swap3A_625], %swap3A_628 {strides = array<i32>} : memref<2x50x128xf32, #tpu.memory_space<vmem>>, vector<1x1x16xf32>,
      %get3A_629 = arith.constant 0 : i32
      %get3A_630 = arith.index_cast %get3A_629 : i32 to index
      %get3A_631 = arith.index_cast %scan3A_566 : i32 to index
      %get3A_632 = arith.constant 64 : index
      %get3A_633 = tpu.vector_load %arg6[%get3A_630, %get3A_631, %get3A_632] {strides = array<i32>} : memref<2x50x128xf32, #tpu.memory_space<vmem>>, vector<1x1x16xf32>,
      %get3A_634 = vector.shape_cast %get3A_633 : vector<1x1x16xf32> to vector<16xf32>
      %mul3A_635 = arith.constant 11.3137083 : f32
      %mul3A_636 = vector.broadcast %mul3A_635 : f32 to vector<16xf32>
      %mul3A_637 = arith.mulf %get3A_634, %mul3A_636 : vector<16xf32>
      %swap3A_638 = arith.constant 0 : i32
      %swap3A_639 = arith.index_cast %swap3A_638 : i32 to index
      %swap3A_640 = arith.index_cast %scan3A_566 : i32 to index
      %swap3A_641 = arith.constant 64 : index
      %swap3A_642 = tpu.vector_load %arg6[%swap3A_639, %swap3A_640, %swap3A_641] {strides = array<i32>} : memref<2x50x128xf32, #tpu.memory_space<vmem>>, vector<1x1x16xf32>,
      %swap3A_643 = vector.shape_cast %swap3A_642 : vector<1x1x16xf32> to vector<16xf32>
      %swap3A_644 = vector.shape_cast %mul3A_637 : vector<16xf32> to vector<1x1x16xf32>
      tpu.vector_store %arg6[%swap3A_639, %swap3A_640, %swap3A_641], %swap3A_644 {strides = array<i32>} : memref<2x50x128xf32, #tpu.memory_space<vmem>>, vector<1x1x16xf32>,
      %get3A_645 = arith.constant 0 : i32
      %get3A_646 = arith.index_cast %get3A_645 : i32 to index
      %get3A_647 = arith.index_cast %scan3A_566 : i32 to index
      %get3A_648 = arith.constant 80 : index
      %get3A_649 = tpu.vector_load %arg6[%get3A_646, %get3A_647, %get3A_648] {strides = array<i32>} : memref<2x50x128xf32, #tpu.memory_space<vmem>>, vector<1x1x16xf32>,
      %get3A_650 = vector.shape_cast %get3A_649 : vector<1x1x16xf32> to vector<16xf32>
      %mul3A_651 = arith.constant 11.3137083 : f32
      %mul3A_652 = vector.broadcast %mul3A_651 : f32 to vector<16xf32>
      %mul3A_653 = arith.mulf %get3A_650, %mul3A_652 : vector<16xf32>
      %swap3A_654 = arith.constant 0 : i32
      %swap3A_655 = arith.index_cast %swap3A_654 : i32 to index
      %swap3A_656 = arith.index_cast %scan3A_566 : i32 to index
      %swap3A_657 = arith.constant 80 : index
      %swap3A_658 = tpu.vector_load %arg6[%swap3A_655, %swap3A_656, %swap3A_657] {strides = array<i32>} : memref<2x50x128xf32, #tpu.memory_space<vmem>>, vector<1x1x16xf32>,
      %swap3A_659 = vector.shape_cast %swap3A_658 : vector<1x1x16xf32> to vector<16xf32>
      %swap3A_660 = vector.shape_cast %mul3A_653 : vector<16xf32> to vector<1x1x16xf32>
      tpu.vector_store %arg6[%swap3A_655, %swap3A_656, %swap3A_657], %swap3A_660 {strides = array<i32>} : memref<2x50x128xf32, #tpu.memory_space<vmem>>, vector<1x1x16xf32>,
      %get3A_661 = arith.constant 0 : i32
      %get3A_662 = arith.index_cast %get3A_661 : i32 to index
      %get3A_663 = arith.index_cast %scan3A_566 : i32 to index
      %get3A_664 = arith.constant 96 : index
      %get3A_665 = tpu.vector_load %arg6[%get3A_662, %get3A_663, %get3A_664] {strides = array<i32>} : memref<2x50x128xf32, #tpu.memory_space<vmem>>, vector<1x1x16xf32>,
      %get3A_666 = vector.shape_cast %get3A_665 : vector<1x1x16xf32> to vector<16xf32>
      %mul3A_667 = arith.constant 11.3137083 : f32
      %mul3A_668 = vector.broadcast %mul3A_667 : f32 to vector<16xf32>
      %mul3A_669 = arith.mulf %get3A_666, %mul3A_668 : vector<16xf32>
      %swap3A_670 = arith.constant 0 : i32
      %swap3A_671 = arith.index_cast %swap3A_670 : i32 to index
      %swap3A_672 = arith.index_cast %scan3A_566 : i32 to index
      %swap3A_673 = arith.constant 96 : index
      %swap3A_674 = tpu.vector_load %arg6[%swap3A_671, %swap3A_672, %swap3A_673] {strides = array<i32>} : memref<2x50x128xf32, #tpu.memory_space<vmem>>, vector<1x1x16xf32>,
      %swap3A_675 = vector.shape_cast %swap3A_674 : vector<1x1x16xf32> to vector<16xf32>
      %swap3A_676 = vector.shape_cast %mul3A_669 : vector<16xf32> to vector<1x1x16xf32>
      tpu.vector_store %arg6[%swap3A_671, %swap3A_672, %swap3A_673], %swap3A_676 {strides = array<i32>} : memref<2x50x128xf32, #tpu.memory_space<vmem>>, vector<1x1x16xf32>,
      %get3A_677 = arith.constant 0 : i32
      %get3A_678 = arith.index_cast %get3A_677 : i32 to index
      %get3A_679 = arith.index_cast %scan3A_566 : i32 to index
      %get3A_680 = arith.constant 112 : index
      %get3A_681 = tpu.vector_load %arg6[%get3A_678, %get3A_679, %get3A_680] {strides = array<i32>} : memref<2x50x128xf32, #tpu.memory_space<vmem>>, vector<1x1x16xf32>,
      %get3A_682 = vector.shape_cast %get3A_681 : vector<1x1x16xf32> to vector<16xf32>
      %mul3A_683 = arith.constant 11.3137083 : f32
      %mul3A_684 = vector.broadcast %mul3A_683 : f32 to vector<16xf32>
      %mul3A_685 = arith.mulf %get3A_682, %mul3A_684 : vector<16xf32>
      %swap3A_686 = arith.constant 0 : i32
      %swap3A_687 = arith.index_cast %swap3A_686 : i32 to index
      %swap3A_688 = arith.index_cast %scan3A_566 : i32 to index
      %swap3A_689 = arith.constant 112 : index
      %swap3A_690 = tpu.vector_load %arg6[%swap3A_687, %swap3A_688, %swap3A_689] {strides = array<i32>} : memref<2x50x128xf32, #tpu.memory_space<vmem>>, vector<1x1x16xf32>,
      %swap3A_691 = vector.shape_cast %swap3A_690 : vector<1x1x16xf32> to vector<16xf32>
      %swap3A_692 = vector.shape_cast %mul3A_685 : vector<16xf32> to vector<1x1x16xf32>
      tpu.vector_store %arg6[%swap3A_687, %swap3A_688, %swap3A_689], %swap3A_692 {strides = array<i32>} : memref<2x50x128xf32, #tpu.memory_space<vmem>>, vector<1x1x16xf32>,
      %get3A_693 = arith.constant 1 : i32
      %get3A_694 = arith.index_cast %get3A_693 : i32 to index
      %get3A_695 = arith.index_cast %scan3A_566 : i32 to index
      %get3A_696 = arith.constant 0 : index
      %get3A_697 = tpu.vector_load %arg6[%get3A_694, %get3A_695, %get3A_696] {strides = array<i32>} : memref<2x50x128xf32, #tpu.memory_space<vmem>>, vector<1x1x16xf32>,
      %get3A_698 = vector.shape_cast %get3A_697 : vector<1x1x16xf32> to vector<16xf32>
      %mul3A_699 = arith.constant 11.3137083 : f32
      %mul3A_700 = vector.broadcast %mul3A_699 : f32 to vector<16xf32>
      %mul3A_701 = arith.mulf %get3A_698, %mul3A_700 : vector<16xf32>
      %swap3A_702 = arith.constant 1 : i32
      %swap3A_703 = arith.index_cast %swap3A_702 : i32 to index
      %swap3A_704 = arith.index_cast %scan3A_566 : i32 to index
      %swap3A_705 = arith.constant 0 : index
      %swap3A_706 = tpu.vector_load %arg6[%swap3A_703, %swap3A_704, %swap3A_705] {strides = array<i32>} : memref<2x50x128xf32, #tpu.memory_space<vmem>>, vector<1x1x16xf32>,
      %swap3A_707 = vector.shape_cast %swap3A_706 : vector<1x1x16xf32> to vector<16xf32>
      %swap3A_708 = vector.shape_cast %mul3A_701 : vector<16xf32> to vector<1x1x16xf32>
      tpu.vector_store %arg6[%swap3A_703, %swap3A_704, %swap3A_705], %swap3A_708 {strides = array<i32>} : memref<2x50x128xf32, #tpu.memory_space<vmem>>, vector<1x1x16xf32>,
      %get3A_709 = arith.constant 1 : i32
      %get3A_710 = arith.index_cast %get3A_709 : i32 to index
      %get3A_711 = arith.index_cast %scan3A_566 : i32 to index
      %get3A_712 = arith.constant 16 : index
      %get3A_713 = tpu.vector_load %arg6[%get3A_710, %get3A_711, %get3A_712] {strides = array<i32>} : memref<2x50x128xf32, #tpu.memory_space<vmem>>, vector<1x1x16xf32>,
      %get3A_714 = vector.shape_cast %get3A_713 : vector<1x1x16xf32> to vector<16xf32>
      %mul3A_715 = arith.constant 11.3137083 : f32
      %mul3A_716 = vector.broadcast %mul3A_715 : f32 to vector<16xf32>
      %mul3A_717 = arith.mulf %get3A_714, %mul3A_716 : vector<16xf32>
      %swap3A_718 = arith.constant 1 : i32
      %swap3A_719 = arith.index_cast %swap3A_718 : i32 to index
      %swap3A_720 = arith.index_cast %scan3A_566 : i32 to index
      %swap3A_721 = arith.constant 16 : index
      %swap3A_722 = tpu.vector_load %arg6[%swap3A_719, %swap3A_720, %swap3A_721] {strides = array<i32>} : memref<2x50x128xf32, #tpu.memory_space<vmem>>, vector<1x1x16xf32>,
      %swap3A_723 = vector.shape_cast %swap3A_722 : vector<1x1x16xf32> to vector<16xf32>
      %swap3A_724 = vector.shape_cast %mul3A_717 : vector<16xf32> to vector<1x1x16xf32>
      tpu.vector_store %arg6[%swap3A_719, %swap3A_720, %swap3A_721], %swap3A_724 {strides = array<i32>} : memref<2x50x128xf32, #tpu.memory_space<vmem>>, vector<1x1x16xf32>,
      %get3A_725 = arith.constant 1 : i32
      %get3A_726 = arith.index_cast %get3A_725 : i32 to index
      %get3A_727 = arith.index_cast %scan3A_566 : i32 to index
      %get3A_728 = arith.constant 32 : index
      %get3A_729 = tpu.vector_load %arg6[%get3A_726, %get3A_727, %get3A_728] {strides = array<i32>} : memref<2x50x128xf32, #tpu.memory_space<vmem>>, vector<1x1x16xf32>,
      %get3A_730 = vector.shape_cast %get3A_729 : vector<1x1x16xf32> to vector<16xf32>
      %mul3A_731 = arith.constant 11.3137083 : f32
      %mul3A_732 = vector.broadcast %mul3A_731 : f32 to vector<16xf32>
      %mul3A_733 = arith.mulf %get3A_730, %mul3A_732 : vector<16xf32>
      %swap3A_734 = arith.constant 1 : i32
      %swap3A_735 = arith.index_cast %swap3A_734 : i32 to index
      %swap3A_736 = arith.index_cast %scan3A_566 : i32 to index
      %swap3A_737 = arith.constant 32 : index
      %swap3A_738 = tpu.vector_load %arg6[%swap3A_735, %swap3A_736, %swap3A_737] {strides = array<i32>} : memref<2x50x128xf32, #tpu.memory_space<vmem>>, vector<1x1x16xf32>,
      %swap3A_739 = vector.shape_cast %swap3A_738 : vector<1x1x16xf32> to vector<16xf32>
      %swap3A_740 = vector.shape_cast %mul3A_733 : vector<16xf32> to vector<1x1x16xf32>
      tpu.vector_store %arg6[%swap3A_735, %swap3A_736, %swap3A_737], %swap3A_740 {strides = array<i32>} : memref<2x50x128xf32, #tpu.memory_space<vmem>>, vector<1x1x16xf32>,
      %get3A_741 = arith.constant 1 : i32
      %get3A_742 = arith.index_cast %get3A_741 : i32 to index
      %get3A_743 = arith.index_cast %scan3A_566 : i32 to index
      %get3A_744 = arith.constant 48 : index
      %get3A_745 = tpu.vector_load %arg6[%get3A_742, %get3A_743, %get3A_744] {strides = array<i32>} : memref<2x50x128xf32, #tpu.memory_space<vmem>>, vector<1x1x16xf32>,
      %get3A_746 = vector.shape_cast %get3A_745 : vector<1x1x16xf32> to vector<16xf32>
      %mul3A_747 = arith.constant 11.3137083 : f32
      %mul3A_748 = vector.broadcast %mul3A_747 : f32 to vector<16xf32>
      %mul3A_749 = arith.mulf %get3A_746, %mul3A_748 : vector<16xf32>
      %swap3A_750 = arith.constant 1 : i32
      %swap3A_751 = arith.index_cast %swap3A_750 : i32 to index
      %swap3A_752 = arith.index_cast %scan3A_566 : i32 to index
      %swap3A_753 = arith.constant 48 : index
      %swap3A_754 = tpu.vector_load %arg6[%swap3A_751, %swap3A_752, %swap3A_753] {strides = array<i32>} : memref<2x50x128xf32, #tpu.memory_space<vmem>>, vector<1x1x16xf32>,
      %swap3A_755 = vector.shape_cast %swap3A_754 : vector<1x1x16xf32> to vector<16xf32>
      %swap3A_756 = vector.shape_cast %mul3A_749 : vector<16xf32> to vector<1x1x16xf32>
      tpu.vector_store %arg6[%swap3A_751, %swap3A_752, %swap3A_753], %swap3A_756 {strides = array<i32>} : memref<2x50x128xf32, #tpu.memory_space<vmem>>, vector<1x1x16xf32>,
      %get3A_757 = arith.constant 1 : i32
      %get3A_758 = arith.index_cast %get3A_757 : i32 to index
      %get3A_759 = arith.index_cast %scan3A_566 : i32 to index
      %get3A_760 = arith.constant 64 : index
      %get3A_761 = tpu.vector_load %arg6[%get3A_758, %get3A_759, %get3A_760] {strides = array<i32>} : memref<2x50x128xf32, #tpu.memory_space<vmem>>, vector<1x1x16xf32>,
      %get3A_762 = vector.shape_cast %get3A_761 : vector<1x1x16xf32> to vector<16xf32>
      %mul3A_763 = arith.constant 11.3137083 : f32
      %mul3A_764 = vector.broadcast %mul3A_763 : f32 to vector<16xf32>
      %mul3A_765 = arith.mulf %get3A_762, %mul3A_764 : vector<16xf32>
      %swap3A_766 = arith.constant 1 : i32
      %swap3A_767 = arith.index_cast %swap3A_766 : i32 to index
      %swap3A_768 = arith.index_cast %scan3A_566 : i32 to index
      %swap3A_769 = arith.constant 64 : index
      %swap3A_770 = tpu.vector_load %arg6[%swap3A_767, %swap3A_768, %swap3A_769] {strides = array<i32>} : memref<2x50x128xf32, #tpu.memory_space<vmem>>, vector<1x1x16xf32>,
      %swap3A_771 = vector.shape_cast %swap3A_770 : vector<1x1x16xf32> to vector<16xf32>
      %swap3A_772 = vector.shape_cast %mul3A_765 : vector<16xf32> to vector<1x1x16xf32>
      tpu.vector_store %arg6[%swap3A_767, %swap3A_768, %swap3A_769], %swap3A_772 {strides = array<i32>} : memref<2x50x128xf32, #tpu.memory_space<vmem>>, vector<1x1x16xf32>,
      %get3A_773 = arith.constant 1 : i32
      %get3A_774 = arith.index_cast %get3A_773 : i32 to index
      %get3A_775 = arith.index_cast %scan3A_566 : i32 to index
      %get3A_776 = arith.constant 80 : index
      %get3A_777 = tpu.vector_load %arg6[%get3A_774, %get3A_775, %get3A_776] {strides = array<i32>} : memref<2x50x128xf32, #tpu.memory_space<vmem>>, vector<1x1x16xf32>,
      %get3A_778 = vector.shape_cast %get3A_777 : vector<1x1x16xf32> to vector<16xf32>
      %mul3A_779 = arith.constant 11.3137083 : f32
      %mul3A_780 = vector.broadcast %mul3A_779 : f32 to vector<16xf32>
      %mul3A_781 = arith.mulf %get3A_778, %mul3A_780 : vector<16xf32>
      %swap3A_782 = arith.constant 1 : i32
      %swap3A_783 = arith.index_cast %swap3A_782 : i32 to index
      %swap3A_784 = arith.index_cast %scan3A_566 : i32 to index
      %swap3A_785 = arith.constant 80 : index
      %swap3A_786 = tpu.vector_load %arg6[%swap3A_783, %swap3A_784, %swap3A_785] {strides = array<i32>} : memref<2x50x128xf32, #tpu.memory_space<vmem>>, vector<1x1x16xf32>,
      %swap3A_787 = vector.shape_cast %swap3A_786 : vector<1x1x16xf32> to vector<16xf32>
      %swap3A_788 = vector.shape_cast %mul3A_781 : vector<16xf32> to vector<1x1x16xf32>
      tpu.vector_store %arg6[%swap3A_783, %swap3A_784, %swap3A_785], %swap3A_788 {strides = array<i32>} : memref<2x50x128xf32, #tpu.memory_space<vmem>>, vector<1x1x16xf32>,
      %get3A_789 = arith.constant 1 : i32
      %get3A_790 = arith.index_cast %get3A_789 : i32 to index
      %get3A_791 = arith.index_cast %scan3A_566 : i32 to index
      %get3A_792 = arith.constant 96 : index
      %get3A_793 = tpu.vector_load %arg6[%get3A_790, %get3A_791, %get3A_792] {strides = array<i32>} : memref<2x50x128xf32, #tpu.memory_space<vmem>>, vector<1x1x16xf32>,
      %get3A_794 = vector.shape_cast %get3A_793 : vector<1x1x16xf32> to vector<16xf32>
      %mul3A_795 = arith.constant 11.3137083 : f32
      %mul3A_796 = vector.broadcast %mul3A_795 : f32 to vector<16xf32>
      %mul3A_797 = arith.mulf %get3A_794, %mul3A_796 : vector<16xf32>
      %swap3A_798 = arith.constant 1 : i32
      %swap3A_799 = arith.index_cast %swap3A_798 : i32 to index
      %swap3A_800 = arith.index_cast %scan3A_566 : i32 to index
      %swap3A_801 = arith.constant 96 : index
      %swap3A_802 = tpu.vector_load %arg6[%swap3A_799, %swap3A_800, %swap3A_801] {strides = array<i32>} : memref<2x50x128xf32, #tpu.memory_space<vmem>>, vector<1x1x16xf32>,
      %swap3A_803 = vector.shape_cast %swap3A_802 : vector<1x1x16xf32> to vector<16xf32>
      %swap3A_804 = vector.shape_cast %mul3A_797 : vector<16xf32> to vector<1x1x16xf32>
      tpu.vector_store %arg6[%swap3A_799, %swap3A_800, %swap3A_801], %swap3A_804 {strides = array<i32>} : memref<2x50x128xf32, #tpu.memory_space<vmem>>, vector<1x1x16xf32>,
      %get3A_805 = arith.constant 1 : i32
      %get3A_806 = arith.index_cast %get3A_805 : i32 to index
      %get3A_807 = arith.index_cast %scan3A_566 : i32 to index
      %get3A_808 = arith.constant 112 : index
      %get3A_809 = tpu.vector_load %arg6[%get3A_806, %get3A_807, %get3A_808] {strides = array<i32>} : memref<2x50x128xf32, #tpu.memory_space<vmem>>, vector<1x1x16xf32>,
      %get3A_810 = vector.shape_cast %get3A_809 : vector<1x1x16xf32> to vector<16xf32>
      %mul3A_811 = arith.constant 11.3137083 : f32
      %mul3A_812 = vector.broadcast %mul3A_811 : f32 to vector<16xf32>
      %mul3A_813 = arith.mulf %get3A_810, %mul3A_812 : vector<16xf32>
      %swap3A_814 = arith.constant 1 : i32
      %swap3A_815 = arith.index_cast %swap3A_814 : i32 to index
      %swap3A_816 = arith.index_cast %scan3A_566 : i32 to index
      %swap3A_817 = arith.constant 112 : index
      %swap3A_818 = tpu.vector_load %arg6[%swap3A_815, %swap3A_816, %swap3A_817] {strides = array<i32>} : memref<2x50x128xf32, #tpu.memory_space<vmem>>, vector<1x1x16xf32>,
      %swap3A_819 = vector.shape_cast %swap3A_818 : vector<1x1x16xf32> to vector<16xf32>
      %swap3A_820 = vector.shape_cast %mul3A_813 : vector<16xf32> to vector<1x1x16xf32>
      tpu.vector_store %arg6[%swap3A_815, %swap3A_816, %swap3A_817], %swap3A_820 {strides = array<i32>} : memref<2x50x128xf32, #tpu.memory_space<vmem>>, vector<1x1x16xf32>,
    }
    %scan3A_379 = arith.constant 50 : i32
    %add3A_380 = arith.constant 120 : i32
    %add3A_381 = arith.addi %mul3A_2, %add3A_380 : i32
    %dma_start3A_382 = arith.constant 0 : i32
    %dma_start3A_383 = arith.constant 0 : i32
    %dma_start3A_384 = tpu.memref_slice %arg4[%add3A_381, %dma_start3A_382, %dma_start3A_383] : memref<4096x50x128xf32, #tpu.memory_space<hbm>> -> memref<2x50x128xf32, #tpu.memory_space<hbm>>
    %dma_start3A_385 = arith.constant 0 : i32
    %dma_start3A_386 = arith.constant 0 : i32
    %dma_start3A_387 = tpu.memref_slice %arg4[%add3A_381, %dma_start3A_385, %dma_start3A_386] : memref<4096x50x128xf32, #tpu.memory_space<hbm>> -> memref<2x50x128xf32, #tpu.memory_space<hbm>>
    tpu.enqueue_dma source(%arg6 : memref<2x50x128xf32, #tpu.memory_space<vmem>>) target(%dma_start3A_387 : memref<2x50x128xf32, #tpu.memory_space<hbm>>) target_semaphore(%arg14 : memref<!tpu.dma_semaphore, #tpu.memory_space<semaphore_mem>>)
    %add3A_388 = arith.constant 118 : i32
    %add3A_389 = arith.addi %mul3A_2, %add3A_388 : i32
    %dma_wait3A_390 = arith.constant 0 : i32
    %dma_wait3A_391 = arith.constant 0 : i32
    %dma_wait3A_392 = tpu.memref_slice %arg4[%add3A_389, %dma_wait3A_390, %dma_wait3A_391] : memref<4096x50x128xf32, #tpu.memory_space<hbm>> -> memref<2x50x128xf32, #tpu.memory_space<hbm>>
    %dma_wait3A_393 = arith.constant 0 : i32
    %dma_wait3A_394 = arith.constant 0 : i32
    %dma_wait3A_395 = tpu.memref_slice %arg4[%add3A_389, %dma_wait3A_393, %dma_wait3A_394] : memref<4096x50x128xf32, #tpu.memory_space<hbm>> -> memref<2x50x128xf32, #tpu.memory_space<hbm>>
    tpu.wait_dma2 semaphore(%arg17 : memref<!tpu.dma_semaphore, #tpu.memory_space<semaphore_mem>>) src(%arg9 : memref<2x50x128xf32, #tpu.memory_space<vmem>>) dst(%dma_wait3A_395 : memref<2x50x128xf32, #tpu.memory_space<hbm>>)
    %dma_start3A_396 = arith.constant 126 : i32
    %dma_start3A_397 = arith.constant 0 : i32
    %dma_start3A_398 = arith.constant 0 : i32
    %dma_start3A_399 = arith.constant 0 : i32
    %dma_start3A_400 = tpu.memref_slice %arg9[%dma_start3A_397, %dma_start3A_398, %dma_start3A_399] : memref<2x50x128xf32, #tpu.memory_space<vmem>> -> memref<1x50x128xf32, #tpu.memory_space<vmem>>
    %dma_start3A_401 = tpu.memref_squeeze %dma_start3A_400 : memref<1x50x128xf32, #tpu.memory_space<vmem>> -> memref<50x128xf32, #tpu.memory_space<vmem>>
    %dma_start3A_402 = arith.constant 0 : i32
    %dma_start3A_403 = tpu.memref_slice %arg5[%dma_start3A_396, %dma_start3A_402] : memref<128x50xi32, #tpu.memory_space<vmem>> -> memref<1x50xi32, #tpu.memory_space<vmem>>
    %dma_start3A_404 = tpu.memref_squeeze %dma_start3A_403 : memref<1x50xi32, #tpu.memory_space<vmem>> -> memref<50xi32, #tpu.memory_space<vmem>>
    %dma_start3A_405 = arith.constant 0 : i32
    %dma_start3A_406 = arith.constant 0 : i32
    %dma_start3A_407 = tpu.memref_slice %arg2[%dma_start3A_405, %dma_start3A_406] : memref<100000x128xf32, #tpu.memory_space<hbm>> -> memref<100000x128xf32, #tpu.memory_space<hbm>>
    tpu.enqueue_indirect_dma source(%dma_start3A_407 : memref<100000x128xf32, #tpu.memory_space<hbm>>) target(%dma_start3A_401 : memref<50x128xf32, #tpu.memory_space<vmem>>) offsets(%dma_start3A_404 : memref<50xi32, #tpu.memory_space<vmem>>) semaphore(%arg13 : memref<!tpu.dma_semaphore, #tpu.memory_space<semaphore_mem>>)
    %dma_start3A_408 = arith.constant 127 : i32
    %dma_start3A_409 = arith.constant 1 : i32
    %dma_start3A_410 = arith.constant 0 : i32
    %dma_start3A_411 = arith.constant 0 : i32
    %dma_start3A_412 = tpu.memref_slice %arg9[%dma_start3A_409, %dma_start3A_410, %dma_start3A_411] : memref<2x50x128xf32, #tpu.memory_space<vmem>> -> memref<1x50x128xf32, #tpu.memory_space<vmem>>
    %dma_start3A_413 = tpu.memref_squeeze %dma_start3A_412 : memref<1x50x128xf32, #tpu.memory_space<vmem>> -> memref<50x128xf32, #tpu.memory_space<vmem>>
    %dma_start3A_414 = arith.constant 0 : i32
    %dma_start3A_415 = tpu.memref_slice %arg5[%dma_start3A_408, %dma_start3A_414] : memref<128x50xi32, #tpu.memory_space<vmem>> -> memref<1x50xi32, #tpu.memory_space<vmem>>
    %dma_start3A_416 = tpu.memref_squeeze %dma_start3A_415 : memref<1x50xi32, #tpu.memory_space<vmem>> -> memref<50xi32, #tpu.memory_space<vmem>>
    %dma_start3A_417 = arith.constant 0 : i32
    %dma_start3A_418 = arith.constant 0 : i32
    %dma_start3A_419 = tpu.memref_slice %arg2[%dma_start3A_417, %dma_start3A_418] : memref<100000x128xf32, #tpu.memory_space<hbm>> -> memref<100000x128xf32, #tpu.memory_space<hbm>>
    tpu.enqueue_indirect_dma source(%dma_start3A_419 : memref<100000x128xf32, #tpu.memory_space<hbm>>) target(%dma_start3A_413 : memref<50x128xf32, #tpu.memory_space<vmem>>) offsets(%dma_start3A_416 : memref<50xi32, #tpu.memory_space<vmem>>) semaphore(%arg13 : memref<!tpu.dma_semaphore, #tpu.memory_space<semaphore_mem>>)
    %dma_wait3A_420 = arith.constant 122 : i32
    %dma_wait3A_421 = arith.constant 0 : i32
    %dma_wait3A_422 = arith.constant 0 : i32
    %dma_wait3A_423 = arith.constant 0 : i32
    %dma_wait3A_424 = tpu.memref_slice %arg7[%dma_wait3A_421, %dma_wait3A_422, %dma_wait3A_423] : memref<2x50x128xf32, #tpu.memory_space<vmem>> -> memref<1x50x128xf32, #tpu.memory_space<vmem>>
    %dma_wait3A_425 = tpu.memref_squeeze %dma_wait3A_424 : memref<1x50x128xf32, #tpu.memory_space<vmem>> -> memref<50x128xf32, #tpu.memory_space<vmem>>
    %dma_wait3A_426 = arith.constant 0 : i32
    %dma_wait3A_427 = tpu.memref_slice %arg5[%dma_wait3A_420, %dma_wait3A_426] : memref<128x50xi32, #tpu.memory_space<vmem>> -> memref<1x50xi32, #tpu.memory_space<vmem>>
    %dma_wait3A_428 = tpu.memref_squeeze %dma_wait3A_427 : memref<1x50xi32, #tpu.memory_space<vmem>> -> memref<50xi32, #tpu.memory_space<vmem>>
    %dma_wait3A_429 = arith.constant 0 : i32
    %dma_wait3A_430 = arith.constant 0 : i32
    %dma_wait3A_431 = tpu.memref_slice %arg2[%dma_wait3A_429, %dma_wait3A_430] : memref<100000x128xf32, #tpu.memory_space<hbm>> -> memref<100000x128xf32, #tpu.memory_space<hbm>>
    tpu.wait_indirect_dma semaphore(%arg11 : memref<!tpu.dma_semaphore, #tpu.memory_space<semaphore_mem>>) src(%dma_wait3A_431 : memref<100000x128xf32, #tpu.memory_space<hbm>>) dst(%dma_wait3A_425 : memref<50x128xf32, #tpu.memory_space<vmem>>)
    %dma_wait3A_432 = arith.constant 123 : i32
    %dma_wait3A_433 = arith.constant 1 : i32
    %dma_wait3A_434 = arith.constant 0 : i32
    %dma_wait3A_435 = arith.constant 0 : i32
    %dma_wait3A_436 = tpu.memref_slice %arg7[%dma_wait3A_433, %dma_wait3A_434, %dma_wait3A_435] : memref<2x50x128xf32, #tpu.memory_space<vmem>> -> memref<1x50x128xf32, #tpu.memory_space<vmem>>
    %dma_wait3A_437 = tpu.memref_squeeze %dma_wait3A_436 : memref<1x50x128xf32, #tpu.memory_space<vmem>> -> memref<50x128xf32, #tpu.memory_space<vmem>>
    %dma_wait3A_438 = arith.constant 0 : i32
    %dma_wait3A_439 = tpu.memref_slice %arg5[%dma_wait3A_432, %dma_wait3A_438] : memref<128x50xi32, #tpu.memory_space<vmem>> -> memref<1x50xi32, #tpu.memory_space<vmem>>
    %dma_wait3A_440 = tpu.memref_squeeze %dma_wait3A_439 : memref<1x50xi32, #tpu.memory_space<vmem>> -> memref<50xi32, #tpu.memory_space<vmem>>
    %dma_wait3A_441 = arith.constant 0 : i32
    %dma_wait3A_442 = arith.constant 0 : i32
    %dma_wait3A_443 = tpu.memref_slice %arg2[%dma_wait3A_441, %dma_wait3A_442] : memref<100000x128xf32, #tpu.memory_space<hbm>> -> memref<100000x128xf32, #tpu.memory_space<hbm>>
    tpu.wait_indirect_dma semaphore(%arg11 : memref<!tpu.dma_semaphore, #tpu.memory_space<semaphore_mem>>) src(%dma_wait3A_443 : memref<100000x128xf32, #tpu.memory_space<hbm>>) dst(%dma_wait3A_437 : memref<50x128xf32, #tpu.memory_space<vmem>>)
    %scan3A_444 = arith.constant 0 : i32
    %scan3A_445 = arith.constant 0 : i32
    %scan3A_446 = arith.constant 50 : i32
    %scan3A_447 = arith.addi %scan3A_445, %scan3A_446 : i32
    %scan3A_448 = arith.constant 1 : i32
    scf.for %scan3A_566 = %scan3A_445 to %scan3A_447 step %scan3A_448  : i32 {
      %get3A = arith.constant 0 : i32
      %get3A_567 = arith.index_cast %get3A : i32 to index
      %get3A_568 = arith.index_cast %scan3A_566 : i32 to index
      %get3A_569 = arith.constant 0 : index
      %get3A_570 = tpu.vector_load %arg7[%get3A_567, %get3A_568, %get3A_569] {strides = array<i32>} : memref<2x50x128xf32, #tpu.memory_space<vmem>>, vector<1x1x16xf32>,
      %get3A_571 = vector.shape_cast %get3A_570 : vector<1x1x16xf32> to vector<16xf32>
      %mul3A_572 = arith.constant 11.3137083 : f32
      %mul3A_573 = vector.broadcast %mul3A_572 : f32 to vector<16xf32>
      %mul3A_574 = arith.mulf %get3A_571, %mul3A_573 : vector<16xf32>
      %swap3A = arith.constant 0 : i32
      %swap3A_575 = arith.index_cast %swap3A : i32 to index
      %swap3A_576 = arith.index_cast %scan3A_566 : i32 to index
      %swap3A_577 = arith.constant 0 : index
      %swap3A_578 = tpu.vector_load %arg7[%swap3A_575, %swap3A_576, %swap3A_577] {strides = array<i32>} : memref<2x50x128xf32, #tpu.memory_space<vmem>>, vector<1x1x16xf32>,
      %swap3A_579 = vector.shape_cast %swap3A_578 : vector<1x1x16xf32> to vector<16xf32>
      %swap3A_580 = vector.shape_cast %mul3A_574 : vector<16xf32> to vector<1x1x16xf32>
      tpu.vector_store %arg7[%swap3A_575, %swap3A_576, %swap3A_577], %swap3A_580 {strides = array<i32>} : memref<2x50x128xf32, #tpu.memory_space<vmem>>, vector<1x1x16xf32>,
      %get3A_581 = arith.constant 0 : i32
      %get3A_582 = arith.index_cast %get3A_581 : i32 to index
      %get3A_583 = arith.index_cast %scan3A_566 : i32 to index
      %get3A_584 = arith.constant 16 : index
      %get3A_585 = tpu.vector_load %arg7[%get3A_582, %get3A_583, %get3A_584] {strides = array<i32>} : memref<2x50x128xf32, #tpu.memory_space<vmem>>, vector<1x1x16xf32>,
      %get3A_586 = vector.shape_cast %get3A_585 : vector<1x1x16xf32> to vector<16xf32>
      %mul3A_587 = arith.constant 11.3137083 : f32
      %mul3A_588 = vector.broadcast %mul3A_587 : f32 to vector<16xf32>
      %mul3A_589 = arith.mulf %get3A_586, %mul3A_588 : vector<16xf32>
      %swap3A_590 = arith.constant 0 : i32
      %swap3A_591 = arith.index_cast %swap3A_590 : i32 to index
      %swap3A_592 = arith.index_cast %scan3A_566 : i32 to index
      %swap3A_593 = arith.constant 16 : index
      %swap3A_594 = tpu.vector_load %arg7[%swap3A_591, %swap3A_592, %swap3A_593] {strides = array<i32>} : memref<2x50x128xf32, #tpu.memory_space<vmem>>, vector<1x1x16xf32>,
      %swap3A_595 = vector.shape_cast %swap3A_594 : vector<1x1x16xf32> to vector<16xf32>
      %swap3A_596 = vector.shape_cast %mul3A_589 : vector<16xf32> to vector<1x1x16xf32>
      tpu.vector_store %arg7[%swap3A_591, %swap3A_592, %swap3A_593], %swap3A_596 {strides = array<i32>} : memref<2x50x128xf32, #tpu.memory_space<vmem>>, vector<1x1x16xf32>,
      %get3A_597 = arith.constant 0 : i32
      %get3A_598 = arith.index_cast %get3A_597 : i32 to index
      %get3A_599 = arith.index_cast %scan3A_566 : i32 to index
      %get3A_600 = arith.constant 32 : index
      %get3A_601 = tpu.vector_load %arg7[%get3A_598, %get3A_599, %get3A_600] {strides = array<i32>} : memref<2x50x128xf32, #tpu.memory_space<vmem>>, vector<1x1x16xf32>,
      %get3A_602 = vector.shape_cast %get3A_601 : vector<1x1x16xf32> to vector<16xf32>
      %mul3A_603 = arith.constant 11.3137083 : f32
      %mul3A_604 = vector.broadcast %mul3A_603 : f32 to vector<16xf32>
      %mul3A_605 = arith.mulf %get3A_602, %mul3A_604 : vector<16xf32>
      %swap3A_606 = arith.constant 0 : i32
      %swap3A_607 = arith.index_cast %swap3A_606 : i32 to index
      %swap3A_608 = arith.index_cast %scan3A_566 : i32 to index
      %swap3A_609 = arith.constant 32 : index
      %swap3A_610 = tpu.vector_load %arg7[%swap3A_607, %swap3A_608, %swap3A_609] {strides = array<i32>} : memref<2x50x128xf32, #tpu.memory_space<vmem>>, vector<1x1x16xf32>,
      %swap3A_611 = vector.shape_cast %swap3A_610 : vector<1x1x16xf32> to vector<16xf32>
      %swap3A_612 = vector.shape_cast %mul3A_605 : vector<16xf32> to vector<1x1x16xf32>
      tpu.vector_store %arg7[%swap3A_607, %swap3A_608, %swap3A_609], %swap3A_612 {strides = array<i32>} : memref<2x50x128xf32, #tpu.memory_space<vmem>>, vector<1x1x16xf32>,
      %get3A_613 = arith.constant 0 : i32
      %get3A_614 = arith.index_cast %get3A_613 : i32 to index
      %get3A_615 = arith.index_cast %scan3A_566 : i32 to index
      %get3A_616 = arith.constant 48 : index
      %get3A_617 = tpu.vector_load %arg7[%get3A_614, %get3A_615, %get3A_616] {strides = array<i32>} : memref<2x50x128xf32, #tpu.memory_space<vmem>>, vector<1x1x16xf32>,
      %get3A_618 = vector.shape_cast %get3A_617 : vector<1x1x16xf32> to vector<16xf32>
      %mul3A_619 = arith.constant 11.3137083 : f32
      %mul3A_620 = vector.broadcast %mul3A_619 : f32 to vector<16xf32>
      %mul3A_621 = arith.mulf %get3A_618, %mul3A_620 : vector<16xf32>
      %swap3A_622 = arith.constant 0 : i32
      %swap3A_623 = arith.index_cast %swap3A_622 : i32 to index
      %swap3A_624 = arith.index_cast %scan3A_566 : i32 to index
      %swap3A_625 = arith.constant 48 : index
      %swap3A_626 = tpu.vector_load %arg7[%swap3A_623, %swap3A_624, %swap3A_625] {strides = array<i32>} : memref<2x50x128xf32, #tpu.memory_space<vmem>>, vector<1x1x16xf32>,
      %swap3A_627 = vector.shape_cast %swap3A_626 : vector<1x1x16xf32> to vector<16xf32>
      %swap3A_628 = vector.shape_cast %mul3A_621 : vector<16xf32> to vector<1x1x16xf32>
      tpu.vector_store %arg7[%swap3A_623, %swap3A_624, %swap3A_625], %swap3A_628 {strides = array<i32>} : memref<2x50x128xf32, #tpu.memory_space<vmem>>, vector<1x1x16xf32>,
      %get3A_629 = arith.constant 0 : i32
      %get3A_630 = arith.index_cast %get3A_629 : i32 to index
      %get3A_631 = arith.index_cast %scan3A_566 : i32 to index
      %get3A_632 = arith.constant 64 : index
      %get3A_633 = tpu.vector_load %arg7[%get3A_630, %get3A_631, %get3A_632] {strides = array<i32>} : memref<2x50x128xf32, #tpu.memory_space<vmem>>, vector<1x1x16xf32>,
      %get3A_634 = vector.shape_cast %get3A_633 : vector<1x1x16xf32> to vector<16xf32>
      %mul3A_635 = arith.constant 11.3137083 : f32
      %mul3A_636 = vector.broadcast %mul3A_635 : f32 to vector<16xf32>
      %mul3A_637 = arith.mulf %get3A_634, %mul3A_636 : vector<16xf32>
      %swap3A_638 = arith.constant 0 : i32
      %swap3A_639 = arith.index_cast %swap3A_638 : i32 to index
      %swap3A_640 = arith.index_cast %scan3A_566 : i32 to index
      %swap3A_641 = arith.constant 64 : index
      %swap3A_642 = tpu.vector_load %arg7[%swap3A_639, %swap3A_640, %swap3A_641] {strides = array<i32>} : memref<2x50x128xf32, #tpu.memory_space<vmem>>, vector<1x1x16xf32>,
      %swap3A_643 = vector.shape_cast %swap3A_642 : vector<1x1x16xf32> to vector<16xf32>
      %swap3A_644 = vector.shape_cast %mul3A_637 : vector<16xf32> to vector<1x1x16xf32>
      tpu.vector_store %arg7[%swap3A_639, %swap3A_640, %swap3A_641], %swap3A_644 {strides = array<i32>} : memref<2x50x128xf32, #tpu.memory_space<vmem>>, vector<1x1x16xf32>,
      %get3A_645 = arith.constant 0 : i32
      %get3A_646 = arith.index_cast %get3A_645 : i32 to index
      %get3A_647 = arith.index_cast %scan3A_566 : i32 to index
      %get3A_648 = arith.constant 80 : index
      %get3A_649 = tpu.vector_load %arg7[%get3A_646, %get3A_647, %get3A_648] {strides = array<i32>} : memref<2x50x128xf32, #tpu.memory_space<vmem>>, vector<1x1x16xf32>,
      %get3A_650 = vector.shape_cast %get3A_649 : vector<1x1x16xf32> to vector<16xf32>
      %mul3A_651 = arith.constant 11.3137083 : f32
      %mul3A_652 = vector.broadcast %mul3A_651 : f32 to vector<16xf32>
      %mul3A_653 = arith.mulf %get3A_650, %mul3A_652 : vector<16xf32>
      %swap3A_654 = arith.constant 0 : i32
      %swap3A_655 = arith.index_cast %swap3A_654 : i32 to index
      %swap3A_656 = arith.index_cast %scan3A_566 : i32 to index
      %swap3A_657 = arith.constant 80 : index
      %swap3A_658 = tpu.vector_load %arg7[%swap3A_655, %swap3A_656, %swap3A_657] {strides = array<i32>} : memref<2x50x128xf32, #tpu.memory_space<vmem>>, vector<1x1x16xf32>,
      %swap3A_659 = vector.shape_cast %swap3A_658 : vector<1x1x16xf32> to vector<16xf32>
      %swap3A_660 = vector.shape_cast %mul3A_653 : vector<16xf32> to vector<1x1x16xf32>
      tpu.vector_store %arg7[%swap3A_655, %swap3A_656, %swap3A_657], %swap3A_660 {strides = array<i32>} : memref<2x50x128xf32, #tpu.memory_space<vmem>>, vector<1x1x16xf32>,
      %get3A_661 = arith.constant 0 : i32
      %get3A_662 = arith.index_cast %get3A_661 : i32 to index
      %get3A_663 = arith.index_cast %scan3A_566 : i32 to index
      %get3A_664 = arith.constant 96 : index
      %get3A_665 = tpu.vector_load %arg7[%get3A_662, %get3A_663, %get3A_664] {strides = array<i32>} : memref<2x50x128xf32, #tpu.memory_space<vmem>>, vector<1x1x16xf32>,
      %get3A_666 = vector.shape_cast %get3A_665 : vector<1x1x16xf32> to vector<16xf32>
      %mul3A_667 = arith.constant 11.3137083 : f32
      %mul3A_668 = vector.broadcast %mul3A_667 : f32 to vector<16xf32>
      %mul3A_669 = arith.mulf %get3A_666, %mul3A_668 : vector<16xf32>
      %swap3A_670 = arith.constant 0 : i32
      %swap3A_671 = arith.index_cast %swap3A_670 : i32 to index
      %swap3A_672 = arith.index_cast %scan3A_566 : i32 to index
      %swap3A_673 = arith.constant 96 : index
      %swap3A_674 = tpu.vector_load %arg7[%swap3A_671, %swap3A_672, %swap3A_673] {strides = array<i32>} : memref<2x50x128xf32, #tpu.memory_space<vmem>>, vector<1x1x16xf32>,
      %swap3A_675 = vector.shape_cast %swap3A_674 : vector<1x1x16xf32> to vector<16xf32>
      %swap3A_676 = vector.shape_cast %mul3A_669 : vector<16xf32> to vector<1x1x16xf32>
      tpu.vector_store %arg7[%swap3A_671, %swap3A_672, %swap3A_673], %swap3A_676 {strides = array<i32>} : memref<2x50x128xf32, #tpu.memory_space<vmem>>, vector<1x1x16xf32>,
      %get3A_677 = arith.constant 0 : i32
      %get3A_678 = arith.index_cast %get3A_677 : i32 to index
      %get3A_679 = arith.index_cast %scan3A_566 : i32 to index
      %get3A_680 = arith.constant 112 : index
      %get3A_681 = tpu.vector_load %arg7[%get3A_678, %get3A_679, %get3A_680] {strides = array<i32>} : memref<2x50x128xf32, #tpu.memory_space<vmem>>, vector<1x1x16xf32>,
      %get3A_682 = vector.shape_cast %get3A_681 : vector<1x1x16xf32> to vector<16xf32>
      %mul3A_683 = arith.constant 11.3137083 : f32
      %mul3A_684 = vector.broadcast %mul3A_683 : f32 to vector<16xf32>
      %mul3A_685 = arith.mulf %get3A_682, %mul3A_684 : vector<16xf32>
      %swap3A_686 = arith.constant 0 : i32
      %swap3A_687 = arith.index_cast %swap3A_686 : i32 to index
      %swap3A_688 = arith.index_cast %scan3A_566 : i32 to index
      %swap3A_689 = arith.constant 112 : index
      %swap3A_690 = tpu.vector_load %arg7[%swap3A_687, %swap3A_688, %swap3A_689] {strides = array<i32>} : memref<2x50x128xf32, #tpu.memory_space<vmem>>, vector<1x1x16xf32>,
      %swap3A_691 = vector.shape_cast %swap3A_690 : vector<1x1x16xf32> to vector<16xf32>
      %swap3A_692 = vector.shape_cast %mul3A_685 : vector<16xf32> to vector<1x1x16xf32>
      tpu.vector_store %arg7[%swap3A_687, %swap3A_688, %swap3A_689], %swap3A_692 {strides = array<i32>} : memref<2x50x128xf32, #tpu.memory_space<vmem>>, vector<1x1x16xf32>,
      %get3A_693 = arith.constant 1 : i32
      %get3A_694 = arith.index_cast %get3A_693 : i32 to index
      %get3A_695 = arith.index_cast %scan3A_566 : i32 to index
      %get3A_696 = arith.constant 0 : index
      %get3A_697 = tpu.vector_load %arg7[%get3A_694, %get3A_695, %get3A_696] {strides = array<i32>} : memref<2x50x128xf32, #tpu.memory_space<vmem>>, vector<1x1x16xf32>,
      %get3A_698 = vector.shape_cast %get3A_697 : vector<1x1x16xf32> to vector<16xf32>
      %mul3A_699 = arith.constant 11.3137083 : f32
      %mul3A_700 = vector.broadcast %mul3A_699 : f32 to vector<16xf32>
      %mul3A_701 = arith.mulf %get3A_698, %mul3A_700 : vector<16xf32>
      %swap3A_702 = arith.constant 1 : i32
      %swap3A_703 = arith.index_cast %swap3A_702 : i32 to index
      %swap3A_704 = arith.index_cast %scan3A_566 : i32 to index
      %swap3A_705 = arith.constant 0 : index
      %swap3A_706 = tpu.vector_load %arg7[%swap3A_703, %swap3A_704, %swap3A_705] {strides = array<i32>} : memref<2x50x128xf32, #tpu.memory_space<vmem>>, vector<1x1x16xf32>,
      %swap3A_707 = vector.shape_cast %swap3A_706 : vector<1x1x16xf32> to vector<16xf32>
      %swap3A_708 = vector.shape_cast %mul3A_701 : vector<16xf32> to vector<1x1x16xf32>
      tpu.vector_store %arg7[%swap3A_703, %swap3A_704, %swap3A_705], %swap3A_708 {strides = array<i32>} : memref<2x50x128xf32, #tpu.memory_space<vmem>>, vector<1x1x16xf32>,
      %get3A_709 = arith.constant 1 : i32
      %get3A_710 = arith.index_cast %get3A_709 : i32 to index
      %get3A_711 = arith.index_cast %scan3A_566 : i32 to index
      %get3A_712 = arith.constant 16 : index
      %get3A_713 = tpu.vector_load %arg7[%get3A_710, %get3A_711, %get3A_712] {strides = array<i32>} : memref<2x50x128xf32, #tpu.memory_space<vmem>>, vector<1x1x16xf32>,
      %get3A_714 = vector.shape_cast %get3A_713 : vector<1x1x16xf32> to vector<16xf32>
      %mul3A_715 = arith.constant 11.3137083 : f32
      %mul3A_716 = vector.broadcast %mul3A_715 : f32 to vector<16xf32>
      %mul3A_717 = arith.mulf %get3A_714, %mul3A_716 : vector<16xf32>
      %swap3A_718 = arith.constant 1 : i32
      %swap3A_719 = arith.index_cast %swap3A_718 : i32 to index
      %swap3A_720 = arith.index_cast %scan3A_566 : i32 to index
      %swap3A_721 = arith.constant 16 : index
      %swap3A_722 = tpu.vector_load %arg7[%swap3A_719, %swap3A_720, %swap3A_721] {strides = array<i32>} : memref<2x50x128xf32, #tpu.memory_space<vmem>>, vector<1x1x16xf32>,
      %swap3A_723 = vector.shape_cast %swap3A_722 : vector<1x1x16xf32> to vector<16xf32>
      %swap3A_724 = vector.shape_cast %mul3A_717 : vector<16xf32> to vector<1x1x16xf32>
      tpu.vector_store %arg7[%swap3A_719, %swap3A_720, %swap3A_721], %swap3A_724 {strides = array<i32>} : memref<2x50x128xf32, #tpu.memory_space<vmem>>, vector<1x1x16xf32>,
      %get3A_725 = arith.constant 1 : i32
      %get3A_726 = arith.index_cast %get3A_725 : i32 to index
      %get3A_727 = arith.index_cast %scan3A_566 : i32 to index
      %get3A_728 = arith.constant 32 : index
      %get3A_729 = tpu.vector_load %arg7[%get3A_726, %get3A_727, %get3A_728] {strides = array<i32>} : memref<2x50x128xf32, #tpu.memory_space<vmem>>, vector<1x1x16xf32>,
      %get3A_730 = vector.shape_cast %get3A_729 : vector<1x1x16xf32> to vector<16xf32>
      %mul3A_731 = arith.constant 11.3137083 : f32
      %mul3A_732 = vector.broadcast %mul3A_731 : f32 to vector<16xf32>
      %mul3A_733 = arith.mulf %get3A_730, %mul3A_732 : vector<16xf32>
      %swap3A_734 = arith.constant 1 : i32
      %swap3A_735 = arith.index_cast %swap3A_734 : i32 to index
      %swap3A_736 = arith.index_cast %scan3A_566 : i32 to index
      %swap3A_737 = arith.constant 32 : index
      %swap3A_738 = tpu.vector_load %arg7[%swap3A_735, %swap3A_736, %swap3A_737] {strides = array<i32>} : memref<2x50x128xf32, #tpu.memory_space<vmem>>, vector<1x1x16xf32>,
      %swap3A_739 = vector.shape_cast %swap3A_738 : vector<1x1x16xf32> to vector<16xf32>
      %swap3A_740 = vector.shape_cast %mul3A_733 : vector<16xf32> to vector<1x1x16xf32>
      tpu.vector_store %arg7[%swap3A_735, %swap3A_736, %swap3A_737], %swap3A_740 {strides = array<i32>} : memref<2x50x128xf32, #tpu.memory_space<vmem>>, vector<1x1x16xf32>,
      %get3A_741 = arith.constant 1 : i32
      %get3A_742 = arith.index_cast %get3A_741 : i32 to index
      %get3A_743 = arith.index_cast %scan3A_566 : i32 to index
      %get3A_744 = arith.constant 48 : index
      %get3A_745 = tpu.vector_load %arg7[%get3A_742, %get3A_743, %get3A_744] {strides = array<i32>} : memref<2x50x128xf32, #tpu.memory_space<vmem>>, vector<1x1x16xf32>,
      %get3A_746 = vector.shape_cast %get3A_745 : vector<1x1x16xf32> to vector<16xf32>
      %mul3A_747 = arith.constant 11.3137083 : f32
      %mul3A_748 = vector.broadcast %mul3A_747 : f32 to vector<16xf32>
      %mul3A_749 = arith.mulf %get3A_746, %mul3A_748 : vector<16xf32>
      %swap3A_750 = arith.constant 1 : i32
      %swap3A_751 = arith.index_cast %swap3A_750 : i32 to index
      %swap3A_752 = arith.index_cast %scan3A_566 : i32 to index
      %swap3A_753 = arith.constant 48 : index
      %swap3A_754 = tpu.vector_load %arg7[%swap3A_751, %swap3A_752, %swap3A_753] {strides = array<i32>} : memref<2x50x128xf32, #tpu.memory_space<vmem>>, vector<1x1x16xf32>,
      %swap3A_755 = vector.shape_cast %swap3A_754 : vector<1x1x16xf32> to vector<16xf32>
      %swap3A_756 = vector.shape_cast %mul3A_749 : vector<16xf32> to vector<1x1x16xf32>
      tpu.vector_store %arg7[%swap3A_751, %swap3A_752, %swap3A_753], %swap3A_756 {strides = array<i32>} : memref<2x50x128xf32, #tpu.memory_space<vmem>>, vector<1x1x16xf32>,
      %get3A_757 = arith.constant 1 : i32
      %get3A_758 = arith.index_cast %get3A_757 : i32 to index
      %get3A_759 = arith.index_cast %scan3A_566 : i32 to index
      %get3A_760 = arith.constant 64 : index
      %get3A_761 = tpu.vector_load %arg7[%get3A_758, %get3A_759, %get3A_760] {strides = array<i32>} : memref<2x50x128xf32, #tpu.memory_space<vmem>>, vector<1x1x16xf32>,
      %get3A_762 = vector.shape_cast %get3A_761 : vector<1x1x16xf32> to vector<16xf32>
      %mul3A_763 = arith.constant 11.3137083 : f32
      %mul3A_764 = vector.broadcast %mul3A_763 : f32 to vector<16xf32>
      %mul3A_765 = arith.mulf %get3A_762, %mul3A_764 : vector<16xf32>
      %swap3A_766 = arith.constant 1 : i32
      %swap3A_767 = arith.index_cast %swap3A_766 : i32 to index
      %swap3A_768 = arith.index_cast %scan3A_566 : i32 to index
      %swap3A_769 = arith.constant 64 : index
      %swap3A_770 = tpu.vector_load %arg7[%swap3A_767, %swap3A_768, %swap3A_769] {strides = array<i32>} : memref<2x50x128xf32, #tpu.memory_space<vmem>>, vector<1x1x16xf32>,
      %swap3A_771 = vector.shape_cast %swap3A_770 : vector<1x1x16xf32> to vector<16xf32>
      %swap3A_772 = vector.shape_cast %mul3A_765 : vector<16xf32> to vector<1x1x16xf32>
      tpu.vector_store %arg7[%swap3A_767, %swap3A_768, %swap3A_769], %swap3A_772 {strides = array<i32>} : memref<2x50x128xf32, #tpu.memory_space<vmem>>, vector<1x1x16xf32>,
      %get3A_773 = arith.constant 1 : i32
      %get3A_774 = arith.index_cast %get3A_773 : i32 to index
      %get3A_775 = arith.index_cast %scan3A_566 : i32 to index
      %get3A_776 = arith.constant 80 : index
      %get3A_777 = tpu.vector_load %arg7[%get3A_774, %get3A_775, %get3A_776] {strides = array<i32>} : memref<2x50x128xf32, #tpu.memory_space<vmem>>, vector<1x1x16xf32>,
      %get3A_778 = vector.shape_cast %get3A_777 : vector<1x1x16xf32> to vector<16xf32>
      %mul3A_779 = arith.constant 11.3137083 : f32
      %mul3A_780 = vector.broadcast %mul3A_779 : f32 to vector<16xf32>
      %mul3A_781 = arith.mulf %get3A_778, %mul3A_780 : vector<16xf32>
      %swap3A_782 = arith.constant 1 : i32
      %swap3A_783 = arith.index_cast %swap3A_782 : i32 to index
      %swap3A_784 = arith.index_cast %scan3A_566 : i32 to index
      %swap3A_785 = arith.constant 80 : index
      %swap3A_786 = tpu.vector_load %arg7[%swap3A_783, %swap3A_784, %swap3A_785] {strides = array<i32>} : memref<2x50x128xf32, #tpu.memory_space<vmem>>, vector<1x1x16xf32>,
      %swap3A_787 = vector.shape_cast %swap3A_786 : vector<1x1x16xf32> to vector<16xf32>
      %swap3A_788 = vector.shape_cast %mul3A_781 : vector<16xf32> to vector<1x1x16xf32>
      tpu.vector_store %arg7[%swap3A_783, %swap3A_784, %swap3A_785], %swap3A_788 {strides = array<i32>} : memref<2x50x128xf32, #tpu.memory_space<vmem>>, vector<1x1x16xf32>,
      %get3A_789 = arith.constant 1 : i32
      %get3A_790 = arith.index_cast %get3A_789 : i32 to index
      %get3A_791 = arith.index_cast %scan3A_566 : i32 to index
      %get3A_792 = arith.constant 96 : index
      %get3A_793 = tpu.vector_load %arg7[%get3A_790, %get3A_791, %get3A_792] {strides = array<i32>} : memref<2x50x128xf32, #tpu.memory_space<vmem>>, vector<1x1x16xf32>,
      %get3A_794 = vector.shape_cast %get3A_793 : vector<1x1x16xf32> to vector<16xf32>
      %mul3A_795 = arith.constant 11.3137083 : f32
      %mul3A_796 = vector.broadcast %mul3A_795 : f32 to vector<16xf32>
      %mul3A_797 = arith.mulf %get3A_794, %mul3A_796 : vector<16xf32>
      %swap3A_798 = arith.constant 1 : i32
      %swap3A_799 = arith.index_cast %swap3A_798 : i32 to index
      %swap3A_800 = arith.index_cast %scan3A_566 : i32 to index
      %swap3A_801 = arith.constant 96 : index
      %swap3A_802 = tpu.vector_load %arg7[%swap3A_799, %swap3A_800, %swap3A_801] {strides = array<i32>} : memref<2x50x128xf32, #tpu.memory_space<vmem>>, vector<1x1x16xf32>,
      %swap3A_803 = vector.shape_cast %swap3A_802 : vector<1x1x16xf32> to vector<16xf32>
      %swap3A_804 = vector.shape_cast %mul3A_797 : vector<16xf32> to vector<1x1x16xf32>
      tpu.vector_store %arg7[%swap3A_799, %swap3A_800, %swap3A_801], %swap3A_804 {strides = array<i32>} : memref<2x50x128xf32, #tpu.memory_space<vmem>>, vector<1x1x16xf32>,
      %get3A_805 = arith.constant 1 : i32
      %get3A_806 = arith.index_cast %get3A_805 : i32 to index
      %get3A_807 = arith.index_cast %scan3A_566 : i32 to index
      %get3A_808 = arith.constant 112 : index
      %get3A_809 = tpu.vector_load %arg7[%get3A_806, %get3A_807, %get3A_808] {strides = array<i32>} : memref<2x50x128xf32, #tpu.memory_space<vmem>>, vector<1x1x16xf32>,
      %get3A_810 = vector.shape_cast %get3A_809 : vector<1x1x16xf32> to vector<16xf32>
      %mul3A_811 = arith.constant 11.3137083 : f32
      %mul3A_812 = vector.broadcast %mul3A_811 : f32 to vector<16xf32>
      %mul3A_813 = arith.mulf %get3A_810, %mul3A_812 : vector<16xf32>
      %swap3A_814 = arith.constant 1 : i32
      %swap3A_815 = arith.index_cast %swap3A_814 : i32 to index
      %swap3A_816 = arith.index_cast %scan3A_566 : i32 to index
      %swap3A_817 = arith.constant 112 : index
      %swap3A_818 = tpu.vector_load %arg7[%swap3A_815, %swap3A_816, %swap3A_817] {strides = array<i32>} : memref<2x50x128xf32, #tpu.memory_space<vmem>>, vector<1x1x16xf32>,
      %swap3A_819 = vector.shape_cast %swap3A_818 : vector<1x1x16xf32> to vector<16xf32>
      %swap3A_820 = vector.shape_cast %mul3A_813 : vector<16xf32> to vector<1x1x16xf32>
      tpu.vector_store %arg7[%swap3A_815, %swap3A_816, %swap3A_817], %swap3A_820 {strides = array<i32>} : memref<2x50x128xf32, #tpu.memory_space<vmem>>, vector<1x1x16xf32>,
    }
    %scan3A_449 = arith.constant 50 : i32
    %add3A_450 = arith.constant 122 : i32
    %add3A_451 = arith.addi %mul3A_2, %add3A_450 : i32
    %dma_start3A_452 = arith.constant 0 : i32
    %dma_start3A_453 = arith.constant 0 : i32
    %dma_start3A_454 = tpu.memref_slice %arg4[%add3A_451, %dma_start3A_452, %dma_start3A_453] : memref<4096x50x128xf32, #tpu.memory_space<hbm>> -> memref<2x50x128xf32, #tpu.memory_space<hbm>>
    %dma_start3A_455 = arith.constant 0 : i32
    %dma_start3A_456 = arith.constant 0 : i32
    %dma_start3A_457 = tpu.memref_slice %arg4[%add3A_451, %dma_start3A_455, %dma_start3A_456] : memref<4096x50x128xf32, #tpu.memory_space<hbm>> -> memref<2x50x128xf32, #tpu.memory_space<hbm>>
    tpu.enqueue_dma source(%arg7 : memref<2x50x128xf32, #tpu.memory_space<vmem>>) target(%dma_start3A_457 : memref<2x50x128xf32, #tpu.memory_space<hbm>>) target_semaphore(%arg15 : memref<!tpu.dma_semaphore, #tpu.memory_space<semaphore_mem>>)
    %dma_wait3A_458 = arith.constant 124 : i32
    %dma_wait3A_459 = arith.constant 0 : i32
    %dma_wait3A_460 = arith.constant 0 : i32
    %dma_wait3A_461 = arith.constant 0 : i32
    %dma_wait3A_462 = tpu.memref_slice %arg8[%dma_wait3A_459, %dma_wait3A_460, %dma_wait3A_461] : memref<2x50x128xf32, #tpu.memory_space<vmem>> -> memref<1x50x128xf32, #tpu.memory_space<vmem>>
    %dma_wait3A_463 = tpu.memref_squeeze %dma_wait3A_462 : memref<1x50x128xf32, #tpu.memory_space<vmem>> -> memref<50x128xf32, #tpu.memory_space<vmem>>
    %dma_wait3A_464 = arith.constant 0 : i32
    %dma_wait3A_465 = tpu.memref_slice %arg5[%dma_wait3A_458, %dma_wait3A_464] : memref<128x50xi32, #tpu.memory_space<vmem>> -> memref<1x50xi32, #tpu.memory_space<vmem>>
    %dma_wait3A_466 = tpu.memref_squeeze %dma_wait3A_465 : memref<1x50xi32, #tpu.memory_space<vmem>> -> memref<50xi32, #tpu.memory_space<vmem>>
    %dma_wait3A_467 = arith.constant 0 : i32
    %dma_wait3A_468 = arith.constant 0 : i32
    %dma_wait3A_469 = tpu.memref_slice %arg2[%dma_wait3A_467, %dma_wait3A_468] : memref<100000x128xf32, #tpu.memory_space<hbm>> -> memref<100000x128xf32, #tpu.memory_space<hbm>>
    tpu.wait_indirect_dma semaphore(%arg12 : memref<!tpu.dma_semaphore, #tpu.memory_space<semaphore_mem>>) src(%dma_wait3A_469 : memref<100000x128xf32, #tpu.memory_space<hbm>>) dst(%dma_wait3A_463 : memref<50x128xf32, #tpu.memory_space<vmem>>)
    %dma_wait3A_470 = arith.constant 125 : i32
    %dma_wait3A_471 = arith.constant 1 : i32
    %dma_wait3A_472 = arith.constant 0 : i32
    %dma_wait3A_473 = arith.constant 0 : i32
    %dma_wait3A_474 = tpu.memref_slice %arg8[%dma_wait3A_471, %dma_wait3A_472, %dma_wait3A_473] : memref<2x50x128xf32, #tpu.memory_space<vmem>> -> memref<1x50x128xf32, #tpu.memory_space<vmem>>
    %dma_wait3A_475 = tpu.memref_squeeze %dma_wait3A_474 : memref<1x50x128xf32, #tpu.memory_space<vmem>> -> memref<50x128xf32, #tpu.memory_space<vmem>>
    %dma_wait3A_476 = arith.constant 0 : i32
    %dma_wait3A_477 = tpu.memref_slice %arg5[%dma_wait3A_470, %dma_wait3A_476] : memref<128x50xi32, #tpu.memory_space<vmem>> -> memref<1x50xi32, #tpu.memory_space<vmem>>
    %dma_wait3A_478 = tpu.memref_squeeze %dma_wait3A_477 : memref<1x50xi32, #tpu.memory_space<vmem>> -> memref<50xi32, #tpu.memory_space<vmem>>
    %dma_wait3A_479 = arith.constant 0 : i32
    %dma_wait3A_480 = arith.constant 0 : i32
    %dma_wait3A_481 = tpu.memref_slice %arg2[%dma_wait3A_479, %dma_wait3A_480] : memref<100000x128xf32, #tpu.memory_space<hbm>> -> memref<100000x128xf32, #tpu.memory_space<hbm>>
    tpu.wait_indirect_dma semaphore(%arg12 : memref<!tpu.dma_semaphore, #tpu.memory_space<semaphore_mem>>) src(%dma_wait3A_481 : memref<100000x128xf32, #tpu.memory_space<hbm>>) dst(%dma_wait3A_475 : memref<50x128xf32, #tpu.memory_space<vmem>>)
    %scan3A_482 = arith.constant 0 : i32
    %scan3A_483 = arith.constant 0 : i32
    %scan3A_484 = arith.constant 50 : i32
    %scan3A_485 = arith.addi %scan3A_483, %scan3A_484 : i32
    %scan3A_486 = arith.constant 1 : i32
    scf.for %scan3A_566 = %scan3A_483 to %scan3A_485 step %scan3A_486  : i32 {
      %get3A = arith.constant 0 : i32
      %get3A_567 = arith.index_cast %get3A : i32 to index
      %get3A_568 = arith.index_cast %scan3A_566 : i32 to index
      %get3A_569 = arith.constant 0 : index
      %get3A_570 = tpu.vector_load %arg8[%get3A_567, %get3A_568, %get3A_569] {strides = array<i32>} : memref<2x50x128xf32, #tpu.memory_space<vmem>>, vector<1x1x16xf32>,
      %get3A_571 = vector.shape_cast %get3A_570 : vector<1x1x16xf32> to vector<16xf32>
      %mul3A_572 = arith.constant 11.3137083 : f32
      %mul3A_573 = vector.broadcast %mul3A_572 : f32 to vector<16xf32>
      %mul3A_574 = arith.mulf %get3A_571, %mul3A_573 : vector<16xf32>
      %swap3A = arith.constant 0 : i32
      %swap3A_575 = arith.index_cast %swap3A : i32 to index
      %swap3A_576 = arith.index_cast %scan3A_566 : i32 to index
      %swap3A_577 = arith.constant 0 : index
      %swap3A_578 = tpu.vector_load %arg8[%swap3A_575, %swap3A_576, %swap3A_577] {strides = array<i32>} : memref<2x50x128xf32, #tpu.memory_space<vmem>>, vector<1x1x16xf32>,
      %swap3A_579 = vector.shape_cast %swap3A_578 : vector<1x1x16xf32> to vector<16xf32>
      %swap3A_580 = vector.shape_cast %mul3A_574 : vector<16xf32> to vector<1x1x16xf32>
      tpu.vector_store %arg8[%swap3A_575, %swap3A_576, %swap3A_577], %swap3A_580 {strides = array<i32>} : memref<2x50x128xf32, #tpu.memory_space<vmem>>, vector<1x1x16xf32>,
      %get3A_581 = arith.constant 0 : i32
      %get3A_582 = arith.index_cast %get3A_581 : i32 to index
      %get3A_583 = arith.index_cast %scan3A_566 : i32 to index
      %get3A_584 = arith.constant 16 : index
      %get3A_585 = tpu.vector_load %arg8[%get3A_582, %get3A_583, %get3A_584] {strides = array<i32>} : memref<2x50x128xf32, #tpu.memory_space<vmem>>, vector<1x1x16xf32>,
      %get3A_586 = vector.shape_cast %get3A_585 : vector<1x1x16xf32> to vector<16xf32>
      %mul3A_587 = arith.constant 11.3137083 : f32
      %mul3A_588 = vector.broadcast %mul3A_587 : f32 to vector<16xf32>
      %mul3A_589 = arith.mulf %get3A_586, %mul3A_588 : vector<16xf32>
      %swap3A_590 = arith.constant 0 : i32
      %swap3A_591 = arith.index_cast %swap3A_590 : i32 to index
      %swap3A_592 = arith.index_cast %scan3A_566 : i32 to index
      %swap3A_593 = arith.constant 16 : index
      %swap3A_594 = tpu.vector_load %arg8[%swap3A_591, %swap3A_592, %swap3A_593] {strides = array<i32>} : memref<2x50x128xf32, #tpu.memory_space<vmem>>, vector<1x1x16xf32>,
      %swap3A_595 = vector.shape_cast %swap3A_594 : vector<1x1x16xf32> to vector<16xf32>
      %swap3A_596 = vector.shape_cast %mul3A_589 : vector<16xf32> to vector<1x1x16xf32>
      tpu.vector_store %arg8[%swap3A_591, %swap3A_592, %swap3A_593], %swap3A_596 {strides = array<i32>} : memref<2x50x128xf32, #tpu.memory_space<vmem>>, vector<1x1x16xf32>,
      %get3A_597 = arith.constant 0 : i32
      %get3A_598 = arith.index_cast %get3A_597 : i32 to index
      %get3A_599 = arith.index_cast %scan3A_566 : i32 to index
      %get3A_600 = arith.constant 32 : index
      %get3A_601 = tpu.vector_load %arg8[%get3A_598, %get3A_599, %get3A_600] {strides = array<i32>} : memref<2x50x128xf32, #tpu.memory_space<vmem>>, vector<1x1x16xf32>,
      %get3A_602 = vector.shape_cast %get3A_601 : vector<1x1x16xf32> to vector<16xf32>
      %mul3A_603 = arith.constant 11.3137083 : f32
      %mul3A_604 = vector.broadcast %mul3A_603 : f32 to vector<16xf32>
      %mul3A_605 = arith.mulf %get3A_602, %mul3A_604 : vector<16xf32>
      %swap3A_606 = arith.constant 0 : i32
      %swap3A_607 = arith.index_cast %swap3A_606 : i32 to index
      %swap3A_608 = arith.index_cast %scan3A_566 : i32 to index
      %swap3A_609 = arith.constant 32 : index
      %swap3A_610 = tpu.vector_load %arg8[%swap3A_607, %swap3A_608, %swap3A_609] {strides = array<i32>} : memref<2x50x128xf32, #tpu.memory_space<vmem>>, vector<1x1x16xf32>,
      %swap3A_611 = vector.shape_cast %swap3A_610 : vector<1x1x16xf32> to vector<16xf32>
      %swap3A_612 = vector.shape_cast %mul3A_605 : vector<16xf32> to vector<1x1x16xf32>
      tpu.vector_store %arg8[%swap3A_607, %swap3A_608, %swap3A_609], %swap3A_612 {strides = array<i32>} : memref<2x50x128xf32, #tpu.memory_space<vmem>>, vector<1x1x16xf32>,
      %get3A_613 = arith.constant 0 : i32
      %get3A_614 = arith.index_cast %get3A_613 : i32 to index
      %get3A_615 = arith.index_cast %scan3A_566 : i32 to index
      %get3A_616 = arith.constant 48 : index
      %get3A_617 = tpu.vector_load %arg8[%get3A_614, %get3A_615, %get3A_616] {strides = array<i32>} : memref<2x50x128xf32, #tpu.memory_space<vmem>>, vector<1x1x16xf32>,
      %get3A_618 = vector.shape_cast %get3A_617 : vector<1x1x16xf32> to vector<16xf32>
      %mul3A_619 = arith.constant 11.3137083 : f32
      %mul3A_620 = vector.broadcast %mul3A_619 : f32 to vector<16xf32>
      %mul3A_621 = arith.mulf %get3A_618, %mul3A_620 : vector<16xf32>
      %swap3A_622 = arith.constant 0 : i32
      %swap3A_623 = arith.index_cast %swap3A_622 : i32 to index
      %swap3A_624 = arith.index_cast %scan3A_566 : i32 to index
      %swap3A_625 = arith.constant 48 : index
      %swap3A_626 = tpu.vector_load %arg8[%swap3A_623, %swap3A_624, %swap3A_625] {strides = array<i32>} : memref<2x50x128xf32, #tpu.memory_space<vmem>>, vector<1x1x16xf32>,
      %swap3A_627 = vector.shape_cast %swap3A_626 : vector<1x1x16xf32> to vector<16xf32>
      %swap3A_628 = vector.shape_cast %mul3A_621 : vector<16xf32> to vector<1x1x16xf32>
      tpu.vector_store %arg8[%swap3A_623, %swap3A_624, %swap3A_625], %swap3A_628 {strides = array<i32>} : memref<2x50x128xf32, #tpu.memory_space<vmem>>, vector<1x1x16xf32>,
      %get3A_629 = arith.constant 0 : i32
      %get3A_630 = arith.index_cast %get3A_629 : i32 to index
      %get3A_631 = arith.index_cast %scan3A_566 : i32 to index
      %get3A_632 = arith.constant 64 : index
      %get3A_633 = tpu.vector_load %arg8[%get3A_630, %get3A_631, %get3A_632] {strides = array<i32>} : memref<2x50x128xf32, #tpu.memory_space<vmem>>, vector<1x1x16xf32>,
      %get3A_634 = vector.shape_cast %get3A_633 : vector<1x1x16xf32> to vector<16xf32>
      %mul3A_635 = arith.constant 11.3137083 : f32
      %mul3A_636 = vector.broadcast %mul3A_635 : f32 to vector<16xf32>
      %mul3A_637 = arith.mulf %get3A_634, %mul3A_636 : vector<16xf32>
      %swap3A_638 = arith.constant 0 : i32
      %swap3A_639 = arith.index_cast %swap3A_638 : i32 to index
      %swap3A_640 = arith.index_cast %scan3A_566 : i32 to index
      %swap3A_641 = arith.constant 64 : index
      %swap3A_642 = tpu.vector_load %arg8[%swap3A_639, %swap3A_640, %swap3A_641] {strides = array<i32>} : memref<2x50x128xf32, #tpu.memory_space<vmem>>, vector<1x1x16xf32>,
      %swap3A_643 = vector.shape_cast %swap3A_642 : vector<1x1x16xf32> to vector<16xf32>
      %swap3A_644 = vector.shape_cast %mul3A_637 : vector<16xf32> to vector<1x1x16xf32>
      tpu.vector_store %arg8[%swap3A_639, %swap3A_640, %swap3A_641], %swap3A_644 {strides = array<i32>} : memref<2x50x128xf32, #tpu.memory_space<vmem>>, vector<1x1x16xf32>,
      %get3A_645 = arith.constant 0 : i32
      %get3A_646 = arith.index_cast %get3A_645 : i32 to index
      %get3A_647 = arith.index_cast %scan3A_566 : i32 to index
      %get3A_648 = arith.constant 80 : index
      %get3A_649 = tpu.vector_load %arg8[%get3A_646, %get3A_647, %get3A_648] {strides = array<i32>} : memref<2x50x128xf32, #tpu.memory_space<vmem>>, vector<1x1x16xf32>,
      %get3A_650 = vector.shape_cast %get3A_649 : vector<1x1x16xf32> to vector<16xf32>
      %mul3A_651 = arith.constant 11.3137083 : f32
      %mul3A_652 = vector.broadcast %mul3A_651 : f32 to vector<16xf32>
      %mul3A_653 = arith.mulf %get3A_650, %mul3A_652 : vector<16xf32>
      %swap3A_654 = arith.constant 0 : i32
      %swap3A_655 = arith.index_cast %swap3A_654 : i32 to index
      %swap3A_656 = arith.index_cast %scan3A_566 : i32 to index
      %swap3A_657 = arith.constant 80 : index
      %swap3A_658 = tpu.vector_load %arg8[%swap3A_655, %swap3A_656, %swap3A_657] {strides = array<i32>} : memref<2x50x128xf32, #tpu.memory_space<vmem>>, vector<1x1x16xf32>,
      %swap3A_659 = vector.shape_cast %swap3A_658 : vector<1x1x16xf32> to vector<16xf32>
      %swap3A_660 = vector.shape_cast %mul3A_653 : vector<16xf32> to vector<1x1x16xf32>
      tpu.vector_store %arg8[%swap3A_655, %swap3A_656, %swap3A_657], %swap3A_660 {strides = array<i32>} : memref<2x50x128xf32, #tpu.memory_space<vmem>>, vector<1x1x16xf32>,
      %get3A_661 = arith.constant 0 : i32
      %get3A_662 = arith.index_cast %get3A_661 : i32 to index
      %get3A_663 = arith.index_cast %scan3A_566 : i32 to index
      %get3A_664 = arith.constant 96 : index
      %get3A_665 = tpu.vector_load %arg8[%get3A_662, %get3A_663, %get3A_664] {strides = array<i32>} : memref<2x50x128xf32, #tpu.memory_space<vmem>>, vector<1x1x16xf32>,
      %get3A_666 = vector.shape_cast %get3A_665 : vector<1x1x16xf32> to vector<16xf32>
      %mul3A_667 = arith.constant 11.3137083 : f32
      %mul3A_668 = vector.broadcast %mul3A_667 : f32 to vector<16xf32>
      %mul3A_669 = arith.mulf %get3A_666, %mul3A_668 : vector<16xf32>
      %swap3A_670 = arith.constant 0 : i32
      %swap3A_671 = arith.index_cast %swap3A_670 : i32 to index
      %swap3A_672 = arith.index_cast %scan3A_566 : i32 to index
      %swap3A_673 = arith.constant 96 : index
      %swap3A_674 = tpu.vector_load %arg8[%swap3A_671, %swap3A_672, %swap3A_673] {strides = array<i32>} : memref<2x50x128xf32, #tpu.memory_space<vmem>>, vector<1x1x16xf32>,
      %swap3A_675 = vector.shape_cast %swap3A_674 : vector<1x1x16xf32> to vector<16xf32>
      %swap3A_676 = vector.shape_cast %mul3A_669 : vector<16xf32> to vector<1x1x16xf32>
      tpu.vector_store %arg8[%swap3A_671, %swap3A_672, %swap3A_673], %swap3A_676 {strides = array<i32>} : memref<2x50x128xf32, #tpu.memory_space<vmem>>, vector<1x1x16xf32>,
      %get3A_677 = arith.constant 0 : i32
      %get3A_678 = arith.index_cast %get3A_677 : i32 to index
      %get3A_679 = arith.index_cast %scan3A_566 : i32 to index
      %get3A_680 = arith.constant 112 : index
      %get3A_681 = tpu.vector_load %arg8[%get3A_678, %get3A_679, %get3A_680] {strides = array<i32>} : memref<2x50x128xf32, #tpu.memory_space<vmem>>, vector<1x1x16xf32>,
      %get3A_682 = vector.shape_cast %get3A_681 : vector<1x1x16xf32> to vector<16xf32>
      %mul3A_683 = arith.constant 11.3137083 : f32
      %mul3A_684 = vector.broadcast %mul3A_683 : f32 to vector<16xf32>
      %mul3A_685 = arith.mulf %get3A_682, %mul3A_684 : vector<16xf32>
      %swap3A_686 = arith.constant 0 : i32
      %swap3A_687 = arith.index_cast %swap3A_686 : i32 to index
      %swap3A_688 = arith.index_cast %scan3A_566 : i32 to index
      %swap3A_689 = arith.constant 112 : index
      %swap3A_690 = tpu.vector_load %arg8[%swap3A_687, %swap3A_688, %swap3A_689] {strides = array<i32>} : memref<2x50x128xf32, #tpu.memory_space<vmem>>, vector<1x1x16xf32>,
      %swap3A_691 = vector.shape_cast %swap3A_690 : vector<1x1x16xf32> to vector<16xf32>
      %swap3A_692 = vector.shape_cast %mul3A_685 : vector<16xf32> to vector<1x1x16xf32>
      tpu.vector_store %arg8[%swap3A_687, %swap3A_688, %swap3A_689], %swap3A_692 {strides = array<i32>} : memref<2x50x128xf32, #tpu.memory_space<vmem>>, vector<1x1x16xf32>,
      %get3A_693 = arith.constant 1 : i32
      %get3A_694 = arith.index_cast %get3A_693 : i32 to index
      %get3A_695 = arith.index_cast %scan3A_566 : i32 to index
      %get3A_696 = arith.constant 0 : index
      %get3A_697 = tpu.vector_load %arg8[%get3A_694, %get3A_695, %get3A_696] {strides = array<i32>} : memref<2x50x128xf32, #tpu.memory_space<vmem>>, vector<1x1x16xf32>,
      %get3A_698 = vector.shape_cast %get3A_697 : vector<1x1x16xf32> to vector<16xf32>
      %mul3A_699 = arith.constant 11.3137083 : f32
      %mul3A_700 = vector.broadcast %mul3A_699 : f32 to vector<16xf32>
      %mul3A_701 = arith.mulf %get3A_698, %mul3A_700 : vector<16xf32>
      %swap3A_702 = arith.constant 1 : i32
      %swap3A_703 = arith.index_cast %swap3A_702 : i32 to index
      %swap3A_704 = arith.index_cast %scan3A_566 : i32 to index
      %swap3A_705 = arith.constant 0 : index
      %swap3A_706 = tpu.vector_load %arg8[%swap3A_703, %swap3A_704, %swap3A_705] {strides = array<i32>} : memref<2x50x128xf32, #tpu.memory_space<vmem>>, vector<1x1x16xf32>,
      %swap3A_707 = vector.shape_cast %swap3A_706 : vector<1x1x16xf32> to vector<16xf32>
      %swap3A_708 = vector.shape_cast %mul3A_701 : vector<16xf32> to vector<1x1x16xf32>
      tpu.vector_store %arg8[%swap3A_703, %swap3A_704, %swap3A_705], %swap3A_708 {strides = array<i32>} : memref<2x50x128xf32, #tpu.memory_space<vmem>>, vector<1x1x16xf32>,
      %get3A_709 = arith.constant 1 : i32
      %get3A_710 = arith.index_cast %get3A_709 : i32 to index
      %get3A_711 = arith.index_cast %scan3A_566 : i32 to index
      %get3A_712 = arith.constant 16 : index
      %get3A_713 = tpu.vector_load %arg8[%get3A_710, %get3A_711, %get3A_712] {strides = array<i32>} : memref<2x50x128xf32, #tpu.memory_space<vmem>>, vector<1x1x16xf32>,
      %get3A_714 = vector.shape_cast %get3A_713 : vector<1x1x16xf32> to vector<16xf32>
      %mul3A_715 = arith.constant 11.3137083 : f32
      %mul3A_716 = vector.broadcast %mul3A_715 : f32 to vector<16xf32>
      %mul3A_717 = arith.mulf %get3A_714, %mul3A_716 : vector<16xf32>
      %swap3A_718 = arith.constant 1 : i32
      %swap3A_719 = arith.index_cast %swap3A_718 : i32 to index
      %swap3A_720 = arith.index_cast %scan3A_566 : i32 to index
      %swap3A_721 = arith.constant 16 : index
      %swap3A_722 = tpu.vector_load %arg8[%swap3A_719, %swap3A_720, %swap3A_721] {strides = array<i32>} : memref<2x50x128xf32, #tpu.memory_space<vmem>>, vector<1x1x16xf32>,
      %swap3A_723 = vector.shape_cast %swap3A_722 : vector<1x1x16xf32> to vector<16xf32>
      %swap3A_724 = vector.shape_cast %mul3A_717 : vector<16xf32> to vector<1x1x16xf32>
      tpu.vector_store %arg8[%swap3A_719, %swap3A_720, %swap3A_721], %swap3A_724 {strides = array<i32>} : memref<2x50x128xf32, #tpu.memory_space<vmem>>, vector<1x1x16xf32>,
      %get3A_725 = arith.constant 1 : i32
      %get3A_726 = arith.index_cast %get3A_725 : i32 to index
      %get3A_727 = arith.index_cast %scan3A_566 : i32 to index
      %get3A_728 = arith.constant 32 : index
      %get3A_729 = tpu.vector_load %arg8[%get3A_726, %get3A_727, %get3A_728] {strides = array<i32>} : memref<2x50x128xf32, #tpu.memory_space<vmem>>, vector<1x1x16xf32>,
      %get3A_730 = vector.shape_cast %get3A_729 : vector<1x1x16xf32> to vector<16xf32>
      %mul3A_731 = arith.constant 11.3137083 : f32
      %mul3A_732 = vector.broadcast %mul3A_731 : f32 to vector<16xf32>
      %mul3A_733 = arith.mulf %get3A_730, %mul3A_732 : vector<16xf32>
      %swap3A_734 = arith.constant 1 : i32
      %swap3A_735 = arith.index_cast %swap3A_734 : i32 to index
      %swap3A_736 = arith.index_cast %scan3A_566 : i32 to index
      %swap3A_737 = arith.constant 32 : index
      %swap3A_738 = tpu.vector_load %arg8[%swap3A_735, %swap3A_736, %swap3A_737] {strides = array<i32>} : memref<2x50x128xf32, #tpu.memory_space<vmem>>, vector<1x1x16xf32>,
      %swap3A_739 = vector.shape_cast %swap3A_738 : vector<1x1x16xf32> to vector<16xf32>
      %swap3A_740 = vector.shape_cast %mul3A_733 : vector<16xf32> to vector<1x1x16xf32>
      tpu.vector_store %arg8[%swap3A_735, %swap3A_736, %swap3A_737], %swap3A_740 {strides = array<i32>} : memref<2x50x128xf32, #tpu.memory_space<vmem>>, vector<1x1x16xf32>,
      %get3A_741 = arith.constant 1 : i32
      %get3A_742 = arith.index_cast %get3A_741 : i32 to index
      %get3A_743 = arith.index_cast %scan3A_566 : i32 to index
      %get3A_744 = arith.constant 48 : index
      %get3A_745 = tpu.vector_load %arg8[%get3A_742, %get3A_743, %get3A_744] {strides = array<i32>} : memref<2x50x128xf32, #tpu.memory_space<vmem>>, vector<1x1x16xf32>,
      %get3A_746 = vector.shape_cast %get3A_745 : vector<1x1x16xf32> to vector<16xf32>
      %mul3A_747 = arith.constant 11.3137083 : f32
      %mul3A_748 = vector.broadcast %mul3A_747 : f32 to vector<16xf32>
      %mul3A_749 = arith.mulf %get3A_746, %mul3A_748 : vector<16xf32>
      %swap3A_750 = arith.constant 1 : i32
      %swap3A_751 = arith.index_cast %swap3A_750 : i32 to index
      %swap3A_752 = arith.index_cast %scan3A_566 : i32 to index
      %swap3A_753 = arith.constant 48 : index
      %swap3A_754 = tpu.vector_load %arg8[%swap3A_751, %swap3A_752, %swap3A_753] {strides = array<i32>} : memref<2x50x128xf32, #tpu.memory_space<vmem>>, vector<1x1x16xf32>,
      %swap3A_755 = vector.shape_cast %swap3A_754 : vector<1x1x16xf32> to vector<16xf32>
      %swap3A_756 = vector.shape_cast %mul3A_749 : vector<16xf32> to vector<1x1x16xf32>
      tpu.vector_store %arg8[%swap3A_751, %swap3A_752, %swap3A_753], %swap3A_756 {strides = array<i32>} : memref<2x50x128xf32, #tpu.memory_space<vmem>>, vector<1x1x16xf32>,
      %get3A_757 = arith.constant 1 : i32
      %get3A_758 = arith.index_cast %get3A_757 : i32 to index
      %get3A_759 = arith.index_cast %scan3A_566 : i32 to index
      %get3A_760 = arith.constant 64 : index
      %get3A_761 = tpu.vector_load %arg8[%get3A_758, %get3A_759, %get3A_760] {strides = array<i32>} : memref<2x50x128xf32, #tpu.memory_space<vmem>>, vector<1x1x16xf32>,
      %get3A_762 = vector.shape_cast %get3A_761 : vector<1x1x16xf32> to vector<16xf32>
      %mul3A_763 = arith.constant 11.3137083 : f32
      %mul3A_764 = vector.broadcast %mul3A_763 : f32 to vector<16xf32>
      %mul3A_765 = arith.mulf %get3A_762, %mul3A_764 : vector<16xf32>
      %swap3A_766 = arith.constant 1 : i32
      %swap3A_767 = arith.index_cast %swap3A_766 : i32 to index
      %swap3A_768 = arith.index_cast %scan3A_566 : i32 to index
      %swap3A_769 = arith.constant 64 : index
      %swap3A_770 = tpu.vector_load %arg8[%swap3A_767, %swap3A_768, %swap3A_769] {strides = array<i32>} : memref<2x50x128xf32, #tpu.memory_space<vmem>>, vector<1x1x16xf32>,
      %swap3A_771 = vector.shape_cast %swap3A_770 : vector<1x1x16xf32> to vector<16xf32>
      %swap3A_772 = vector.shape_cast %mul3A_765 : vector<16xf32> to vector<1x1x16xf32>
      tpu.vector_store %arg8[%swap3A_767, %swap3A_768, %swap3A_769], %swap3A_772 {strides = array<i32>} : memref<2x50x128xf32, #tpu.memory_space<vmem>>, vector<1x1x16xf32>,
      %get3A_773 = arith.constant 1 : i32
      %get3A_774 = arith.index_cast %get3A_773 : i32 to index
      %get3A_775 = arith.index_cast %scan3A_566 : i32 to index
      %get3A_776 = arith.constant 80 : index
      %get3A_777 = tpu.vector_load %arg8[%get3A_774, %get3A_775, %get3A_776] {strides = array<i32>} : memref<2x50x128xf32, #tpu.memory_space<vmem>>, vector<1x1x16xf32>,
      %get3A_778 = vector.shape_cast %get3A_777 : vector<1x1x16xf32> to vector<16xf32>
      %mul3A_779 = arith.constant 11.3137083 : f32
      %mul3A_780 = vector.broadcast %mul3A_779 : f32 to vector<16xf32>
      %mul3A_781 = arith.mulf %get3A_778, %mul3A_780 : vector<16xf32>
      %swap3A_782 = arith.constant 1 : i32
      %swap3A_783 = arith.index_cast %swap3A_782 : i32 to index
      %swap3A_784 = arith.index_cast %scan3A_566 : i32 to index
      %swap3A_785 = arith.constant 80 : index
      %swap3A_786 = tpu.vector_load %arg8[%swap3A_783, %swap3A_784, %swap3A_785] {strides = array<i32>} : memref<2x50x128xf32, #tpu.memory_space<vmem>>, vector<1x1x16xf32>,
      %swap3A_787 = vector.shape_cast %swap3A_786 : vector<1x1x16xf32> to vector<16xf32>
      %swap3A_788 = vector.shape_cast %mul3A_781 : vector<16xf32> to vector<1x1x16xf32>
      tpu.vector_store %arg8[%swap3A_783, %swap3A_784, %swap3A_785], %swap3A_788 {strides = array<i32>} : memref<2x50x128xf32, #tpu.memory_space<vmem>>, vector<1x1x16xf32>,
      %get3A_789 = arith.constant 1 : i32
      %get3A_790 = arith.index_cast %get3A_789 : i32 to index
      %get3A_791 = arith.index_cast %scan3A_566 : i32 to index
      %get3A_792 = arith.constant 96 : index
      %get3A_793 = tpu.vector_load %arg8[%get3A_790, %get3A_791, %get3A_792] {strides = array<i32>} : memref<2x50x128xf32, #tpu.memory_space<vmem>>, vector<1x1x16xf32>,
      %get3A_794 = vector.shape_cast %get3A_793 : vector<1x1x16xf32> to vector<16xf32>
      %mul3A_795 = arith.constant 11.3137083 : f32
      %mul3A_796 = vector.broadcast %mul3A_795 : f32 to vector<16xf32>
      %mul3A_797 = arith.mulf %get3A_794, %mul3A_796 : vector<16xf32>
      %swap3A_798 = arith.constant 1 : i32
      %swap3A_799 = arith.index_cast %swap3A_798 : i32 to index
      %swap3A_800 = arith.index_cast %scan3A_566 : i32 to index
      %swap3A_801 = arith.constant 96 : index
      %swap3A_802 = tpu.vector_load %arg8[%swap3A_799, %swap3A_800, %swap3A_801] {strides = array<i32>} : memref<2x50x128xf32, #tpu.memory_space<vmem>>, vector<1x1x16xf32>,
      %swap3A_803 = vector.shape_cast %swap3A_802 : vector<1x1x16xf32> to vector<16xf32>
      %swap3A_804 = vector.shape_cast %mul3A_797 : vector<16xf32> to vector<1x1x16xf32>
      tpu.vector_store %arg8[%swap3A_799, %swap3A_800, %swap3A_801], %swap3A_804 {strides = array<i32>} : memref<2x50x128xf32, #tpu.memory_space<vmem>>, vector<1x1x16xf32>,
      %get3A_805 = arith.constant 1 : i32
      %get3A_806 = arith.index_cast %get3A_805 : i32 to index
      %get3A_807 = arith.index_cast %scan3A_566 : i32 to index
      %get3A_808 = arith.constant 112 : index
      %get3A_809 = tpu.vector_load %arg8[%get3A_806, %get3A_807, %get3A_808] {strides = array<i32>} : memref<2x50x128xf32, #tpu.memory_space<vmem>>, vector<1x1x16xf32>,
      %get3A_810 = vector.shape_cast %get3A_809 : vector<1x1x16xf32> to vector<16xf32>
      %mul3A_811 = arith.constant 11.3137083 : f32
      %mul3A_812 = vector.broadcast %mul3A_811 : f32 to vector<16xf32>
      %mul3A_813 = arith.mulf %get3A_810, %mul3A_812 : vector<16xf32>
      %swap3A_814 = arith.constant 1 : i32
      %swap3A_815 = arith.index_cast %swap3A_814 : i32 to index
      %swap3A_816 = arith.index_cast %scan3A_566 : i32 to index
      %swap3A_817 = arith.constant 112 : index
      %swap3A_818 = tpu.vector_load %arg8[%swap3A_815, %swap3A_816, %swap3A_817] {strides = array<i32>} : memref<2x50x128xf32, #tpu.memory_space<vmem>>, vector<1x1x16xf32>,
      %swap3A_819 = vector.shape_cast %swap3A_818 : vector<1x1x16xf32> to vector<16xf32>
      %swap3A_820 = vector.shape_cast %mul3A_813 : vector<16xf32> to vector<1x1x16xf32>
      tpu.vector_store %arg8[%swap3A_815, %swap3A_816, %swap3A_817], %swap3A_820 {strides = array<i32>} : memref<2x50x128xf32, #tpu.memory_space<vmem>>, vector<1x1x16xf32>,
    }
    %scan3A_487 = arith.constant 50 : i32
    %add3A_488 = arith.constant 124 : i32
    %add3A_489 = arith.addi %mul3A_2, %add3A_488 : i32
    %dma_start3A_490 = arith.constant 0 : i32
    %dma_start3A_491 = arith.constant 0 : i32
    %dma_start3A_492 = tpu.memref_slice %arg4[%add3A_489, %dma_start3A_490, %dma_start3A_491] : memref<4096x50x128xf32, #tpu.memory_space<hbm>> -> memref<2x50x128xf32, #tpu.memory_space<hbm>>
    %dma_start3A_493 = arith.constant 0 : i32
    %dma_start3A_494 = arith.constant 0 : i32
    %dma_start3A_495 = tpu.memref_slice %arg4[%add3A_489, %dma_start3A_493, %dma_start3A_494] : memref<4096x50x128xf32, #tpu.memory_space<hbm>> -> memref<2x50x128xf32, #tpu.memory_space<hbm>>
    tpu.enqueue_dma source(%arg8 : memref<2x50x128xf32, #tpu.memory_space<vmem>>) target(%dma_start3A_495 : memref<2x50x128xf32, #tpu.memory_space<hbm>>) target_semaphore(%arg16 : memref<!tpu.dma_semaphore, #tpu.memory_space<semaphore_mem>>)
    %dma_wait3A_496 = arith.constant 126 : i32
    %dma_wait3A_497 = arith.constant 0 : i32
    %dma_wait3A_498 = arith.constant 0 : i32
    %dma_wait3A_499 = arith.constant 0 : i32
    %dma_wait3A_500 = tpu.memref_slice %arg9[%dma_wait3A_497, %dma_wait3A_498, %dma_wait3A_499] : memref<2x50x128xf32, #tpu.memory_space<vmem>> -> memref<1x50x128xf32, #tpu.memory_space<vmem>>
    %dma_wait3A_501 = tpu.memref_squeeze %dma_wait3A_500 : memref<1x50x128xf32, #tpu.memory_space<vmem>> -> memref<50x128xf32, #tpu.memory_space<vmem>>
    %dma_wait3A_502 = arith.constant 0 : i32
    %dma_wait3A_503 = tpu.memref_slice %arg5[%dma_wait3A_496, %dma_wait3A_502] : memref<128x50xi32, #tpu.memory_space<vmem>> -> memref<1x50xi32, #tpu.memory_space<vmem>>
    %dma_wait3A_504 = tpu.memref_squeeze %dma_wait3A_503 : memref<1x50xi32, #tpu.memory_space<vmem>> -> memref<50xi32, #tpu.memory_space<vmem>>
    %dma_wait3A_505 = arith.constant 0 : i32
    %dma_wait3A_506 = arith.constant 0 : i32
    %dma_wait3A_507 = tpu.memref_slice %arg2[%dma_wait3A_505, %dma_wait3A_506] : memref<100000x128xf32, #tpu.memory_space<hbm>> -> memref<100000x128xf32, #tpu.memory_space<hbm>>
    tpu.wait_indirect_dma semaphore(%arg13 : memref<!tpu.dma_semaphore, #tpu.memory_space<semaphore_mem>>) src(%dma_wait3A_507 : memref<100000x128xf32, #tpu.memory_space<hbm>>) dst(%dma_wait3A_501 : memref<50x128xf32, #tpu.memory_space<vmem>>)
    %dma_wait3A_508 = arith.constant 127 : i32
    %dma_wait3A_509 = arith.constant 1 : i32
    %dma_wait3A_510 = arith.constant 0 : i32
    %dma_wait3A_511 = arith.constant 0 : i32
    %dma_wait3A_512 = tpu.memref_slice %arg9[%dma_wait3A_509, %dma_wait3A_510, %dma_wait3A_511] : memref<2x50x128xf32, #tpu.memory_space<vmem>> -> memref<1x50x128xf32, #tpu.memory_space<vmem>>
    %dma_wait3A_513 = tpu.memref_squeeze %dma_wait3A_512 : memref<1x50x128xf32, #tpu.memory_space<vmem>> -> memref<50x128xf32, #tpu.memory_space<vmem>>
    %dma_wait3A_514 = arith.constant 0 : i32
    %dma_wait3A_515 = tpu.memref_slice %arg5[%dma_wait3A_508, %dma_wait3A_514] : memref<128x50xi32, #tpu.memory_space<vmem>> -> memref<1x50xi32, #tpu.memory_space<vmem>>
    %dma_wait3A_516 = tpu.memref_squeeze %dma_wait3A_515 : memref<1x50xi32, #tpu.memory_space<vmem>> -> memref<50xi32, #tpu.memory_space<vmem>>
    %dma_wait3A_517 = arith.constant 0 : i32
    %dma_wait3A_518 = arith.constant 0 : i32
    %dma_wait3A_519 = tpu.memref_slice %arg2[%dma_wait3A_517, %dma_wait3A_518] : memref<100000x128xf32, #tpu.memory_space<hbm>> -> memref<100000x128xf32, #tpu.memory_space<hbm>>
    tpu.wait_indirect_dma semaphore(%arg13 : memref<!tpu.dma_semaphore, #tpu.memory_space<semaphore_mem>>) src(%dma_wait3A_519 : memref<100000x128xf32, #tpu.memory_space<hbm>>) dst(%dma_wait3A_513 : memref<50x128xf32, #tpu.memory_space<vmem>>)
    %scan3A_520 = arith.constant 0 : i32
    %scan3A_521 = arith.constant 0 : i32
    %scan3A_522 = arith.constant 50 : i32
    %scan3A_523 = arith.addi %scan3A_521, %scan3A_522 : i32
    %scan3A_524 = arith.constant 1 : i32
    scf.for %scan3A_566 = %scan3A_521 to %scan3A_523 step %scan3A_524  : i32 {
      %get3A = arith.constant 0 : i32
      %get3A_567 = arith.index_cast %get3A : i32 to index
      %get3A_568 = arith.index_cast %scan3A_566 : i32 to index
      %get3A_569 = arith.constant 0 : index
      %get3A_570 = tpu.vector_load %arg9[%get3A_567, %get3A_568, %get3A_569] {strides = array<i32>} : memref<2x50x128xf32, #tpu.memory_space<vmem>>, vector<1x1x16xf32>,
      %get3A_571 = vector.shape_cast %get3A_570 : vector<1x1x16xf32> to vector<16xf32>
      %mul3A_572 = arith.constant 11.3137083 : f32
      %mul3A_573 = vector.broadcast %mul3A_572 : f32 to vector<16xf32>
      %mul3A_574 = arith.mulf %get3A_571, %mul3A_573 : vector<16xf32>
      %swap3A = arith.constant 0 : i32
      %swap3A_575 = arith.index_cast %swap3A : i32 to index
      %swap3A_576 = arith.index_cast %scan3A_566 : i32 to index
      %swap3A_577 = arith.constant 0 : index
      %swap3A_578 = tpu.vector_load %arg9[%swap3A_575, %swap3A_576, %swap3A_577] {strides = array<i32>} : memref<2x50x128xf32, #tpu.memory_space<vmem>>, vector<1x1x16xf32>,
      %swap3A_579 = vector.shape_cast %swap3A_578 : vector<1x1x16xf32> to vector<16xf32>
      %swap3A_580 = vector.shape_cast %mul3A_574 : vector<16xf32> to vector<1x1x16xf32>
      tpu.vector_store %arg9[%swap3A_575, %swap3A_576, %swap3A_577], %swap3A_580 {strides = array<i32>} : memref<2x50x128xf32, #tpu.memory_space<vmem>>, vector<1x1x16xf32>,
      %get3A_581 = arith.constant 0 : i32
      %get3A_582 = arith.index_cast %get3A_581 : i32 to index
      %get3A_583 = arith.index_cast %scan3A_566 : i32 to index
      %get3A_584 = arith.constant 16 : index
      %get3A_585 = tpu.vector_load %arg9[%get3A_582, %get3A_583, %get3A_584] {strides = array<i32>} : memref<2x50x128xf32, #tpu.memory_space<vmem>>, vector<1x1x16xf32>,
      %get3A_586 = vector.shape_cast %get3A_585 : vector<1x1x16xf32> to vector<16xf32>
      %mul3A_587 = arith.constant 11.3137083 : f32
      %mul3A_588 = vector.broadcast %mul3A_587 : f32 to vector<16xf32>
      %mul3A_589 = arith.mulf %get3A_586, %mul3A_588 : vector<16xf32>
      %swap3A_590 = arith.constant 0 : i32
      %swap3A_591 = arith.index_cast %swap3A_590 : i32 to index
      %swap3A_592 = arith.index_cast %scan3A_566 : i32 to index
      %swap3A_593 = arith.constant 16 : index
      %swap3A_594 = tpu.vector_load %arg9[%swap3A_591, %swap3A_592, %swap3A_593] {strides = array<i32>} : memref<2x50x128xf32, #tpu.memory_space<vmem>>, vector<1x1x16xf32>,
      %swap3A_595 = vector.shape_cast %swap3A_594 : vector<1x1x16xf32> to vector<16xf32>
      %swap3A_596 = vector.shape_cast %mul3A_589 : vector<16xf32> to vector<1x1x16xf32>
      tpu.vector_store %arg9[%swap3A_591, %swap3A_592, %swap3A_593], %swap3A_596 {strides = array<i32>} : memref<2x50x128xf32, #tpu.memory_space<vmem>>, vector<1x1x16xf32>,
      %get3A_597 = arith.constant 0 : i32
      %get3A_598 = arith.index_cast %get3A_597 : i32 to index
      %get3A_599 = arith.index_cast %scan3A_566 : i32 to index
      %get3A_600 = arith.constant 32 : index
      %get3A_601 = tpu.vector_load %arg9[%get3A_598, %get3A_599, %get3A_600] {strides = array<i32>} : memref<2x50x128xf32, #tpu.memory_space<vmem>>, vector<1x1x16xf32>,
      %get3A_602 = vector.shape_cast %get3A_601 : vector<1x1x16xf32> to vector<16xf32>
      %mul3A_603 = arith.constant 11.3137083 : f32
      %mul3A_604 = vector.broadcast %mul3A_603 : f32 to vector<16xf32>
      %mul3A_605 = arith.mulf %get3A_602, %mul3A_604 : vector<16xf32>
      %swap3A_606 = arith.constant 0 : i32
      %swap3A_607 = arith.index_cast %swap3A_606 : i32 to index
      %swap3A_608 = arith.index_cast %scan3A_566 : i32 to index
      %swap3A_609 = arith.constant 32 : index
      %swap3A_610 = tpu.vector_load %arg9[%swap3A_607, %swap3A_608, %swap3A_609] {strides = array<i32>} : memref<2x50x128xf32, #tpu.memory_space<vmem>>, vector<1x1x16xf32>,
      %swap3A_611 = vector.shape_cast %swap3A_610 : vector<1x1x16xf32> to vector<16xf32>
      %swap3A_612 = vector.shape_cast %mul3A_605 : vector<16xf32> to vector<1x1x16xf32>
      tpu.vector_store %arg9[%swap3A_607, %swap3A_608, %swap3A_609], %swap3A_612 {strides = array<i32>} : memref<2x50x128xf32, #tpu.memory_space<vmem>>, vector<1x1x16xf32>,
      %get3A_613 = arith.constant 0 : i32
      %get3A_614 = arith.index_cast %get3A_613 : i32 to index
      %get3A_615 = arith.index_cast %scan3A_566 : i32 to index
      %get3A_616 = arith.constant 48 : index
      %get3A_617 = tpu.vector_load %arg9[%get3A_614, %get3A_615, %get3A_616] {strides = array<i32>} : memref<2x50x128xf32, #tpu.memory_space<vmem>>, vector<1x1x16xf32>,
      %get3A_618 = vector.shape_cast %get3A_617 : vector<1x1x16xf32> to vector<16xf32>
      %mul3A_619 = arith.constant 11.3137083 : f32
      %mul3A_620 = vector.broadcast %mul3A_619 : f32 to vector<16xf32>
      %mul3A_621 = arith.mulf %get3A_618, %mul3A_620 : vector<16xf32>
      %swap3A_622 = arith.constant 0 : i32
      %swap3A_623 = arith.index_cast %swap3A_622 : i32 to index
      %swap3A_624 = arith.index_cast %scan3A_566 : i32 to index
      %swap3A_625 = arith.constant 48 : index
      %swap3A_626 = tpu.vector_load %arg9[%swap3A_623, %swap3A_624, %swap3A_625] {strides = array<i32>} : memref<2x50x128xf32, #tpu.memory_space<vmem>>, vector<1x1x16xf32>,
      %swap3A_627 = vector.shape_cast %swap3A_626 : vector<1x1x16xf32> to vector<16xf32>
      %swap3A_628 = vector.shape_cast %mul3A_621 : vector<16xf32> to vector<1x1x16xf32>
      tpu.vector_store %arg9[%swap3A_623, %swap3A_624, %swap3A_625], %swap3A_628 {strides = array<i32>} : memref<2x50x128xf32, #tpu.memory_space<vmem>>, vector<1x1x16xf32>,
      %get3A_629 = arith.constant 0 : i32
      %get3A_630 = arith.index_cast %get3A_629 : i32 to index
      %get3A_631 = arith.index_cast %scan3A_566 : i32 to index
      %get3A_632 = arith.constant 64 : index
      %get3A_633 = tpu.vector_load %arg9[%get3A_630, %get3A_631, %get3A_632] {strides = array<i32>} : memref<2x50x128xf32, #tpu.memory_space<vmem>>, vector<1x1x16xf32>,
      %get3A_634 = vector.shape_cast %get3A_633 : vector<1x1x16xf32> to vector<16xf32>
      %mul3A_635 = arith.constant 11.3137083 : f32
      %mul3A_636 = vector.broadcast %mul3A_635 : f32 to vector<16xf32>
      %mul3A_637 = arith.mulf %get3A_634, %mul3A_636 : vector<16xf32>
      %swap3A_638 = arith.constant 0 : i32
      %swap3A_639 = arith.index_cast %swap3A_638 : i32 to index
      %swap3A_640 = arith.index_cast %scan3A_566 : i32 to index
      %swap3A_641 = arith.constant 64 : index
      %swap3A_642 = tpu.vector_load %arg9[%swap3A_639, %swap3A_640, %swap3A_641] {strides = array<i32>} : memref<2x50x128xf32, #tpu.memory_space<vmem>>, vector<1x1x16xf32>,
      %swap3A_643 = vector.shape_cast %swap3A_642 : vector<1x1x16xf32> to vector<16xf32>
      %swap3A_644 = vector.shape_cast %mul3A_637 : vector<16xf32> to vector<1x1x16xf32>
      tpu.vector_store %arg9[%swap3A_639, %swap3A_640, %swap3A_641], %swap3A_644 {strides = array<i32>} : memref<2x50x128xf32, #tpu.memory_space<vmem>>, vector<1x1x16xf32>,
      %get3A_645 = arith.constant 0 : i32
      %get3A_646 = arith.index_cast %get3A_645 : i32 to index
      %get3A_647 = arith.index_cast %scan3A_566 : i32 to index
      %get3A_648 = arith.constant 80 : index
      %get3A_649 = tpu.vector_load %arg9[%get3A_646, %get3A_647, %get3A_648] {strides = array<i32>} : memref<2x50x128xf32, #tpu.memory_space<vmem>>, vector<1x1x16xf32>,
      %get3A_650 = vector.shape_cast %get3A_649 : vector<1x1x16xf32> to vector<16xf32>
      %mul3A_651 = arith.constant 11.3137083 : f32
      %mul3A_652 = vector.broadcast %mul3A_651 : f32 to vector<16xf32>
      %mul3A_653 = arith.mulf %get3A_650, %mul3A_652 : vector<16xf32>
      %swap3A_654 = arith.constant 0 : i32
      %swap3A_655 = arith.index_cast %swap3A_654 : i32 to index
      %swap3A_656 = arith.index_cast %scan3A_566 : i32 to index
      %swap3A_657 = arith.constant 80 : index
      %swap3A_658 = tpu.vector_load %arg9[%swap3A_655, %swap3A_656, %swap3A_657] {strides = array<i32>} : memref<2x50x128xf32, #tpu.memory_space<vmem>>, vector<1x1x16xf32>,
      %swap3A_659 = vector.shape_cast %swap3A_658 : vector<1x1x16xf32> to vector<16xf32>
      %swap3A_660 = vector.shape_cast %mul3A_653 : vector<16xf32> to vector<1x1x16xf32>
      tpu.vector_store %arg9[%swap3A_655, %swap3A_656, %swap3A_657], %swap3A_660 {strides = array<i32>} : memref<2x50x128xf32, #tpu.memory_space<vmem>>, vector<1x1x16xf32>,
      %get3A_661 = arith.constant 0 : i32
      %get3A_662 = arith.index_cast %get3A_661 : i32 to index
      %get3A_663 = arith.index_cast %scan3A_566 : i32 to index
      %get3A_664 = arith.constant 96 : index
      %get3A_665 = tpu.vector_load %arg9[%get3A_662, %get3A_663, %get3A_664] {strides = array<i32>} : memref<2x50x128xf32, #tpu.memory_space<vmem>>, vector<1x1x16xf32>,
      %get3A_666 = vector.shape_cast %get3A_665 : vector<1x1x16xf32> to vector<16xf32>
      %mul3A_667 = arith.constant 11.3137083 : f32
      %mul3A_668 = vector.broadcast %mul3A_667 : f32 to vector<16xf32>
      %mul3A_669 = arith.mulf %get3A_666, %mul3A_668 : vector<16xf32>
      %swap3A_670 = arith.constant 0 : i32
      %swap3A_671 = arith.index_cast %swap3A_670 : i32 to index
      %swap3A_672 = arith.index_cast %scan3A_566 : i32 to index
      %swap3A_673 = arith.constant 96 : index
      %swap3A_674 = tpu.vector_load %arg9[%swap3A_671, %swap3A_672, %swap3A_673] {strides = array<i32>} : memref<2x50x128xf32, #tpu.memory_space<vmem>>, vector<1x1x16xf32>,
      %swap3A_675 = vector.shape_cast %swap3A_674 : vector<1x1x16xf32> to vector<16xf32>
      %swap3A_676 = vector.shape_cast %mul3A_669 : vector<16xf32> to vector<1x1x16xf32>
      tpu.vector_store %arg9[%swap3A_671, %swap3A_672, %swap3A_673], %swap3A_676 {strides = array<i32>} : memref<2x50x128xf32, #tpu.memory_space<vmem>>, vector<1x1x16xf32>,
      %get3A_677 = arith.constant 0 : i32
      %get3A_678 = arith.index_cast %get3A_677 : i32 to index
      %get3A_679 = arith.index_cast %scan3A_566 : i32 to index
      %get3A_680 = arith.constant 112 : index
      %get3A_681 = tpu.vector_load %arg9[%get3A_678, %get3A_679, %get3A_680] {strides = array<i32>} : memref<2x50x128xf32, #tpu.memory_space<vmem>>, vector<1x1x16xf32>,
      %get3A_682 = vector.shape_cast %get3A_681 : vector<1x1x16xf32> to vector<16xf32>
      %mul3A_683 = arith.constant 11.3137083 : f32
      %mul3A_684 = vector.broadcast %mul3A_683 : f32 to vector<16xf32>
      %mul3A_685 = arith.mulf %get3A_682, %mul3A_684 : vector<16xf32>
      %swap3A_686 = arith.constant 0 : i32
      %swap3A_687 = arith.index_cast %swap3A_686 : i32 to index
      %swap3A_688 = arith.index_cast %scan3A_566 : i32 to index
      %swap3A_689 = arith.constant 112 : index
      %swap3A_690 = tpu.vector_load %arg9[%swap3A_687, %swap3A_688, %swap3A_689] {strides = array<i32>} : memref<2x50x128xf32, #tpu.memory_space<vmem>>, vector<1x1x16xf32>,
      %swap3A_691 = vector.shape_cast %swap3A_690 : vector<1x1x16xf32> to vector<16xf32>
      %swap3A_692 = vector.shape_cast %mul3A_685 : vector<16xf32> to vector<1x1x16xf32>
      tpu.vector_store %arg9[%swap3A_687, %swap3A_688, %swap3A_689], %swap3A_692 {strides = array<i32>} : memref<2x50x128xf32, #tpu.memory_space<vmem>>, vector<1x1x16xf32>,
      %get3A_693 = arith.constant 1 : i32
      %get3A_694 = arith.index_cast %get3A_693 : i32 to index
      %get3A_695 = arith.index_cast %scan3A_566 : i32 to index
      %get3A_696 = arith.constant 0 : index
      %get3A_697 = tpu.vector_load %arg9[%get3A_694, %get3A_695, %get3A_696] {strides = array<i32>} : memref<2x50x128xf32, #tpu.memory_space<vmem>>, vector<1x1x16xf32>,
      %get3A_698 = vector.shape_cast %get3A_697 : vector<1x1x16xf32> to vector<16xf32>
      %mul3A_699 = arith.constant 11.3137083 : f32
      %mul3A_700 = vector.broadcast %mul3A_699 : f32 to vector<16xf32>
      %mul3A_701 = arith.mulf %get3A_698, %mul3A_700 : vector<16xf32>
      %swap3A_702 = arith.constant 1 : i32
      %swap3A_703 = arith.index_cast %swap3A_702 : i32 to index
      %swap3A_704 = arith.index_cast %scan3A_566 : i32 to index
      %swap3A_705 = arith.constant 0 : index
      %swap3A_706 = tpu.vector_load %arg9[%swap3A_703, %swap3A_704, %swap3A_705] {strides = array<i32>} : memref<2x50x128xf32, #tpu.memory_space<vmem>>, vector<1x1x16xf32>,
      %swap3A_707 = vector.shape_cast %swap3A_706 : vector<1x1x16xf32> to vector<16xf32>
      %swap3A_708 = vector.shape_cast %mul3A_701 : vector<16xf32> to vector<1x1x16xf32>
      tpu.vector_store %arg9[%swap3A_703, %swap3A_704, %swap3A_705], %swap3A_708 {strides = array<i32>} : memref<2x50x128xf32, #tpu.memory_space<vmem>>, vector<1x1x16xf32>,
      %get3A_709 = arith.constant 1 : i32
      %get3A_710 = arith.index_cast %get3A_709 : i32 to index
      %get3A_711 = arith.index_cast %scan3A_566 : i32 to index
      %get3A_712 = arith.constant 16 : index
      %get3A_713 = tpu.vector_load %arg9[%get3A_710, %get3A_711, %get3A_712] {strides = array<i32>} : memref<2x50x128xf32, #tpu.memory_space<vmem>>, vector<1x1x16xf32>,
      %get3A_714 = vector.shape_cast %get3A_713 : vector<1x1x16xf32> to vector<16xf32>
      %mul3A_715 = arith.constant 11.3137083 : f32
      %mul3A_716 = vector.broadcast %mul3A_715 : f32 to vector<16xf32>
      %mul3A_717 = arith.mulf %get3A_714, %mul3A_716 : vector<16xf32>
      %swap3A_718 = arith.constant 1 : i32
      %swap3A_719 = arith.index_cast %swap3A_718 : i32 to index
      %swap3A_720 = arith.index_cast %scan3A_566 : i32 to index
      %swap3A_721 = arith.constant 16 : index
      %swap3A_722 = tpu.vector_load %arg9[%swap3A_719, %swap3A_720, %swap3A_721] {strides = array<i32>} : memref<2x50x128xf32, #tpu.memory_space<vmem>>, vector<1x1x16xf32>,
      %swap3A_723 = vector.shape_cast %swap3A_722 : vector<1x1x16xf32> to vector<16xf32>
      %swap3A_724 = vector.shape_cast %mul3A_717 : vector<16xf32> to vector<1x1x16xf32>
      tpu.vector_store %arg9[%swap3A_719, %swap3A_720, %swap3A_721], %swap3A_724 {strides = array<i32>} : memref<2x50x128xf32, #tpu.memory_space<vmem>>, vector<1x1x16xf32>,
      %get3A_725 = arith.constant 1 : i32
      %get3A_726 = arith.index_cast %get3A_725 : i32 to index
      %get3A_727 = arith.index_cast %scan3A_566 : i32 to index
      %get3A_728 = arith.constant 32 : index
      %get3A_729 = tpu.vector_load %arg9[%get3A_726, %get3A_727, %get3A_728] {strides = array<i32>} : memref<2x50x128xf32, #tpu.memory_space<vmem>>, vector<1x1x16xf32>,
      %get3A_730 = vector.shape_cast %get3A_729 : vector<1x1x16xf32> to vector<16xf32>
      %mul3A_731 = arith.constant 11.3137083 : f32
      %mul3A_732 = vector.broadcast %mul3A_731 : f32 to vector<16xf32>
      %mul3A_733 = arith.mulf %get3A_730, %mul3A_732 : vector<16xf32>
      %swap3A_734 = arith.constant 1 : i32
      %swap3A_735 = arith.index_cast %swap3A_734 : i32 to index
      %swap3A_736 = arith.index_cast %scan3A_566 : i32 to index
      %swap3A_737 = arith.constant 32 : index
      %swap3A_738 = tpu.vector_load %arg9[%swap3A_735, %swap3A_736, %swap3A_737] {strides = array<i32>} : memref<2x50x128xf32, #tpu.memory_space<vmem>>, vector<1x1x16xf32>,
      %swap3A_739 = vector.shape_cast %swap3A_738 : vector<1x1x16xf32> to vector<16xf32>
      %swap3A_740 = vector.shape_cast %mul3A_733 : vector<16xf32> to vector<1x1x16xf32>
      tpu.vector_store %arg9[%swap3A_735, %swap3A_736, %swap3A_737], %swap3A_740 {strides = array<i32>} : memref<2x50x128xf32, #tpu.memory_space<vmem>>, vector<1x1x16xf32>,
      %get3A_741 = arith.constant 1 : i32
      %get3A_742 = arith.index_cast %get3A_741 : i32 to index
      %get3A_743 = arith.index_cast %scan3A_566 : i32 to index
      %get3A_744 = arith.constant 48 : index
      %get3A_745 = tpu.vector_load %arg9[%get3A_742, %get3A_743, %get3A_744] {strides = array<i32>} : memref<2x50x128xf32, #tpu.memory_space<vmem>>, vector<1x1x16xf32>,
      %get3A_746 = vector.shape_cast %get3A_745 : vector<1x1x16xf32> to vector<16xf32>
      %mul3A_747 = arith.constant 11.3137083 : f32
      %mul3A_748 = vector.broadcast %mul3A_747 : f32 to vector<16xf32>
      %mul3A_749 = arith.mulf %get3A_746, %mul3A_748 : vector<16xf32>
      %swap3A_750 = arith.constant 1 : i32
      %swap3A_751 = arith.index_cast %swap3A_750 : i32 to index
      %swap3A_752 = arith.index_cast %scan3A_566 : i32 to index
      %swap3A_753 = arith.constant 48 : index
      %swap3A_754 = tpu.vector_load %arg9[%swap3A_751, %swap3A_752, %swap3A_753] {strides = array<i32>} : memref<2x50x128xf32, #tpu.memory_space<vmem>>, vector<1x1x16xf32>,
      %swap3A_755 = vector.shape_cast %swap3A_754 : vector<1x1x16xf32> to vector<16xf32>
      %swap3A_756 = vector.shape_cast %mul3A_749 : vector<16xf32> to vector<1x1x16xf32>
      tpu.vector_store %arg9[%swap3A_751, %swap3A_752, %swap3A_753], %swap3A_756 {strides = array<i32>} : memref<2x50x128xf32, #tpu.memory_space<vmem>>, vector<1x1x16xf32>,
      %get3A_757 = arith.constant 1 : i32
      %get3A_758 = arith.index_cast %get3A_757 : i32 to index
      %get3A_759 = arith.index_cast %scan3A_566 : i32 to index
      %get3A_760 = arith.constant 64 : index
      %get3A_761 = tpu.vector_load %arg9[%get3A_758, %get3A_759, %get3A_760] {strides = array<i32>} : memref<2x50x128xf32, #tpu.memory_space<vmem>>, vector<1x1x16xf32>,
      %get3A_762 = vector.shape_cast %get3A_761 : vector<1x1x16xf32> to vector<16xf32>
      %mul3A_763 = arith.constant 11.3137083 : f32
      %mul3A_764 = vector.broadcast %mul3A_763 : f32 to vector<16xf32>
      %mul3A_765 = arith.mulf %get3A_762, %mul3A_764 : vector<16xf32>
      %swap3A_766 = arith.constant 1 : i32
      %swap3A_767 = arith.index_cast %swap3A_766 : i32 to index
      %swap3A_768 = arith.index_cast %scan3A_566 : i32 to index
      %swap3A_769 = arith.constant 64 : index
      %swap3A_770 = tpu.vector_load %arg9[%swap3A_767, %swap3A_768, %swap3A_769] {strides = array<i32>} : memref<2x50x128xf32, #tpu.memory_space<vmem>>, vector<1x1x16xf32>,
      %swap3A_771 = vector.shape_cast %swap3A_770 : vector<1x1x16xf32> to vector<16xf32>
      %swap3A_772 = vector.shape_cast %mul3A_765 : vector<16xf32> to vector<1x1x16xf32>
      tpu.vector_store %arg9[%swap3A_767, %swap3A_768, %swap3A_769], %swap3A_772 {strides = array<i32>} : memref<2x50x128xf32, #tpu.memory_space<vmem>>, vector<1x1x16xf32>,
      %get3A_773 = arith.constant 1 : i32
      %get3A_774 = arith.index_cast %get3A_773 : i32 to index
      %get3A_775 = arith.index_cast %scan3A_566 : i32 to index
      %get3A_776 = arith.constant 80 : index
      %get3A_777 = tpu.vector_load %arg9[%get3A_774, %get3A_775, %get3A_776] {strides = array<i32>} : memref<2x50x128xf32, #tpu.memory_space<vmem>>, vector<1x1x16xf32>,
      %get3A_778 = vector.shape_cast %get3A_777 : vector<1x1x16xf32> to vector<16xf32>
      %mul3A_779 = arith.constant 11.3137083 : f32
      %mul3A_780 = vector.broadcast %mul3A_779 : f32 to vector<16xf32>
      %mul3A_781 = arith.mulf %get3A_778, %mul3A_780 : vector<16xf32>
      %swap3A_782 = arith.constant 1 : i32
      %swap3A_783 = arith.index_cast %swap3A_782 : i32 to index
      %swap3A_784 = arith.index_cast %scan3A_566 : i32 to index
      %swap3A_785 = arith.constant 80 : index
      %swap3A_786 = tpu.vector_load %arg9[%swap3A_783, %swap3A_784, %swap3A_785] {strides = array<i32>} : memref<2x50x128xf32, #tpu.memory_space<vmem>>, vector<1x1x16xf32>,
      %swap3A_787 = vector.shape_cast %swap3A_786 : vector<1x1x16xf32> to vector<16xf32>
      %swap3A_788 = vector.shape_cast %mul3A_781 : vector<16xf32> to vector<1x1x16xf32>
      tpu.vector_store %arg9[%swap3A_783, %swap3A_784, %swap3A_785], %swap3A_788 {strides = array<i32>} : memref<2x50x128xf32, #tpu.memory_space<vmem>>, vector<1x1x16xf32>,
      %get3A_789 = arith.constant 1 : i32
      %get3A_790 = arith.index_cast %get3A_789 : i32 to index
      %get3A_791 = arith.index_cast %scan3A_566 : i32 to index
      %get3A_792 = arith.constant 96 : index
      %get3A_793 = tpu.vector_load %arg9[%get3A_790, %get3A_791, %get3A_792] {strides = array<i32>} : memref<2x50x128xf32, #tpu.memory_space<vmem>>, vector<1x1x16xf32>,
      %get3A_794 = vector.shape_cast %get3A_793 : vector<1x1x16xf32> to vector<16xf32>
      %mul3A_795 = arith.constant 11.3137083 : f32
      %mul3A_796 = vector.broadcast %mul3A_795 : f32 to vector<16xf32>
      %mul3A_797 = arith.mulf %get3A_794, %mul3A_796 : vector<16xf32>
      %swap3A_798 = arith.constant 1 : i32
      %swap3A_799 = arith.index_cast %swap3A_798 : i32 to index
      %swap3A_800 = arith.index_cast %scan3A_566 : i32 to index
      %swap3A_801 = arith.constant 96 : index
      %swap3A_802 = tpu.vector_load %arg9[%swap3A_799, %swap3A_800, %swap3A_801] {strides = array<i32>} : memref<2x50x128xf32, #tpu.memory_space<vmem>>, vector<1x1x16xf32>,
      %swap3A_803 = vector.shape_cast %swap3A_802 : vector<1x1x16xf32> to vector<16xf32>
      %swap3A_804 = vector.shape_cast %mul3A_797 : vector<16xf32> to vector<1x1x16xf32>
      tpu.vector_store %arg9[%swap3A_799, %swap3A_800, %swap3A_801], %swap3A_804 {strides = array<i32>} : memref<2x50x128xf32, #tpu.memory_space<vmem>>, vector<1x1x16xf32>,
      %get3A_805 = arith.constant 1 : i32
      %get3A_806 = arith.index_cast %get3A_805 : i32 to index
      %get3A_807 = arith.index_cast %scan3A_566 : i32 to index
      %get3A_808 = arith.constant 112 : index
      %get3A_809 = tpu.vector_load %arg9[%get3A_806, %get3A_807, %get3A_808] {strides = array<i32>} : memref<2x50x128xf32, #tpu.memory_space<vmem>>, vector<1x1x16xf32>,
      %get3A_810 = vector.shape_cast %get3A_809 : vector<1x1x16xf32> to vector<16xf32>
      %mul3A_811 = arith.constant 11.3137083 : f32
      %mul3A_812 = vector.broadcast %mul3A_811 : f32 to vector<16xf32>
      %mul3A_813 = arith.mulf %get3A_810, %mul3A_812 : vector<16xf32>
      %swap3A_814 = arith.constant 1 : i32
      %swap3A_815 = arith.index_cast %swap3A_814 : i32 to index
      %swap3A_816 = arith.index_cast %scan3A_566 : i32 to index
      %swap3A_817 = arith.constant 112 : index
      %swap3A_818 = tpu.vector_load %arg9[%swap3A_815, %swap3A_816, %swap3A_817] {strides = array<i32>} : memref<2x50x128xf32, #tpu.memory_space<vmem>>, vector<1x1x16xf32>,
      %swap3A_819 = vector.shape_cast %swap3A_818 : vector<1x1x16xf32> to vector<16xf32>
      %swap3A_820 = vector.shape_cast %mul3A_813 : vector<16xf32> to vector<1x1x16xf32>
      tpu.vector_store %arg9[%swap3A_815, %swap3A_816, %swap3A_817], %swap3A_820 {strides = array<i32>} : memref<2x50x128xf32, #tpu.memory_space<vmem>>, vector<1x1x16xf32>,
    }
    %scan3A_525 = arith.constant 50 : i32
    %add3A_526 = arith.constant 126 : i32
    %add3A_527 = arith.addi %mul3A_2, %add3A_526 : i32
    %dma_start3A_528 = arith.constant 0 : i32
    %dma_start3A_529 = arith.constant 0 : i32
    %dma_start3A_530 = tpu.memref_slice %arg4[%add3A_527, %dma_start3A_528, %dma_start3A_529] : memref<4096x50x128xf32, #tpu.memory_space<hbm>> -> memref<2x50x128xf32, #tpu.memory_space<hbm>>
    %dma_start3A_531 = arith.constant 0 : i32
    %dma_start3A_532 = arith.constant 0 : i32
    %dma_start3A_533 = tpu.memref_slice %arg4[%add3A_527, %dma_start3A_531, %dma_start3A_532] : memref<4096x50x128xf32, #tpu.memory_space<hbm>> -> memref<2x50x128xf32, #tpu.memory_space<hbm>>
    tpu.enqueue_dma source(%arg9 : memref<2x50x128xf32, #tpu.memory_space<vmem>>) target(%dma_start3A_533 : memref<2x50x128xf32, #tpu.memory_space<hbm>>) target_semaphore(%arg17 : memref<!tpu.dma_semaphore, #tpu.memory_space<semaphore_mem>>)
    %add3A_534 = arith.constant 120 : i32
    %add3A_535 = arith.addi %mul3A_2, %add3A_534 : i32
    %dma_wait3A_536 = arith.constant 0 : i32
    %dma_wait3A_537 = arith.constant 0 : i32
    %dma_wait3A_538 = tpu.memref_slice %arg4[%add3A_535, %dma_wait3A_536, %dma_wait3A_537] : memref<4096x50x128xf32, #tpu.memory_space<hbm>> -> memref<2x50x128xf32, #tpu.memory_space<hbm>>
    %dma_wait3A_539 = arith.constant 0 : i32
    %dma_wait3A_540 = arith.constant 0 : i32
    %dma_wait3A_541 = tpu.memref_slice %arg4[%add3A_535, %dma_wait3A_539, %dma_wait3A_540] : memref<4096x50x128xf32, #tpu.memory_space<hbm>> -> memref<2x50x128xf32, #tpu.memory_space<hbm>>
    tpu.wait_dma2 semaphore(%arg14 : memref<!tpu.dma_semaphore, #tpu.memory_space<semaphore_mem>>) src(%arg6 : memref<2x50x128xf32, #tpu.memory_space<vmem>>) dst(%dma_wait3A_541 : memref<2x50x128xf32, #tpu.memory_space<hbm>>)
    %add3A_542 = arith.constant 122 : i32
    %add3A_543 = arith.addi %mul3A_2, %add3A_542 : i32
    %dma_wait3A_544 = arith.constant 0 : i32
    %dma_wait3A_545 = arith.constant 0 : i32
    %dma_wait3A_546 = tpu.memref_slice %arg4[%add3A_543, %dma_wait3A_544, %dma_wait3A_545] : memref<4096x50x128xf32, #tpu.memory_space<hbm>> -> memref<2x50x128xf32, #tpu.memory_space<hbm>>
    %dma_wait3A_547 = arith.constant 0 : i32
    %dma_wait3A_548 = arith.constant 0 : i32
    %dma_wait3A_549 = tpu.memref_slice %arg4[%add3A_543, %dma_wait3A_547, %dma_wait3A_548] : memref<4096x50x128xf32, #tpu.memory_space<hbm>> -> memref<2x50x128xf32, #tpu.memory_space<hbm>>
    tpu.wait_dma2 semaphore(%arg15 : memref<!tpu.dma_semaphore, #tpu.memory_space<semaphore_mem>>) src(%arg7 : memref<2x50x128xf32, #tpu.memory_space<vmem>>) dst(%dma_wait3A_549 : memref<2x50x128xf32, #tpu.memory_space<hbm>>)
    %add3A_550 = arith.constant 124 : i32
    %add3A_551 = arith.addi %mul3A_2, %add3A_550 : i32
    %dma_wait3A_552 = arith.constant 0 : i32
    %dma_wait3A_553 = arith.constant 0 : i32
    %dma_wait3A_554 = tpu.memref_slice %arg4[%add3A_551, %dma_wait3A_552, %dma_wait3A_553] : memref<4096x50x128xf32, #tpu.memory_space<hbm>> -> memref<2x50x128xf32, #tpu.memory_space<hbm>>
    %dma_wait3A_555 = arith.constant 0 : i32
    %dma_wait3A_556 = arith.constant 0 : i32
    %dma_wait3A_557 = tpu.memref_slice %arg4[%add3A_551, %dma_wait3A_555, %dma_wait3A_556] : memref<4096x50x128xf32, #tpu.memory_space<hbm>> -> memref<2x50x128xf32, #tpu.memory_space<hbm>>
    tpu.wait_dma2 semaphore(%arg16 : memref<!tpu.dma_semaphore, #tpu.memory_space<semaphore_mem>>) src(%arg8 : memref<2x50x128xf32, #tpu.memory_space<vmem>>) dst(%dma_wait3A_557 : memref<2x50x128xf32, #tpu.memory_space<hbm>>)
    %add3A_558 = arith.constant 126 : i32
    %add3A_559 = arith.addi %mul3A_2, %add3A_558 : i32
    %dma_wait3A_560 = arith.constant 0 : i32
    %dma_wait3A_561 = arith.constant 0 : i32
    %dma_wait3A_562 = tpu.memref_slice %arg4[%add3A_559, %dma_wait3A_560, %dma_wait3A_561] : memref<4096x50x128xf32, #tpu.memory_space<hbm>> -> memref<2x50x128xf32, #tpu.memory_space<hbm>>
    %dma_wait3A_563 = arith.constant 0 : i32
    %dma_wait3A_564 = arith.constant 0 : i32
    %dma_wait3A_565 = tpu.memref_slice %arg4[%add3A_559, %dma_wait3A_563, %dma_wait3A_564] : memref<4096x50x128xf32, #tpu.memory_space<hbm>> -> memref<2x50x128xf32, #tpu.memory_space<hbm>>
    tpu.wait_dma2 semaphore(%arg17 : memref<!tpu.dma_semaphore, #tpu.memory_space<semaphore_mem>>) src(%arg9 : memref<2x50x128xf32, #tpu.memory_space<vmem>>) dst(%dma_wait3A_565 : memref<2x50x128xf32, #tpu.memory_space<hbm>>)
    return
  }
}

</mosaic_0001>

<sc_bundles>
// kernel: kernel.3.cloned.1.call-start
scs
__scs_entry_jumppad:
0x0: {  	(pc) =	sbr.rel $0x88, $3  }
0x1: {  	(tag) =	ssettag $0x0;
	lr =	simm.s32 $0x1  }
0x2: {  	[smem:$0x3F9F] =	sst lr;
	_ =	strace $0xD0000000  }
0x3: {  	_ = 	snop  }
0x4: {  	_ = 	snop  }
0x5: {  	_ = 	snop  }
0x6: {  	_ = 	snop  }
0x7: {  	_ = 	snop  }
__scs_overlays_trampoline_lowered:
0x8: {  	[smem:$0x3FAE] =	sst s0  }
0x9: {  	[smem:$0x3FAF] =	sst s1  }
0xa: {  	[smem:$0x3FB0] =	sst s2  }
0xb: {  	[smem:$0x3FB1] =	sst s3  }
0xc: {  	[smem:$0x3FB2] =	sst s4  }
0xd: {  	[smem:$0x3FB3] =	sst s5  }
0xe: {  	[smem:$0x3FB4] =	sst s6  }
0xf: {  	[smem:$0x3FB5] =	sst s7  }
0x10: {  	[smem:$0x3FB6] =	sst s8  }
0x11: {  	[smem:$0x3FB7] =	sst s9;
	s0 =	simm.s32 @!p0 $0x0  }
0x12: {  	s1 =	sld [smem:$0x3F9D];
	s0 =	simm.s32 @p0 $0x1  }
0x13: {  	[smem:$0x3FB8] =	sst s0;
	s0 =	simm.s32 @!p1 $0x0  }
0x14: {  	s2 =	sld [smem:$0x3F9C];
	s0 =	simm.s32 @p1 $0x1  }
0x15: {  	[smem:$0x3FB9] =	sst s0;
	s0 =	simm.s32 @!p2 $0x0  }
0x16: {  	s3 =	sld [smem:$0x3FDB];
	s0 =	simm.s32 @p2 $0x1  }
0x17: {  	s4 =	simm.s32 $0x1BF5;
	[smem:$0x3FBB] =	sst s0  }
0x18: {  	s0 =	sld [smem:$0x3F9E];
	_ =	swait.ge [sflag:s4], $0x0  }
0x19: {  	s7 =	sld [smem:$0x3F9F]  }
0x1a: {  	s8 =	sadd.s32 $0xFFFFE003, lr  }
0x1b: {  	s9 =	sadd.s32 $0xFFFFFEF7, lr;
	s5 =	simm.s32 $0xFFFFFFFF;
	p2 =	slt.u32 s8, $0xFFFFF086  }
0x1c: {  	p1 =	slt.u32 s9, $0xF7A;
	s5 =	simm.s32 @!p2 $0x0  }
0x1d: {  	s5 =	simm.s32 @p1 $0x1;
	p0 =	seq.s32 s7, s2  }
0x1e: {  	s7 =	smul.u32 @!p0 $0xF7A, s2;
	p2 =	seq.s32 @!p0 s5, $0x0  }
0x1f: {  	s9 =	smul.u32 $0xF7A, s1;
	s8 =	simm.s32 @!p0 $0x1BF5;
	p2 =	por !p2, p0  }
0x20: {  	[sflag:s8] =	ssyncset.s32 @!p0 $0xFFFFF086;
	s6 =	sadd.s32 @!p0 s3, s7;
	s7 =	simm.s32 @!p0 $0x108  }
0x21: {  	s3 =	sadd.s32 s3, s9;
	s6 =	sadd.s32 @!p0 $0x88, s6;
	s7 =	simm.s32 @p2 $0x1082  }
0x22: {  	[simem:s7], [sflag:s8] =	dma.local @!p0 [hbm:s6], $0xF7A  }
0x23: {  	s9 =	sor.u32 $0xD0000000, s2;
	s6 =	simm.s32 $0x108;
	_ =	swait.ge @!p0 [sflag:s8], $0x0  }
0x24: {  	s3 =	sadd.s32 $0x88, s3;
	s6 =	simm.s32 @!p1 $0x1082;
	[sflag:s4] =	ssyncset.s32 $0xFFFFF086  }
0x25: {  	[simem:s6], [sflag:s4] =	dma.local [hbm:s3], $0xF7A  }
0x26: {  	[smem:$0x3F9F] =	sst s1;
	(tag) =	ssettag s2;
	_ =	strace s9  }
0x27: {  	s1 =	sld [smem:$0x3FAF]  }
0x28: {  	s2 =	sld [smem:$0x3FB0]  }
0x29: {  	s4 =	sld [smem:$0x3FB2]  }
0x2a: {  	p0 =	seq.s32 s5, $0x0;
	s5 =	sld [smem:$0x3FB3]  }
0x2b: {  	s6 =	sld [smem:$0x3FB4]  }
0x2c: {  	s7 =	sld [smem:$0x3FB5]  }
0x2d: {  	s3 =	simm.s32 $0x108;
	s8 =	sld [smem:$0x3FB6]  }
0x2e: {  	s3 =	simm.s32 @!p0 $0x1082;
	s9 =	sld [smem:$0x3FB7]  }
0x2f: {  	lr =	sadd.s32 s0, s3;
	s0 =	sld [smem:$0x3FAE]  }
0x30: {  	s3 =	sld [smem:$0x3FB1]  }
0x31: {  	[smem:$0x3FBA] =	sst s10  }
0x32: {  	s10 =	sld [smem:$0x3FB8];
	_ =	sdelay $0x3  }
0x33: {  	p0 =	seq.s32 s10, $0x1;
	s10 =	sld [smem:$0x3FBA];
	_ =	sdelay $0x3  }
0x34: {  	[smem:$0x3FBA] =	sst s10  }
0x35: {  	s10 =	sld [smem:$0x3FB9];
	_ =	sdelay $0x3  }
0x36: {  	p1 =	seq.s32 s10, $0x1;
	s10 =	sld [smem:$0x3FBA];
	_ =	sdelay $0x3  }
0x37: {  	[smem:$0x3FBA] =	sst s10  }
0x38: {  	s10 =	sld [smem:$0x3FBB]  }
0x39: {  	_ = 	snop;
	(pc) =	sbr.ind lr, $3  }
0x3a: {  	_ = 	snop  }
0x3b: {  	_ = 	snop  }
0x3c: {  	p2 =	seq.s32 s10, $0x1;
	s10 =	sld [smem:$0x3FBA]  }
0x3d: {  	_ =	shalt  }
0x3e: {  	_ =	shalt  }
0x3f: {  	_ =	shalt  }
0x40: {  	_ =	shalt  }
0x41: {  	_ =	shalt  }
0x42: {  	_ =	shalt  }
0x43: {  	_ =	shalt  }
0x44: {  	_ =	shalt  }
0x45: {  	_ =	shalt  }
0x46: {  	_ =	shalt  }
0x47: {  	_ =	shalt  }
0x48: {  	_ =	shalt  }
0x49: {  	_ =	shalt  }
0x4a: {  	_ =	shalt  }
0x4b: {  	_ =	shalt  }
0x4c: {  	_ =	shalt  }
0x4d: {  	_ =	shalt  }
0x4e: {  	_ =	shalt  }
0x4f: {  	_ =	shalt  }
0x50: {  	_ =	shalt  }
0x51: {  	_ =	shalt  }
0x52: {  	_ =	shalt  }
0x53: {  	_ =	shalt  }
0x54: {  	_ =	shalt  }
0x55: {  	_ =	shalt  }
0x56: {  	_ =	shalt  }
0x57: {  	_ =	shalt  }
0x58: {  	_ =	shalt  }
0x59: {  	_ =	shalt  }
0x5a: {  	_ =	shalt  }
0x5b: {  	_ =	shalt  }
0x5c: {  	_ =	shalt  }
0x5d: {  	_ =	shalt  }
0x5e: {  	_ =	shalt  }
0x5f: {  	_ =	shalt  }
0x60: {  	_ =	shalt  }
0x61: {  	_ =	shalt  }
0x62: {  	_ =	shalt  }
0x63: {  	_ =	shalt  }
0x64: {  	_ =	shalt  }
0x65: {  	_ =	shalt  }
0x66: {  	_ =	shalt  }
0x67: {  	_ =	shalt  }
0x68: {  	_ =	shalt  }
0x69: {  	_ =	shalt  }
0x6a: {  	_ =	shalt  }
0x6b: {  	_ =	shalt  }
0x6c: {  	_ =	shalt  }
0x6d: {  	_ =	shalt  }
0x6e: {  	_ =	shalt  }
0x6f: {  	_ =	shalt  }
0x70: {  	_ =	shalt  }
0x71: {  	_ =	shalt  }
0x72: {  	_ =	shalt  }
0x73: {  	_ =	shalt  }
0x74: {  	_ =	shalt  }
0x75: {  	_ =	shalt  }
0x76: {  	_ =	shalt  }
0x77: {  	_ =	shalt  }
0x78: {  	_ =	shalt  }
0x79: {  	_ =	shalt  }
0x7a: {  	_ =	shalt  }
0x7b: {  	_ =	shalt  }
0x7c: {  	_ =	shalt  }
0x7d: {  	_ =	shalt  }
0x7e: {  	_ =	shalt  }
0x7f: {  	_ =	shalt  }
0x80: {  	_ =	shalt  }
0x81: {  	_ =	shalt  }
0x82: {  	_ =	shalt  }
0x83: {  	_ =	shalt  }
0x84: {  	_ =	shalt  }
0x85: {  	_ =	shalt  }
0x86: {  	_ =	shalt  }
0x87: {  	_ =	shalt  }
.Lfunc_end0:
.L_simem_size_0:
called_computation_lowered:
.L_overlay_start_0:
0x88: {  	s2 =	sld [smem:$0x3FD9]  }
0x89: {  	s3 =	sld [smem:$0x3FFE];
	_ =	sdelay $0x1  }
0x8a: {  	s1 =	srdreg.scid  }
0x8b: {  	s0 =	sand.u32 $0x1, s1  }
0x8c: {  	s17 =	sshll.u32 s0, $0xA;
	s2 =	sadd.s32 s3, s2  }
0x8d: {  	s2 =	sadd.s32 s2, s17  }
0x8e: {  	[smem:$0x3FC6] =	sst s2  }
0x8f: {  	_ = 	snop  }
0x90: {  	s2 =	sld [smem:$0x3FC8]  }
0x91: {  	s18 =	sld [smem:$0x3FD0];
	(tm) =	ssettm $0x1  }
0x92: {  	s4 =	sld [smem:$0x3FFB];
	_ =	sdelay $0x3  }
0x93: {  	_ =	strace s4  }
0x94: {  	s4 =	sld [smem:$0x3FFC];
	_ =	sdelay $0x3  }
0x95: {  	_ =	strace s4  }
0x96: {  	s4 =	sld [smem:$0x3FFD];
	_ =	sdelay $0x3  }
0x97: {  	_ =	strace s4  }
0x98: {  	_ =	strace $0x8FFFFFFF  }
0x99: {  	s19 =	sld [smem:$0x3FDB];
	_ =	sdelay $0x1  }
0x9a: {  	s5 =	simm.s32 $_scs_section_size  }
0x9b: {  	s6 =	simm.s32 $_size__tile_overlayer_lowered;
	s7 =	simm.s32 $_tile_overlayer_lowered  }
0x9c: {  	s22 =	simm.s32 $0x1BFF;
	s21 =	sshll.u32 s7, $0x1;
	s4 =	sadd.s32 s5, s19  }
0x9d: {  	s8 =	simm.s32 $0x0;
	s20 =	sshll.u32 s6, $0x1;
	s6 =	sadd.s32 s21, s4  }
0x9e: {  	[timem:s8], [sflag:s22] =	dma.local [hbm:s6], s20  }
0x9f: {  	_ =	swait.ge [sflag:s22], s20  }
0xa0: {  	s5 =	ssub.s32 $0x0, s20;
	[sflag:s22] =	ssyncset.done $0x0  }
0xa1: {  	[sflag:s22] =	ssyncadd.s32 s5;
	_ =	sdelay $0x1  }
0xa2: {  	s23 =	simm.s32 $0x1B8B  }
0xa3: {  	_ =	swait.ge [sflag:s23], $0x1  }
0xa4: {  	[sflag:s23] =	ssyncset.done $0x0  }
0xa5: {  	s25 =	simm.s32 $0x1B8E;
	s24 =	sld [smem:$0x3FFE];
	[sflag:s23] =	ssyncadd.s32 $0xFFFFFFFF  }
0xa6: {  	s26 =	simm.s32 $execute0_lowered;
	[smem:$0x3FD2] =	sst s25  }
0xa7: {  	s6 =	sshll.u32 s26, $0x1;
	_ =	strace $0x80000046;
	[dreg:$0x1] =	wrdreg $0xFFFFFFFF  }
0xa8: {  	s28 =	simm.s32 $_size_execute0_lowered;
	s4 =	sadd.s32 s4, s6;
	[dreg:$0x0] =	wrdreg $0x0  }
0xa9: {  	s6 =	sshll.u32 s28, $0x1;
	[dreg:$0x2] =	wrdreg s4  }
0xaa: {  	[dreg:$0x3] =	wrdreg s6  }
0xab: {  	[dreg:$0x4] =	wrdreg $0xC0  }
0xac: {  	_ =	task [dreg:s8], $0x5FFFF  }
0xad: {  	[dreg:$0x1] =	wrdreg $0xFFFFFFFF  }
0xae: {  	[dreg:$0x0] =	wrdreg $0x60  }
0xaf: {  	[dreg:$0x2] =	wrdreg s2  }
0xb0: {  	[dreg:$0x3] =	wrdreg s18  }
0xb1: {  	[dreg:$0x4] =	wrdreg s24  }
0xb2: {  	[dreg:$0x5] =	wrdreg $0x9  }
0xb3: {  	_ =	task.clear_ibuf [dreg:s8], $0x6FFFF;
	_ =	strace $0x90000046  }
0xb4: {  	s29 =	simm.s32 $0x9;
	_ =	strace $0x80000048  }
0xb5: {  	_ =	swait.ge [sflag:s29], $0x1  }
0xb6: {  	[sflag:s29] =	ssyncadd.s32 $0xFFFFFFFF  }
0xb7: {  	_ =	strace $0x90000048  }
0xb8: {  	_ =	sfence  }
0xb9: {  	s30 =	sld [smem:$0x0];
	_ =	sdelay $0x2  }
0xba: {  	s31 =	sshll.u32 s1, $0xD;
	s1 =	sshrl.u32 s1, $0x2  }
0xbb: {  	s3 =	sand.u32 $0x4000, s31;
	s1 =	sadd.s32 s1, s30  }
0xbc: {  	s0 =	sor.u32 s3, s0;
	s1 =	sshll.u32 s1, $0x11  }
0xbd: {  	s0 =	sor.u32 s1, s0  }
0xbe: {  	s0 =	sadd.s32 $0x8F2B, s0  }
0xbf: {  	[sflag:s0] =	ssyncadd.remote.s32 $0x1  }
0xc0: {  	_ =	sfence.sel $0xFFFF  }
0xc1: {  	[dreg:$0x0] =	wrdreg $0xFFFFFFFF;
	(pc) =	sbr.abs _section_cstart, $3  }
0xc2: {  	[dreg:$0x1] =	wrdreg $0xFFFFFFFF  }
0xc3: {  	_ =	task.clear_ibuf [dreg:s8], $0x2FFFF;
	_ =	strace $0x9FFFFFFF  }
0xc4: {  	(tm) =	ssettm $0x7FFFFFFF  }
0xc5: {  	_ =	shalt  }
tec
execute0_lowered:
.L_overlay_start_1:
0x0: {  	(tag) =	ssettag $0x1  }
0x1: {  	s1 =	rddreg [dreg:$0x0]  }
0x2: {  	s0 =	rddreg [dreg:$0x1]  }
0x3: {  	s2 =	rddreg [dreg:$0x2];
	s3 =	srdreg.scid  }
0x4: {  	s4 =	stileid.u32;
	s29 =	simm.s32 $0xCC00;
	s30 =	simm.s32 $0x1  }
0x5: {  	s28 =	simm.s32 $0x6;
	s31 =	simm.s32 $0x4;
	s5 =	sand.u32 $0x1, s3  }
0x6: {  	s3 =	simm.s32 $0x0;
	s4 =	sshll.u32 s4, $0x8;
	s6 =	sshll.u32 s5, $0x7  }
0x7: {  	[smem:$0x7FF] =	sst s3;
	s16 =	ssub.s32 $0x2, s5;
	s4 =	sor.u32 s6, s4  }
0x8: {  	s5 =	sadd.s32 $0x400, s2;
	s17 =	sshrl.u32 s16, $0x1;
	s7 =	smul.u32 $0x1C00, s4  }
0x9: {  	s8 =	smul.u32 $0x380, s4;
	s2 =	ssub.s32 s16, s17;
	s18 =	sshll.u32 s4, $0x4  }
0xa: {  	_ =	strace $0x80000047;
	s0 =	sadd.s32 s0, s18;
	s26 =	smax.u32 s2, $0x1  }
0xb: {  	s9 =	sshrl.u32 s7, $0x3;
	[dreg:$0x4] =	wrdreg s0;
	s7 =	sadd.s32 s5, s8  }
0xc: {  	[dreg:$0xc] =	wrdreg s26;
	s19 =	sadd.s32 s5, s9;
	s20 =	sadd.s32 $0x700, s7  }
0xd: {  	s15 =	simm.s32 $0x0;
	[dreg:$0x5] =	wrdreg s20;
	s21 =	sadd.s32 $0x19600, s19  }
0xe: {  	s6 =	simm.s32 $0x8;
	s22 =	sadd.s32 $0x19D00, s19;
	[dreg:$0x6] =	wrdreg s21  }
0xf: {  	s17 =	simm.s32 $0x32;
	s23 =	sadd.s32 $0x1A400, s19;
	[dreg:$0x7] =	wrdreg s22  }
0x10: {  	s18 =	simm.s32 $0x4000;
	s24 =	sadd.s32 $0x1AB00, s19;
	[dreg:$0x8] =	wrdreg s23  }
0x11: {  	s2 =	simm.s32 $0x7;
	s25 =	sadd.s32 $0x1B200, s19;
	[dreg:$0x9] =	wrdreg s24  }
0x12: {  	s26 =	simm.s32 $0xB000;
	s0 =	sadd.s32 $0x1B900, s19;
	[dreg:$0xa] =	wrdreg s25  }
0x13: {  	s20 =	simm.s32 $0x5C00;
	s19 =	simm.s32 $0x10400;
	[dreg:$0xb] =	wrdreg s0  }
0x14: {  	s22 =	simm.s32 $0x7800;
	s24 =	simm.s32 $0x9400;
	s0 =	simm.s32 $0xE800  }
0x15: {  	s21 =	simm.s32 $0x2;
	s23 =	simm.s32 $0x5;
	s25 =	simm.s32 $0x3  }
.LBB2_1:
0x16: {  	s8 =	rddreg [dreg:$0x4];
	s10 =	simm.s32 $0x9  }
0x17: {  	[tilespmem:s3], [sflag:$0x9] =	stream.linear.gather [hbm4b:s8+s3], $0x4000, $0x38;
	[tilespmem:$0x12000] =	vst v63  }
0x18: {  	_ =	swait.ge [sflag:s10], $0x4000  }
0x19: {  	[sflag:s10] =	ssyncset.done $0x0  }
0x1a: {  	[sflag:s10] =	ssyncadd.s32 $0xFFFFC000  }
0x1b: {  	[tilespmem:s18], [sflag:$0x1] =	stream.indirect.gather [hbm4b:s1+s17], $0x80, s3, s17, $0xb8;
	[tilespmem:$0x12000] =	vst v63  }
0x1c: {  	s11 =	simm.s32 $0x80  }
0x1d: {  	[tilespmem:s20], [sflag:$0x1] =	stream.indirect.gather [hbm4b:s1+s17], $0x80, s11, s17, $0xb8;
	[tilespmem:$0x12000] =	vst v63  }
0x1e: {  	s12 =	simm.s32 $0x100  }
0x1f: {  	[tilespmem:s22], [sflag:$0x2] =	stream.indirect.gather [hbm4b:s1+s17], $0x80, s12, s17, $0xb8;
	[tilespmem:$0x12000] =	vst v63  }
0x20: {  	s13 =	simm.s32 $0x180  }
0x21: {  	[tilespmem:s24], [sflag:$0x2] =	stream.indirect.gather [hbm4b:s1+s17], $0x80, s13, s17, $0xb8;
	[tilespmem:$0x12000] =	vst v63  }
0x22: {  	s14 =	simm.s32 $0x200  }
0x23: {  	[tilespmem:s26], [sflag:$0x3] =	stream.indirect.gather [hbm4b:s1+s17], $0x80, s14, s17, $0xb8;
	[tilespmem:$0x12000] =	vst v63  }
0x24: {  	s16 =	simm.s32 $0x280  }
0x25: {  	[tilespmem:s29], [sflag:$0x3] =	stream.indirect.gather [hbm4b:s1+s17], $0x80, s16, s17, $0xb8;
	[tilespmem:$0x12000] =	vst v63  }
0x26: {  	_ =	swait.ge [sflag:s30], $0x1900  }
0x27: {  	[sflag:s30] =	ssyncset.done $0x0  }
0x28: {  	[sflag:s30] =	ssyncadd.s32 $0xFFFFE700  }
0x29: {  	_ =	swait.ge [sflag:s30], $0x1900  }
0x2a: {  	[sflag:s30] =	ssyncset.done $0x0  }
0x2b: {  	s8 =	simm.s32 $0x0;
	[sflag:s30] =	ssyncadd.s32 $0xFFFFE700  }
0x2c: {  	v0 =	vld [tilespmem:s8+$0x4000]  }
0x2d: {  	v1 =	vld [tilespmem:s8+$0x4010]  }
0x2e: {  	v2 =	vld [tilespmem:s8+$0x4020]  }
0x2f: {  	v3 =	vld [tilespmem:s8+$0x4030]  }
0x30: {  	v4 =	vld [tilespmem:s8+$0x4040]  }
0x31: {  	v5 =	vld [tilespmem:s8+$0x4050];
	v0 =	vmul.f32 $1.131370830e+01, v0  }
0x32: {  	v6 =	vld [tilespmem:s8+$0x4060];
	v1 =	vmul.f32 $1.131370830e+01, v1  }
0x33: {  	v7 =	vld [tilespmem:s8+$0x4070];
	[tilespmem:s8+$0x4000] =	vst v0;
	v0 =	vmul.f32 $1.131370830e+01, v2  }
0x34: {  	v8 =	vld [tilespmem:s8+$0x5C00];
	[tilespmem:s8+$0x4010] =	vst v1;
	v1 =	vmul.f32 $1.131370830e+01, v3  }
0x35: {  	v9 =	vld [tilespmem:s8+$0x5C10];
	[tilespmem:s8+$0x4020] =	vst v0;
	v0 =	vmul.f32 $1.131370830e+01, v4  }
0x36: {  	v2 =	vmul.f32 $1.131370830e+01, v5;
	[tilespmem:s8+$0x4030] =	vst v1;
	v1 =	vld [tilespmem:s8+$0x5C20]  }
0x37: {  	v3 =	vmul.f32 $1.131370830e+01, v6;
	[tilespmem:s8+$0x4040] =	vst v0;
	v0 =	vld [tilespmem:s8+$0x5C30]  }
0x38: {  	[tilespmem:s8+$0x4050] =	vst v2;
	v2 =	vld [tilespmem:s8+$0x5C40];
	v4 =	vmul.f32 $1.131370830e+01, v7  }
0x39: {  	v6 =	vmul.f32 $1.131370830e+01, v8;
	[tilespmem:s8+$0x4060] =	vst v3;
	v3 =	vld [tilespmem:s8+$0x5C50]  }
0x3a: {  	s9 =	simm.s32 $0x200;
	v5 =	vmul.f32 $1.131370830e+01, v9;
	[tilespmem:s8+$0x4070] =	vst v4;
	v4 =	vld [tilespmem:s8+$0x5C60]  }
.LBB2_2:
0x3b: {  	s10 =	sshra.s32 s9, $0x2;
	p0 =	sne.s32 s9, $0x6200;
	[tilespmem:s8+$0x5C00] =	vst v6;
	v1 =	vmul.f32 $1.131370830e+01, v1;
	v6 =	vld [tilespmem:s8+$0x5C70]  }
0x3c: {  	v7 =	vld [tilespmem:s10+$0x4000];
	[tilespmem:s8+$0x5C10] =	vst v5;
	v0 =	vmul.f32 $1.131370830e+01, v0  }
0x3d: {  	v5 =	vld [tilespmem:s10+$0x4010];
	[tilespmem:s8+$0x5C20] =	vst v1;
	v1 =	vmul.f32 $1.131370830e+01, v2  }
0x3e: {  	v2 =	vld [tilespmem:s10+$0x4020];
	[tilespmem:s8+$0x5C30] =	vst v0;
	v0 =	vmul.f32 $1.131370830e+01, v3  }
0x3f: {  	v3 =	vld [tilespmem:s10+$0x4030];
	[tilespmem:s8+$0x5C40] =	vst v1;
	v1 =	vmul.f32 $1.131370830e+01, v4  }
0x40: {  	v4 =	vld [tilespmem:s10+$0x4040];
	[tilespmem:s8+$0x5C50] =	vst v0;
	v0 =	vmul.f32 $1.131370830e+01, v6  }
0x41: {  	v6 =	vmul.f32 $1.131370830e+01, v7;
	v7 =	vld [tilespmem:s10+$0x4050];
	[tilespmem:s8+$0x5C60] =	vst v1  }
0x42: {  	v1 =	vmul.f32 $1.131370830e+01, v5;
	v5 =	vld [tilespmem:s10+$0x4060];
	[tilespmem:s8+$0x5C70] =	vst v0;
	s8 =	smov.u32 s10  }
0x43: {  	[tilespmem:s8+$0x4000] =	vst v6;
	v0 =	vmul.f32 $1.131370830e+01, v2;
	v2 =	vld [tilespmem:s8+$0x4070]  }
0x44: {  	[tilespmem:s8+$0x4010] =	vst v1;
	v1 =	vmul.f32 $1.131370830e+01, v3;
	v3 =	vld [tilespmem:s8+$0x5C00]  }
0x45: {  	[tilespmem:s8+$0x4020] =	vst v0;
	v0 =	vmul.f32 $1.131370830e+01, v4;
	v4 =	vld [tilespmem:s8+$0x5C10]  }
.Ltmp0:
0x46: {  	[tilespmem:s8+$0x4030] =	vst v1;
	v6 =	vmul.f32 $1.131370830e+01, v7;
	v1 =	vld [tilespmem:s8+$0x5C20];
	(pc) =	sbr.rel @p0 .LBB2_2-.Ltmp0, $4  }
0x47: {  	[tilespmem:s8+$0x4040] =	vst v0;
	v5 =	vmul.f32 $1.131370830e+01, v5;
	v0 =	vld [tilespmem:s8+$0x5C30]  }
0x48: {  	[tilespmem:s8+$0x4050] =	vst v6;
	v7 =	vmul.f32 $1.131370830e+01, v2;
	v2 =	vld [tilespmem:s8+$0x5C40]  }
0x49: {  	[tilespmem:s8+$0x4060] =	vst v5;
	v6 =	vmul.f32 $1.131370830e+01, v3;
	v3 =	vld [tilespmem:s8+$0x5C50]  }
0x4a: {  	s9 =	sadd.s32 $0x200, s9;
	[tilespmem:s8+$0x4070] =	vst v7;
	v5 =	vmul.f32 $1.131370830e+01, v4;
	v4 =	vld [tilespmem:s8+$0x5C60]  }
0x4b: {  	[tilespmem:s8+$0x5C00] =	vst v6;
	v1 =	vmul.f32 $1.131370830e+01, v1;
	v6 =	vld [tilespmem:s8+$0x5C70]  }
0x4c: {  	[tilespmem:s8+$0x5C10] =	vst v5;
	v0 =	vmul.f32 $1.131370830e+01, v0  }
0x4d: {  	[tilespmem:s8+$0x5C20] =	vst v1;
	v1 =	vmul.f32 $1.131370830e+01, v2  }
0x4e: {  	[tilespmem:s8+$0x5C30] =	vst v0;
	v0 =	vmul.f32 $1.131370830e+01, v3  }
0x4f: {  	[tilespmem:s8+$0x5C40] =	vst v1;
	v1 =	vmul.f32 $1.131370830e+01, v4  }
0x50: {  	[tilespmem:s8+$0x5C50] =	vst v0;
	v0 =	vmul.f32 $1.131370830e+01, v6  }
0x51: {  	[tilespmem:s8+$0x5C60] =	vst v1  }
0x52: {  	s13 =	simm.s32 $0x0;
	[tilespmem:s8+$0x5C70] =	vst v0  }
0x53: {  	[hbm4b:s7+s13] =	stream.linear.scatter [tilespmem:s18], [sflag:$0x5], $0x1900, $0x38;
	[tilespmem:$0x12000] =	vst v63  }
0x54: {  	s9 =	sadd.s32 $0x380, s7  }
0x55: {  	[hbm4b:s9+s13] =	stream.linear.scatter [tilespmem:s20], [sflag:$0x5], $0x1900, $0x38;
	[tilespmem:$0x12000] =	vst v63  }
0x56: {  	s14 =	simm.s32 $0x300  }
0x57: {  	[tilespmem:s0], [sflag:$0x4] =	stream.indirect.gather [hbm4b:s1+s17], $0x80, s14, s17, $0xb8;
	[tilespmem:$0x12000] =	vst v63  }
0x58: {  	s16 =	simm.s32 $0x380  }
0x59: {  	[tilespmem:s19], [sflag:$0x4] =	stream.indirect.gather [hbm4b:s1+s17], $0x80, s16, s17, $0xb8;
	[tilespmem:$0x12000] =	vst v63  }
0x5a: {  	_ =	swait.ge [sflag:s21], $0x1900  }
0x5b: {  	[sflag:s21] =	ssyncset.done $0x0  }
0x5c: {  	[sflag:s21] =	ssyncadd.s32 $0xFFFFE700  }
0x5d: {  	_ =	swait.ge [sflag:s21], $0x1900  }
0x5e: {  	[sflag:s21] =	ssyncset.done $0x0  }
0x5f: {  	s8 =	simm.s32 $0x0;
	[sflag:s21] =	ssyncadd.s32 $0xFFFFE700  }
0x60: {  	v0 =	vld [tilespmem:s8+$0x7800]  }
0x61: {  	v1 =	vld [tilespmem:s8+$0x7810]  }
0x62: {  	v2 =	vld [tilespmem:s8+$0x7820]  }
0x63: {  	v3 =	vld [tilespmem:s8+$0x7830]  }
0x64: {  	v4 =	vld [tilespmem:s8+$0x7840]  }
0x65: {  	v5 =	vld [tilespmem:s8+$0x7850];
	v0 =	vmul.f32 $1.131370830e+01, v0  }
0x66: {  	v6 =	vld [tilespmem:s8+$0x7860];
	v1 =	vmul.f32 $1.131370830e+01, v1  }
0x67: {  	v7 =	vld [tilespmem:s8+$0x7870];
	[tilespmem:s8+$0x7800] =	vst v0;
	v0 =	vmul.f32 $1.131370830e+01, v2  }
0x68: {  	v8 =	vld [tilespmem:s8+$0x9400];
	[tilespmem:s8+$0x7810] =	vst v1;
	v1 =	vmul.f32 $1.131370830e+01, v3  }
0x69: {  	v9 =	vld [tilespmem:s8+$0x9410];
	[tilespmem:s8+$0x7820] =	vst v0;
	v0 =	vmul.f32 $1.131370830e+01, v4  }
0x6a: {  	v2 =	vmul.f32 $1.131370830e+01, v5;
	[tilespmem:s8+$0x7830] =	vst v1;
	v1 =	vld [tilespmem:s8+$0x9420]  }
0x6b: {  	v3 =	vmul.f32 $1.131370830e+01, v6;
	[tilespmem:s8+$0x7840] =	vst v0;
	v0 =	vld [tilespmem:s8+$0x9430]  }
0x6c: {  	[tilespmem:s8+$0x7850] =	vst v2;
	v2 =	vld [tilespmem:s8+$0x9440];
	v4 =	vmul.f32 $1.131370830e+01, v7  }
0x6d: {  	v6 =	vmul.f32 $1.131370830e+01, v8;
	[tilespmem:s8+$0x7860] =	vst v3;
	v3 =	vld [tilespmem:s8+$0x9450]  }
0x6e: {  	s9 =	simm.s32 $0x200;
	v5 =	vmul.f32 $1.131370830e+01, v9;
	[tilespmem:s8+$0x7870] =	vst v4;
	v4 =	vld [tilespmem:s8+$0x9460]  }
.LBB2_4:
0x6f: {  	s10 =	sshra.s32 s9, $0x2;
	p0 =	sne.s32 s9, $0x6200;
	[tilespmem:s8+$0x9400] =	vst v6;
	v1 =	vmul.f32 $1.131370830e+01, v1;
	v6 =	vld [tilespmem:s8+$0x9470]  }
0x70: {  	v7 =	vld [tilespmem:s10+$0x7800];
	[tilespmem:s8+$0x9410] =	vst v5;
	v0 =	vmul.f32 $1.131370830e+01, v0  }
0x71: {  	v5 =	vld [tilespmem:s10+$0x7810];
	[tilespmem:s8+$0x9420] =	vst v1;
	v1 =	vmul.f32 $1.131370830e+01, v2  }
0x72: {  	v2 =	vld [tilespmem:s10+$0x7820];
	[tilespmem:s8+$0x9430] =	vst v0;
	v0 =	vmul.f32 $1.131370830e+01, v3  }
0x73: {  	v3 =	vld [tilespmem:s10+$0x7830];
	[tilespmem:s8+$0x9440] =	vst v1;
	v1 =	vmul.f32 $1.131370830e+01, v4  }
0x74: {  	v4 =	vld [tilespmem:s10+$0x7840];
	[tilespmem:s8+$0x9450] =	vst v0;
	v0 =	vmul.f32 $1.131370830e+01, v6  }
0x75: {  	v6 =	vmul.f32 $1.131370830e+01, v7;
	v7 =	vld [tilespmem:s10+$0x7850];
	[tilespmem:s8+$0x9460] =	vst v1  }
0x76: {  	v1 =	vmul.f32 $1.131370830e+01, v5;
	v5 =	vld [tilespmem:s10+$0x7860];
	[tilespmem:s8+$0x9470] =	vst v0;
	s8 =	smov.u32 s10  }
0x77: {  	[tilespmem:s8+$0x7800] =	vst v6;
	v0 =	vmul.f32 $1.131370830e+01, v2;
	v2 =	vld [tilespmem:s8+$0x7870]  }
0x78: {  	[tilespmem:s8+$0x7810] =	vst v1;
	v1 =	vmul.f32 $1.131370830e+01, v3;
	v3 =	vld [tilespmem:s8+$0x9400]  }
0x79: {  	[tilespmem:s8+$0x7820] =	vst v0;
	v0 =	vmul.f32 $1.131370830e+01, v4;
	v4 =	vld [tilespmem:s8+$0x9410]  }
.Ltmp1:
0x7a: {  	[tilespmem:s8+$0x7830] =	vst v1;
	v6 =	vmul.f32 $1.131370830e+01, v7;
	v1 =	vld [tilespmem:s8+$0x9420];
	(pc) =	sbr.rel @p0 .LBB2_4-.Ltmp1, $4  }
0x7b: {  	[tilespmem:s8+$0x7840] =	vst v0;
	v5 =	vmul.f32 $1.131370830e+01, v5;
	v0 =	vld [tilespmem:s8+$0x9430]  }
0x7c: {  	[tilespmem:s8+$0x7850] =	vst v6;
	v7 =	vmul.f32 $1.131370830e+01, v2;
	v2 =	vld [tilespmem:s8+$0x9440]  }
0x7d: {  	[tilespmem:s8+$0x7860] =	vst v5;
	v6 =	vmul.f32 $1.131370830e+01, v3;
	v3 =	vld [tilespmem:s8+$0x9450]  }
0x7e: {  	s9 =	sadd.s32 $0x200, s9;
	[tilespmem:s8+$0x7870] =	vst v7;
	v5 =	vmul.f32 $1.131370830e+01, v4;
	v4 =	vld [tilespmem:s8+$0x9460]  }
0x7f: {  	[tilespmem:s8+$0x9400] =	vst v6;
	v1 =	vmul.f32 $1.131370830e+01, v1;
	v59 =	vld [tilespmem:s8+$0x9470]  }
0x80: {  	[tilespmem:s8+$0x9410] =	vst v5;
	v0 =	vmul.f32 $1.131370830e+01, v0  }
0x81: {  	[tilespmem:s8+$0x9420] =	vst v1;
	v60 =	vmul.f32 $1.131370830e+01, v2  }
0x82: {  	[tilespmem:s8+$0x9430] =	vst v0;
	v61 =	vmul.f32 $1.131370830e+01, v3  }
0x83: {  	[tilespmem:s8+$0x9440] =	vst v60;
	v62 =	vmul.f32 $1.131370830e+01, v4  }
0x84: {  	[tilespmem:s8+$0x9450] =	vst v61;
	v63 =	vmul.f32 $1.131370830e+01, v59  }
0x85: {  	[tilespmem:s8+$0x9460] =	vst v62  }
0x86: {  	s16 =	simm.s32 $0x0;
	s14 =	rddreg [dreg:$0x5];
	[tilespmem:s8+$0x9470] =	vst v63  }
0x87: {  	[hbm4b:s14+s16] =	stream.linear.scatter [tilespmem:s22], [sflag:$0x6], $0x1900, $0x38;
	[tilespmem:$0x12000] =	vst v63  }
0x88: {  	s8 =	sadd.s32 $0x380, s14  }
0x89: {  	[hbm4b:s8+s16] =	stream.linear.scatter [tilespmem:s24], [sflag:$0x6], $0x1900, $0x38;
	[tilespmem:$0x12000] =	vst v63  }
.LBB2_6:
0x8a: {  	s10 =	sshll.u32 s16, $0x3  }
0x8b: {  	_ =	swait.ge [sflag:s23], $0x3200;
	s9 =	sadd.s32 $0x8, s10  }
0x8c: {  	[sflag:s23] =	ssyncset.done $0x0;
	s8 =	sshll.u32 s9, $0x7  }
0x8d: {  	s14 =	sshll.u32 s16, $0xA;
	[sflag:s23] =	ssyncadd.s32 $0xFFFFCE00;
	s8 =	sand.u32 $0x3FFFFC00, s8  }
0x8e: {  	[tilespmem:s18], [sflag:$0x1] =	stream.indirect.gather [hbm4b:s1+s17], $0x80, s8, s17, $0xb8;
	[tilespmem:$0x12000] =	vst v63  }
0x8f: {  	s8 =	sand.u32 $0x3FFFFC00, s14  }
0x90: {  	s11 =	sadd.s32 $0x480, s8  }
0x91: {  	[tilespmem:s20], [sflag:$0x1] =	stream.indirect.gather [hbm4b:s1+s17], $0x80, s11, s17, $0xb8;
	[tilespmem:$0x12000] =	vst v63  }
0x92: {  	_ =	swait.ge [sflag:s25], $0x1900  }
0x93: {  	[sflag:s25] =	ssyncset.done $0x0  }
0x94: {  	[sflag:s25] =	ssyncadd.s32 $0xFFFFE700  }
0x95: {  	_ =	swait.ge [sflag:s25], $0x1900  }
0x96: {  	[sflag:s25] =	ssyncset.done $0x0  }
0x97: {  	s12 =	simm.s32 $0x0;
	[sflag:s25] =	ssyncadd.s32 $0xFFFFE700  }
0x98: {  	v0 =	vld [tilespmem:s12+$0xB000]  }
0x99: {  	v1 =	vld [tilespmem:s12+$0xB010]  }
0x9a: {  	v2 =	vld [tilespmem:s12+$0xB020]  }
0x9b: {  	v3 =	vld [tilespmem:s12+$0xB030]  }
0x9c: {  	v4 =	vld [tilespmem:s12+$0xB040]  }
0x9d: {  	v5 =	vld [tilespmem:s12+$0xB050];
	v0 =	vmul.f32 $1.131370830e+01, v0  }
0x9e: {  	v6 =	vld [tilespmem:s12+$0xB060];
	v1 =	vmul.f32 $1.131370830e+01, v1  }
0x9f: {  	v7 =	vld [tilespmem:s12+$0xB070];
	[tilespmem:s12+$0xB000] =	vst v0;
	v0 =	vmul.f32 $1.131370830e+01, v2  }
0xa0: {  	v8 =	vld [tilespmem:s12+$0xCC00];
	[tilespmem:s12+$0xB010] =	vst v1;
	v1 =	vmul.f32 $1.131370830e+01, v3  }
0xa1: {  	v9 =	vld [tilespmem:s12+$0xCC10];
	[tilespmem:s12+$0xB020] =	vst v0;
	v0 =	vmul.f32 $1.131370830e+01, v4  }
0xa2: {  	v2 =	vmul.f32 $1.131370830e+01, v5;
	[tilespmem:s12+$0xB030] =	vst v1;
	v1 =	vld [tilespmem:s12+$0xCC20]  }
0xa3: {  	v3 =	vmul.f32 $1.131370830e+01, v6;
	[tilespmem:s12+$0xB040] =	vst v0;
	v0 =	vld [tilespmem:s12+$0xCC30]  }
0xa4: {  	[tilespmem:s12+$0xB050] =	vst v2;
	v2 =	vld [tilespmem:s12+$0xCC40];
	v4 =	vmul.f32 $1.131370830e+01, v7  }
0xa5: {  	v6 =	vmul.f32 $1.131370830e+01, v8;
	[tilespmem:s12+$0xB060] =	vst v3;
	v3 =	vld [tilespmem:s12+$0xCC50]  }
0xa6: {  	s11 =	simm.s32 $0x200;
	v5 =	vmul.f32 $1.131370830e+01, v9;
	[tilespmem:s12+$0xB070] =	vst v4;
	v4 =	vld [tilespmem:s12+$0xCC60]  }
.LBB2_7:
0xa7: {  	s13 =	sshra.s32 s11, $0x2;
	p0 =	sne.s32 s11, $0x6200;
	[tilespmem:s12+$0xCC00] =	vst v6;
	v1 =	vmul.f32 $1.131370830e+01, v1;
	v6 =	vld [tilespmem:s12+$0xCC70]  }
0xa8: {  	v7 =	vld [tilespmem:s13+$0xB000];
	[tilespmem:s12+$0xCC10] =	vst v5;
	v0 =	vmul.f32 $1.131370830e+01, v0  }
0xa9: {  	v5 =	vld [tilespmem:s13+$0xB010];
	[tilespmem:s12+$0xCC20] =	vst v1;
	v1 =	vmul.f32 $1.131370830e+01, v2  }
0xaa: {  	v2 =	vld [tilespmem:s13+$0xB020];
	[tilespmem:s12+$0xCC30] =	vst v0;
	v0 =	vmul.f32 $1.131370830e+01, v3  }
0xab: {  	v3 =	vld [tilespmem:s13+$0xB030];
	[tilespmem:s12+$0xCC40] =	vst v1;
	v1 =	vmul.f32 $1.131370830e+01, v4  }
0xac: {  	v4 =	vld [tilespmem:s13+$0xB040];
	[tilespmem:s12+$0xCC50] =	vst v0;
	v0 =	vmul.f32 $1.131370830e+01, v6  }
0xad: {  	v6 =	vmul.f32 $1.131370830e+01, v7;
	v7 =	vld [tilespmem:s13+$0xB050];
	[tilespmem:s12+$0xCC60] =	vst v1  }
0xae: {  	v1 =	vmul.f32 $1.131370830e+01, v5;
	v5 =	vld [tilespmem:s13+$0xB060];
	[tilespmem:s12+$0xCC70] =	vst v0;
	s12 =	smov.u32 s13  }
0xaf: {  	[tilespmem:s12+$0xB000] =	vst v6;
	v0 =	vmul.f32 $1.131370830e+01, v2;
	v2 =	vld [tilespmem:s12+$0xB070]  }
0xb0: {  	[tilespmem:s12+$0xB010] =	vst v1;
	v1 =	vmul.f32 $1.131370830e+01, v3;
	v3 =	vld [tilespmem:s12+$0xCC00]  }
0xb1: {  	[tilespmem:s12+$0xB020] =	vst v0;
	v0 =	vmul.f32 $1.131370830e+01, v4;
	v4 =	vld [tilespmem:s12+$0xCC10]  }
.Ltmp2:
0xb2: {  	[tilespmem:s12+$0xB030] =	vst v1;
	v6 =	vmul.f32 $1.131370830e+01, v7;
	v1 =	vld [tilespmem:s12+$0xCC20];
	(pc) =	sbr.rel @p0 .LBB2_7-.Ltmp2, $4  }
0xb3: {  	[tilespmem:s12+$0xB040] =	vst v0;
	v5 =	vmul.f32 $1.131370830e+01, v5;
	v0 =	vld [tilespmem:s12+$0xCC30]  }
0xb4: {  	[tilespmem:s12+$0xB050] =	vst v6;
	v7 =	vmul.f32 $1.131370830e+01, v2;
	v2 =	vld [tilespmem:s12+$0xCC40]  }
0xb5: {  	[tilespmem:s12+$0xB060] =	vst v5;
	v6 =	vmul.f32 $1.131370830e+01, v3;
	v3 =	vld [tilespmem:s12+$0xCC50]  }
0xb6: {  	s11 =	sadd.s32 $0x200, s11;
	[tilespmem:s12+$0xB070] =	vst v7;
	v5 =	vmul.f32 $1.131370830e+01, v4;
	v4 =	vld [tilespmem:s12+$0xCC60]  }
0xb7: {  	[tilespmem:s12+$0xCC00] =	vst v6;
	v1 =	vmul.f32 $1.131370830e+01, v1;
	v6 =	vld [tilespmem:s12+$0xCC70]  }
0xb8: {  	[tilespmem:s12+$0xCC10] =	vst v5;
	v0 =	vmul.f32 $1.131370830e+01, v0  }
0xb9: {  	[tilespmem:s12+$0xCC20] =	vst v1;
	v1 =	vmul.f32 $1.131370830e+01, v2  }
0xba: {  	s11 =	sadd.s32 s10, s4;
	[tilespmem:s12+$0xCC30] =	vst v0;
	v0 =	vmul.f32 $1.131370830e+01, v3  }
0xbb: {  	s11 =	smul.u32 $0x380, s11;
	[tilespmem:s12+$0xCC40] =	vst v1;
	v1 =	vmul.f32 $1.131370830e+01, v4  }
0xbc: {  	[tilespmem:s12+$0xCC50] =	vst v0;
	v0 =	vmul.f32 $1.131370830e+01, v6  }
0xbd: {  	s11 =	sadd.s32 s5, s11;
	[tilespmem:s12+$0xCC60] =	vst v1  }
0xbe: {  	s13 =	simm.s32 $0x0;
	s14 =	sadd.s32 $0xE00, s11;
	[tilespmem:s12+$0xCC70] =	vst v0  }
0xbf: {  	[hbm4b:s14+s13] =	stream.linear.scatter [tilespmem:s26], [sflag:$0x7], $0x1900, $0x38;
	[tilespmem:$0x12000] =	vst v63  }
0xc0: {  	s14 =	sadd.s32 $0x1180, s11  }
0xc1: {  	[hbm4b:s14+s13] =	stream.linear.scatter [tilespmem:s29], [sflag:$0x7], $0x1900, $0x38;
	[tilespmem:$0x12000] =	vst v63  }
0xc2: {  	s10 =	sadd.s32 $0xA, s10;
	_ =	swait.ge [sflag:s28], $0x3200  }
0xc3: {  	s13 =	sshll.u32 s10, $0x7;
	[sflag:s28] =	ssyncset.done $0x0  }
0xc4: {  	s12 =	sand.u32 $0x3FFFFF80, s13;
	[sflag:s28] =	ssyncadd.s32 $0xFFFFCE00  }
0xc5: {  	[tilespmem:s22], [sflag:$0x2] =	stream.indirect.gather [hbm4b:s1+s17], $0x80, s12, s17, $0xb8;
	[tilespmem:$0x12000] =	vst v63  }
0xc6: {  	s14 =	sadd.s32 $0x580, s8  }
0xc7: {  	[tilespmem:s24], [sflag:$0x2] =	stream.indirect.gather [hbm4b:s1+s17], $0x80, s14, s17, $0xb8;
	[tilespmem:$0x12000] =	vst v63  }
0xc8: {  	_ =	swait.ge [sflag:s31], $0x1900  }
0xc9: {  	[sflag:s31] =	ssyncset.done $0x0  }
0xca: {  	[sflag:s31] =	ssyncadd.s32 $0xFFFFE700  }
0xcb: {  	_ =	swait.ge [sflag:s31], $0x1900  }
0xcc: {  	[sflag:s31] =	ssyncset.done $0x0  }
0xcd: {  	s12 =	simm.s32 $0x0;
	[sflag:s31] =	ssyncadd.s32 $0xFFFFE700  }
0xce: {  	v0 =	vld [tilespmem:s12+$0xE800]  }
0xcf: {  	v1 =	vld [tilespmem:s12+$0xE810]  }
0xd0: {  	v2 =	vld [tilespmem:s12+$0xE820]  }
0xd1: {  	v3 =	vld [tilespmem:s12+$0xE830]  }
0xd2: {  	v4 =	vld [tilespmem:s12+$0xE840]  }
0xd3: {  	v5 =	vld [tilespmem:s12+$0xE850];
	v0 =	vmul.f32 $1.131370830e+01, v0  }
0xd4: {  	v6 =	vld [tilespmem:s12+$0xE860];
	v1 =	vmul.f32 $1.131370830e+01, v1  }
0xd5: {  	v7 =	vld [tilespmem:s12+$0xE870];
	[tilespmem:s12+$0xE800] =	vst v0;
	v0 =	vmul.f32 $1.131370830e+01, v2  }
0xd6: {  	v8 =	vld [tilespmem:s12+$0x10400];
	[tilespmem:s12+$0xE810] =	vst v1;
	v1 =	vmul.f32 $1.131370830e+01, v3  }
0xd7: {  	v9 =	vld [tilespmem:s12+$0x10410];
	[tilespmem:s12+$0xE820] =	vst v0;
	v0 =	vmul.f32 $1.131370830e+01, v4  }
0xd8: {  	v2 =	vmul.f32 $1.131370830e+01, v5;
	[tilespmem:s12+$0xE830] =	vst v1;
	v1 =	vld [tilespmem:s12+$0x10420]  }
0xd9: {  	v3 =	vmul.f32 $1.131370830e+01, v6;
	[tilespmem:s12+$0xE840] =	vst v0;
	v0 =	vld [tilespmem:s12+$0x10430]  }
0xda: {  	[tilespmem:s12+$0xE850] =	vst v2;
	v2 =	vld [tilespmem:s12+$0x10440];
	v4 =	vmul.f32 $1.131370830e+01, v7  }
0xdb: {  	v6 =	vmul.f32 $1.131370830e+01, v8;
	[tilespmem:s12+$0xE860] =	vst v3;
	v3 =	vld [tilespmem:s12+$0x10450]  }
0xdc: {  	s13 =	simm.s32 $0x200;
	v5 =	vmul.f32 $1.131370830e+01, v9;
	[tilespmem:s12+$0xE870] =	vst v4;
	v4 =	vld [tilespmem:s12+$0x10460]  }
.LBB2_9:
0xdd: {  	s14 =	sshra.s32 s13, $0x2;
	p0 =	sne.s32 s13, $0x6200;
	[tilespmem:s12+$0x10400] =	vst v6;
	v1 =	vmul.f32 $1.131370830e+01, v1;
	v6 =	vld [tilespmem:s12+$0x10470]  }
0xde: {  	v7 =	vld [tilespmem:s14+$0xE800];
	[tilespmem:s12+$0x10410] =	vst v5;
	v0 =	vmul.f32 $1.131370830e+01, v0  }
0xdf: {  	v5 =	vld [tilespmem:s14+$0xE810];
	[tilespmem:s12+$0x10420] =	vst v1;
	v1 =	vmul.f32 $1.131370830e+01, v2  }
0xe0: {  	v2 =	vld [tilespmem:s14+$0xE820];
	[tilespmem:s12+$0x10430] =	vst v0;
	v0 =	vmul.f32 $1.131370830e+01, v3  }
0xe1: {  	v3 =	vld [tilespmem:s14+$0xE830];
	[tilespmem:s12+$0x10440] =	vst v1;
	v1 =	vmul.f32 $1.131370830e+01, v4  }
0xe2: {  	v4 =	vld [tilespmem:s14+$0xE840];
	[tilespmem:s12+$0x10450] =	vst v0;
	v0 =	vmul.f32 $1.131370830e+01, v6  }
0xe3: {  	v6 =	vmul.f32 $1.131370830e+01, v7;
	v7 =	vld [tilespmem:s14+$0xE850];
	[tilespmem:s12+$0x10460] =	vst v1  }
0xe4: {  	v1 =	vmul.f32 $1.131370830e+01, v5;
	v5 =	vld [tilespmem:s14+$0xE860];
	[tilespmem:s12+$0x10470] =	vst v0;
	s12 =	smov.u32 s14  }
0xe5: {  	[tilespmem:s12+$0xE800] =	vst v6;
	v0 =	vmul.f32 $1.131370830e+01, v2;
	v2 =	vld [tilespmem:s12+$0xE870]  }
0xe6: {  	[tilespmem:s12+$0xE810] =	vst v1;
	v1 =	vmul.f32 $1.131370830e+01, v3;
	v3 =	vld [tilespmem:s12+$0x10400]  }
0xe7: {  	[tilespmem:s12+$0xE820] =	vst v0;
	v0 =	vmul.f32 $1.131370830e+01, v4;
	v4 =	vld [tilespmem:s12+$0x10410]  }
.Ltmp3:
0xe8: {  	[tilespmem:s12+$0xE830] =	vst v1;
	v6 =	vmul.f32 $1.131370830e+01, v7;
	v1 =	vld [tilespmem:s12+$0x10420];
	(pc) =	sbr.rel @p0 .LBB2_9-.Ltmp3, $4  }
0xe9: {  	[tilespmem:s12+$0xE840] =	vst v0;
	v5 =	vmul.f32 $1.131370830e+01, v5;
	v0 =	vld [tilespmem:s12+$0x10430]  }
0xea: {  	[tilespmem:s12+$0xE850] =	vst v6;
	v7 =	vmul.f32 $1.131370830e+01, v2;
	v2 =	vld [tilespmem:s12+$0x10440]  }
0xeb: {  	[tilespmem:s12+$0xE860] =	vst v5;
	v6 =	vmul.f32 $1.131370830e+01, v3;
	v3 =	vld [tilespmem:s12+$0x10450]  }
0xec: {  	s13 =	sadd.s32 $0x200, s13;
	[tilespmem:s12+$0xE870] =	vst v7;
	v5 =	vmul.f32 $1.131370830e+01, v4;
	v4 =	vld [tilespmem:s12+$0x10460]  }
0xed: {  	[tilespmem:s12+$0x10400] =	vst v6;
	v1 =	vmul.f32 $1.131370830e+01, v1;
	v6 =	vld [tilespmem:s12+$0x10470]  }
0xee: {  	[tilespmem:s12+$0x10410] =	vst v5;
	v0 =	vmul.f32 $1.131370830e+01, v0  }
0xef: {  	[tilespmem:s12+$0x10420] =	vst v1;
	v1 =	vmul.f32 $1.131370830e+01, v2  }
0xf0: {  	[tilespmem:s12+$0x10430] =	vst v0;
	v0 =	vmul.f32 $1.131370830e+01, v3  }
0xf1: {  	[tilespmem:s12+$0x10440] =	vst v1;
	v1 =	vmul.f32 $1.131370830e+01, v4  }
0xf2: {  	[tilespmem:s12+$0x10450] =	vst v0;
	v0 =	vmul.f32 $1.131370830e+01, v6  }
0xf3: {  	[tilespmem:s12+$0x10460] =	vst v1  }
0xf4: {  	s14 =	sadd.s32 $0x1500, s11;
	s13 =	simm.s32 $0x0;
	[tilespmem:s12+$0x10470] =	vst v0  }
0xf5: {  	[hbm4b:s14+s13] =	stream.linear.scatter [tilespmem:s0], [sflag:$0x8], $0x1900, $0x38;
	[tilespmem:$0x12000] =	vst v63  }
0xf6: {  	s12 =	sadd.s32 $0x1880, s11  }
0xf7: {  	[hbm4b:s12+s13] =	stream.linear.scatter [tilespmem:s19], [sflag:$0x8], $0x1900, $0x38;
	[tilespmem:$0x12000] =	vst v63  }
0xf8: {  	_ =	swait.ge [sflag:s2], $0x3200  }
0xf9: {  	[sflag:s2] =	ssyncset.done $0x0  }
0xfa: {  	s13 =	sadd.s32 $0x600, s8;
	[sflag:s2] =	ssyncadd.s32 $0xFFFFCE00  }
0xfb: {  	[tilespmem:s26], [sflag:$0x3] =	stream.indirect.gather [hbm4b:s1+s17], $0x80, s13, s17, $0xb8;
	[tilespmem:$0x12000] =	vst v63  }
0xfc: {  	s14 =	sadd.s32 $0x680, s8  }
0xfd: {  	[tilespmem:s29], [sflag:$0x3] =	stream.indirect.gather [hbm4b:s1+s17], $0x80, s14, s17, $0xb8;
	[tilespmem:$0x12000] =	vst v63  }
0xfe: {  	_ =	swait.ge [sflag:s30], $0x1900  }
0xff: {  	[sflag:s30] =	ssyncset.done $0x0  }
0x100: {  	[sflag:s30] =	ssyncadd.s32 $0xFFFFE700  }
0x101: {  	_ =	swait.ge [sflag:s30], $0x1900  }
0x102: {  	[sflag:s30] =	ssyncset.done $0x0  }
0x103: {  	s11 =	simm.s32 $0x0;
	[sflag:s30] =	ssyncadd.s32 $0xFFFFE700  }
0x104: {  	v0 =	vld [tilespmem:s11+$0x4000]  }
0x105: {  	v1 =	vld [tilespmem:s11+$0x4010]  }
0x106: {  	v2 =	vld [tilespmem:s11+$0x4020]  }
0x107: {  	v3 =	vld [tilespmem:s11+$0x4030]  }
0x108: {  	v4 =	vld [tilespmem:s11+$0x4040]  }
0x109: {  	v5 =	vld [tilespmem:s11+$0x4050];
	v0 =	vmul.f32 $1.131370830e+01, v0  }
0x10a: {  	v6 =	vld [tilespmem:s11+$0x4060];
	v1 =	vmul.f32 $1.131370830e+01, v1  }
0x10b: {  	v7 =	vld [tilespmem:s11+$0x4070];
	[tilespmem:s11+$0x4000] =	vst v0;
	v0 =	vmul.f32 $1.131370830e+01, v2  }
0x10c: {  	v8 =	vld [tilespmem:s11+$0x5C00];
	[tilespmem:s11+$0x4010] =	vst v1;
	v1 =	vmul.f32 $1.131370830e+01, v3  }
0x10d: {  	v9 =	vld [tilespmem:s11+$0x5C10];
	[tilespmem:s11+$0x4020] =	vst v0;
	v0 =	vmul.f32 $1.131370830e+01, v4  }
0x10e: {  	v2 =	vmul.f32 $1.131370830e+01, v5;
	[tilespmem:s11+$0x4030] =	vst v1;
	v1 =	vld [tilespmem:s11+$0x5C20]  }
0x10f: {  	v3 =	vmul.f32 $1.131370830e+01, v6;
	[tilespmem:s11+$0x4040] =	vst v0;
	v0 =	vld [tilespmem:s11+$0x5C30]  }
0x110: {  	[tilespmem:s11+$0x4050] =	vst v2;
	v2 =	vld [tilespmem:s11+$0x5C40];
	v4 =	vmul.f32 $1.131370830e+01, v7  }
0x111: {  	v6 =	vmul.f32 $1.131370830e+01, v8;
	[tilespmem:s11+$0x4060] =	vst v3;
	v3 =	vld [tilespmem:s11+$0x5C50]  }
0x112: {  	s12 =	simm.s32 $0x200;
	v5 =	vmul.f32 $1.131370830e+01, v9;
	[tilespmem:s11+$0x4070] =	vst v4;
	v4 =	vld [tilespmem:s11+$0x5C60]  }
.LBB2_11:
0x113: {  	s13 =	sshra.s32 s12, $0x2;
	p0 =	sne.s32 s12, $0x6200;
	[tilespmem:s11+$0x5C00] =	vst v6;
	v1 =	vmul.f32 $1.131370830e+01, v1;
	v6 =	vld [tilespmem:s11+$0x5C70]  }
0x114: {  	v7 =	vld [tilespmem:s13+$0x4000];
	[tilespmem:s11+$0x5C10] =	vst v5;
	v0 =	vmul.f32 $1.131370830e+01, v0  }
0x115: {  	v5 =	vld [tilespmem:s13+$0x4010];
	[tilespmem:s11+$0x5C20] =	vst v1;
	v1 =	vmul.f32 $1.131370830e+01, v2  }
0x116: {  	v2 =	vld [tilespmem:s13+$0x4020];
	[tilespmem:s11+$0x5C30] =	vst v0;
	v0 =	vmul.f32 $1.131370830e+01, v3  }
0x117: {  	v3 =	vld [tilespmem:s13+$0x4030];
	[tilespmem:s11+$0x5C40] =	vst v1;
	v1 =	vmul.f32 $1.131370830e+01, v4  }
0x118: {  	v4 =	vld [tilespmem:s13+$0x4040];
	[tilespmem:s11+$0x5C50] =	vst v0;
	v0 =	vmul.f32 $1.131370830e+01, v6  }
0x119: {  	v6 =	vmul.f32 $1.131370830e+01, v7;
	v7 =	vld [tilespmem:s13+$0x4050];
	[tilespmem:s11+$0x5C60] =	vst v1  }
0x11a: {  	v1 =	vmul.f32 $1.131370830e+01, v5;
	v5 =	vld [tilespmem:s13+$0x4060];
	[tilespmem:s11+$0x5C70] =	vst v0;
	s11 =	smov.u32 s13  }
0x11b: {  	[tilespmem:s11+$0x4000] =	vst v6;
	v0 =	vmul.f32 $1.131370830e+01, v2;
	v2 =	vld [tilespmem:s11+$0x4070]  }
0x11c: {  	[tilespmem:s11+$0x4010] =	vst v1;
	v1 =	vmul.f32 $1.131370830e+01, v3;
	v3 =	vld [tilespmem:s11+$0x5C00]  }
0x11d: {  	[tilespmem:s11+$0x4020] =	vst v0;
	v0 =	vmul.f32 $1.131370830e+01, v4;
	v4 =	vld [tilespmem:s11+$0x5C10]  }
.Ltmp4:
0x11e: {  	[tilespmem:s11+$0x4030] =	vst v1;
	v6 =	vmul.f32 $1.131370830e+01, v7;
	v1 =	vld [tilespmem:s11+$0x5C20];
	(pc) =	sbr.rel @p0 .LBB2_11-.Ltmp4, $4  }
0x11f: {  	[tilespmem:s11+$0x4040] =	vst v0;
	v5 =	vmul.f32 $1.131370830e+01, v5;
	v0 =	vld [tilespmem:s11+$0x5C30]  }
0x120: {  	[tilespmem:s11+$0x4050] =	vst v6;
	v7 =	vmul.f32 $1.131370830e+01, v2;
	v2 =	vld [tilespmem:s11+$0x5C40]  }
0x121: {  	[tilespmem:s11+$0x4060] =	vst v5;
	v6 =	vmul.f32 $1.131370830e+01, v3;
	v3 =	vld [tilespmem:s11+$0x5C50]  }
0x122: {  	s12 =	sadd.s32 $0x200, s12;
	[tilespmem:s11+$0x4070] =	vst v7;
	v5 =	vmul.f32 $1.131370830e+01, v4;
	v4 =	vld [tilespmem:s11+$0x5C60]  }
0x123: {  	[tilespmem:s11+$0x5C00] =	vst v6;
	v1 =	vmul.f32 $1.131370830e+01, v1;
	v6 =	vld [tilespmem:s11+$0x5C70]  }
0x124: {  	[tilespmem:s11+$0x5C10] =	vst v5;
	v0 =	vmul.f32 $1.131370830e+01, v0  }
0x125: {  	[tilespmem:s11+$0x5C20] =	vst v1;
	v1 =	vmul.f32 $1.131370830e+01, v2  }
0x126: {  	[tilespmem:s11+$0x5C30] =	vst v0;
	v0 =	vmul.f32 $1.131370830e+01, v3  }
0x127: {  	s9 =	sadd.s32 s4, s9;
	[tilespmem:s11+$0x5C40] =	vst v1;
	v1 =	vmul.f32 $1.131370830e+01, v4  }
0x128: {  	s9 =	smul.u32 $0x380, s9;
	[tilespmem:s11+$0x5C50] =	vst v0;
	v0 =	vmul.f32 $1.131370830e+01, v6  }
0x129: {  	[tilespmem:s11+$0x5C60] =	vst v1  }
0x12a: {  	s12 =	simm.s32 $0x0;
	s9 =	sadd.s32 s5, s9;
	[tilespmem:s11+$0x5C70] =	vst v0  }
0x12b: {  	[hbm4b:s9+s12] =	stream.linear.scatter [tilespmem:s18], [sflag:$0x5], $0x1900, $0x38;
	[tilespmem:$0x12000] =	vst v63  }
0x12c: {  	s9 =	sadd.s32 $0x380, s9  }
0x12d: {  	[hbm4b:s9+s12] =	stream.linear.scatter [tilespmem:s20], [sflag:$0x5], $0x1900, $0x38;
	[tilespmem:$0x12000] =	vst v63  }
0x12e: {  	_ =	swait.ge [sflag:s6], $0x3200  }
0x12f: {  	[sflag:s6] =	ssyncset.done $0x0  }
0x130: {  	s13 =	sadd.s32 $0x700, s8;
	[sflag:s6] =	ssyncadd.s32 $0xFFFFCE00  }
0x131: {  	[tilespmem:s0], [sflag:$0x4] =	stream.indirect.gather [hbm4b:s1+s17], $0x80, s13, s17, $0xb8;
	[tilespmem:$0x12000] =	vst v63  }
0x132: {  	s14 =	sadd.s32 $0x780, s8  }
0x133: {  	[tilespmem:s19], [sflag:$0x4] =	stream.indirect.gather [hbm4b:s1+s17], $0x80, s14, s17, $0xb8;
	[tilespmem:$0x12000] =	vst v63  }
0x134: {  	_ =	swait.ge [sflag:s21], $0x1900  }
0x135: {  	[sflag:s21] =	ssyncset.done $0x0  }
0x136: {  	[sflag:s21] =	ssyncadd.s32 $0xFFFFE700  }
0x137: {  	_ =	swait.ge [sflag:s21], $0x1900  }
0x138: {  	[sflag:s21] =	ssyncset.done $0x0  }
0x139: {  	s8 =	simm.s32 $0x0;
	[sflag:s21] =	ssyncadd.s32 $0xFFFFE700  }
0x13a: {  	v0 =	vld [tilespmem:s8+$0x7800]  }
0x13b: {  	v1 =	vld [tilespmem:s8+$0x7810]  }
0x13c: {  	v2 =	vld [tilespmem:s8+$0x7820]  }
0x13d: {  	v3 =	vld [tilespmem:s8+$0x7830]  }
0x13e: {  	v4 =	vld [tilespmem:s8+$0x7840]  }
0x13f: {  	v5 =	vld [tilespmem:s8+$0x7850];
	v0 =	vmul.f32 $1.131370830e+01, v0  }
0x140: {  	v6 =	vld [tilespmem:s8+$0x7860];
	v1 =	vmul.f32 $1.131370830e+01, v1  }
0x141: {  	v7 =	vld [tilespmem:s8+$0x7870];
	[tilespmem:s8+$0x7800] =	vst v0;
	v0 =	vmul.f32 $1.131370830e+01, v2  }
0x142: {  	v8 =	vld [tilespmem:s8+$0x9400];
	[tilespmem:s8+$0x7810] =	vst v1;
	v1 =	vmul.f32 $1.131370830e+01, v3  }
0x143: {  	v9 =	vld [tilespmem:s8+$0x9410];
	[tilespmem:s8+$0x7820] =	vst v0;
	v0 =	vmul.f32 $1.131370830e+01, v4  }
0x144: {  	v2 =	vmul.f32 $1.131370830e+01, v5;
	[tilespmem:s8+$0x7830] =	vst v1;
	v1 =	vld [tilespmem:s8+$0x9420]  }
0x145: {  	v3 =	vmul.f32 $1.131370830e+01, v6;
	[tilespmem:s8+$0x7840] =	vst v0;
	v0 =	vld [tilespmem:s8+$0x9430]  }
0x146: {  	[tilespmem:s8+$0x7850] =	vst v2;
	v2 =	vld [tilespmem:s8+$0x9440];
	v4 =	vmul.f32 $1.131370830e+01, v7  }
0x147: {  	v6 =	vmul.f32 $1.131370830e+01, v8;
	[tilespmem:s8+$0x7860] =	vst v3;
	v3 =	vld [tilespmem:s8+$0x9450]  }
0x148: {  	s9 =	simm.s32 $0x200;
	v5 =	vmul.f32 $1.131370830e+01, v9;
	[tilespmem:s8+$0x7870] =	vst v4;
	v4 =	vld [tilespmem:s8+$0x9460]  }
.LBB2_13:
0x149: {  	s11 =	sshra.s32 s9, $0x2;
	p0 =	sne.s32 s9, $0x6200;
	[tilespmem:s8+$0x9400] =	vst v6;
	v1 =	vmul.f32 $1.131370830e+01, v1;
	v6 =	vld [tilespmem:s8+$0x9470]  }
0x14a: {  	v7 =	vld [tilespmem:s11+$0x7800];
	[tilespmem:s8+$0x9410] =	vst v5;
	v0 =	vmul.f32 $1.131370830e+01, v0  }
0x14b: {  	v5 =	vld [tilespmem:s11+$0x7810];
	[tilespmem:s8+$0x9420] =	vst v1;
	v1 =	vmul.f32 $1.131370830e+01, v2  }
0x14c: {  	v2 =	vld [tilespmem:s11+$0x7820];
	[tilespmem:s8+$0x9430] =	vst v0;
	v0 =	vmul.f32 $1.131370830e+01, v3  }
0x14d: {  	v3 =	vld [tilespmem:s11+$0x7830];
	[tilespmem:s8+$0x9440] =	vst v1;
	v1 =	vmul.f32 $1.131370830e+01, v4  }
0x14e: {  	v4 =	vld [tilespmem:s11+$0x7840];
	[tilespmem:s8+$0x9450] =	vst v0;
	v0 =	vmul.f32 $1.131370830e+01, v6  }
0x14f: {  	v6 =	vmul.f32 $1.131370830e+01, v7;
	v7 =	vld [tilespmem:s11+$0x7850];
	[tilespmem:s8+$0x9460] =	vst v1  }
0x150: {  	v1 =	vmul.f32 $1.131370830e+01, v5;
	v5 =	vld [tilespmem:s11+$0x7860];
	[tilespmem:s8+$0x9470] =	vst v0;
	s8 =	smov.u32 s11  }
0x151: {  	[tilespmem:s8+$0x7800] =	vst v6;
	v0 =	vmul.f32 $1.131370830e+01, v2;
	v2 =	vld [tilespmem:s8+$0x7870]  }
0x152: {  	[tilespmem:s8+$0x7810] =	vst v1;
	v1 =	vmul.f32 $1.131370830e+01, v3;
	v3 =	vld [tilespmem:s8+$0x9400]  }
0x153: {  	[tilespmem:s8+$0x7820] =	vst v0;
	v0 =	vmul.f32 $1.131370830e+01, v4;
	v4 =	vld [tilespmem:s8+$0x9410]  }
.Ltmp5:
0x154: {  	[tilespmem:s8+$0x7830] =	vst v1;
	v6 =	vmul.f32 $1.131370830e+01, v7;
	v1 =	vld [tilespmem:s8+$0x9420];
	(pc) =	sbr.rel @p0 .LBB2_13-.Ltmp5, $4  }
0x155: {  	[tilespmem:s8+$0x7840] =	vst v0;
	v5 =	vmul.f32 $1.131370830e+01, v5;
	v0 =	vld [tilespmem:s8+$0x9430]  }
0x156: {  	[tilespmem:s8+$0x7850] =	vst v6;
	v7 =	vmul.f32 $1.131370830e+01, v2;
	v2 =	vld [tilespmem:s8+$0x9440]  }
0x157: {  	[tilespmem:s8+$0x7860] =	vst v5;
	v6 =	vmul.f32 $1.131370830e+01, v3;
	v3 =	vld [tilespmem:s8+$0x9450]  }
0x158: {  	s9 =	sadd.s32 $0x200, s9;
	[tilespmem:s8+$0x7870] =	vst v7;
	v5 =	vmul.f32 $1.131370830e+01, v4;
	v4 =	vld [tilespmem:s8+$0x9460]  }
0x159: {  	[tilespmem:s8+$0x9400] =	vst v6;
	v1 =	vmul.f32 $1.131370830e+01, v1;
	v59 =	vld [tilespmem:s8+$0x9470]  }
0x15a: {  	[tilespmem:s8+$0x9410] =	vst v5;
	v0 =	vmul.f32 $1.131370830e+01, v0  }
0x15b: {  	[tilespmem:s8+$0x9420] =	vst v1;
	v60 =	vmul.f32 $1.131370830e+01, v2  }
0x15c: {  	[tilespmem:s8+$0x9430] =	vst v0;
	v61 =	vmul.f32 $1.131370830e+01, v3  }
0x15d: {  	s9 =	sadd.s32 s4, s10;
	s16 =	sadd.s32 $0x1, s16;
	[tilespmem:s8+$0x9440] =	vst v60;
	v62 =	vmul.f32 $1.131370830e+01, v4  }
0x15e: {  	s9 =	smul.u32 $0x380, s9;
	p0 =	sne.s32 s16, $0xE;
	[tilespmem:s8+$0x9450] =	vst v61;
	v63 =	vmul.f32 $1.131370830e+01, v59  }
.Ltmp6:
0x15f: {  	[tilespmem:s8+$0x9460] =	vst v62;
	(pc) =	sbr.rel @p0 .LBB2_6-.Ltmp6, $4  }
0x160: {  	s14 =	sadd.s32 s5, s9;
	[tilespmem:s8+$0x9470] =	vst v63  }
0x161: {  	[hbm4b:s14+s3] =	stream.linear.scatter [tilespmem:s22], [sflag:$0x6], $0x1900, $0x38;
	[tilespmem:$0x12000] =	vst v63  }
0x162: {  	s8 =	sadd.s32 $0x380, s14  }
0x163: {  	[hbm4b:s8+s3] =	stream.linear.scatter [tilespmem:s24], [sflag:$0x6], $0x1900, $0x38;
	[tilespmem:$0x12000] =	vst v63  }
0x164: {  	_ =	swait.ge [sflag:s23], $0x3200  }
0x165: {  	[sflag:s23] =	ssyncset.done $0x0  }
0x166: {  	s8 =	simm.s32 $0x3C00;
	[sflag:s23] =	ssyncadd.s32 $0xFFFFCE00  }
0x167: {  	[tilespmem:s18], [sflag:$0x1] =	stream.indirect.gather [hbm4b:s1+s17], $0x80, s8, s17, $0xb8;
	[tilespmem:$0x12000] =	vst v63  }
0x168: {  	s16 =	simm.s32 $0x3C80  }
0x169: {  	[tilespmem:s20], [sflag:$0x1] =	stream.indirect.gather [hbm4b:s1+s17], $0x80, s16, s17, $0xb8;
	[tilespmem:$0x12000] =	vst v63  }
0x16a: {  	_ =	swait.ge [sflag:s25], $0x1900  }
0x16b: {  	[sflag:s25] =	ssyncset.done $0x0  }
0x16c: {  	[sflag:s25] =	ssyncadd.s32 $0xFFFFE700  }
0x16d: {  	_ =	swait.ge [sflag:s25], $0x1900  }
0x16e: {  	[sflag:s25] =	ssyncset.done $0x0  }
0x16f: {  	s8 =	simm.s32 $0x0;
	[sflag:s25] =	ssyncadd.s32 $0xFFFFE700  }
0x170: {  	v0 =	vld [tilespmem:s8+$0xB000]  }
0x171: {  	v1 =	vld [tilespmem:s8+$0xB010]  }
0x172: {  	v2 =	vld [tilespmem:s8+$0xB020]  }
0x173: {  	v3 =	vld [tilespmem:s8+$0xB030]  }
0x174: {  	v4 =	vld [tilespmem:s8+$0xB040]  }
0x175: {  	v5 =	vld [tilespmem:s8+$0xB050];
	v0 =	vmul.f32 $1.131370830e+01, v0  }
0x176: {  	v6 =	vld [tilespmem:s8+$0xB060];
	v1 =	vmul.f32 $1.131370830e+01, v1  }
0x177: {  	v7 =	vld [tilespmem:s8+$0xB070];
	[tilespmem:s8+$0xB000] =	vst v0;
	v0 =	vmul.f32 $1.131370830e+01, v2  }
0x178: {  	v8 =	vld [tilespmem:s8+$0xCC00];
	[tilespmem:s8+$0xB010] =	vst v1;
	v1 =	vmul.f32 $1.131370830e+01, v3  }
0x179: {  	v9 =	vld [tilespmem:s8+$0xCC10];
	[tilespmem:s8+$0xB020] =	vst v0;
	v0 =	vmul.f32 $1.131370830e+01, v4  }
0x17a: {  	v2 =	vmul.f32 $1.131370830e+01, v5;
	[tilespmem:s8+$0xB030] =	vst v1;
	v1 =	vld [tilespmem:s8+$0xCC20]  }
0x17b: {  	v3 =	vmul.f32 $1.131370830e+01, v6;
	[tilespmem:s8+$0xB040] =	vst v0;
	v0 =	vld [tilespmem:s8+$0xCC30]  }
0x17c: {  	[tilespmem:s8+$0xB050] =	vst v2;
	v2 =	vld [tilespmem:s8+$0xCC40];
	v4 =	vmul.f32 $1.131370830e+01, v7  }
0x17d: {  	v6 =	vmul.f32 $1.131370830e+01, v8;
	[tilespmem:s8+$0xB060] =	vst v3;
	v3 =	vld [tilespmem:s8+$0xCC50]  }
0x17e: {  	s9 =	simm.s32 $0x200;
	v5 =	vmul.f32 $1.131370830e+01, v9;
	[tilespmem:s8+$0xB070] =	vst v4;
	v4 =	vld [tilespmem:s8+$0xCC60]  }
.LBB2_16:
0x17f: {  	s10 =	sshra.s32 s9, $0x2;
	p0 =	sne.s32 s9, $0x6200;
	[tilespmem:s8+$0xCC00] =	vst v6;
	v1 =	vmul.f32 $1.131370830e+01, v1;
	v6 =	vld [tilespmem:s8+$0xCC70]  }
0x180: {  	v7 =	vld [tilespmem:s10+$0xB000];
	[tilespmem:s8+$0xCC10] =	vst v5;
	v0 =	vmul.f32 $1.131370830e+01, v0  }
0x181: {  	v5 =	vld [tilespmem:s10+$0xB010];
	[tilespmem:s8+$0xCC20] =	vst v1;
	v1 =	vmul.f32 $1.131370830e+01, v2  }
0x182: {  	v2 =	vld [tilespmem:s10+$0xB020];
	[tilespmem:s8+$0xCC30] =	vst v0;
	v0 =	vmul.f32 $1.131370830e+01, v3  }
0x183: {  	v3 =	vld [tilespmem:s10+$0xB030];
	[tilespmem:s8+$0xCC40] =	vst v1;
	v1 =	vmul.f32 $1.131370830e+01, v4  }
0x184: {  	v4 =	vld [tilespmem:s10+$0xB040];
	[tilespmem:s8+$0xCC50] =	vst v0;
	v0 =	vmul.f32 $1.131370830e+01, v6  }
0x185: {  	v6 =	vmul.f32 $1.131370830e+01, v7;
	v7 =	vld [tilespmem:s10+$0xB050];
	[tilespmem:s8+$0xCC60] =	vst v1  }
0x186: {  	v1 =	vmul.f32 $1.131370830e+01, v5;
	v5 =	vld [tilespmem:s10+$0xB060];
	[tilespmem:s8+$0xCC70] =	vst v0;
	s8 =	smov.u32 s10  }
0x187: {  	[tilespmem:s8+$0xB000] =	vst v6;
	v0 =	vmul.f32 $1.131370830e+01, v2;
	v2 =	vld [tilespmem:s8+$0xB070]  }
0x188: {  	[tilespmem:s8+$0xB010] =	vst v1;
	v1 =	vmul.f32 $1.131370830e+01, v3;
	v3 =	vld [tilespmem:s8+$0xCC00]  }
0x189: {  	[tilespmem:s8+$0xB020] =	vst v0;
	v0 =	vmul.f32 $1.131370830e+01, v4;
	v4 =	vld [tilespmem:s8+$0xCC10]  }
.Ltmp7:
0x18a: {  	[tilespmem:s8+$0xB030] =	vst v1;
	v6 =	vmul.f32 $1.131370830e+01, v7;
	v1 =	vld [tilespmem:s8+$0xCC20];
	(pc) =	sbr.rel @p0 .LBB2_16-.Ltmp7, $4  }
0x18b: {  	[tilespmem:s8+$0xB040] =	vst v0;
	v5 =	vmul.f32 $1.131370830e+01, v5;
	v0 =	vld [tilespmem:s8+$0xCC30]  }
0x18c: {  	[tilespmem:s8+$0xB050] =	vst v6;
	v7 =	vmul.f32 $1.131370830e+01, v2;
	v2 =	vld [tilespmem:s8+$0xCC40]  }
0x18d: {  	[tilespmem:s8+$0xB060] =	vst v5;
	v6 =	vmul.f32 $1.131370830e+01, v3;
	v3 =	vld [tilespmem:s8+$0xCC50]  }
0x18e: {  	s9 =	sadd.s32 $0x200, s9;
	[tilespmem:s8+$0xB070] =	vst v7;
	v5 =	vmul.f32 $1.131370830e+01, v4;
	v4 =	vld [tilespmem:s8+$0xCC60]  }
0x18f: {  	[tilespmem:s8+$0xCC00] =	vst v6;
	v1 =	vmul.f32 $1.131370830e+01, v1;
	v6 =	vld [tilespmem:s8+$0xCC70]  }
0x190: {  	[tilespmem:s8+$0xCC10] =	vst v5;
	v0 =	vmul.f32 $1.131370830e+01, v0  }
0x191: {  	[tilespmem:s8+$0xCC20] =	vst v1;
	v1 =	vmul.f32 $1.131370830e+01, v2  }
0x192: {  	[tilespmem:s8+$0xCC30] =	vst v0;
	v0 =	vmul.f32 $1.131370830e+01, v3  }
0x193: {  	[tilespmem:s8+$0xCC40] =	vst v1;
	v1 =	vmul.f32 $1.131370830e+01, v4  }
0x194: {  	[tilespmem:s8+$0xCC50] =	vst v0;
	v0 =	vmul.f32 $1.131370830e+01, v6  }
0x195: {  	[tilespmem:s8+$0xCC60] =	vst v1  }
0x196: {  	s13 =	simm.s32 $0x0;
	s9 =	rddreg [dreg:$0x6];
	[tilespmem:s8+$0xCC70] =	vst v0  }
0x197: {  	[hbm4b:s9+s13] =	stream.linear.scatter [tilespmem:s26], [sflag:$0x7], $0x1900, $0x38;
	[tilespmem:$0x12000] =	vst v63  }
0x198: {  	s9 =	sadd.s32 $0x380, s9  }
0x199: {  	[hbm4b:s9+s13] =	stream.linear.scatter [tilespmem:s29], [sflag:$0x7], $0x1900, $0x38;
	[tilespmem:$0x12000] =	vst v63  }
0x19a: {  	_ =	swait.ge [sflag:s28], $0x3200  }
0x19b: {  	[sflag:s28] =	ssyncset.done $0x0  }
0x19c: {  	s14 =	simm.s32 $0x3D00;
	[sflag:s28] =	ssyncadd.s32 $0xFFFFCE00  }
0x19d: {  	[tilespmem:s22], [sflag:$0x2] =	stream.indirect.gather [hbm4b:s1+s17], $0x80, s14, s17, $0xb8;
	[tilespmem:$0x12000] =	vst v63  }
0x19e: {  	s16 =	simm.s32 $0x3D80  }
0x19f: {  	[tilespmem:s24], [sflag:$0x2] =	stream.indirect.gather [hbm4b:s1+s17], $0x80, s16, s17, $0xb8;
	[tilespmem:$0x12000] =	vst v63  }
0x1a0: {  	_ =	swait.ge [sflag:s31], $0x1900  }
0x1a1: {  	[sflag:s31] =	ssyncset.done $0x0  }
0x1a2: {  	[sflag:s31] =	ssyncadd.s32 $0xFFFFE700  }
0x1a3: {  	_ =	swait.ge [sflag:s31], $0x1900  }
0x1a4: {  	[sflag:s31] =	ssyncset.done $0x0  }
0x1a5: {  	s8 =	simm.s32 $0x0;
	[sflag:s31] =	ssyncadd.s32 $0xFFFFE700  }
0x1a6: {  	v0 =	vld [tilespmem:s8+$0xE800]  }
0x1a7: {  	v1 =	vld [tilespmem:s8+$0xE810]  }
0x1a8: {  	v2 =	vld [tilespmem:s8+$0xE820]  }
0x1a9: {  	v3 =	vld [tilespmem:s8+$0xE830]  }
0x1aa: {  	v4 =	vld [tilespmem:s8+$0xE840]  }
0x1ab: {  	v5 =	vld [tilespmem:s8+$0xE850];
	v0 =	vmul.f32 $1.131370830e+01, v0  }
0x1ac: {  	v6 =	vld [tilespmem:s8+$0xE860];
	v1 =	vmul.f32 $1.131370830e+01, v1  }
0x1ad: {  	v7 =	vld [tilespmem:s8+$0xE870];
	[tilespmem:s8+$0xE800] =	vst v0;
	v0 =	vmul.f32 $1.131370830e+01, v2  }
0x1ae: {  	v8 =	vld [tilespmem:s8+$0x10400];
	[tilespmem:s8+$0xE810] =	vst v1;
	v1 =	vmul.f32 $1.131370830e+01, v3  }
0x1af: {  	v9 =	vld [tilespmem:s8+$0x10410];
	[tilespmem:s8+$0xE820] =	vst v0;
	v0 =	vmul.f32 $1.131370830e+01, v4  }
0x1b0: {  	v2 =	vmul.f32 $1.131370830e+01, v5;
	[tilespmem:s8+$0xE830] =	vst v1;
	v1 =	vld [tilespmem:s8+$0x10420]  }
0x1b1: {  	v3 =	vmul.f32 $1.131370830e+01, v6;
	[tilespmem:s8+$0xE840] =	vst v0;
	v0 =	vld [tilespmem:s8+$0x10430]  }
0x1b2: {  	[tilespmem:s8+$0xE850] =	vst v2;
	v2 =	vld [tilespmem:s8+$0x10440];
	v4 =	vmul.f32 $1.131370830e+01, v7  }
0x1b3: {  	v6 =	vmul.f32 $1.131370830e+01, v8;
	[tilespmem:s8+$0xE860] =	vst v3;
	v3 =	vld [tilespmem:s8+$0x10450]  }
0x1b4: {  	s9 =	simm.s32 $0x200;
	v5 =	vmul.f32 $1.131370830e+01, v9;
	[tilespmem:s8+$0xE870] =	vst v4;
	v4 =	vld [tilespmem:s8+$0x10460]  }
.LBB2_18:
0x1b5: {  	s10 =	sshra.s32 s9, $0x2;
	p0 =	sne.s32 s9, $0x6200;
	[tilespmem:s8+$0x10400] =	vst v6;
	v1 =	vmul.f32 $1.131370830e+01, v1;
	v6 =	vld [tilespmem:s8+$0x10470]  }
0x1b6: {  	v7 =	vld [tilespmem:s10+$0xE800];
	[tilespmem:s8+$0x10410] =	vst v5;
	v0 =	vmul.f32 $1.131370830e+01, v0  }
0x1b7: {  	v5 =	vld [tilespmem:s10+$0xE810];
	[tilespmem:s8+$0x10420] =	vst v1;
	v1 =	vmul.f32 $1.131370830e+01, v2  }
0x1b8: {  	v2 =	vld [tilespmem:s10+$0xE820];
	[tilespmem:s8+$0x10430] =	vst v0;
	v0 =	vmul.f32 $1.131370830e+01, v3  }
0x1b9: {  	v3 =	vld [tilespmem:s10+$0xE830];
	[tilespmem:s8+$0x10440] =	vst v1;
	v1 =	vmul.f32 $1.131370830e+01, v4  }
0x1ba: {  	v4 =	vld [tilespmem:s10+$0xE840];
	[tilespmem:s8+$0x10450] =	vst v0;
	v0 =	vmul.f32 $1.131370830e+01, v6  }
0x1bb: {  	v6 =	vmul.f32 $1.131370830e+01, v7;
	v7 =	vld [tilespmem:s10+$0xE850];
	[tilespmem:s8+$0x10460] =	vst v1  }
0x1bc: {  	v1 =	vmul.f32 $1.131370830e+01, v5;
	v5 =	vld [tilespmem:s10+$0xE860];
	[tilespmem:s8+$0x10470] =	vst v0;
	s8 =	smov.u32 s10  }
0x1bd: {  	[tilespmem:s8+$0xE800] =	vst v6;
	v0 =	vmul.f32 $1.131370830e+01, v2;
	v2 =	vld [tilespmem:s8+$0xE870]  }
0x1be: {  	[tilespmem:s8+$0xE810] =	vst v1;
	v1 =	vmul.f32 $1.131370830e+01, v3;
	v3 =	vld [tilespmem:s8+$0x10400]  }
0x1bf: {  	[tilespmem:s8+$0xE820] =	vst v0;
	v0 =	vmul.f32 $1.131370830e+01, v4;
	v4 =	vld [tilespmem:s8+$0x10410]  }
.Ltmp8:
0x1c0: {  	[tilespmem:s8+$0xE830] =	vst v1;
	v6 =	vmul.f32 $1.131370830e+01, v7;
	v1 =	vld [tilespmem:s8+$0x10420];
	(pc) =	sbr.rel @p0 .LBB2_18-.Ltmp8, $4  }
0x1c1: {  	[tilespmem:s8+$0xE840] =	vst v0;
	v5 =	vmul.f32 $1.131370830e+01, v5;
	v0 =	vld [tilespmem:s8+$0x10430]  }
0x1c2: {  	[tilespmem:s8+$0xE850] =	vst v6;
	v7 =	vmul.f32 $1.131370830e+01, v2;
	v2 =	vld [tilespmem:s8+$0x10440]  }
0x1c3: {  	[tilespmem:s8+$0xE860] =	vst v5;
	v6 =	vmul.f32 $1.131370830e+01, v3;
	v3 =	vld [tilespmem:s8+$0x10450]  }
0x1c4: {  	s9 =	sadd.s32 $0x200, s9;
	[tilespmem:s8+$0xE870] =	vst v7;
	v5 =	vmul.f32 $1.131370830e+01, v4;
	v4 =	vld [tilespmem:s8+$0x10460]  }
0x1c5: {  	[tilespmem:s8+$0x10400] =	vst v6;
	v1 =	vmul.f32 $1.131370830e+01, v1;
	v6 =	vld [tilespmem:s8+$0x10470]  }
0x1c6: {  	[tilespmem:s8+$0x10410] =	vst v5;
	v0 =	vmul.f32 $1.131370830e+01, v0  }
0x1c7: {  	[tilespmem:s8+$0x10420] =	vst v1;
	v1 =	vmul.f32 $1.131370830e+01, v2  }
0x1c8: {  	[tilespmem:s8+$0x10430] =	vst v0;
	v0 =	vmul.f32 $1.131370830e+01, v3  }
0x1c9: {  	[tilespmem:s8+$0x10440] =	vst v1;
	v1 =	vmul.f32 $1.131370830e+01, v4  }
0x1ca: {  	[tilespmem:s8+$0x10450] =	vst v0;
	v0 =	vmul.f32 $1.131370830e+01, v6  }
0x1cb: {  	[tilespmem:s8+$0x10460] =	vst v1  }
0x1cc: {  	s13 =	simm.s32 $0x0;
	s9 =	rddreg [dreg:$0x7];
	[tilespmem:s8+$0x10470] =	vst v0  }
0x1cd: {  	[hbm4b:s9+s13] =	stream.linear.scatter [tilespmem:s0], [sflag:$0x8], $0x1900, $0x38;
	[tilespmem:$0x12000] =	vst v63  }
0x1ce: {  	s9 =	sadd.s32 $0x380, s9  }
0x1cf: {  	[hbm4b:s9+s13] =	stream.linear.scatter [tilespmem:s19], [sflag:$0x8], $0x1900, $0x38;
	[tilespmem:$0x12000] =	vst v63  }
0x1d0: {  	_ =	swait.ge [sflag:s2], $0x3200  }
0x1d1: {  	[sflag:s2] =	ssyncset.done $0x0  }
0x1d2: {  	s14 =	simm.s32 $0x3E00;
	[sflag:s2] =	ssyncadd.s32 $0xFFFFCE00  }
0x1d3: {  	[tilespmem:s26], [sflag:$0x3] =	stream.indirect.gather [hbm4b:s1+s17], $0x80, s14, s17, $0xb8;
	[tilespmem:$0x12000] =	vst v63  }
0x1d4: {  	s16 =	simm.s32 $0x3E80  }
0x1d5: {  	[tilespmem:s29], [sflag:$0x3] =	stream.indirect.gather [hbm4b:s1+s17], $0x80, s16, s17, $0xb8;
	[tilespmem:$0x12000] =	vst v63  }
0x1d6: {  	_ =	swait.ge [sflag:s30], $0x1900  }
0x1d7: {  	[sflag:s30] =	ssyncset.done $0x0  }
0x1d8: {  	[sflag:s30] =	ssyncadd.s32 $0xFFFFE700  }
0x1d9: {  	_ =	swait.ge [sflag:s30], $0x1900  }
0x1da: {  	[sflag:s30] =	ssyncset.done $0x0  }
0x1db: {  	s8 =	simm.s32 $0x0;
	[sflag:s30] =	ssyncadd.s32 $0xFFFFE700  }
0x1dc: {  	v0 =	vld [tilespmem:s8+$0x4000]  }
0x1dd: {  	v1 =	vld [tilespmem:s8+$0x4010]  }
0x1de: {  	v2 =	vld [tilespmem:s8+$0x4020]  }
0x1df: {  	v3 =	vld [tilespmem:s8+$0x4030]  }
0x1e0: {  	v4 =	vld [tilespmem:s8+$0x4040]  }
0x1e1: {  	v5 =	vld [tilespmem:s8+$0x4050];
	v0 =	vmul.f32 $1.131370830e+01, v0  }
0x1e2: {  	v6 =	vld [tilespmem:s8+$0x4060];
	v1 =	vmul.f32 $1.131370830e+01, v1  }
0x1e3: {  	v7 =	vld [tilespmem:s8+$0x4070];
	[tilespmem:s8+$0x4000] =	vst v0;
	v0 =	vmul.f32 $1.131370830e+01, v2  }
0x1e4: {  	v8 =	vld [tilespmem:s8+$0x5C00];
	[tilespmem:s8+$0x4010] =	vst v1;
	v1 =	vmul.f32 $1.131370830e+01, v3  }
0x1e5: {  	v9 =	vld [tilespmem:s8+$0x5C10];
	[tilespmem:s8+$0x4020] =	vst v0;
	v0 =	vmul.f32 $1.131370830e+01, v4  }
0x1e6: {  	v2 =	vmul.f32 $1.131370830e+01, v5;
	[tilespmem:s8+$0x4030] =	vst v1;
	v1 =	vld [tilespmem:s8+$0x5C20]  }
0x1e7: {  	v3 =	vmul.f32 $1.131370830e+01, v6;
	[tilespmem:s8+$0x4040] =	vst v0;
	v0 =	vld [tilespmem:s8+$0x5C30]  }
0x1e8: {  	[tilespmem:s8+$0x4050] =	vst v2;
	v2 =	vld [tilespmem:s8+$0x5C40];
	v4 =	vmul.f32 $1.131370830e+01, v7  }
0x1e9: {  	v6 =	vmul.f32 $1.131370830e+01, v8;
	[tilespmem:s8+$0x4060] =	vst v3;
	v3 =	vld [tilespmem:s8+$0x5C50]  }
0x1ea: {  	s9 =	simm.s32 $0x200;
	v5 =	vmul.f32 $1.131370830e+01, v9;
	[tilespmem:s8+$0x4070] =	vst v4;
	v4 =	vld [tilespmem:s8+$0x5C60]  }
.LBB2_20:
0x1eb: {  	s10 =	sshra.s32 s9, $0x2;
	p0 =	sne.s32 s9, $0x6200;
	[tilespmem:s8+$0x5C00] =	vst v6;
	v1 =	vmul.f32 $1.131370830e+01, v1;
	v6 =	vld [tilespmem:s8+$0x5C70]  }
0x1ec: {  	v7 =	vld [tilespmem:s10+$0x4000];
	[tilespmem:s8+$0x5C10] =	vst v5;
	v0 =	vmul.f32 $1.131370830e+01, v0  }
0x1ed: {  	v5 =	vld [tilespmem:s10+$0x4010];
	[tilespmem:s8+$0x5C20] =	vst v1;
	v1 =	vmul.f32 $1.131370830e+01, v2  }
0x1ee: {  	v2 =	vld [tilespmem:s10+$0x4020];
	[tilespmem:s8+$0x5C30] =	vst v0;
	v0 =	vmul.f32 $1.131370830e+01, v3  }
0x1ef: {  	v3 =	vld [tilespmem:s10+$0x4030];
	[tilespmem:s8+$0x5C40] =	vst v1;
	v1 =	vmul.f32 $1.131370830e+01, v4  }
0x1f0: {  	v4 =	vld [tilespmem:s10+$0x4040];
	[tilespmem:s8+$0x5C50] =	vst v0;
	v0 =	vmul.f32 $1.131370830e+01, v6  }
0x1f1: {  	v6 =	vmul.f32 $1.131370830e+01, v7;
	v7 =	vld [tilespmem:s10+$0x4050];
	[tilespmem:s8+$0x5C60] =	vst v1  }
0x1f2: {  	v1 =	vmul.f32 $1.131370830e+01, v5;
	v5 =	vld [tilespmem:s10+$0x4060];
	[tilespmem:s8+$0x5C70] =	vst v0;
	s8 =	smov.u32 s10  }
0x1f3: {  	[tilespmem:s8+$0x4000] =	vst v6;
	v0 =	vmul.f32 $1.131370830e+01, v2;
	v2 =	vld [tilespmem:s8+$0x4070]  }
0x1f4: {  	[tilespmem:s8+$0x4010] =	vst v1;
	v1 =	vmul.f32 $1.131370830e+01, v3;
	v3 =	vld [tilespmem:s8+$0x5C00]  }
0x1f5: {  	[tilespmem:s8+$0x4020] =	vst v0;
	v0 =	vmul.f32 $1.131370830e+01, v4;
	v4 =	vld [tilespmem:s8+$0x5C10]  }
.Ltmp9:
0x1f6: {  	[tilespmem:s8+$0x4030] =	vst v1;
	v6 =	vmul.f32 $1.131370830e+01, v7;
	v1 =	vld [tilespmem:s8+$0x5C20];
	(pc) =	sbr.rel @p0 .LBB2_20-.Ltmp9, $4  }
0x1f7: {  	[tilespmem:s8+$0x4040] =	vst v0;
	v5 =	vmul.f32 $1.131370830e+01, v5;
	v0 =	vld [tilespmem:s8+$0x5C30]  }
0x1f8: {  	[tilespmem:s8+$0x4050] =	vst v6;
	v7 =	vmul.f32 $1.131370830e+01, v2;
	v2 =	vld [tilespmem:s8+$0x5C40]  }
0x1f9: {  	[tilespmem:s8+$0x4060] =	vst v5;
	v6 =	vmul.f32 $1.131370830e+01, v3;
	v3 =	vld [tilespmem:s8+$0x5C50]  }
0x1fa: {  	s9 =	sadd.s32 $0x200, s9;
	[tilespmem:s8+$0x4070] =	vst v7;
	v5 =	vmul.f32 $1.131370830e+01, v4;
	v4 =	vld [tilespmem:s8+$0x5C60]  }
0x1fb: {  	[tilespmem:s8+$0x5C00] =	vst v6;
	v1 =	vmul.f32 $1.131370830e+01, v1;
	v6 =	vld [tilespmem:s8+$0x5C70]  }
0x1fc: {  	[tilespmem:s8+$0x5C10] =	vst v5;
	v0 =	vmul.f32 $1.131370830e+01, v0  }
0x1fd: {  	[tilespmem:s8+$0x5C20] =	vst v1;
	v1 =	vmul.f32 $1.131370830e+01, v2  }
0x1fe: {  	[tilespmem:s8+$0x5C30] =	vst v0;
	v0 =	vmul.f32 $1.131370830e+01, v3  }
0x1ff: {  	[tilespmem:s8+$0x5C40] =	vst v1;
	v1 =	vmul.f32 $1.131370830e+01, v4  }
0x200: {  	[tilespmem:s8+$0x5C50] =	vst v0;
	v0 =	vmul.f32 $1.131370830e+01, v6  }
0x201: {  	[tilespmem:s8+$0x5C60] =	vst v1  }
0x202: {  	s13 =	simm.s32 $0x0;
	s9 =	rddreg [dreg:$0x8];
	[tilespmem:s8+$0x5C70] =	vst v0  }
0x203: {  	[hbm4b:s9+s13] =	stream.linear.scatter [tilespmem:s18], [sflag:$0x5], $0x1900, $0x38;
	[tilespmem:$0x12000] =	vst v63  }
0x204: {  	s9 =	sadd.s32 $0x380, s9  }
0x205: {  	[hbm4b:s9+s13] =	stream.linear.scatter [tilespmem:s20], [sflag:$0x5], $0x1900, $0x38;
	[tilespmem:$0x12000] =	vst v63  }
0x206: {  	_ =	swait.ge [sflag:s6], $0x3200  }
0x207: {  	[sflag:s6] =	ssyncset.done $0x0  }
0x208: {  	s14 =	simm.s32 $0x3F00;
	[sflag:s6] =	ssyncadd.s32 $0xFFFFCE00  }
0x209: {  	[tilespmem:s0], [sflag:$0x4] =	stream.indirect.gather [hbm4b:s1+s17], $0x80, s14, s17, $0xb8;
	[tilespmem:$0x12000] =	vst v63  }
0x20a: {  	s16 =	simm.s32 $0x3F80  }
0x20b: {  	[tilespmem:s19], [sflag:$0x4] =	stream.indirect.gather [hbm4b:s1+s17], $0x80, s16, s17, $0xb8;
	[tilespmem:$0x12000] =	vst v63  }
0x20c: {  	_ =	swait.ge [sflag:s21], $0x1900  }
0x20d: {  	[sflag:s21] =	ssyncset.done $0x0  }
0x20e: {  	[sflag:s21] =	ssyncadd.s32 $0xFFFFE700  }
0x20f: {  	_ =	swait.ge [sflag:s21], $0x1900  }
0x210: {  	[sflag:s21] =	ssyncset.done $0x0  }
0x211: {  	s8 =	simm.s32 $0x0;
	[sflag:s21] =	ssyncadd.s32 $0xFFFFE700  }
0x212: {  	v0 =	vld [tilespmem:s8+$0x7800]  }
0x213: {  	v1 =	vld [tilespmem:s8+$0x7810]  }
0x214: {  	v2 =	vld [tilespmem:s8+$0x7820]  }
0x215: {  	v3 =	vld [tilespmem:s8+$0x7830]  }
0x216: {  	v4 =	vld [tilespmem:s8+$0x7840]  }
0x217: {  	v5 =	vld [tilespmem:s8+$0x7850];
	v0 =	vmul.f32 $1.131370830e+01, v0  }
0x218: {  	v6 =	vld [tilespmem:s8+$0x7860];
	v1 =	vmul.f32 $1.131370830e+01, v1  }
0x219: {  	v7 =	vld [tilespmem:s8+$0x7870];
	[tilespmem:s8+$0x7800] =	vst v0;
	v0 =	vmul.f32 $1.131370830e+01, v2  }
0x21a: {  	v8 =	vld [tilespmem:s8+$0x9400];
	[tilespmem:s8+$0x7810] =	vst v1;
	v1 =	vmul.f32 $1.131370830e+01, v3  }
0x21b: {  	v9 =	vld [tilespmem:s8+$0x9410];
	[tilespmem:s8+$0x7820] =	vst v0;
	v0 =	vmul.f32 $1.131370830e+01, v4  }
0x21c: {  	v2 =	vmul.f32 $1.131370830e+01, v5;
	[tilespmem:s8+$0x7830] =	vst v1;
	v1 =	vld [tilespmem:s8+$0x9420]  }
0x21d: {  	v3 =	vmul.f32 $1.131370830e+01, v6;
	[tilespmem:s8+$0x7840] =	vst v0;
	v0 =	vld [tilespmem:s8+$0x9430]  }
0x21e: {  	[tilespmem:s8+$0x7850] =	vst v2;
	v2 =	vld [tilespmem:s8+$0x9440];
	v4 =	vmul.f32 $1.131370830e+01, v7  }
0x21f: {  	v6 =	vmul.f32 $1.131370830e+01, v8;
	[tilespmem:s8+$0x7860] =	vst v3;
	v3 =	vld [tilespmem:s8+$0x9450]  }
0x220: {  	s9 =	simm.s32 $0x200;
	v5 =	vmul.f32 $1.131370830e+01, v9;
	[tilespmem:s8+$0x7870] =	vst v4;
	v4 =	vld [tilespmem:s8+$0x9460]  }
.LBB2_22:
0x221: {  	s10 =	sshra.s32 s9, $0x2;
	p0 =	sne.s32 s9, $0x6200;
	[tilespmem:s8+$0x9400] =	vst v6;
	v1 =	vmul.f32 $1.131370830e+01, v1;
	v6 =	vld [tilespmem:s8+$0x9470]  }
0x222: {  	v7 =	vld [tilespmem:s10+$0x7800];
	[tilespmem:s8+$0x9410] =	vst v5;
	v0 =	vmul.f32 $1.131370830e+01, v0  }
0x223: {  	v5 =	vld [tilespmem:s10+$0x7810];
	[tilespmem:s8+$0x9420] =	vst v1;
	v1 =	vmul.f32 $1.131370830e+01, v2  }
0x224: {  	v2 =	vld [tilespmem:s10+$0x7820];
	[tilespmem:s8+$0x9430] =	vst v0;
	v0 =	vmul.f32 $1.131370830e+01, v3  }
0x225: {  	v3 =	vld [tilespmem:s10+$0x7830];
	[tilespmem:s8+$0x9440] =	vst v1;
	v1 =	vmul.f32 $1.131370830e+01, v4  }
0x226: {  	v4 =	vld [tilespmem:s10+$0x7840];
	[tilespmem:s8+$0x9450] =	vst v0;
	v0 =	vmul.f32 $1.131370830e+01, v6  }
0x227: {  	v6 =	vmul.f32 $1.131370830e+01, v7;
	v7 =	vld [tilespmem:s10+$0x7850];
	[tilespmem:s8+$0x9460] =	vst v1  }
0x228: {  	v1 =	vmul.f32 $1.131370830e+01, v5;
	v5 =	vld [tilespmem:s10+$0x7860];
	[tilespmem:s8+$0x9470] =	vst v0;
	s8 =	smov.u32 s10  }
0x229: {  	[tilespmem:s8+$0x7800] =	vst v6;
	v0 =	vmul.f32 $1.131370830e+01, v2;
	v2 =	vld [tilespmem:s8+$0x7870]  }
0x22a: {  	[tilespmem:s8+$0x7810] =	vst v1;
	v1 =	vmul.f32 $1.131370830e+01, v3;
	v3 =	vld [tilespmem:s8+$0x9400]  }
0x22b: {  	[tilespmem:s8+$0x7820] =	vst v0;
	v0 =	vmul.f32 $1.131370830e+01, v4;
	v4 =	vld [tilespmem:s8+$0x9410]  }
.Ltmp10:
0x22c: {  	[tilespmem:s8+$0x7830] =	vst v1;
	v6 =	vmul.f32 $1.131370830e+01, v7;
	v1 =	vld [tilespmem:s8+$0x9420];
	(pc) =	sbr.rel @p0 .LBB2_22-.Ltmp10, $4  }
0x22d: {  	[tilespmem:s8+$0x7840] =	vst v0;
	v5 =	vmul.f32 $1.131370830e+01, v5;
	v0 =	vld [tilespmem:s8+$0x9430]  }
0x22e: {  	[tilespmem:s8+$0x7850] =	vst v6;
	v7 =	vmul.f32 $1.131370830e+01, v2;
	v2 =	vld [tilespmem:s8+$0x9440]  }
0x22f: {  	[tilespmem:s8+$0x7860] =	vst v5;
	v6 =	vmul.f32 $1.131370830e+01, v3;
	v3 =	vld [tilespmem:s8+$0x9450]  }
0x230: {  	s9 =	sadd.s32 $0x200, s9;
	[tilespmem:s8+$0x7870] =	vst v7;
	v5 =	vmul.f32 $1.131370830e+01, v4;
	v4 =	vld [tilespmem:s8+$0x9460]  }
0x231: {  	[tilespmem:s8+$0x9400] =	vst v6;
	v1 =	vmul.f32 $1.131370830e+01, v1;
	v6 =	vld [tilespmem:s8+$0x9470]  }
0x232: {  	[tilespmem:s8+$0x9410] =	vst v5;
	v0 =	vmul.f32 $1.131370830e+01, v0  }
0x233: {  	[tilespmem:s8+$0x9420] =	vst v1;
	v1 =	vmul.f32 $1.131370830e+01, v2  }
0x234: {  	[tilespmem:s8+$0x9430] =	vst v0;
	v0 =	vmul.f32 $1.131370830e+01, v3  }
0x235: {  	[tilespmem:s8+$0x9440] =	vst v1;
	v1 =	vmul.f32 $1.131370830e+01, v4  }
0x236: {  	[tilespmem:s8+$0x9450] =	vst v0;
	v0 =	vmul.f32 $1.131370830e+01, v6  }
0x237: {  	[tilespmem:s8+$0x9460] =	vst v1  }
0x238: {  	s16 =	simm.s32 $0x0;
	s9 =	rddreg [dreg:$0x9];
	[tilespmem:s8+$0x9470] =	vst v0  }
0x239: {  	[hbm4b:s9+s16] =	stream.linear.scatter [tilespmem:s22], [sflag:$0x6], $0x1900, $0x38;
	[tilespmem:$0x12000] =	vst v63  }
0x23a: {  	s9 =	sadd.s32 $0x380, s9  }
0x23b: {  	[hbm4b:s9+s16] =	stream.linear.scatter [tilespmem:s24], [sflag:$0x6], $0x1900, $0x38;
	[tilespmem:$0x12000] =	vst v63  }
0x23c: {  	_ =	swait.ge [sflag:s25], $0x1900  }
0x23d: {  	[sflag:s25] =	ssyncset.done $0x0  }
0x23e: {  	[sflag:s25] =	ssyncadd.s32 $0xFFFFE700  }
0x23f: {  	_ =	swait.ge [sflag:s25], $0x1900  }
0x240: {  	[sflag:s25] =	ssyncset.done $0x0  }
0x241: {  	s8 =	simm.s32 $0x0;
	[sflag:s25] =	ssyncadd.s32 $0xFFFFE700  }
0x242: {  	v0 =	vld [tilespmem:s8+$0xB000]  }
0x243: {  	v1 =	vld [tilespmem:s8+$0xB010]  }
0x244: {  	v2 =	vld [tilespmem:s8+$0xB020]  }
0x245: {  	v3 =	vld [tilespmem:s8+$0xB030]  }
0x246: {  	v4 =	vld [tilespmem:s8+$0xB040]  }
0x247: {  	v5 =	vld [tilespmem:s8+$0xB050];
	v0 =	vmul.f32 $1.131370830e+01, v0  }
0x248: {  	v6 =	vld [tilespmem:s8+$0xB060];
	v1 =	vmul.f32 $1.131370830e+01, v1  }
0x249: {  	v7 =	vld [tilespmem:s8+$0xB070];
	[tilespmem:s8+$0xB000] =	vst v0;
	v0 =	vmul.f32 $1.131370830e+01, v2  }
0x24a: {  	v8 =	vld [tilespmem:s8+$0xCC00];
	[tilespmem:s8+$0xB010] =	vst v1;
	v1 =	vmul.f32 $1.131370830e+01, v3  }
0x24b: {  	v9 =	vld [tilespmem:s8+$0xCC10];
	[tilespmem:s8+$0xB020] =	vst v0;
	v0 =	vmul.f32 $1.131370830e+01, v4  }
0x24c: {  	v2 =	vmul.f32 $1.131370830e+01, v5;
	[tilespmem:s8+$0xB030] =	vst v1;
	v1 =	vld [tilespmem:s8+$0xCC20]  }
0x24d: {  	v3 =	vmul.f32 $1.131370830e+01, v6;
	[tilespmem:s8+$0xB040] =	vst v0;
	v0 =	vld [tilespmem:s8+$0xCC30]  }
0x24e: {  	[tilespmem:s8+$0xB050] =	vst v2;
	v2 =	vld [tilespmem:s8+$0xCC40];
	v4 =	vmul.f32 $1.131370830e+01, v7  }
0x24f: {  	v6 =	vmul.f32 $1.131370830e+01, v8;
	[tilespmem:s8+$0xB060] =	vst v3;
	v3 =	vld [tilespmem:s8+$0xCC50]  }
0x250: {  	s9 =	simm.s32 $0x200;
	v5 =	vmul.f32 $1.131370830e+01, v9;
	[tilespmem:s8+$0xB070] =	vst v4;
	v4 =	vld [tilespmem:s8+$0xCC60]  }
.LBB2_24:
0x251: {  	s10 =	sshra.s32 s9, $0x2;
	p0 =	sne.s32 s9, $0x6200;
	[tilespmem:s8+$0xCC00] =	vst v6;
	v1 =	vmul.f32 $1.131370830e+01, v1;
	v6 =	vld [tilespmem:s8+$0xCC70]  }
0x252: {  	v7 =	vld [tilespmem:s10+$0xB000];
	[tilespmem:s8+$0xCC10] =	vst v5;
	v0 =	vmul.f32 $1.131370830e+01, v0  }
0x253: {  	v5 =	vld [tilespmem:s10+$0xB010];
	[tilespmem:s8+$0xCC20] =	vst v1;
	v1 =	vmul.f32 $1.131370830e+01, v2  }
0x254: {  	v2 =	vld [tilespmem:s10+$0xB020];
	[tilespmem:s8+$0xCC30] =	vst v0;
	v0 =	vmul.f32 $1.131370830e+01, v3  }
0x255: {  	v3 =	vld [tilespmem:s10+$0xB030];
	[tilespmem:s8+$0xCC40] =	vst v1;
	v1 =	vmul.f32 $1.131370830e+01, v4  }
0x256: {  	v4 =	vld [tilespmem:s10+$0xB040];
	[tilespmem:s8+$0xCC50] =	vst v0;
	v0 =	vmul.f32 $1.131370830e+01, v6  }
0x257: {  	v6 =	vmul.f32 $1.131370830e+01, v7;
	v7 =	vld [tilespmem:s10+$0xB050];
	[tilespmem:s8+$0xCC60] =	vst v1  }
0x258: {  	v1 =	vmul.f32 $1.131370830e+01, v5;
	v5 =	vld [tilespmem:s10+$0xB060];
	[tilespmem:s8+$0xCC70] =	vst v0;
	s8 =	smov.u32 s10  }
0x259: {  	[tilespmem:s8+$0xB000] =	vst v6;
	v0 =	vmul.f32 $1.131370830e+01, v2;
	v2 =	vld [tilespmem:s8+$0xB070]  }
0x25a: {  	[tilespmem:s8+$0xB010] =	vst v1;
	v1 =	vmul.f32 $1.131370830e+01, v3;
	v3 =	vld [tilespmem:s8+$0xCC00]  }
0x25b: {  	[tilespmem:s8+$0xB020] =	vst v0;
	v0 =	vmul.f32 $1.131370830e+01, v4;
	v4 =	vld [tilespmem:s8+$0xCC10]  }
.Ltmp11:
0x25c: {  	[tilespmem:s8+$0xB030] =	vst v1;
	v6 =	vmul.f32 $1.131370830e+01, v7;
	v1 =	vld [tilespmem:s8+$0xCC20];
	(pc) =	sbr.rel @p0 .LBB2_24-.Ltmp11, $4  }
0x25d: {  	[tilespmem:s8+$0xB040] =	vst v0;
	v5 =	vmul.f32 $1.131370830e+01, v5;
	v0 =	vld [tilespmem:s8+$0xCC30]  }
0x25e: {  	[tilespmem:s8+$0xB050] =	vst v6;
	v7 =	vmul.f32 $1.131370830e+01, v2;
	v2 =	vld [tilespmem:s8+$0xCC40]  }
0x25f: {  	[tilespmem:s8+$0xB060] =	vst v5;
	v6 =	vmul.f32 $1.131370830e+01, v3;
	v3 =	vld [tilespmem:s8+$0xCC50]  }
0x260: {  	s9 =	sadd.s32 $0x200, s9;
	[tilespmem:s8+$0xB070] =	vst v7;
	v5 =	vmul.f32 $1.131370830e+01, v4;
	v4 =	vld [tilespmem:s8+$0xCC60]  }
0x261: {  	[tilespmem:s8+$0xCC00] =	vst v6;
	v1 =	vmul.f32 $1.131370830e+01, v1;
	v6 =	vld [tilespmem:s8+$0xCC70]  }
0x262: {  	[tilespmem:s8+$0xCC10] =	vst v5;
	v0 =	vmul.f32 $1.131370830e+01, v0  }
0x263: {  	[tilespmem:s8+$0xCC20] =	vst v1;
	v1 =	vmul.f32 $1.131370830e+01, v2  }
0x264: {  	[tilespmem:s8+$0xCC30] =	vst v0;
	v0 =	vmul.f32 $1.131370830e+01, v3  }
0x265: {  	[tilespmem:s8+$0xCC40] =	vst v1;
	v1 =	vmul.f32 $1.131370830e+01, v4  }
0x266: {  	[tilespmem:s8+$0xCC50] =	vst v0;
	v0 =	vmul.f32 $1.131370830e+01, v6  }
0x267: {  	[tilespmem:s8+$0xCC60] =	vst v1  }
0x268: {  	s16 =	simm.s32 $0x0;
	s9 =	rddreg [dreg:$0xa];
	[tilespmem:s8+$0xCC70] =	vst v0  }
0x269: {  	[hbm4b:s9+s16] =	stream.linear.scatter [tilespmem:s26], [sflag:$0x7], $0x1900, $0x38;
	[tilespmem:$0x12000] =	vst v63  }
0x26a: {  	s9 =	sadd.s32 $0x380, s9  }
0x26b: {  	[hbm4b:s9+s16] =	stream.linear.scatter [tilespmem:s29], [sflag:$0x7], $0x1900, $0x38;
	[tilespmem:$0x12000] =	vst v63  }
0x26c: {  	_ =	swait.ge [sflag:s31], $0x1900  }
0x26d: {  	[sflag:s31] =	ssyncset.done $0x0  }
0x26e: {  	[sflag:s31] =	ssyncadd.s32 $0xFFFFE700  }
0x26f: {  	_ =	swait.ge [sflag:s31], $0x1900  }
0x270: {  	[sflag:s31] =	ssyncset.done $0x0  }
0x271: {  	s8 =	simm.s32 $0x0;
	[sflag:s31] =	ssyncadd.s32 $0xFFFFE700  }
0x272: {  	v0 =	vld [tilespmem:s8+$0xE800]  }
0x273: {  	v1 =	vld [tilespmem:s8+$0xE810]  }
0x274: {  	v2 =	vld [tilespmem:s8+$0xE820]  }
0x275: {  	v3 =	vld [tilespmem:s8+$0xE830]  }
0x276: {  	v4 =	vld [tilespmem:s8+$0xE840]  }
0x277: {  	v5 =	vld [tilespmem:s8+$0xE850];
	v0 =	vmul.f32 $1.131370830e+01, v0  }
0x278: {  	v6 =	vld [tilespmem:s8+$0xE860];
	v1 =	vmul.f32 $1.131370830e+01, v1  }
0x279: {  	v7 =	vld [tilespmem:s8+$0xE870];
	[tilespmem:s8+$0xE800] =	vst v0;
	v0 =	vmul.f32 $1.131370830e+01, v2  }
0x27a: {  	v8 =	vld [tilespmem:s8+$0x10400];
	[tilespmem:s8+$0xE810] =	vst v1;
	v1 =	vmul.f32 $1.131370830e+01, v3  }
0x27b: {  	v9 =	vld [tilespmem:s8+$0x10410];
	[tilespmem:s8+$0xE820] =	vst v0;
	v0 =	vmul.f32 $1.131370830e+01, v4  }
0x27c: {  	v2 =	vmul.f32 $1.131370830e+01, v5;
	[tilespmem:s8+$0xE830] =	vst v1;
	v1 =	vld [tilespmem:s8+$0x10420]  }
0x27d: {  	v3 =	vmul.f32 $1.131370830e+01, v6;
	[tilespmem:s8+$0xE840] =	vst v0;
	v0 =	vld [tilespmem:s8+$0x10430]  }
0x27e: {  	[tilespmem:s8+$0xE850] =	vst v2;
	v2 =	vld [tilespmem:s8+$0x10440];
	v4 =	vmul.f32 $1.131370830e+01, v7  }
0x27f: {  	v6 =	vmul.f32 $1.131370830e+01, v8;
	[tilespmem:s8+$0xE860] =	vst v3;
	v3 =	vld [tilespmem:s8+$0x10450]  }
0x280: {  	s9 =	simm.s32 $0x200;
	v5 =	vmul.f32 $1.131370830e+01, v9;
	[tilespmem:s8+$0xE870] =	vst v4;
	v4 =	vld [tilespmem:s8+$0x10460]  }
.LBB2_26:
0x281: {  	s10 =	sshra.s32 s9, $0x2;
	p0 =	sne.s32 s9, $0x6200;
	[tilespmem:s8+$0x10400] =	vst v6;
	v1 =	vmul.f32 $1.131370830e+01, v1;
	v6 =	vld [tilespmem:s8+$0x10470]  }
0x282: {  	v7 =	vld [tilespmem:s10+$0xE800];
	[tilespmem:s8+$0x10410] =	vst v5;
	v0 =	vmul.f32 $1.131370830e+01, v0  }
0x283: {  	v5 =	vld [tilespmem:s10+$0xE810];
	[tilespmem:s8+$0x10420] =	vst v1;
	v1 =	vmul.f32 $1.131370830e+01, v2  }
0x284: {  	v2 =	vld [tilespmem:s10+$0xE820];
	[tilespmem:s8+$0x10430] =	vst v0;
	v0 =	vmul.f32 $1.131370830e+01, v3  }
0x285: {  	v3 =	vld [tilespmem:s10+$0xE830];
	[tilespmem:s8+$0x10440] =	vst v1;
	v1 =	vmul.f32 $1.131370830e+01, v4  }
0x286: {  	v4 =	vld [tilespmem:s10+$0xE840];
	[tilespmem:s8+$0x10450] =	vst v0;
	v0 =	vmul.f32 $1.131370830e+01, v6  }
0x287: {  	v6 =	vmul.f32 $1.131370830e+01, v7;
	v7 =	vld [tilespmem:s10+$0xE850];
	[tilespmem:s8+$0x10460] =	vst v1  }
0x288: {  	v1 =	vmul.f32 $1.131370830e+01, v5;
	v5 =	vld [tilespmem:s10+$0xE860];
	[tilespmem:s8+$0x10470] =	vst v0;
	s8 =	smov.u32 s10  }
0x289: {  	[tilespmem:s8+$0xE800] =	vst v6;
	v0 =	vmul.f32 $1.131370830e+01, v2;
	v2 =	vld [tilespmem:s8+$0xE870]  }
0x28a: {  	[tilespmem:s8+$0xE810] =	vst v1;
	v1 =	vmul.f32 $1.131370830e+01, v3;
	v3 =	vld [tilespmem:s8+$0x10400]  }
0x28b: {  	[tilespmem:s8+$0xE820] =	vst v0;
	v0 =	vmul.f32 $1.131370830e+01, v4;
	v4 =	vld [tilespmem:s8+$0x10410]  }
.Ltmp12:
0x28c: {  	[tilespmem:s8+$0xE830] =	vst v1;
	v6 =	vmul.f32 $1.131370830e+01, v7;
	v1 =	vld [tilespmem:s8+$0x10420];
	(pc) =	sbr.rel @p0 .LBB2_26-.Ltmp12, $4  }
0x28d: {  	[tilespmem:s8+$0xE840] =	vst v0;
	v5 =	vmul.f32 $1.131370830e+01, v5;
	v0 =	vld [tilespmem:s8+$0x10430]  }
0x28e: {  	[tilespmem:s8+$0xE850] =	vst v6;
	v7 =	vmul.f32 $1.131370830e+01, v2;
	v2 =	vld [tilespmem:s8+$0x10440]  }
0x28f: {  	[tilespmem:s8+$0xE860] =	vst v5;
	v6 =	vmul.f32 $1.131370830e+01, v3;
	v3 =	vld [tilespmem:s8+$0x10450]  }
0x290: {  	s9 =	sadd.s32 $0x200, s9;
	[tilespmem:s8+$0xE870] =	vst v7;
	v5 =	vmul.f32 $1.131370830e+01, v4;
	v4 =	vld [tilespmem:s8+$0x10460]  }
0x291: {  	[tilespmem:s8+$0x10400] =	vst v6;
	v1 =	vmul.f32 $1.131370830e+01, v1;
	v59 =	vld [tilespmem:s8+$0x10470]  }
0x292: {  	[tilespmem:s8+$0x10410] =	vst v5;
	v0 =	vmul.f32 $1.131370830e+01, v0  }
0x293: {  	[tilespmem:s8+$0x10420] =	vst v1;
	v60 =	vmul.f32 $1.131370830e+01, v2  }
0x294: {  	[tilespmem:s8+$0x10430] =	vst v0;
	v61 =	vmul.f32 $1.131370830e+01, v3  }
0x295: {  	[tilespmem:s8+$0x10440] =	vst v60;
	v62 =	vmul.f32 $1.131370830e+01, v4  }
0x296: {  	[tilespmem:s8+$0x10450] =	vst v61;
	v63 =	vmul.f32 $1.131370830e+01, v59  }
0x297: {  	[tilespmem:s8+$0x10460] =	vst v62  }
0x298: {  	s14 =	rddreg [dreg:$0xb];
	[tilespmem:s8+$0x10470] =	vst v63  }
0x299: {  	[hbm4b:s14+s3] =	stream.linear.scatter [tilespmem:s0], [sflag:$0x8], $0x1900, $0x38;
	[tilespmem:$0x12000] =	vst v63  }
0x29a: {  	s8 =	sadd.s32 $0x380, s14  }
0x29b: {  	[hbm4b:s8+s3] =	stream.linear.scatter [tilespmem:s19], [sflag:$0x8], $0x1900, $0x38;
	[tilespmem:$0x12000] =	vst v63  }
0x29c: {  	_ =	swait.ge [sflag:s23], $0x3200  }
0x29d: {  	[sflag:s23] =	ssyncset.done $0x0  }
0x29e: {  	[sflag:s23] =	ssyncadd.s32 $0xFFFFCE00  }
0x29f: {  	_ =	swait.ge [sflag:s28], $0x3200  }
0x2a0: {  	[sflag:s28] =	ssyncset.done $0x0  }
0x2a1: {  	[sflag:s28] =	ssyncadd.s32 $0xFFFFCE00  }
0x2a2: {  	_ =	swait.ge [sflag:s2], $0x3200  }
0x2a3: {  	[sflag:s2] =	ssyncset.done $0x0  }
0x2a4: {  	[sflag:s2] =	ssyncadd.s32 $0xFFFFCE00  }
0x2a5: {  	_ =	swait.ge [sflag:s6], $0x3200  }
0x2a6: {  	s15 =	sadd.s32 $0x1, s15;
	s16 =	rddreg [dreg:$0xc]  }
0x2a7: {  	p0 =	sne.s32 s15, s16  }
.Ltmp13:
0x2a8: {  	_ = 	snop;
	(pc) =	sbr.rel @p0 .LBB2_1-.Ltmp13, $3  }
0x2a9: {  	_ =	sdelay $0x1  }
0x2aa: {  	[sflag:s6] =	ssyncset.done $0x0  }
0x2ab: {  	[sflag:s6] =	ssyncadd.s32 $0xFFFFCE00  }
0x2ac: {  	_ =	sfence.sel $0x180000  }
0x2ad: {  	[bflag:$0x0] =	sbarrier.arrive $0xFFFF  }
0x2ae: {  	_ =	strace $0x90000047  }
0x2af: {  	s0 =	stileid.u32;
	[bflag:$0x2] =	sbarrier.arrive $0xFFFF  }
0x2b0: {  	p0 =	sne.s32 s0, $0x0;
	s0 =	rddreg [dreg:$0x3]  }
0x2b1: {  	s0 =	sadd.s32 @!p0 $0x100000, s0  }
0x2b2: {  	[sflag:s0] =	ssyncadd.tile.s32 @!p0 $0x1;
	_ =	shalt  }
.Lfunc_end2:
_tile_overlayer_lowered:
.L_overlay_start_2:
0x2b3: {  	(tag) =	ssettag $0x2  }
0x2b4: {  	s0 =	rddreg [dreg:$0x0];
	s2 =	stileid.u32  }
0x2b5: {  	s1 =	rddreg [dreg:$0x1];
	p0 =	sne.s32 s2, $0x0  }
0x2b6: {  	s3 =	rddreg [dreg:$0x2];
	[bflag:$0x3] =	sbarrier.arrive $0xFFFF;
	s2 =	simm.s32 @!p0 $0x1C09  }
0x2b7: {  	[timem:s3], [sflag:s2] =	dma.local @!p0 [hbm:s0], s1  }
0x2b8: {  	s0 =	simm.s32 @!p0 $0x9  }
0x2b9: {  	_ =	swait.ge @!p0 [sflag:s0], s1  }
0x2ba: {  	s1 =	ssub.s32 @!p0 $0x0, s1;
	[sflag:s0] =	ssyncset.done @!p0 $0x0  }
0x2bb: {  	[sflag:s0] =	ssyncadd.s32 @!p0 s1  }
0x2bc: {  	[bflag:$0x3] =	sbarrier.arrive $0xFFFF  }
0x2bd: {  	_ =	shalt  }

</sc_bundles>
